<compile_context>
chip_gen: v7x
topology: tpu7x:2x2x1
jax: 0.10.2.dev20260603
libtpu: 0.0.44.dev20260713+nightly
codegen_flags: <defaults>
</compile_context>

<pallas_src>
import functools

import jax
import jax.numpy as jnp
from jax import lax
from jax.experimental import pallas as pl
from jax.experimental.pallas import tpu as pltpu
from jax.experimental.pallas import tpu_sc as plsc

_F32 = jnp.float32
_I32 = jnp.int32


def _vsqrt(x):
    xi = lax.bitcast_convert_type(x, _I32)
    yi = jnp.int32(0x5F3759DF) - (xi >> 1)
    y = lax.bitcast_convert_type(yi, _F32)
    for _ in range(4):
        y = y * (1.5 - 0.5 * x * y * y)
    return x * y


def _splat_i32(v):
    return jnp.zeros((16,), _I32) + v


def _sc_body(fd_hbm, out_hbm, fdv, d0, d1, d2, d3, rr, pp, hs, mcol,
             outv, shm, shp, shd, sem):
    cid = lax.axis_index("c")
    sid = lax.axis_index("s")
    lanes = lax.iota(_I32, 16)
    zeros = jnp.zeros((16,), _F32)

    def hsum_full(x):
        for s in (8, 4, 2, 1):
            hs[pl.ds(240, 16)] = x
            x = x + plsc.load_gather(hs, [240 + (lanes ^ s)])
        return x

    @pl.when((cid == 0) & (sid < 8))
    def _():
        p = sid
        dirx = p < 4
        tb = p % 4
        t = 1 + tb // 2
        b = tb % 2
        rowmul = jnp.where(dirx, 128, 16)
        wmul = jnp.where(dirx, 16, 128)
        scale = jnp.where(dirx, _F32(0.125), _F32(1.0))
        base1 = b * 1024
        base2 = (t * 2 + b) * 1024
        h1 = pltpu.async_copy(fd_hbm.at[pl.ds(base1, 1024)],
                              fdv.at[pl.ds(base1, 1024)], sem)
        h2 = pltpu.async_copy(fd_hbm.at[pl.ds(base2, 1024)],
                              fdv.at[pl.ds(base2, 1024)], sem)
        h1.wait()
        h2.wait()

        colb = [base2 + j * rowmul for j in range(8)]
        woff = [w * wmul for w in range(8)]

        def m_group(g, _):
            ga = base1 + (g * 2) * rowmul
            oas = (ga, ga + rowmul)
            for k in range(16):
                oa = oas[k // 8]
                ob = colb[k % 8]
                acc = zeros
                for w in range(8):
                    av = fdv[pl.ds(oa + woff[w], 16)]
                    bv = fdv[pl.ds(ob + woff[w], 16)]
                    dv = av - bv
                    acc = acc + dv * dv
                hs[pl.ds(k * 16, 16)] = acc
            totals = zeros
            for ch in range(16):
                totals = totals + plsc.load_gather(hs, [lanes * 16 + ch])
            mvec = _vsqrt(totals * scale) + _F32(1e-08)
            mcol[pl.ds(g * 16, 16)] = mvec
            return 0

        lax.fori_loop(0, 4, m_group, 0)
        pltpu.sync_copy(mcol.at[pl.ds(0, 64)], shm.at[pl.ds(p * 64, 64)])

    plsc.subcore_barrier()

    @pl.when((cid == 0) & (sid < 4))
    def _():
        pltpu.sync_copy(shm, mcol.at[pl.ds(0, 512)])
        l64 = lanes * 64

        def mrow(c):
            return plsc.load_gather(mcol, [l64 + c])

        m0 = mrow(0)
        d0[pl.ds(0, 16)] = m0
        d1[pl.ds(0, 16)] = zeros - 1.0
        d2[pl.ds(0, 16)] = zeros - 1.0
        d3[pl.ds(0, 16)] = zeros + 1.0
        rr[pl.ds(0, 16)] = m0

        def i_edge(i, _):
            c = i * 8
            v0 = mrow(c) + d0[pl.ds((c - 8) * 16, 16)]
            v3 = d3[pl.ds((c - 8) * 16, 16)] + 1.0
            d0[pl.ds(c * 16, 16)] = v0
            d1[pl.ds(c * 16, 16)] = zeros + (i - 1).astype(_F32)
            d2[pl.ds(c * 16, 16)] = zeros
            d3[pl.ds(c * 16, 16)] = v3
            rr[pl.ds(c * 16, 16)] = v0 / v3
            return 0

        lax.fori_loop(1, 8, i_edge, 0)

        def j_edge(j, _):
            v0 = mrow(j) + d0[pl.ds((j - 1) * 16, 16)]
            v3 = d3[pl.ds((j - 1) * 16, 16)] + 1.0
            d0[pl.ds(j * 16, 16)] = v0
            d1[pl.ds(j * 16, 16)] = zeros
            d2[pl.ds(j * 16, 16)] = zeros + (j - 1).astype(_F32)
            d3[pl.ds(j * 16, 16)] = v3
            rr[pl.ds(j * 16, 16)] = v0 / v3
            return 0

        lax.fori_loop(1, 8, j_edge, 0)

        def dp_row(i, _):
            base = i * 128
            fi = zeros + i.astype(_F32)
            lcar = (d0[pl.ds(base, 16)], d3[pl.ds(base, 16)],
                    rr[pl.ds(base, 16)])

            def dp_cell(j, lcar):
                d0l, d3l, c2 = lcar
                c16 = base + j * 16
                c1 = rr[pl.ds(c16 - 128, 16)]
                c3 = rr[pl.ds(c16 - 144, 16)]
                b1 = (c1 <= c2) & (c1 <= c3)
                b2 = c2 <= c3
                d0u = d0[pl.ds(c16 - 128, 16)]
                d0g = d0[pl.ds(c16 - 144, 16)]
                d3u = d3[pl.ds(c16 - 128, 16)]
                d3g = d3[pl.ds(c16 - 144, 16)]
                v0 = plsc.load_gather(mcol, [l64 + (c16 >> 4)]) + jnp.where(
                    b1, d0u, jnp.where(b2, d0l, d0g))
                v3 = 1.0 + jnp.where(b1, d3u, jnp.where(b2, d3l, d3g))
                fj = zeros + j.astype(_F32)
                vr = v0 / v3
                d0[pl.ds(c16, 16)] = v0
                d1[pl.ds(c16, 16)] = jnp.where((~b1) & b2, fi, fi - 1.0)
                d2[pl.ds(c16, 16)] = jnp.where(b1, fj, fj - 1.0)
                d3[pl.ds(c16, 16)] = v3
                rr[pl.ds(c16, 16)] = vr
                return (v0, v3, vr)

            lax.fori_loop(1, 8, dp_cell, lcar)
            return 0

        lax.fori_loop(1, 8, dp_row, 0)

        def bt_step(tt, carry):
            ii, jj = carry
            pp[pl.ds(tt * 16, 16)] = ii
            pp[pl.ds(256 + tt * 16, 16)] = jj
            valid = ii >= 0
            ci = jnp.clip(ii, 0, 7)
            cj = jnp.clip(jj, 0, 7)
            idx = (ci * 8 + cj) * 16 + lanes
            n1 = plsc.load_gather(d1, [idx]).astype(_I32)
            n2 = plsc.load_gather(d2, [idx]).astype(_I32)
            return (jnp.where(valid, n1, ii), jnp.where(valid, n2, jj))

        seven = _splat_i32(7)
        lax.fori_loop(0, 16, bt_step, (seven, seven))

    @pl.when((cid == 0) & (sid < 4))
    def _():
        b = sid & 1
        t = 1 + (sid >> 1)
        xlane = (t - 1) * 2 + b
        ylane = 4 + xlane
        yj_raw = plsc.load_gather(pp, [lanes * 16 + ylane])
        yb_raw = plsc.load_gather(pp, [256 + lanes * 16 + ylane])
        ym = yj_raw >= 0
        jdx1 = b * 1024 + jnp.clip(yj_raw, 0, 7) * 16
        jdx2 = (t * 2 + b) * 1024 + jnp.clip(yb_raw, 0, 7) * 16

        def p_store(p):
            xr = plsc.load_gather(pp, [_splat_i32(p * 16 + xlane)])
            ar = plsc.load_gather(pp, [_splat_i32(256 + p * 16 + xlane)])
            xm = xr >= 0
            idx1 = jdx1 + jnp.clip(xr, 0, 7) * 128
            idx2 = jdx2 + jnp.clip(ar, 0, 7) * 128
            accq = zeros
            for ch in range(16):
                g1 = plsc.load_gather(fdv, [idx1 + ch])
                g2 = plsc.load_gather(fdv, [idx2 + ch])
                dv = g1 - g2
                accq = accq + dv * dv
            hs[pl.ds(p * 16, 16)] = jnp.where(xm & ym, accq, zeros)

        def p_pair(q, _):
            p_store(q * 2)
            p_store(q * 2 + 1)
            return 0

        lax.fori_loop(0, 7, p_pair, 0)
        p_store(14)
        tvec = zeros
        for p in range(15):
            tvec = tvec + _vsqrt(hs[pl.ds(p * 16, 16)])
        total = hsum_full(tvec)
        xr_all = plsc.load_gather(pp, [lanes * 16 + xlane])
        cx = hsum_full(jnp.where(xr_all >= 0, _F32(1.0), _F32(0.0)))
        cy = hsum_full(jnp.where(ym, _F32(1.0), _F32(0.0)))
        outv[...] = total / (cx * cy)
        pltpu.sync_copy(outv, shd.at[pl.ds(sid * 16, 16)])

    plsc.subcore_barrier()

    @pl.when((cid == 0) & (sid == 0))
    def _():
        pltpu.sync_copy(shd, hs.at[pl.ds(0, 64)])
        dp0 = hs[pl.ds(0, 16)]
        dp1 = hs[pl.ds(16, 16)]
        dn0 = hs[pl.ds(32, 16)]
        dn1 = hs[pl.ds(48, 16)]
        loss = (jnp.maximum(dp0 - dn0 + _F32(0.1), zeros)
                + jnp.maximum(dp1 - dn1 + _F32(0.1), zeros))
        outv[...] = loss
        pltpu.sync_copy(outv.at[pl.ds(0, 1)], out_hbm)


@jax.jit
def _run(fd_flat):
    mesh = plsc.VectorSubcoreMesh(core_axis_name="c", subcore_axis_name="s",
                                  num_cores=1)
    k = functools.partial(
        pl.kernel,
        mesh=mesh,
        out_type=jax.ShapeDtypeStruct((1,), _F32),
        compiler_params=pltpu.CompilerParams(needs_layout_passes=False),
        scratch_types=[
            pltpu.VMEM((6144,), _F32),
            pltpu.VMEM((1024,), _F32),
            pltpu.VMEM((1024,), _F32),
            pltpu.VMEM((1024,), _F32),
            pltpu.VMEM((1024,), _F32),
            pltpu.VMEM((1024,), _F32),
            pltpu.VMEM((512,), _I32),
            pltpu.VMEM((256,), _F32),
            pltpu.VMEM((1024,), _F32),
            pltpu.VMEM((16,), _F32),
            pltpu.VMEM_SHARED((512,), _F32),
            pltpu.VMEM_SHARED((512,), _I32),
            pltpu.VMEM_SHARED((64,), _F32),
            pltpu.SemaphoreType.DMA,
        ],
    )(_sc_body)
    return k(fd_flat)


def kernel(feature_data):
    fd_flat = jnp.asarray(feature_data, dtype=_F32).reshape(6144)
    return _run(fd_flat)

# --- scband reference (transcript-rebuilt; emitter-appended) ---
"""Pipeline reference for scband-triplet-loss-dtw-10514079940716 (READ-ONLY COPY).

The authoritative reference and input builder live on the scoring server;
editing this copy changes nothing except your own understanding.
"""

import jax, jax.numpy as jnp
import numpy as np
from jax import lax


def _dtw_distance(f1, f2, diretFlag):
    f1 = jnp.asarray(f1, dtype=jnp.float32)
    f2 = jnp.asarray(f2, dtype=jnp.float32)
    B = f1.shape[0]
    if diretFlag == 'x':
        S = f1.shape[1]
        diff = f1[:, :, None, :, :] - f2[:, None, :, :, :]
        M = jnp.sqrt(jnp.sum(diff ** 2, axis=(3, 4)) / 8.0) + 1e-08
    else:
        S = f1.shape[2]
        a = jnp.transpose(f1, (0, 2, 1, 3))
        b = jnp.transpose(f2, (0, 2, 1, 3))
        diff = a[:, :, None, :, :] - b[:, None, :, :, :]
        M = jnp.sqrt(jnp.sum(diff ** 2, axis=(3, 4))) + 1e-08
    D0 = jnp.zeros((B, S, S), dtype=jnp.float32)
    D1 = jnp.zeros((B, S, S), dtype=jnp.float32)
    D2 = jnp.zeros((B, S, S), dtype=jnp.float32)
    D3 = jnp.ones((B, S, S), dtype=jnp.float32)
    D0 = D0.at[:, 0, 0].set(M[:, 0, 0])
    D1 = D1.at[:, 0, 0].set(-1.0)
    D2 = D2.at[:, 0, 0].set(-1.0)
    D3 = D3.at[:, 0, 0].set(1.0)
    for i in range(1, S):
        D0 = D0.at[:, i, 0].set(M[:, i, 0] + D0[:, i - 1, 0])
        D1 = D1.at[:, i, 0].set(float(i - 1))
        D2 = D2.at[:, i, 0].set(0.0)
        D3 = D3.at[:, i, 0].set(1.0 + D3[:, i - 1, 0])
    for j in range(1, S):
        D0 = D0.at[:, 0, j].set(M[:, 0, j] + D0[:, 0, j - 1])
        D1 = D1.at[:, 0, j].set(0.0)
        D2 = D2.at[:, 0, j].set(float(j - 1))
        D3 = D3.at[:, 0, j].set(1.0 + D3[:, 0, j - 1])
    for i in range(1, S):
        for j in range(1, S):
            c1 = D0[:, i - 1, j] / D3[:, i - 1, j]
            c2 = D0[:, i, j - 1] / D3[:, i, j - 1]
            c3 = D0[:, i - 1, j - 1] / D3[:, i - 1, j - 1]
            idx = jnp.argmin(jnp.stack([c1, c2, c3], axis=0), axis=0)
            v0 = jnp.where(idx == 0, M[:, i, j] + D0[:, i - 1, j],
                           jnp.where(idx == 1, M[:, i, j] + D0[:, i, j - 1],
                                     M[:, i, j] + D0[:, i - 1, j - 1]))
            v1 = jnp.where(idx == 1, float(i), float(i - 1))
            v2 = jnp.where(idx == 0, float(j), float(j - 1))
            v3 = jnp.where(idx == 0, 1.0 + D3[:, i - 1, j],
                           jnp.where(idx == 1, 1.0 + D3[:, i, j - 1],
                                     1.0 + D3[:, i - 1, j - 1]))
            D0 = D0.at[:, i, j].set(v0)
            D1 = D1.at[:, i, j].set(v1)
            D2 = D2.at[:, i, j].set(v2)
            D3 = D3.at[:, i, j].set(v3)
    L = 2 * S - 1
    D1i = D1.astype(jnp.int32)
    D2i = D2.astype(jnp.int32)
    bidx = jnp.arange(B)

    def step(carry, _):
        ii, jj = carry
        valid = ii >= 0
        ci = jnp.clip(ii, 0, S - 1)
        cj = jnp.clip(jj, 0, S - 1)
        ni = jnp.where(valid, D1i[bidx, ci, cj], ii)
        nj = jnp.where(valid, D2i[bidx, ci, cj], jj)
        return (ni, nj), (ii, jj, valid)

    init = (jnp.full((B,), S - 1, dtype=jnp.int32),
            jnp.full((B,), S - 1, dtype=jnp.int32))
    _, (pathI, pathJ, pmask) = lax.scan(step, init, None, length=L)
    return jnp.transpose(pathI), jnp.transpose(pathJ), jnp.transpose(pmask)


def _dist(img1, img2, xalign, yalign):
    xi, xa, xm = xalign
    yj, yb, ym = yalign
    i1 = jnp.clip(xi, 0, img1.shape[0] - 1)
    a2 = jnp.clip(xa, 0, img2.shape[0] - 1)
    j1 = jnp.clip(yj, 0, img1.shape[1] - 1)
    b2 = jnp.clip(yb, 0, img2.shape[1] - 1)
    g1 = img1[i1[:, None], j1[None, :]]
    g2 = img2[a2[:, None], b2[None, :]]
    dd = jnp.sqrt(jnp.sum((g1 - g2) ** 2, axis=-1))
    w = xm[:, None] & ym[None, :]
    total = jnp.sum(jnp.where(w, dd, jnp.zeros_like(dd)))
    cnt = jnp.sum(xm.astype(jnp.int32)) * jnp.sum(ym.astype(jnp.int32))
    return total / cnt.astype(dd.dtype)


def setup_inputs(seed: int = 0):
    key = jax.random.key(seed)
    feature_data = jax.random.normal(key, (3, 2, 8, 8, 16), dtype=jnp.float32)
    return {'feature_data': feature_data}


def reference(feature_data):
    fd = jnp.asarray(feature_data, dtype=jnp.float32)
    PXi, PXa, PXm = _dtw_distance(fd[0], fd[1], 'x')
    PYj, PYb, PYm = _dtw_distance(fd[0], fd[1], 'y')
    NXi, NXa, NXm = _dtw_distance(fd[0], fd[2], 'x')
    NYj, NYb, NYm = _dtw_distance(fd[0], fd[2], 'y')
    anchor = feature_data[0]
    positive = feature_data[1]
    negative = feature_data[2]
    lossa = jnp.zeros((1,), dtype=jnp.float32)
    for i in range(anchor.shape[0]):
        distP = _dist(anchor[i], positive[i],
                      (PXi[i], PXa[i], PXm[i]),
                      (PYj[i], PYb[i], PYm[i]))
        distN = _dist(anchor[i], negative[i],
                      (NXi[i], NXa[i], NXm[i]),
                      (NYj[i], NYb[i], NYm[i]))
        lossa = lossa + jnp.maximum(distP - distN + 0.1, 0.0)
    return lossa

if __name__ == "__main__":
    import jax
    _d = setup_inputs()
    print(jax.jit(kernel)(*tuple(_d.values())))

</pallas_src>

<mosaic_0001>
#map = affine_map<(d0, d1) -> (0)>
module attributes {stable_mosaic.version = 14 : i64} {
  func.func @_sc_body(%arg0: i32, %arg1: i32, %arg2: memref<6144xf32, #tpu.memory_space<hbm>>, %arg3: memref<1xf32, #tpu.memory_space<hbm>>, %arg4: memref<6144xf32, #tpu.memory_space<vmem>>, %arg5: memref<1024xf32, #tpu.memory_space<vmem>>, %arg6: memref<1024xf32, #tpu.memory_space<vmem>>, %arg7: memref<1024xf32, #tpu.memory_space<vmem>>, %arg8: memref<1024xf32, #tpu.memory_space<vmem>>, %arg9: memref<1024xf32, #tpu.memory_space<vmem>>, %arg10: memref<512xi32, #tpu.memory_space<vmem>>, %arg11: memref<256xf32, #tpu.memory_space<vmem>>, %arg12: memref<1024xf32, #tpu.memory_space<vmem>>, %arg13: memref<16xf32, #tpu.memory_space<vmem>>, %arg14: memref<512xf32, #tpu.memory_space<vmem_shared>>, %arg15: memref<512xi32, #tpu.memory_space<vmem_shared>>, %arg16: memref<64xf32, #tpu.memory_space<vmem_shared>>, %arg17: memref<!tpu.dma_semaphore, #tpu.memory_space<semaphore_mem>>) attributes {dimension_semantics = [#tpu.dimension_semantics<core_parallel>, #tpu.dimension_semantics<subcore_parallel>], iteration_bounds = array<i64: 1, 16>, scalar_prefetch = 0 : i64, scratch_operands = 14 : i64, tpu.core_type = #tpu.core_type<sc_vector_subcore>, window_params = [{transform_indices = #map}, {transform_indices = #map}]} {
    %iota3A = tpu.iota {dimensions = array<i32: 0>} : vector<16xi32>
    %broadcast_in_dim3A = arith.constant 0.000000e+00 : f32
    %broadcast_in_dim3A_0 = vector.broadcast %broadcast_in_dim3A : f32 to vector<16xf32>
    %eq3A = arith.constant 0 : i32
    %eq3A_1 = arith.cmpi eq, %arg0, %eq3A : i32
    %lt3A = arith.constant 8 : i32
    %lt3A_2 = arith.cmpi slt, %arg1, %lt3A : i32
    %and3A = arith.andi %eq3A_1, %lt3A_2 : i1
    %convert_element_type3A = arith.extui %and3A : i1 to i32
    %cond3A = arith.constant 0 : i32
    %cond3A_3 = arith.cmpi ne, %convert_element_type3A, %cond3A : i32
    scf.if %cond3A_3 {
      %lt3A_29 = arith.constant 4 : i32
      %lt3A_30 = arith.cmpi slt, %arg1, %lt3A_29 : i32
      %jit3A = arith.constant 4 : i32
      %eq3A_31 = arith.constant 0 : i32
      %eq3A_32 = arith.cmpi eq, %jit3A, %eq3A_31 : i32
      %jit3A_33 = arith.constant 1 : i32
      %select_n3A = arith.select %eq3A_32, %jit3A_33, %jit3A : i32
      %rem3A = arith.remsi %arg1, %select_n3A : i32
      %ne3A = arith.constant 0 : i32
      %ne3A_34 = arith.cmpi ne, %rem3A, %ne3A : i32
      %lt3A_35 = arith.constant 0 : i32
      %lt3A_36 = arith.cmpi slt, %rem3A, %lt3A_35 : i32
      %lt3A_37 = arith.constant 0 : i32
      %lt3A_38 = arith.cmpi slt, %select_n3A, %lt3A_37 : i32
      %ne3A_39 = arith.xori %lt3A_36, %lt3A_38 : i1
      %and3A_40 = arith.andi %ne3A_39, %ne3A_34 : i1
      %add3A = arith.addi %rem3A, %select_n3A : i32
      %select_n3A_41 = arith.select %and3A_40, %add3A, %rem3A : i32
      %jit3A_42 = arith.constant 2 : i32
      %div3A = arith.divsi %select_n3A_41, %jit3A_42 : i32
      %sign3A = arith.constant 0 : i32
      %sign3A_43 = arith.cmpi sgt, %select_n3A_41, %sign3A : i32
      %sign3A_44 = arith.extui %sign3A_43 : i1 to i32
      %sign3A_45 = arith.constant 0 : i32
      %sign3A_46 = arith.cmpi slt, %select_n3A_41, %sign3A_45 : i32
      %sign3A_47 = arith.extui %sign3A_46 : i1 to i32
      %sign3A_48 = arith.subi %sign3A_44, %sign3A_47 : i32
      %sign3A_49 = arith.constant 0 : i32
      %sign3A_50 = arith.cmpi sgt, %jit3A_42, %sign3A_49 : i32
      %sign3A_51 = arith.extui %sign3A_50 : i1 to i32
      %sign3A_52 = arith.constant 0 : i32
      %sign3A_53 = arith.cmpi slt, %jit3A_42, %sign3A_52 : i32
      %sign3A_54 = arith.extui %sign3A_53 : i1 to i32
      %sign3A_55 = arith.subi %sign3A_51, %sign3A_54 : i32
      %ne3A_56 = arith.cmpi ne, %sign3A_48, %sign3A_55 : i32
      %rem3A_57 = arith.remsi %select_n3A_41, %jit3A_42 : i32
      %ne3A_58 = arith.constant 0 : i32
      %ne3A_59 = arith.cmpi ne, %rem3A_57, %ne3A_58 : i32
      %and3A_60 = arith.andi %ne3A_56, %ne3A_59 : i1
      %sub3A = arith.constant 1 : i32
      %sub3A_61 = arith.subi %div3A, %sub3A : i32
      %select_n3A_62 = arith.select %and3A_60, %sub3A_61, %div3A : i32
      %add3A_63 = arith.constant 1 : i32
      %add3A_64 = arith.addi %add3A_63, %select_n3A_62 : i32
      %jit3A_65 = arith.constant 2 : i32
      %eq3A_66 = arith.constant 0 : i32
      %eq3A_67 = arith.cmpi eq, %jit3A_65, %eq3A_66 : i32
      %jit3A_68 = arith.constant 1 : i32
      %select_n3A_69 = arith.select %eq3A_67, %jit3A_68, %jit3A_65 : i32
      %rem3A_70 = arith.remsi %select_n3A_41, %select_n3A_69 : i32
      %ne3A_71 = arith.constant 0 : i32
      %ne3A_72 = arith.cmpi ne, %rem3A_70, %ne3A_71 : i32
      %lt3A_73 = arith.constant 0 : i32
      %lt3A_74 = arith.cmpi slt, %rem3A_70, %lt3A_73 : i32
      %lt3A_75 = arith.constant 0 : i32
      %lt3A_76 = arith.cmpi slt, %select_n3A_69, %lt3A_75 : i32
      %ne3A_77 = arith.xori %lt3A_74, %lt3A_76 : i1
      %and3A_78 = arith.andi %ne3A_77, %ne3A_72 : i1
      %add3A_79 = arith.addi %rem3A_70, %select_n3A_69 : i32
      %select_n3A_80 = arith.select %and3A_78, %add3A_79, %rem3A_70 : i32
      %jit3A_81 = arith.constant 128 : i32
      %jit3A_82 = arith.constant 16 : i32
      %select_n3A_83 = arith.select %lt3A_30, %jit3A_81, %jit3A_82 : i32
      %jit3A_84 = arith.constant 16 : i32
      %jit3A_85 = arith.constant 128 : i32
      %select_n3A_86 = arith.select %lt3A_30, %jit3A_84, %jit3A_85 : i32
      %jit3A_87 = arith.constant 1.250000e-01 : f32
      %jit3A_88 = arith.constant 1.000000e+00 : f32
      %select_n3A_89 = arith.select %lt3A_30, %jit3A_87, %jit3A_88 : f32
      %mul3A = arith.constant 1024 : i32
      %mul3A_90 = arith.muli %select_n3A_80, %mul3A : i32
      %mul3A_91 = arith.constant 2 : i32
      %mul3A_92 = arith.muli %add3A_64, %mul3A_91 : i32
      %add3A_93 = arith.addi %mul3A_92, %select_n3A_80 : i32
      %mul3A_94 = arith.constant 1024 : i32
      %mul3A_95 = arith.muli %add3A_93, %mul3A_94 : i32
      %dma_start3A = tpu.memref_slice %arg4[%mul3A_90] : memref<6144xf32, #tpu.memory_space<vmem>> -> memref<1024xf32, #tpu.memory_space<vmem>>
      %dma_start3A_96 = tpu.memref_slice %arg2[%mul3A_90] : memref<6144xf32, #tpu.memory_space<hbm>> -> memref<1024xf32, #tpu.memory_space<hbm>>
      %dma_start3A_97 = tpu.memref_slice %arg4[%mul3A_90] : memref<6144xf32, #tpu.memory_space<vmem>> -> memref<1024xf32, #tpu.memory_space<vmem>>
      %dma_start3A_98 = tpu.memref_slice %arg2[%mul3A_90] : memref<6144xf32, #tpu.memory_space<hbm>> -> memref<1024xf32, #tpu.memory_space<hbm>>
      tpu.enqueue_dma source(%dma_start3A_98 : memref<1024xf32, #tpu.memory_space<hbm>>) target(%dma_start3A_97 : memref<1024xf32, #tpu.memory_space<vmem>>) target_semaphore(%arg17 : memref<!tpu.dma_semaphore, #tpu.memory_space<semaphore_mem>>)
      %dma_start3A_99 = tpu.memref_slice %arg4[%mul3A_95] : memref<6144xf32, #tpu.memory_space<vmem>> -> memref<1024xf32, #tpu.memory_space<vmem>>
      %dma_start3A_100 = tpu.memref_slice %arg2[%mul3A_95] : memref<6144xf32, #tpu.memory_space<hbm>> -> memref<1024xf32, #tpu.memory_space<hbm>>
      %dma_start3A_101 = tpu.memref_slice %arg4[%mul3A_95] : memref<6144xf32, #tpu.memory_space<vmem>> -> memref<1024xf32, #tpu.memory_space<vmem>>
      %dma_start3A_102 = tpu.memref_slice %arg2[%mul3A_95] : memref<6144xf32, #tpu.memory_space<hbm>> -> memref<1024xf32, #tpu.memory_space<hbm>>
      tpu.enqueue_dma source(%dma_start3A_102 : memref<1024xf32, #tpu.memory_space<hbm>>) target(%dma_start3A_101 : memref<1024xf32, #tpu.memory_space<vmem>>) target_semaphore(%arg17 : memref<!tpu.dma_semaphore, #tpu.memory_space<semaphore_mem>>)
      %dma_wait3A = tpu.memref_slice %arg4[%mul3A_90] : memref<6144xf32, #tpu.memory_space<vmem>> -> memref<1024xf32, #tpu.memory_space<vmem>>
      %dma_wait3A_103 = tpu.memref_slice %arg2[%mul3A_90] : memref<6144xf32, #tpu.memory_space<hbm>> -> memref<1024xf32, #tpu.memory_space<hbm>>
      %dma_wait3A_104 = tpu.memref_slice %arg4[%mul3A_90] : memref<6144xf32, #tpu.memory_space<vmem>> -> memref<1024xf32, #tpu.memory_space<vmem>>
      %dma_wait3A_105 = tpu.memref_slice %arg2[%mul3A_90] : memref<6144xf32, #tpu.memory_space<hbm>> -> memref<1024xf32, #tpu.memory_space<hbm>>
      tpu.wait_dma2 semaphore(%arg17 : memref<!tpu.dma_semaphore, #tpu.memory_space<semaphore_mem>>) src(%dma_wait3A_105 : memref<1024xf32, #tpu.memory_space<hbm>>) dst(%dma_wait3A_104 : memref<1024xf32, #tpu.memory_space<vmem>>)
      %dma_wait3A_106 = tpu.memref_slice %arg4[%mul3A_95] : memref<6144xf32, #tpu.memory_space<vmem>> -> memref<1024xf32, #tpu.memory_space<vmem>>
      %dma_wait3A_107 = tpu.memref_slice %arg2[%mul3A_95] : memref<6144xf32, #tpu.memory_space<hbm>> -> memref<1024xf32, #tpu.memory_space<hbm>>
      %dma_wait3A_108 = tpu.memref_slice %arg4[%mul3A_95] : memref<6144xf32, #tpu.memory_space<vmem>> -> memref<1024xf32, #tpu.memory_space<vmem>>
      %dma_wait3A_109 = tpu.memref_slice %arg2[%mul3A_95] : memref<6144xf32, #tpu.memory_space<hbm>> -> memref<1024xf32, #tpu.memory_space<hbm>>
      tpu.wait_dma2 semaphore(%arg17 : memref<!tpu.dma_semaphore, #tpu.memory_space<semaphore_mem>>) src(%dma_wait3A_109 : memref<1024xf32, #tpu.memory_space<hbm>>) dst(%dma_wait3A_108 : memref<1024xf32, #tpu.memory_space<vmem>>)
      %mul3A_110 = arith.constant 0 : i32
      %mul3A_111 = arith.muli %mul3A_110, %select_n3A_83 : i32
      %add3A_112 = arith.addi %mul3A_95, %mul3A_111 : i32
      %mul3A_113 = arith.constant 1 : i32
      %mul3A_114 = arith.muli %mul3A_113, %select_n3A_83 : i32
      %add3A_115 = arith.addi %mul3A_95, %mul3A_114 : i32
      %mul3A_116 = arith.constant 2 : i32
      %mul3A_117 = arith.muli %mul3A_116, %select_n3A_83 : i32
      %add3A_118 = arith.addi %mul3A_95, %mul3A_117 : i32
      %mul3A_119 = arith.constant 3 : i32
      %mul3A_120 = arith.muli %mul3A_119, %select_n3A_83 : i32
      %add3A_121 = arith.addi %mul3A_95, %mul3A_120 : i32
      %mul3A_122 = arith.constant 4 : i32
      %mul3A_123 = arith.muli %mul3A_122, %select_n3A_83 : i32
      %add3A_124 = arith.addi %mul3A_95, %mul3A_123 : i32
      %mul3A_125 = arith.constant 5 : i32
      %mul3A_126 = arith.muli %mul3A_125, %select_n3A_83 : i32
      %add3A_127 = arith.addi %mul3A_95, %mul3A_126 : i32
      %mul3A_128 = arith.constant 6 : i32
      %mul3A_129 = arith.muli %mul3A_128, %select_n3A_83 : i32
      %add3A_130 = arith.addi %mul3A_95, %mul3A_129 : i32
      %mul3A_131 = arith.constant 7 : i32
      %mul3A_132 = arith.muli %mul3A_131, %select_n3A_83 : i32
      %add3A_133 = arith.addi %mul3A_95, %mul3A_132 : i32
      %mul3A_134 = arith.constant 0 : i32
      %mul3A_135 = arith.muli %mul3A_134, %select_n3A_86 : i32
      %mul3A_136 = arith.constant 1 : i32
      %mul3A_137 = arith.muli %mul3A_136, %select_n3A_86 : i32
      %mul3A_138 = arith.constant 2 : i32
      %mul3A_139 = arith.muli %mul3A_138, %select_n3A_86 : i32
      %mul3A_140 = arith.constant 3 : i32
      %mul3A_141 = arith.muli %mul3A_140, %select_n3A_86 : i32
      %mul3A_142 = arith.constant 4 : i32
      %mul3A_143 = arith.muli %mul3A_142, %select_n3A_86 : i32
      %mul3A_144 = arith.constant 5 : i32
      %mul3A_145 = arith.muli %mul3A_144, %select_n3A_86 : i32
      %mul3A_146 = arith.constant 6 : i32
      %mul3A_147 = arith.muli %mul3A_146, %select_n3A_86 : i32
      %mul3A_148 = arith.constant 7 : i32
      %mul3A_149 = arith.muli %mul3A_148, %select_n3A_86 : i32
      %scan3A = arith.constant 0 : i32
      %scan3A_150 = arith.constant 0 : i32
      %scan3A_151 = arith.constant 4 : i32
      %scan3A_152 = arith.addi %scan3A_150, %scan3A_151 : i32
      %scan3A_153 = arith.constant 1 : i32
      %scan3A_154 = scf.for %scan3A_158 = %scan3A_150 to %scan3A_152 step %scan3A_153 iter_args(%scan3A_159 = %scan3A) -> (i32)  : i32 {
        %mul3A_160 = arith.constant 2 : i32
        %mul3A_161 = arith.muli %scan3A_158, %mul3A_160 : i32
        %mul3A_162 = arith.muli %mul3A_161, %select_n3A_83 : i32
        %add3A_163 = arith.addi %mul3A_90, %mul3A_162 : i32
        %add3A_164 = arith.addi %add3A_163, %select_n3A_83 : i32
        %add3A_165 = arith.addi %add3A_163, %mul3A_135 : i32
        %get3A = arith.index_cast %add3A_165 : i32 to index
        %get3A_166 = tpu.vector_load %arg4[%get3A] {strides = array<i32>} : memref<6144xf32, #tpu.memory_space<vmem>>, vector<16xf32>,
        %add3A_167 = arith.addi %add3A_112, %mul3A_135 : i32
        %get3A_168 = arith.index_cast %add3A_167 : i32 to index
        %get3A_169 = tpu.vector_load %arg4[%get3A_168] {strides = array<i32>} : memref<6144xf32, #tpu.memory_space<vmem>>, vector<16xf32>,
        %sub3A_170 = arith.subf %get3A_166, %get3A_169 : vector<16xf32>
        %mul3A_171 = arith.mulf %sub3A_170, %sub3A_170 : vector<16xf32>
        %add3A_172 = arith.addf %broadcast_in_dim3A_0, %mul3A_171 : vector<16xf32>
        %add3A_173 = arith.addi %add3A_163, %mul3A_137 : i32
        %get3A_174 = arith.index_cast %add3A_173 : i32 to index
        %get3A_175 = tpu.vector_load %arg4[%get3A_174] {strides = array<i32>} : memref<6144xf32, #tpu.memory_space<vmem>>, vector<16xf32>,
        %add3A_176 = arith.addi %add3A_112, %mul3A_137 : i32
        %get3A_177 = arith.index_cast %add3A_176 : i32 to index
        %get3A_178 = tpu.vector_load %arg4[%get3A_177] {strides = array<i32>} : memref<6144xf32, #tpu.memory_space<vmem>>, vector<16xf32>,
        %sub3A_179 = arith.subf %get3A_175, %get3A_178 : vector<16xf32>
        %mul3A_180 = arith.mulf %sub3A_179, %sub3A_179 : vector<16xf32>
        %add3A_181 = arith.addf %add3A_172, %mul3A_180 : vector<16xf32>
        %add3A_182 = arith.addi %add3A_163, %mul3A_139 : i32
        %get3A_183 = arith.index_cast %add3A_182 : i32 to index
        %get3A_184 = tpu.vector_load %arg4[%get3A_183] {strides = array<i32>} : memref<6144xf32, #tpu.memory_space<vmem>>, vector<16xf32>,
        %add3A_185 = arith.addi %add3A_112, %mul3A_139 : i32
        %get3A_186 = arith.index_cast %add3A_185 : i32 to index
        %get3A_187 = tpu.vector_load %arg4[%get3A_186] {strides = array<i32>} : memref<6144xf32, #tpu.memory_space<vmem>>, vector<16xf32>,
        %sub3A_188 = arith.subf %get3A_184, %get3A_187 : vector<16xf32>
        %mul3A_189 = arith.mulf %sub3A_188, %sub3A_188 : vector<16xf32>
        %add3A_190 = arith.addf %add3A_181, %mul3A_189 : vector<16xf32>
        %add3A_191 = arith.addi %add3A_163, %mul3A_141 : i32
        %get3A_192 = arith.index_cast %add3A_191 : i32 to index
        %get3A_193 = tpu.vector_load %arg4[%get3A_192] {strides = array<i32>} : memref<6144xf32, #tpu.memory_space<vmem>>, vector<16xf32>,
        %add3A_194 = arith.addi %add3A_112, %mul3A_141 : i32
        %get3A_195 = arith.index_cast %add3A_194 : i32 to index
        %get3A_196 = tpu.vector_load %arg4[%get3A_195] {strides = array<i32>} : memref<6144xf32, #tpu.memory_space<vmem>>, vector<16xf32>,
        %sub3A_197 = arith.subf %get3A_193, %get3A_196 : vector<16xf32>
        %mul3A_198 = arith.mulf %sub3A_197, %sub3A_197 : vector<16xf32>
        %add3A_199 = arith.addf %add3A_190, %mul3A_198 : vector<16xf32>
        %add3A_200 = arith.addi %add3A_163, %mul3A_143 : i32
        %get3A_201 = arith.index_cast %add3A_200 : i32 to index
        %get3A_202 = tpu.vector_load %arg4[%get3A_201] {strides = array<i32>} : memref<6144xf32, #tpu.memory_space<vmem>>, vector<16xf32>,
        %add3A_203 = arith.addi %add3A_112, %mul3A_143 : i32
        %get3A_204 = arith.index_cast %add3A_203 : i32 to index
        %get3A_205 = tpu.vector_load %arg4[%get3A_204] {strides = array<i32>} : memref<6144xf32, #tpu.memory_space<vmem>>, vector<16xf32>,
        %sub3A_206 = arith.subf %get3A_202, %get3A_205 : vector<16xf32>
        %mul3A_207 = arith.mulf %sub3A_206, %sub3A_206 : vector<16xf32>
        %add3A_208 = arith.addf %add3A_199, %mul3A_207 : vector<16xf32>
        %add3A_209 = arith.addi %add3A_163, %mul3A_145 : i32
        %get3A_210 = arith.index_cast %add3A_209 : i32 to index
        %get3A_211 = tpu.vector_load %arg4[%get3A_210] {strides = array<i32>} : memref<6144xf32, #tpu.memory_space<vmem>>, vector<16xf32>,
        %add3A_212 = arith.addi %add3A_112, %mul3A_145 : i32
        %get3A_213 = arith.index_cast %add3A_212 : i32 to index
        %get3A_214 = tpu.vector_load %arg4[%get3A_213] {strides = array<i32>} : memref<6144xf32, #tpu.memory_space<vmem>>, vector<16xf32>,
        %sub3A_215 = arith.subf %get3A_211, %get3A_214 : vector<16xf32>
        %mul3A_216 = arith.mulf %sub3A_215, %sub3A_215 : vector<16xf32>
        %add3A_217 = arith.addf %add3A_208, %mul3A_216 : vector<16xf32>
        %add3A_218 = arith.addi %add3A_163, %mul3A_147 : i32
        %get3A_219 = arith.index_cast %add3A_218 : i32 to index
        %get3A_220 = tpu.vector_load %arg4[%get3A_219] {strides = array<i32>} : memref<6144xf32, #tpu.memory_space<vmem>>, vector<16xf32>,
        %add3A_221 = arith.addi %add3A_112, %mul3A_147 : i32
        %get3A_222 = arith.index_cast %add3A_221 : i32 to index
        %get3A_223 = tpu.vector_load %arg4[%get3A_222] {strides = array<i32>} : memref<6144xf32, #tpu.memory_space<vmem>>, vector<16xf32>,
        %sub3A_224 = arith.subf %get3A_220, %get3A_223 : vector<16xf32>
        %mul3A_225 = arith.mulf %sub3A_224, %sub3A_224 : vector<16xf32>
        %add3A_226 = arith.addf %add3A_217, %mul3A_225 : vector<16xf32>
        %add3A_227 = arith.addi %add3A_163, %mul3A_149 : i32
        %get3A_228 = arith.index_cast %add3A_227 : i32 to index
        %get3A_229 = tpu.vector_load %arg4[%get3A_228] {strides = array<i32>} : memref<6144xf32, #tpu.memory_space<vmem>>, vector<16xf32>,
        %add3A_230 = arith.addi %add3A_112, %mul3A_149 : i32
        %get3A_231 = arith.index_cast %add3A_230 : i32 to index
        %get3A_232 = tpu.vector_load %arg4[%get3A_231] {strides = array<i32>} : memref<6144xf32, #tpu.memory_space<vmem>>, vector<16xf32>,
        %sub3A_233 = arith.subf %get3A_229, %get3A_232 : vector<16xf32>
        %mul3A_234 = arith.mulf %sub3A_233, %sub3A_233 : vector<16xf32>
        %add3A_235 = arith.addf %add3A_226, %mul3A_234 : vector<16xf32>
        %swap3A = arith.constant 0 : index
        %swap3A_236 = tpu.vector_load %arg11[%swap3A] {strides = array<i32>} : memref<256xf32, #tpu.memory_space<vmem>>, vector<16xf32>,
        tpu.vector_store %arg11[%swap3A], %add3A_235 {strides = array<i32>} : memref<256xf32, #tpu.memory_space<vmem>>, vector<16xf32>,
        %add3A_237 = arith.addi %add3A_163, %mul3A_135 : i32
        %get3A_238 = arith.index_cast %add3A_237 : i32 to index
        %get3A_239 = tpu.vector_load %arg4[%get3A_238] {strides = array<i32>} : memref<6144xf32, #tpu.memory_space<vmem>>, vector<16xf32>,
        %add3A_240 = arith.addi %add3A_115, %mul3A_135 : i32
        %get3A_241 = arith.index_cast %add3A_240 : i32 to index
        %get3A_242 = tpu.vector_load %arg4[%get3A_241] {strides = array<i32>} : memref<6144xf32, #tpu.memory_space<vmem>>, vector<16xf32>,
        %sub3A_243 = arith.subf %get3A_239, %get3A_242 : vector<16xf32>
        %mul3A_244 = arith.mulf %sub3A_243, %sub3A_243 : vector<16xf32>
        %add3A_245 = arith.addf %broadcast_in_dim3A_0, %mul3A_244 : vector<16xf32>
        %add3A_246 = arith.addi %add3A_163, %mul3A_137 : i32
        %get3A_247 = arith.index_cast %add3A_246 : i32 to index
        %get3A_248 = tpu.vector_load %arg4[%get3A_247] {strides = array<i32>} : memref<6144xf32, #tpu.memory_space<vmem>>, vector<16xf32>,
        %add3A_249 = arith.addi %add3A_115, %mul3A_137 : i32
        %get3A_250 = arith.index_cast %add3A_249 : i32 to index
        %get3A_251 = tpu.vector_load %arg4[%get3A_250] {strides = array<i32>} : memref<6144xf32, #tpu.memory_space<vmem>>, vector<16xf32>,
        %sub3A_252 = arith.subf %get3A_248, %get3A_251 : vector<16xf32>
        %mul3A_253 = arith.mulf %sub3A_252, %sub3A_252 : vector<16xf32>
        %add3A_254 = arith.addf %add3A_245, %mul3A_253 : vector<16xf32>
        %add3A_255 = arith.addi %add3A_163, %mul3A_139 : i32
        %get3A_256 = arith.index_cast %add3A_255 : i32 to index
        %get3A_257 = tpu.vector_load %arg4[%get3A_256] {strides = array<i32>} : memref<6144xf32, #tpu.memory_space<vmem>>, vector<16xf32>,
        %add3A_258 = arith.addi %add3A_115, %mul3A_139 : i32
        %get3A_259 = arith.index_cast %add3A_258 : i32 to index
        %get3A_260 = tpu.vector_load %arg4[%get3A_259] {strides = array<i32>} : memref<6144xf32, #tpu.memory_space<vmem>>, vector<16xf32>,
        %sub3A_261 = arith.subf %get3A_257, %get3A_260 : vector<16xf32>
        %mul3A_262 = arith.mulf %sub3A_261, %sub3A_261 : vector<16xf32>
        %add3A_263 = arith.addf %add3A_254, %mul3A_262 : vector<16xf32>
        %add3A_264 = arith.addi %add3A_163, %mul3A_141 : i32
        %get3A_265 = arith.index_cast %add3A_264 : i32 to index
        %get3A_266 = tpu.vector_load %arg4[%get3A_265] {strides = array<i32>} : memref<6144xf32, #tpu.memory_space<vmem>>, vector<16xf32>,
        %add3A_267 = arith.addi %add3A_115, %mul3A_141 : i32
        %get3A_268 = arith.index_cast %add3A_267 : i32 to index
        %get3A_269 = tpu.vector_load %arg4[%get3A_268] {strides = array<i32>} : memref<6144xf32, #tpu.memory_space<vmem>>, vector<16xf32>,
        %sub3A_270 = arith.subf %get3A_266, %get3A_269 : vector<16xf32>
        %mul3A_271 = arith.mulf %sub3A_270, %sub3A_270 : vector<16xf32>
        %add3A_272 = arith.addf %add3A_263, %mul3A_271 : vector<16xf32>
        %add3A_273 = arith.addi %add3A_163, %mul3A_143 : i32
        %get3A_274 = arith.index_cast %add3A_273 : i32 to index
        %get3A_275 = tpu.vector_load %arg4[%get3A_274] {strides = array<i32>} : memref<6144xf32, #tpu.memory_space<vmem>>, vector<16xf32>,
        %add3A_276 = arith.addi %add3A_115, %mul3A_143 : i32
        %get3A_277 = arith.index_cast %add3A_276 : i32 to index
        %get3A_278 = tpu.vector_load %arg4[%get3A_277] {strides = array<i32>} : memref<6144xf32, #tpu.memory_space<vmem>>, vector<16xf32>,
        %sub3A_279 = arith.subf %get3A_275, %get3A_278 : vector<16xf32>
        %mul3A_280 = arith.mulf %sub3A_279, %sub3A_279 : vector<16xf32>
        %add3A_281 = arith.addf %add3A_272, %mul3A_280 : vector<16xf32>
        %add3A_282 = arith.addi %add3A_163, %mul3A_145 : i32
        %get3A_283 = arith.index_cast %add3A_282 : i32 to index
        %get3A_284 = tpu.vector_load %arg4[%get3A_283] {strides = array<i32>} : memref<6144xf32, #tpu.memory_space<vmem>>, vector<16xf32>,
        %add3A_285 = arith.addi %add3A_115, %mul3A_145 : i32
        %get3A_286 = arith.index_cast %add3A_285 : i32 to index
        %get3A_287 = tpu.vector_load %arg4[%get3A_286] {strides = array<i32>} : memref<6144xf32, #tpu.memory_space<vmem>>, vector<16xf32>,
        %sub3A_288 = arith.subf %get3A_284, %get3A_287 : vector<16xf32>
        %mul3A_289 = arith.mulf %sub3A_288, %sub3A_288 : vector<16xf32>
        %add3A_290 = arith.addf %add3A_281, %mul3A_289 : vector<16xf32>
        %add3A_291 = arith.addi %add3A_163, %mul3A_147 : i32
        %get3A_292 = arith.index_cast %add3A_291 : i32 to index
        %get3A_293 = tpu.vector_load %arg4[%get3A_292] {strides = array<i32>} : memref<6144xf32, #tpu.memory_space<vmem>>, vector<16xf32>,
        %add3A_294 = arith.addi %add3A_115, %mul3A_147 : i32
        %get3A_295 = arith.index_cast %add3A_294 : i32 to index
        %get3A_296 = tpu.vector_load %arg4[%get3A_295] {strides = array<i32>} : memref<6144xf32, #tpu.memory_space<vmem>>, vector<16xf32>,
        %sub3A_297 = arith.subf %get3A_293, %get3A_296 : vector<16xf32>
        %mul3A_298 = arith.mulf %sub3A_297, %sub3A_297 : vector<16xf32>
        %add3A_299 = arith.addf %add3A_290, %mul3A_298 : vector<16xf32>
        %add3A_300 = arith.addi %add3A_163, %mul3A_149 : i32
        %get3A_301 = arith.index_cast %add3A_300 : i32 to index
        %get3A_302 = tpu.vector_load %arg4[%get3A_301] {strides = array<i32>} : memref<6144xf32, #tpu.memory_space<vmem>>, vector<16xf32>,
        %add3A_303 = arith.addi %add3A_115, %mul3A_149 : i32
        %get3A_304 = arith.index_cast %add3A_303 : i32 to index
        %get3A_305 = tpu.vector_load %arg4[%get3A_304] {strides = array<i32>} : memref<6144xf32, #tpu.memory_space<vmem>>, vector<16xf32>,
        %sub3A_306 = arith.subf %get3A_302, %get3A_305 : vector<16xf32>
        %mul3A_307 = arith.mulf %sub3A_306, %sub3A_306 : vector<16xf32>
        %add3A_308 = arith.addf %add3A_299, %mul3A_307 : vector<16xf32>
        %swap3A_309 = arith.constant 16 : index
        %swap3A_310 = tpu.vector_load %arg11[%swap3A_309] {strides = array<i32>} : memref<256xf32, #tpu.memory_space<vmem>>, vector<16xf32>,
        tpu.vector_store %arg11[%swap3A_309], %add3A_308 {strides = array<i32>} : memref<256xf32, #tpu.memory_space<vmem>>, vector<16xf32>,
        %add3A_311 = arith.addi %add3A_163, %mul3A_135 : i32
        %get3A_312 = arith.index_cast %add3A_311 : i32 to index
        %get3A_313 = tpu.vector_load %arg4[%get3A_312] {strides = array<i32>} : memref<6144xf32, #tpu.memory_space<vmem>>, vector<16xf32>,
        %add3A_314 = arith.addi %add3A_118, %mul3A_135 : i32
        %get3A_315 = arith.index_cast %add3A_314 : i32 to index
        %get3A_316 = tpu.vector_load %arg4[%get3A_315] {strides = array<i32>} : memref<6144xf32, #tpu.memory_space<vmem>>, vector<16xf32>,
        %sub3A_317 = arith.subf %get3A_313, %get3A_316 : vector<16xf32>
        %mul3A_318 = arith.mulf %sub3A_317, %sub3A_317 : vector<16xf32>
        %add3A_319 = arith.addf %broadcast_in_dim3A_0, %mul3A_318 : vector<16xf32>
        %add3A_320 = arith.addi %add3A_163, %mul3A_137 : i32
        %get3A_321 = arith.index_cast %add3A_320 : i32 to index
        %get3A_322 = tpu.vector_load %arg4[%get3A_321] {strides = array<i32>} : memref<6144xf32, #tpu.memory_space<vmem>>, vector<16xf32>,
        %add3A_323 = arith.addi %add3A_118, %mul3A_137 : i32
        %get3A_324 = arith.index_cast %add3A_323 : i32 to index
        %get3A_325 = tpu.vector_load %arg4[%get3A_324] {strides = array<i32>} : memref<6144xf32, #tpu.memory_space<vmem>>, vector<16xf32>,
        %sub3A_326 = arith.subf %get3A_322, %get3A_325 : vector<16xf32>
        %mul3A_327 = arith.mulf %sub3A_326, %sub3A_326 : vector<16xf32>
        %add3A_328 = arith.addf %add3A_319, %mul3A_327 : vector<16xf32>
        %add3A_329 = arith.addi %add3A_163, %mul3A_139 : i32
        %get3A_330 = arith.index_cast %add3A_329 : i32 to index
        %get3A_331 = tpu.vector_load %arg4[%get3A_330] {strides = array<i32>} : memref<6144xf32, #tpu.memory_space<vmem>>, vector<16xf32>,
        %add3A_332 = arith.addi %add3A_118, %mul3A_139 : i32
        %get3A_333 = arith.index_cast %add3A_332 : i32 to index
        %get3A_334 = tpu.vector_load %arg4[%get3A_333] {strides = array<i32>} : memref<6144xf32, #tpu.memory_space<vmem>>, vector<16xf32>,
        %sub3A_335 = arith.subf %get3A_331, %get3A_334 : vector<16xf32>
        %mul3A_336 = arith.mulf %sub3A_335, %sub3A_335 : vector<16xf32>
        %add3A_337 = arith.addf %add3A_328, %mul3A_336 : vector<16xf32>
        %add3A_338 = arith.addi %add3A_163, %mul3A_141 : i32
        %get3A_339 = arith.index_cast %add3A_338 : i32 to index
        %get3A_340 = tpu.vector_load %arg4[%get3A_339] {strides = array<i32>} : memref<6144xf32, #tpu.memory_space<vmem>>, vector<16xf32>,
        %add3A_341 = arith.addi %add3A_118, %mul3A_141 : i32
        %get3A_342 = arith.index_cast %add3A_341 : i32 to index
        %get3A_343 = tpu.vector_load %arg4[%get3A_342] {strides = array<i32>} : memref<6144xf32, #tpu.memory_space<vmem>>, vector<16xf32>,
        %sub3A_344 = arith.subf %get3A_340, %get3A_343 : vector<16xf32>
        %mul3A_345 = arith.mulf %sub3A_344, %sub3A_344 : vector<16xf32>
        %add3A_346 = arith.addf %add3A_337, %mul3A_345 : vector<16xf32>
        %add3A_347 = arith.addi %add3A_163, %mul3A_143 : i32
        %get3A_348 = arith.index_cast %add3A_347 : i32 to index
        %get3A_349 = tpu.vector_load %arg4[%get3A_348] {strides = array<i32>} : memref<6144xf32, #tpu.memory_space<vmem>>, vector<16xf32>,
        %add3A_350 = arith.addi %add3A_118, %mul3A_143 : i32
        %get3A_351 = arith.index_cast %add3A_350 : i32 to index
        %get3A_352 = tpu.vector_load %arg4[%get3A_351] {strides = array<i32>} : memref<6144xf32, #tpu.memory_space<vmem>>, vector<16xf32>,
        %sub3A_353 = arith.subf %get3A_349, %get3A_352 : vector<16xf32>
        %mul3A_354 = arith.mulf %sub3A_353, %sub3A_353 : vector<16xf32>
        %add3A_355 = arith.addf %add3A_346, %mul3A_354 : vector<16xf32>
        %add3A_356 = arith.addi %add3A_163, %mul3A_145 : i32
        %get3A_357 = arith.index_cast %add3A_356 : i32 to index
        %get3A_358 = tpu.vector_load %arg4[%get3A_357] {strides = array<i32>} : memref<6144xf32, #tpu.memory_space<vmem>>, vector<16xf32>,
        %add3A_359 = arith.addi %add3A_118, %mul3A_145 : i32
        %get3A_360 = arith.index_cast %add3A_359 : i32 to index
        %get3A_361 = tpu.vector_load %arg4[%get3A_360] {strides = array<i32>} : memref<6144xf32, #tpu.memory_space<vmem>>, vector<16xf32>,
        %sub3A_362 = arith.subf %get3A_358, %get3A_361 : vector<16xf32>
        %mul3A_363 = arith.mulf %sub3A_362, %sub3A_362 : vector<16xf32>
        %add3A_364 = arith.addf %add3A_355, %mul3A_363 : vector<16xf32>
        %add3A_365 = arith.addi %add3A_163, %mul3A_147 : i32
        %get3A_366 = arith.index_cast %add3A_365 : i32 to index
        %get3A_367 = tpu.vector_load %arg4[%get3A_366] {strides = array<i32>} : memref<6144xf32, #tpu.memory_space<vmem>>, vector<16xf32>,
        %add3A_368 = arith.addi %add3A_118, %mul3A_147 : i32
        %get3A_369 = arith.index_cast %add3A_368 : i32 to index
        %get3A_370 = tpu.vector_load %arg4[%get3A_369] {strides = array<i32>} : memref<6144xf32, #tpu.memory_space<vmem>>, vector<16xf32>,
        %sub3A_371 = arith.subf %get3A_367, %get3A_370 : vector<16xf32>
        %mul3A_372 = arith.mulf %sub3A_371, %sub3A_371 : vector<16xf32>
        %add3A_373 = arith.addf %add3A_364, %mul3A_372 : vector<16xf32>
        %add3A_374 = arith.addi %add3A_163, %mul3A_149 : i32
        %get3A_375 = arith.index_cast %add3A_374 : i32 to index
        %get3A_376 = tpu.vector_load %arg4[%get3A_375] {strides = array<i32>} : memref<6144xf32, #tpu.memory_space<vmem>>, vector<16xf32>,
        %add3A_377 = arith.addi %add3A_118, %mul3A_149 : i32
        %get3A_378 = arith.index_cast %add3A_377 : i32 to index
        %get3A_379 = tpu.vector_load %arg4[%get3A_378] {strides = array<i32>} : memref<6144xf32, #tpu.memory_space<vmem>>, vector<16xf32>,
        %sub3A_380 = arith.subf %get3A_376, %get3A_379 : vector<16xf32>
        %mul3A_381 = arith.mulf %sub3A_380, %sub3A_380 : vector<16xf32>
        %add3A_382 = arith.addf %add3A_373, %mul3A_381 : vector<16xf32>
        %swap3A_383 = arith.constant 32 : index
        %swap3A_384 = tpu.vector_load %arg11[%swap3A_383] {strides = array<i32>} : memref<256xf32, #tpu.memory_space<vmem>>, vector<16xf32>,
        tpu.vector_store %arg11[%swap3A_383], %add3A_382 {strides = array<i32>} : memref<256xf32, #tpu.memory_space<vmem>>, vector<16xf32>,
        %add3A_385 = arith.addi %add3A_163, %mul3A_135 : i32
        %get3A_386 = arith.index_cast %add3A_385 : i32 to index
        %get3A_387 = tpu.vector_load %arg4[%get3A_386] {strides = array<i32>} : memref<6144xf32, #tpu.memory_space<vmem>>, vector<16xf32>,
        %add3A_388 = arith.addi %add3A_121, %mul3A_135 : i32
        %get3A_389 = arith.index_cast %add3A_388 : i32 to index
        %get3A_390 = tpu.vector_load %arg4[%get3A_389] {strides = array<i32>} : memref<6144xf32, #tpu.memory_space<vmem>>, vector<16xf32>,
        %sub3A_391 = arith.subf %get3A_387, %get3A_390 : vector<16xf32>
        %mul3A_392 = arith.mulf %sub3A_391, %sub3A_391 : vector<16xf32>
        %add3A_393 = arith.addf %broadcast_in_dim3A_0, %mul3A_392 : vector<16xf32>
        %add3A_394 = arith.addi %add3A_163, %mul3A_137 : i32
        %get3A_395 = arith.index_cast %add3A_394 : i32 to index
        %get3A_396 = tpu.vector_load %arg4[%get3A_395] {strides = array<i32>} : memref<6144xf32, #tpu.memory_space<vmem>>, vector<16xf32>,
        %add3A_397 = arith.addi %add3A_121, %mul3A_137 : i32
        %get3A_398 = arith.index_cast %add3A_397 : i32 to index
        %get3A_399 = tpu.vector_load %arg4[%get3A_398] {strides = array<i32>} : memref<6144xf32, #tpu.memory_space<vmem>>, vector<16xf32>,
        %sub3A_400 = arith.subf %get3A_396, %get3A_399 : vector<16xf32>
        %mul3A_401 = arith.mulf %sub3A_400, %sub3A_400 : vector<16xf32>
        %add3A_402 = arith.addf %add3A_393, %mul3A_401 : vector<16xf32>
        %add3A_403 = arith.addi %add3A_163, %mul3A_139 : i32
        %get3A_404 = arith.index_cast %add3A_403 : i32 to index
        %get3A_405 = tpu.vector_load %arg4[%get3A_404] {strides = array<i32>} : memref<6144xf32, #tpu.memory_space<vmem>>, vector<16xf32>,
        %add3A_406 = arith.addi %add3A_121, %mul3A_139 : i32
        %get3A_407 = arith.index_cast %add3A_406 : i32 to index
        %get3A_408 = tpu.vector_load %arg4[%get3A_407] {strides = array<i32>} : memref<6144xf32, #tpu.memory_space<vmem>>, vector<16xf32>,
        %sub3A_409 = arith.subf %get3A_405, %get3A_408 : vector<16xf32>
        %mul3A_410 = arith.mulf %sub3A_409, %sub3A_409 : vector<16xf32>
        %add3A_411 = arith.addf %add3A_402, %mul3A_410 : vector<16xf32>
        %add3A_412 = arith.addi %add3A_163, %mul3A_141 : i32
        %get3A_413 = arith.index_cast %add3A_412 : i32 to index
        %get3A_414 = tpu.vector_load %arg4[%get3A_413] {strides = array<i32>} : memref<6144xf32, #tpu.memory_space<vmem>>, vector<16xf32>,
        %add3A_415 = arith.addi %add3A_121, %mul3A_141 : i32
        %get3A_416 = arith.index_cast %add3A_415 : i32 to index
        %get3A_417 = tpu.vector_load %arg4[%get3A_416] {strides = array<i32>} : memref<6144xf32, #tpu.memory_space<vmem>>, vector<16xf32>,
        %sub3A_418 = arith.subf %get3A_414, %get3A_417 : vector<16xf32>
        %mul3A_419 = arith.mulf %sub3A_418, %sub3A_418 : vector<16xf32>
        %add3A_420 = arith.addf %add3A_411, %mul3A_419 : vector<16xf32>
        %add3A_421 = arith.addi %add3A_163, %mul3A_143 : i32
        %get3A_422 = arith.index_cast %add3A_421 : i32 to index
        %get3A_423 = tpu.vector_load %arg4[%get3A_422] {strides = array<i32>} : memref<6144xf32, #tpu.memory_space<vmem>>, vector<16xf32>,
        %add3A_424 = arith.addi %add3A_121, %mul3A_143 : i32
        %get3A_425 = arith.index_cast %add3A_424 : i32 to index
        %get3A_426 = tpu.vector_load %arg4[%get3A_425] {strides = array<i32>} : memref<6144xf32, #tpu.memory_space<vmem>>, vector<16xf32>,
        %sub3A_427 = arith.subf %get3A_423, %get3A_426 : vector<16xf32>
        %mul3A_428 = arith.mulf %sub3A_427, %sub3A_427 : vector<16xf32>
        %add3A_429 = arith.addf %add3A_420, %mul3A_428 : vector<16xf32>
        %add3A_430 = arith.addi %add3A_163, %mul3A_145 : i32
        %get3A_431 = arith.index_cast %add3A_430 : i32 to index
        %get3A_432 = tpu.vector_load %arg4[%get3A_431] {strides = array<i32>} : memref<6144xf32, #tpu.memory_space<vmem>>, vector<16xf32>,
        %add3A_433 = arith.addi %add3A_121, %mul3A_145 : i32
        %get3A_434 = arith.index_cast %add3A_433 : i32 to index
        %get3A_435 = tpu.vector_load %arg4[%get3A_434] {strides = array<i32>} : memref<6144xf32, #tpu.memory_space<vmem>>, vector<16xf32>,
        %sub3A_436 = arith.subf %get3A_432, %get3A_435 : vector<16xf32>
        %mul3A_437 = arith.mulf %sub3A_436, %sub3A_436 : vector<16xf32>
        %add3A_438 = arith.addf %add3A_429, %mul3A_437 : vector<16xf32>
        %add3A_439 = arith.addi %add3A_163, %mul3A_147 : i32
        %get3A_440 = arith.index_cast %add3A_439 : i32 to index
        %get3A_441 = tpu.vector_load %arg4[%get3A_440] {strides = array<i32>} : memref<6144xf32, #tpu.memory_space<vmem>>, vector<16xf32>,
        %add3A_442 = arith.addi %add3A_121, %mul3A_147 : i32
        %get3A_443 = arith.index_cast %add3A_442 : i32 to index
        %get3A_444 = tpu.vector_load %arg4[%get3A_443] {strides = array<i32>} : memref<6144xf32, #tpu.memory_space<vmem>>, vector<16xf32>,
        %sub3A_445 = arith.subf %get3A_441, %get3A_444 : vector<16xf32>
        %mul3A_446 = arith.mulf %sub3A_445, %sub3A_445 : vector<16xf32>
        %add3A_447 = arith.addf %add3A_438, %mul3A_446 : vector<16xf32>
        %add3A_448 = arith.addi %add3A_163, %mul3A_149 : i32
        %get3A_449 = arith.index_cast %add3A_448 : i32 to index
        %get3A_450 = tpu.vector_load %arg4[%get3A_449] {strides = array<i32>} : memref<6144xf32, #tpu.memory_space<vmem>>, vector<16xf32>,
        %add3A_451 = arith.addi %add3A_121, %mul3A_149 : i32
        %get3A_452 = arith.index_cast %add3A_451 : i32 to index
        %get3A_453 = tpu.vector_load %arg4[%get3A_452] {strides = array<i32>} : memref<6144xf32, #tpu.memory_space<vmem>>, vector<16xf32>,
        %sub3A_454 = arith.subf %get3A_450, %get3A_453 : vector<16xf32>
        %mul3A_455 = arith.mulf %sub3A_454, %sub3A_454 : vector<16xf32>
        %add3A_456 = arith.addf %add3A_447, %mul3A_455 : vector<16xf32>
        %swap3A_457 = arith.constant 48 : index
        %swap3A_458 = tpu.vector_load %arg11[%swap3A_457] {strides = array<i32>} : memref<256xf32, #tpu.memory_space<vmem>>, vector<16xf32>,
        tpu.vector_store %arg11[%swap3A_457], %add3A_456 {strides = array<i32>} : memref<256xf32, #tpu.memory_space<vmem>>, vector<16xf32>,
        %add3A_459 = arith.addi %add3A_163, %mul3A_135 : i32
        %get3A_460 = arith.index_cast %add3A_459 : i32 to index
        %get3A_461 = tpu.vector_load %arg4[%get3A_460] {strides = array<i32>} : memref<6144xf32, #tpu.memory_space<vmem>>, vector<16xf32>,
        %add3A_462 = arith.addi %add3A_124, %mul3A_135 : i32
        %get3A_463 = arith.index_cast %add3A_462 : i32 to index
        %get3A_464 = tpu.vector_load %arg4[%get3A_463] {strides = array<i32>} : memref<6144xf32, #tpu.memory_space<vmem>>, vector<16xf32>,
        %sub3A_465 = arith.subf %get3A_461, %get3A_464 : vector<16xf32>
        %mul3A_466 = arith.mulf %sub3A_465, %sub3A_465 : vector<16xf32>
        %add3A_467 = arith.addf %broadcast_in_dim3A_0, %mul3A_466 : vector<16xf32>
        %add3A_468 = arith.addi %add3A_163, %mul3A_137 : i32
        %get3A_469 = arith.index_cast %add3A_468 : i32 to index
        %get3A_470 = tpu.vector_load %arg4[%get3A_469] {strides = array<i32>} : memref<6144xf32, #tpu.memory_space<vmem>>, vector<16xf32>,
        %add3A_471 = arith.addi %add3A_124, %mul3A_137 : i32
        %get3A_472 = arith.index_cast %add3A_471 : i32 to index
        %get3A_473 = tpu.vector_load %arg4[%get3A_472] {strides = array<i32>} : memref<6144xf32, #tpu.memory_space<vmem>>, vector<16xf32>,
        %sub3A_474 = arith.subf %get3A_470, %get3A_473 : vector<16xf32>
        %mul3A_475 = arith.mulf %sub3A_474, %sub3A_474 : vector<16xf32>
        %add3A_476 = arith.addf %add3A_467, %mul3A_475 : vector<16xf32>
        %add3A_477 = arith.addi %add3A_163, %mul3A_139 : i32
        %get3A_478 = arith.index_cast %add3A_477 : i32 to index
        %get3A_479 = tpu.vector_load %arg4[%get3A_478] {strides = array<i32>} : memref<6144xf32, #tpu.memory_space<vmem>>, vector<16xf32>,
        %add3A_480 = arith.addi %add3A_124, %mul3A_139 : i32
        %get3A_481 = arith.index_cast %add3A_480 : i32 to index
        %get3A_482 = tpu.vector_load %arg4[%get3A_481] {strides = array<i32>} : memref<6144xf32, #tpu.memory_space<vmem>>, vector<16xf32>,
        %sub3A_483 = arith.subf %get3A_479, %get3A_482 : vector<16xf32>
        %mul3A_484 = arith.mulf %sub3A_483, %sub3A_483 : vector<16xf32>
        %add3A_485 = arith.addf %add3A_476, %mul3A_484 : vector<16xf32>
        %add3A_486 = arith.addi %add3A_163, %mul3A_141 : i32
        %get3A_487 = arith.index_cast %add3A_486 : i32 to index
        %get3A_488 = tpu.vector_load %arg4[%get3A_487] {strides = array<i32>} : memref<6144xf32, #tpu.memory_space<vmem>>, vector<16xf32>,
        %add3A_489 = arith.addi %add3A_124, %mul3A_141 : i32
        %get3A_490 = arith.index_cast %add3A_489 : i32 to index
        %get3A_491 = tpu.vector_load %arg4[%get3A_490] {strides = array<i32>} : memref<6144xf32, #tpu.memory_space<vmem>>, vector<16xf32>,
        %sub3A_492 = arith.subf %get3A_488, %get3A_491 : vector<16xf32>
        %mul3A_493 = arith.mulf %sub3A_492, %sub3A_492 : vector<16xf32>
        %add3A_494 = arith.addf %add3A_485, %mul3A_493 : vector<16xf32>
        %add3A_495 = arith.addi %add3A_163, %mul3A_143 : i32
        %get3A_496 = arith.index_cast %add3A_495 : i32 to index
        %get3A_497 = tpu.vector_load %arg4[%get3A_496] {strides = array<i32>} : memref<6144xf32, #tpu.memory_space<vmem>>, vector<16xf32>,
        %add3A_498 = arith.addi %add3A_124, %mul3A_143 : i32
        %get3A_499 = arith.index_cast %add3A_498 : i32 to index
        %get3A_500 = tpu.vector_load %arg4[%get3A_499] {strides = array<i32>} : memref<6144xf32, #tpu.memory_space<vmem>>, vector<16xf32>,
        %sub3A_501 = arith.subf %get3A_497, %get3A_500 : vector<16xf32>
        %mul3A_502 = arith.mulf %sub3A_501, %sub3A_501 : vector<16xf32>
        %add3A_503 = arith.addf %add3A_494, %mul3A_502 : vector<16xf32>
        %add3A_504 = arith.addi %add3A_163, %mul3A_145 : i32
        %get3A_505 = arith.index_cast %add3A_504 : i32 to index
        %get3A_506 = tpu.vector_load %arg4[%get3A_505] {strides = array<i32>} : memref<6144xf32, #tpu.memory_space<vmem>>, vector<16xf32>,
        %add3A_507 = arith.addi %add3A_124, %mul3A_145 : i32
        %get3A_508 = arith.index_cast %add3A_507 : i32 to index
        %get3A_509 = tpu.vector_load %arg4[%get3A_508] {strides = array<i32>} : memref<6144xf32, #tpu.memory_space<vmem>>, vector<16xf32>,
        %sub3A_510 = arith.subf %get3A_506, %get3A_509 : vector<16xf32>
        %mul3A_511 = arith.mulf %sub3A_510, %sub3A_510 : vector<16xf32>
        %add3A_512 = arith.addf %add3A_503, %mul3A_511 : vector<16xf32>
        %add3A_513 = arith.addi %add3A_163, %mul3A_147 : i32
        %get3A_514 = arith.index_cast %add3A_513 : i32 to index
        %get3A_515 = tpu.vector_load %arg4[%get3A_514] {strides = array<i32>} : memref<6144xf32, #tpu.memory_space<vmem>>, vector<16xf32>,
        %add3A_516 = arith.addi %add3A_124, %mul3A_147 : i32
        %get3A_517 = arith.index_cast %add3A_516 : i32 to index
        %get3A_518 = tpu.vector_load %arg4[%get3A_517] {strides = array<i32>} : memref<6144xf32, #tpu.memory_space<vmem>>, vector<16xf32>,
        %sub3A_519 = arith.subf %get3A_515, %get3A_518 : vector<16xf32>
        %mul3A_520 = arith.mulf %sub3A_519, %sub3A_519 : vector<16xf32>
        %add3A_521 = arith.addf %add3A_512, %mul3A_520 : vector<16xf32>
        %add3A_522 = arith.addi %add3A_163, %mul3A_149 : i32
        %get3A_523 = arith.index_cast %add3A_522 : i32 to index
        %get3A_524 = tpu.vector_load %arg4[%get3A_523] {strides = array<i32>} : memref<6144xf32, #tpu.memory_space<vmem>>, vector<16xf32>,
        %add3A_525 = arith.addi %add3A_124, %mul3A_149 : i32
        %get3A_526 = arith.index_cast %add3A_525 : i32 to index
        %get3A_527 = tpu.vector_load %arg4[%get3A_526] {strides = array<i32>} : memref<6144xf32, #tpu.memory_space<vmem>>, vector<16xf32>,
        %sub3A_528 = arith.subf %get3A_524, %get3A_527 : vector<16xf32>
        %mul3A_529 = arith.mulf %sub3A_528, %sub3A_528 : vector<16xf32>
        %add3A_530 = arith.addf %add3A_521, %mul3A_529 : vector<16xf32>
        %swap3A_531 = arith.constant 64 : index
        %swap3A_532 = tpu.vector_load %arg11[%swap3A_531] {strides = array<i32>} : memref<256xf32, #tpu.memory_space<vmem>>, vector<16xf32>,
        tpu.vector_store %arg11[%swap3A_531], %add3A_530 {strides = array<i32>} : memref<256xf32, #tpu.memory_space<vmem>>, vector<16xf32>,
        %add3A_533 = arith.addi %add3A_163, %mul3A_135 : i32
        %get3A_534 = arith.index_cast %add3A_533 : i32 to index
        %get3A_535 = tpu.vector_load %arg4[%get3A_534] {strides = array<i32>} : memref<6144xf32, #tpu.memory_space<vmem>>, vector<16xf32>,
        %add3A_536 = arith.addi %add3A_127, %mul3A_135 : i32
        %get3A_537 = arith.index_cast %add3A_536 : i32 to index
        %get3A_538 = tpu.vector_load %arg4[%get3A_537] {strides = array<i32>} : memref<6144xf32, #tpu.memory_space<vmem>>, vector<16xf32>,
        %sub3A_539 = arith.subf %get3A_535, %get3A_538 : vector<16xf32>
        %mul3A_540 = arith.mulf %sub3A_539, %sub3A_539 : vector<16xf32>
        %add3A_541 = arith.addf %broadcast_in_dim3A_0, %mul3A_540 : vector<16xf32>
        %add3A_542 = arith.addi %add3A_163, %mul3A_137 : i32
        %get3A_543 = arith.index_cast %add3A_542 : i32 to index
        %get3A_544 = tpu.vector_load %arg4[%get3A_543] {strides = array<i32>} : memref<6144xf32, #tpu.memory_space<vmem>>, vector<16xf32>,
        %add3A_545 = arith.addi %add3A_127, %mul3A_137 : i32
        %get3A_546 = arith.index_cast %add3A_545 : i32 to index
        %get3A_547 = tpu.vector_load %arg4[%get3A_546] {strides = array<i32>} : memref<6144xf32, #tpu.memory_space<vmem>>, vector<16xf32>,
        %sub3A_548 = arith.subf %get3A_544, %get3A_547 : vector<16xf32>
        %mul3A_549 = arith.mulf %sub3A_548, %sub3A_548 : vector<16xf32>
        %add3A_550 = arith.addf %add3A_541, %mul3A_549 : vector<16xf32>
        %add3A_551 = arith.addi %add3A_163, %mul3A_139 : i32
        %get3A_552 = arith.index_cast %add3A_551 : i32 to index
        %get3A_553 = tpu.vector_load %arg4[%get3A_552] {strides = array<i32>} : memref<6144xf32, #tpu.memory_space<vmem>>, vector<16xf32>,
        %add3A_554 = arith.addi %add3A_127, %mul3A_139 : i32
        %get3A_555 = arith.index_cast %add3A_554 : i32 to index
        %get3A_556 = tpu.vector_load %arg4[%get3A_555] {strides = array<i32>} : memref<6144xf32, #tpu.memory_space<vmem>>, vector<16xf32>,
        %sub3A_557 = arith.subf %get3A_553, %get3A_556 : vector<16xf32>
        %mul3A_558 = arith.mulf %sub3A_557, %sub3A_557 : vector<16xf32>
        %add3A_559 = arith.addf %add3A_550, %mul3A_558 : vector<16xf32>
        %add3A_560 = arith.addi %add3A_163, %mul3A_141 : i32
        %get3A_561 = arith.index_cast %add3A_560 : i32 to index
        %get3A_562 = tpu.vector_load %arg4[%get3A_561] {strides = array<i32>} : memref<6144xf32, #tpu.memory_space<vmem>>, vector<16xf32>,
        %add3A_563 = arith.addi %add3A_127, %mul3A_141 : i32
        %get3A_564 = arith.index_cast %add3A_563 : i32 to index
        %get3A_565 = tpu.vector_load %arg4[%get3A_564] {strides = array<i32>} : memref<6144xf32, #tpu.memory_space<vmem>>, vector<16xf32>,
        %sub3A_566 = arith.subf %get3A_562, %get3A_565 : vector<16xf32>
        %mul3A_567 = arith.mulf %sub3A_566, %sub3A_566 : vector<16xf32>
        %add3A_568 = arith.addf %add3A_559, %mul3A_567 : vector<16xf32>
        %add3A_569 = arith.addi %add3A_163, %mul3A_143 : i32
        %get3A_570 = arith.index_cast %add3A_569 : i32 to index
        %get3A_571 = tpu.vector_load %arg4[%get3A_570] {strides = array<i32>} : memref<6144xf32, #tpu.memory_space<vmem>>, vector<16xf32>,
        %add3A_572 = arith.addi %add3A_127, %mul3A_143 : i32
        %get3A_573 = arith.index_cast %add3A_572 : i32 to index
        %get3A_574 = tpu.vector_load %arg4[%get3A_573] {strides = array<i32>} : memref<6144xf32, #tpu.memory_space<vmem>>, vector<16xf32>,
        %sub3A_575 = arith.subf %get3A_571, %get3A_574 : vector<16xf32>
        %mul3A_576 = arith.mulf %sub3A_575, %sub3A_575 : vector<16xf32>
        %add3A_577 = arith.addf %add3A_568, %mul3A_576 : vector<16xf32>
        %add3A_578 = arith.addi %add3A_163, %mul3A_145 : i32
        %get3A_579 = arith.index_cast %add3A_578 : i32 to index
        %get3A_580 = tpu.vector_load %arg4[%get3A_579] {strides = array<i32>} : memref<6144xf32, #tpu.memory_space<vmem>>, vector<16xf32>,
        %add3A_581 = arith.addi %add3A_127, %mul3A_145 : i32
        %get3A_582 = arith.index_cast %add3A_581 : i32 to index
        %get3A_583 = tpu.vector_load %arg4[%get3A_582] {strides = array<i32>} : memref<6144xf32, #tpu.memory_space<vmem>>, vector<16xf32>,
        %sub3A_584 = arith.subf %get3A_580, %get3A_583 : vector<16xf32>
        %mul3A_585 = arith.mulf %sub3A_584, %sub3A_584 : vector<16xf32>
        %add3A_586 = arith.addf %add3A_577, %mul3A_585 : vector<16xf32>
        %add3A_587 = arith.addi %add3A_163, %mul3A_147 : i32
        %get3A_588 = arith.index_cast %add3A_587 : i32 to index
        %get3A_589 = tpu.vector_load %arg4[%get3A_588] {strides = array<i32>} : memref<6144xf32, #tpu.memory_space<vmem>>, vector<16xf32>,
        %add3A_590 = arith.addi %add3A_127, %mul3A_147 : i32
        %get3A_591 = arith.index_cast %add3A_590 : i32 to index
        %get3A_592 = tpu.vector_load %arg4[%get3A_591] {strides = array<i32>} : memref<6144xf32, #tpu.memory_space<vmem>>, vector<16xf32>,
        %sub3A_593 = arith.subf %get3A_589, %get3A_592 : vector<16xf32>
        %mul3A_594 = arith.mulf %sub3A_593, %sub3A_593 : vector<16xf32>
        %add3A_595 = arith.addf %add3A_586, %mul3A_594 : vector<16xf32>
        %add3A_596 = arith.addi %add3A_163, %mul3A_149 : i32
        %get3A_597 = arith.index_cast %add3A_596 : i32 to index
        %get3A_598 = tpu.vector_load %arg4[%get3A_597] {strides = array<i32>} : memref<6144xf32, #tpu.memory_space<vmem>>, vector<16xf32>,
        %add3A_599 = arith.addi %add3A_127, %mul3A_149 : i32
        %get3A_600 = arith.index_cast %add3A_599 : i32 to index
        %get3A_601 = tpu.vector_load %arg4[%get3A_600] {strides = array<i32>} : memref<6144xf32, #tpu.memory_space<vmem>>, vector<16xf32>,
        %sub3A_602 = arith.subf %get3A_598, %get3A_601 : vector<16xf32>
        %mul3A_603 = arith.mulf %sub3A_602, %sub3A_602 : vector<16xf32>
        %add3A_604 = arith.addf %add3A_595, %mul3A_603 : vector<16xf32>
        %swap3A_605 = arith.constant 80 : index
        %swap3A_606 = tpu.vector_load %arg11[%swap3A_605] {strides = array<i32>} : memref<256xf32, #tpu.memory_space<vmem>>, vector<16xf32>,
        tpu.vector_store %arg11[%swap3A_605], %add3A_604 {strides = array<i32>} : memref<256xf32, #tpu.memory_space<vmem>>, vector<16xf32>,
        %add3A_607 = arith.addi %add3A_163, %mul3A_135 : i32
        %get3A_608 = arith.index_cast %add3A_607 : i32 to index
        %get3A_609 = tpu.vector_load %arg4[%get3A_608] {strides = array<i32>} : memref<6144xf32, #tpu.memory_space<vmem>>, vector<16xf32>,
        %add3A_610 = arith.addi %add3A_130, %mul3A_135 : i32
        %get3A_611 = arith.index_cast %add3A_610 : i32 to index
        %get3A_612 = tpu.vector_load %arg4[%get3A_611] {strides = array<i32>} : memref<6144xf32, #tpu.memory_space<vmem>>, vector<16xf32>,
        %sub3A_613 = arith.subf %get3A_609, %get3A_612 : vector<16xf32>
        %mul3A_614 = arith.mulf %sub3A_613, %sub3A_613 : vector<16xf32>
        %add3A_615 = arith.addf %broadcast_in_dim3A_0, %mul3A_614 : vector<16xf32>
        %add3A_616 = arith.addi %add3A_163, %mul3A_137 : i32
        %get3A_617 = arith.index_cast %add3A_616 : i32 to index
        %get3A_618 = tpu.vector_load %arg4[%get3A_617] {strides = array<i32>} : memref<6144xf32, #tpu.memory_space<vmem>>, vector<16xf32>,
        %add3A_619 = arith.addi %add3A_130, %mul3A_137 : i32
        %get3A_620 = arith.index_cast %add3A_619 : i32 to index
        %get3A_621 = tpu.vector_load %arg4[%get3A_620] {strides = array<i32>} : memref<6144xf32, #tpu.memory_space<vmem>>, vector<16xf32>,
        %sub3A_622 = arith.subf %get3A_618, %get3A_621 : vector<16xf32>
        %mul3A_623 = arith.mulf %sub3A_622, %sub3A_622 : vector<16xf32>
        %add3A_624 = arith.addf %add3A_615, %mul3A_623 : vector<16xf32>
        %add3A_625 = arith.addi %add3A_163, %mul3A_139 : i32
        %get3A_626 = arith.index_cast %add3A_625 : i32 to index
        %get3A_627 = tpu.vector_load %arg4[%get3A_626] {strides = array<i32>} : memref<6144xf32, #tpu.memory_space<vmem>>, vector<16xf32>,
        %add3A_628 = arith.addi %add3A_130, %mul3A_139 : i32
        %get3A_629 = arith.index_cast %add3A_628 : i32 to index
        %get3A_630 = tpu.vector_load %arg4[%get3A_629] {strides = array<i32>} : memref<6144xf32, #tpu.memory_space<vmem>>, vector<16xf32>,
        %sub3A_631 = arith.subf %get3A_627, %get3A_630 : vector<16xf32>
        %mul3A_632 = arith.mulf %sub3A_631, %sub3A_631 : vector<16xf32>
        %add3A_633 = arith.addf %add3A_624, %mul3A_632 : vector<16xf32>
        %add3A_634 = arith.addi %add3A_163, %mul3A_141 : i32
        %get3A_635 = arith.index_cast %add3A_634 : i32 to index
        %get3A_636 = tpu.vector_load %arg4[%get3A_635] {strides = array<i32>} : memref<6144xf32, #tpu.memory_space<vmem>>, vector<16xf32>,
        %add3A_637 = arith.addi %add3A_130, %mul3A_141 : i32
        %get3A_638 = arith.index_cast %add3A_637 : i32 to index
        %get3A_639 = tpu.vector_load %arg4[%get3A_638] {strides = array<i32>} : memref<6144xf32, #tpu.memory_space<vmem>>, vector<16xf32>,
        %sub3A_640 = arith.subf %get3A_636, %get3A_639 : vector<16xf32>
        %mul3A_641 = arith.mulf %sub3A_640, %sub3A_640 : vector<16xf32>
        %add3A_642 = arith.addf %add3A_633, %mul3A_641 : vector<16xf32>
        %add3A_643 = arith.addi %add3A_163, %mul3A_143 : i32
        %get3A_644 = arith.index_cast %add3A_643 : i32 to index
        %get3A_645 = tpu.vector_load %arg4[%get3A_644] {strides = array<i32>} : memref<6144xf32, #tpu.memory_space<vmem>>, vector<16xf32>,
        %add3A_646 = arith.addi %add3A_130, %mul3A_143 : i32
        %get3A_647 = arith.index_cast %add3A_646 : i32 to index
        %get3A_648 = tpu.vector_load %arg4[%get3A_647] {strides = array<i32>} : memref<6144xf32, #tpu.memory_space<vmem>>, vector<16xf32>,
        %sub3A_649 = arith.subf %get3A_645, %get3A_648 : vector<16xf32>
        %mul3A_650 = arith.mulf %sub3A_649, %sub3A_649 : vector<16xf32>
        %add3A_651 = arith.addf %add3A_642, %mul3A_650 : vector<16xf32>
        %add3A_652 = arith.addi %add3A_163, %mul3A_145 : i32
        %get3A_653 = arith.index_cast %add3A_652 : i32 to index
        %get3A_654 = tpu.vector_load %arg4[%get3A_653] {strides = array<i32>} : memref<6144xf32, #tpu.memory_space<vmem>>, vector<16xf32>,
        %add3A_655 = arith.addi %add3A_130, %mul3A_145 : i32
        %get3A_656 = arith.index_cast %add3A_655 : i32 to index
        %get3A_657 = tpu.vector_load %arg4[%get3A_656] {strides = array<i32>} : memref<6144xf32, #tpu.memory_space<vmem>>, vector<16xf32>,
        %sub3A_658 = arith.subf %get3A_654, %get3A_657 : vector<16xf32>
        %mul3A_659 = arith.mulf %sub3A_658, %sub3A_658 : vector<16xf32>
        %add3A_660 = arith.addf %add3A_651, %mul3A_659 : vector<16xf32>
        %add3A_661 = arith.addi %add3A_163, %mul3A_147 : i32
        %get3A_662 = arith.index_cast %add3A_661 : i32 to index
        %get3A_663 = tpu.vector_load %arg4[%get3A_662] {strides = array<i32>} : memref<6144xf32, #tpu.memory_space<vmem>>, vector<16xf32>,
        %add3A_664 = arith.addi %add3A_130, %mul3A_147 : i32
        %get3A_665 = arith.index_cast %add3A_664 : i32 to index
        %get3A_666 = tpu.vector_load %arg4[%get3A_665] {strides = array<i32>} : memref<6144xf32, #tpu.memory_space<vmem>>, vector<16xf32>,
        %sub3A_667 = arith.subf %get3A_663, %get3A_666 : vector<16xf32>
        %mul3A_668 = arith.mulf %sub3A_667, %sub3A_667 : vector<16xf32>
        %add3A_669 = arith.addf %add3A_660, %mul3A_668 : vector<16xf32>
        %add3A_670 = arith.addi %add3A_163, %mul3A_149 : i32
        %get3A_671 = arith.index_cast %add3A_670 : i32 to index
        %get3A_672 = tpu.vector_load %arg4[%get3A_671] {strides = array<i32>} : memref<6144xf32, #tpu.memory_space<vmem>>, vector<16xf32>,
        %add3A_673 = arith.addi %add3A_130, %mul3A_149 : i32
        %get3A_674 = arith.index_cast %add3A_673 : i32 to index
        %get3A_675 = tpu.vector_load %arg4[%get3A_674] {strides = array<i32>} : memref<6144xf32, #tpu.memory_space<vmem>>, vector<16xf32>,
        %sub3A_676 = arith.subf %get3A_672, %get3A_675 : vector<16xf32>
        %mul3A_677 = arith.mulf %sub3A_676, %sub3A_676 : vector<16xf32>
        %add3A_678 = arith.addf %add3A_669, %mul3A_677 : vector<16xf32>
        %swap3A_679 = arith.constant 96 : index
        %swap3A_680 = tpu.vector_load %arg11[%swap3A_679] {strides = array<i32>} : memref<256xf32, #tpu.memory_space<vmem>>, vector<16xf32>,
        tpu.vector_store %arg11[%swap3A_679], %add3A_678 {strides = array<i32>} : memref<256xf32, #tpu.memory_space<vmem>>, vector<16xf32>,
        %add3A_681 = arith.addi %add3A_163, %mul3A_135 : i32
        %get3A_682 = arith.index_cast %add3A_681 : i32 to index
        %get3A_683 = tpu.vector_load %arg4[%get3A_682] {strides = array<i32>} : memref<6144xf32, #tpu.memory_space<vmem>>, vector<16xf32>,
        %add3A_684 = arith.addi %add3A_133, %mul3A_135 : i32
        %get3A_685 = arith.index_cast %add3A_684 : i32 to index
        %get3A_686 = tpu.vector_load %arg4[%get3A_685] {strides = array<i32>} : memref<6144xf32, #tpu.memory_space<vmem>>, vector<16xf32>,
        %sub3A_687 = arith.subf %get3A_683, %get3A_686 : vector<16xf32>
        %mul3A_688 = arith.mulf %sub3A_687, %sub3A_687 : vector<16xf32>
        %add3A_689 = arith.addf %broadcast_in_dim3A_0, %mul3A_688 : vector<16xf32>
        %add3A_690 = arith.addi %add3A_163, %mul3A_137 : i32
        %get3A_691 = arith.index_cast %add3A_690 : i32 to index
        %get3A_692 = tpu.vector_load %arg4[%get3A_691] {strides = array<i32>} : memref<6144xf32, #tpu.memory_space<vmem>>, vector<16xf32>,
        %add3A_693 = arith.addi %add3A_133, %mul3A_137 : i32
        %get3A_694 = arith.index_cast %add3A_693 : i32 to index
        %get3A_695 = tpu.vector_load %arg4[%get3A_694] {strides = array<i32>} : memref<6144xf32, #tpu.memory_space<vmem>>, vector<16xf32>,
        %sub3A_696 = arith.subf %get3A_692, %get3A_695 : vector<16xf32>
        %mul3A_697 = arith.mulf %sub3A_696, %sub3A_696 : vector<16xf32>
        %add3A_698 = arith.addf %add3A_689, %mul3A_697 : vector<16xf32>
        %add3A_699 = arith.addi %add3A_163, %mul3A_139 : i32
        %get3A_700 = arith.index_cast %add3A_699 : i32 to index
        %get3A_701 = tpu.vector_load %arg4[%get3A_700] {strides = array<i32>} : memref<6144xf32, #tpu.memory_space<vmem>>, vector<16xf32>,
        %add3A_702 = arith.addi %add3A_133, %mul3A_139 : i32
        %get3A_703 = arith.index_cast %add3A_702 : i32 to index
        %get3A_704 = tpu.vector_load %arg4[%get3A_703] {strides = array<i32>} : memref<6144xf32, #tpu.memory_space<vmem>>, vector<16xf32>,
        %sub3A_705 = arith.subf %get3A_701, %get3A_704 : vector<16xf32>
        %mul3A_706 = arith.mulf %sub3A_705, %sub3A_705 : vector<16xf32>
        %add3A_707 = arith.addf %add3A_698, %mul3A_706 : vector<16xf32>
        %add3A_708 = arith.addi %add3A_163, %mul3A_141 : i32
        %get3A_709 = arith.index_cast %add3A_708 : i32 to index
        %get3A_710 = tpu.vector_load %arg4[%get3A_709] {strides = array<i32>} : memref<6144xf32, #tpu.memory_space<vmem>>, vector<16xf32>,
        %add3A_711 = arith.addi %add3A_133, %mul3A_141 : i32
        %get3A_712 = arith.index_cast %add3A_711 : i32 to index
        %get3A_713 = tpu.vector_load %arg4[%get3A_712] {strides = array<i32>} : memref<6144xf32, #tpu.memory_space<vmem>>, vector<16xf32>,
        %sub3A_714 = arith.subf %get3A_710, %get3A_713 : vector<16xf32>
        %mul3A_715 = arith.mulf %sub3A_714, %sub3A_714 : vector<16xf32>
        %add3A_716 = arith.addf %add3A_707, %mul3A_715 : vector<16xf32>
        %add3A_717 = arith.addi %add3A_163, %mul3A_143 : i32
        %get3A_718 = arith.index_cast %add3A_717 : i32 to index
        %get3A_719 = tpu.vector_load %arg4[%get3A_718] {strides = array<i32>} : memref<6144xf32, #tpu.memory_space<vmem>>, vector<16xf32>,
        %add3A_720 = arith.addi %add3A_133, %mul3A_143 : i32
        %get3A_721 = arith.index_cast %add3A_720 : i32 to index
        %get3A_722 = tpu.vector_load %arg4[%get3A_721] {strides = array<i32>} : memref<6144xf32, #tpu.memory_space<vmem>>, vector<16xf32>,
        %sub3A_723 = arith.subf %get3A_719, %get3A_722 : vector<16xf32>
        %mul3A_724 = arith.mulf %sub3A_723, %sub3A_723 : vector<16xf32>
        %add3A_725 = arith.addf %add3A_716, %mul3A_724 : vector<16xf32>
        %add3A_726 = arith.addi %add3A_163, %mul3A_145 : i32
        %get3A_727 = arith.index_cast %add3A_726 : i32 to index
        %get3A_728 = tpu.vector_load %arg4[%get3A_727] {strides = array<i32>} : memref<6144xf32, #tpu.memory_space<vmem>>, vector<16xf32>,
        %add3A_729 = arith.addi %add3A_133, %mul3A_145 : i32
        %get3A_730 = arith.index_cast %add3A_729 : i32 to index
        %get3A_731 = tpu.vector_load %arg4[%get3A_730] {strides = array<i32>} : memref<6144xf32, #tpu.memory_space<vmem>>, vector<16xf32>,
        %sub3A_732 = arith.subf %get3A_728, %get3A_731 : vector<16xf32>
        %mul3A_733 = arith.mulf %sub3A_732, %sub3A_732 : vector<16xf32>
        %add3A_734 = arith.addf %add3A_725, %mul3A_733 : vector<16xf32>
        %add3A_735 = arith.addi %add3A_163, %mul3A_147 : i32
        %get3A_736 = arith.index_cast %add3A_735 : i32 to index
        %get3A_737 = tpu.vector_load %arg4[%get3A_736] {strides = array<i32>} : memref<6144xf32, #tpu.memory_space<vmem>>, vector<16xf32>,
        %add3A_738 = arith.addi %add3A_133, %mul3A_147 : i32
        %get3A_739 = arith.index_cast %add3A_738 : i32 to index
        %get3A_740 = tpu.vector_load %arg4[%get3A_739] {strides = array<i32>} : memref<6144xf32, #tpu.memory_space<vmem>>, vector<16xf32>,
        %sub3A_741 = arith.subf %get3A_737, %get3A_740 : vector<16xf32>
        %mul3A_742 = arith.mulf %sub3A_741, %sub3A_741 : vector<16xf32>
        %add3A_743 = arith.addf %add3A_734, %mul3A_742 : vector<16xf32>
        %add3A_744 = arith.addi %add3A_163, %mul3A_149 : i32
        %get3A_745 = arith.index_cast %add3A_744 : i32 to index
        %get3A_746 = tpu.vector_load %arg4[%get3A_745] {strides = array<i32>} : memref<6144xf32, #tpu.memory_space<vmem>>, vector<16xf32>,
        %add3A_747 = arith.addi %add3A_133, %mul3A_149 : i32
        %get3A_748 = arith.index_cast %add3A_747 : i32 to index
        %get3A_749 = tpu.vector_load %arg4[%get3A_748] {strides = array<i32>} : memref<6144xf32, #tpu.memory_space<vmem>>, vector<16xf32>,
        %sub3A_750 = arith.subf %get3A_746, %get3A_749 : vector<16xf32>
        %mul3A_751 = arith.mulf %sub3A_750, %sub3A_750 : vector<16xf32>
        %add3A_752 = arith.addf %add3A_743, %mul3A_751 : vector<16xf32>
        %swap3A_753 = arith.constant 112 : index
        %swap3A_754 = tpu.vector_load %arg11[%swap3A_753] {strides = array<i32>} : memref<256xf32, #tpu.memory_space<vmem>>, vector<16xf32>,
        tpu.vector_store %arg11[%swap3A_753], %add3A_752 {strides = array<i32>} : memref<256xf32, #tpu.memory_space<vmem>>, vector<16xf32>,
        %add3A_755 = arith.addi %add3A_164, %mul3A_135 : i32
        %get3A_756 = arith.index_cast %add3A_755 : i32 to index
        %get3A_757 = tpu.vector_load %arg4[%get3A_756] {strides = array<i32>} : memref<6144xf32, #tpu.memory_space<vmem>>, vector<16xf32>,
        %add3A_758 = arith.addi %add3A_112, %mul3A_135 : i32
        %get3A_759 = arith.index_cast %add3A_758 : i32 to index
        %get3A_760 = tpu.vector_load %arg4[%get3A_759] {strides = array<i32>} : memref<6144xf32, #tpu.memory_space<vmem>>, vector<16xf32>,
        %sub3A_761 = arith.subf %get3A_757, %get3A_760 : vector<16xf32>
        %mul3A_762 = arith.mulf %sub3A_761, %sub3A_761 : vector<16xf32>
        %add3A_763 = arith.addf %broadcast_in_dim3A_0, %mul3A_762 : vector<16xf32>
        %add3A_764 = arith.addi %add3A_164, %mul3A_137 : i32
        %get3A_765 = arith.index_cast %add3A_764 : i32 to index
        %get3A_766 = tpu.vector_load %arg4[%get3A_765] {strides = array<i32>} : memref<6144xf32, #tpu.memory_space<vmem>>, vector<16xf32>,
        %add3A_767 = arith.addi %add3A_112, %mul3A_137 : i32
        %get3A_768 = arith.index_cast %add3A_767 : i32 to index
        %get3A_769 = tpu.vector_load %arg4[%get3A_768] {strides = array<i32>} : memref<6144xf32, #tpu.memory_space<vmem>>, vector<16xf32>,
        %sub3A_770 = arith.subf %get3A_766, %get3A_769 : vector<16xf32>
        %mul3A_771 = arith.mulf %sub3A_770, %sub3A_770 : vector<16xf32>
        %add3A_772 = arith.addf %add3A_763, %mul3A_771 : vector<16xf32>
        %add3A_773 = arith.addi %add3A_164, %mul3A_139 : i32
        %get3A_774 = arith.index_cast %add3A_773 : i32 to index
        %get3A_775 = tpu.vector_load %arg4[%get3A_774] {strides = array<i32>} : memref<6144xf32, #tpu.memory_space<vmem>>, vector<16xf32>,
        %add3A_776 = arith.addi %add3A_112, %mul3A_139 : i32
        %get3A_777 = arith.index_cast %add3A_776 : i32 to index
        %get3A_778 = tpu.vector_load %arg4[%get3A_777] {strides = array<i32>} : memref<6144xf32, #tpu.memory_space<vmem>>, vector<16xf32>,
        %sub3A_779 = arith.subf %get3A_775, %get3A_778 : vector<16xf32>
        %mul3A_780 = arith.mulf %sub3A_779, %sub3A_779 : vector<16xf32>
        %add3A_781 = arith.addf %add3A_772, %mul3A_780 : vector<16xf32>
        %add3A_782 = arith.addi %add3A_164, %mul3A_141 : i32
        %get3A_783 = arith.index_cast %add3A_782 : i32 to index
        %get3A_784 = tpu.vector_load %arg4[%get3A_783] {strides = array<i32>} : memref<6144xf32, #tpu.memory_space<vmem>>, vector<16xf32>,
        %add3A_785 = arith.addi %add3A_112, %mul3A_141 : i32
        %get3A_786 = arith.index_cast %add3A_785 : i32 to index
        %get3A_787 = tpu.vector_load %arg4[%get3A_786] {strides = array<i32>} : memref<6144xf32, #tpu.memory_space<vmem>>, vector<16xf32>,
        %sub3A_788 = arith.subf %get3A_784, %get3A_787 : vector<16xf32>
        %mul3A_789 = arith.mulf %sub3A_788, %sub3A_788 : vector<16xf32>
        %add3A_790 = arith.addf %add3A_781, %mul3A_789 : vector<16xf32>
        %add3A_791 = arith.addi %add3A_164, %mul3A_143 : i32
        %get3A_792 = arith.index_cast %add3A_791 : i32 to index
        %get3A_793 = tpu.vector_load %arg4[%get3A_792] {strides = array<i32>} : memref<6144xf32, #tpu.memory_space<vmem>>, vector<16xf32>,
        %add3A_794 = arith.addi %add3A_112, %mul3A_143 : i32
        %get3A_795 = arith.index_cast %add3A_794 : i32 to index
        %get3A_796 = tpu.vector_load %arg4[%get3A_795] {strides = array<i32>} : memref<6144xf32, #tpu.memory_space<vmem>>, vector<16xf32>,
        %sub3A_797 = arith.subf %get3A_793, %get3A_796 : vector<16xf32>
        %mul3A_798 = arith.mulf %sub3A_797, %sub3A_797 : vector<16xf32>
        %add3A_799 = arith.addf %add3A_790, %mul3A_798 : vector<16xf32>
        %add3A_800 = arith.addi %add3A_164, %mul3A_145 : i32
        %get3A_801 = arith.index_cast %add3A_800 : i32 to index
        %get3A_802 = tpu.vector_load %arg4[%get3A_801] {strides = array<i32>} : memref<6144xf32, #tpu.memory_space<vmem>>, vector<16xf32>,
        %add3A_803 = arith.addi %add3A_112, %mul3A_145 : i32
        %get3A_804 = arith.index_cast %add3A_803 : i32 to index
        %get3A_805 = tpu.vector_load %arg4[%get3A_804] {strides = array<i32>} : memref<6144xf32, #tpu.memory_space<vmem>>, vector<16xf32>,
        %sub3A_806 = arith.subf %get3A_802, %get3A_805 : vector<16xf32>
        %mul3A_807 = arith.mulf %sub3A_806, %sub3A_806 : vector<16xf32>
        %add3A_808 = arith.addf %add3A_799, %mul3A_807 : vector<16xf32>
        %add3A_809 = arith.addi %add3A_164, %mul3A_147 : i32
        %get3A_810 = arith.index_cast %add3A_809 : i32 to index
        %get3A_811 = tpu.vector_load %arg4[%get3A_810] {strides = array<i32>} : memref<6144xf32, #tpu.memory_space<vmem>>, vector<16xf32>,
        %add3A_812 = arith.addi %add3A_112, %mul3A_147 : i32
        %get3A_813 = arith.index_cast %add3A_812 : i32 to index
        %get3A_814 = tpu.vector_load %arg4[%get3A_813] {strides = array<i32>} : memref<6144xf32, #tpu.memory_space<vmem>>, vector<16xf32>,
        %sub3A_815 = arith.subf %get3A_811, %get3A_814 : vector<16xf32>
        %mul3A_816 = arith.mulf %sub3A_815, %sub3A_815 : vector<16xf32>
        %add3A_817 = arith.addf %add3A_808, %mul3A_816 : vector<16xf32>
        %add3A_818 = arith.addi %add3A_164, %mul3A_149 : i32
        %get3A_819 = arith.index_cast %add3A_818 : i32 to index
        %get3A_820 = tpu.vector_load %arg4[%get3A_819] {strides = array<i32>} : memref<6144xf32, #tpu.memory_space<vmem>>, vector<16xf32>,
        %add3A_821 = arith.addi %add3A_112, %mul3A_149 : i32
        %get3A_822 = arith.index_cast %add3A_821 : i32 to index
        %get3A_823 = tpu.vector_load %arg4[%get3A_822] {strides = array<i32>} : memref<6144xf32, #tpu.memory_space<vmem>>, vector<16xf32>,
        %sub3A_824 = arith.subf %get3A_820, %get3A_823 : vector<16xf32>
        %mul3A_825 = arith.mulf %sub3A_824, %sub3A_824 : vector<16xf32>
        %add3A_826 = arith.addf %add3A_817, %mul3A_825 : vector<16xf32>
        %swap3A_827 = arith.constant 128 : index
        %swap3A_828 = tpu.vector_load %arg11[%swap3A_827] {strides = array<i32>} : memref<256xf32, #tpu.memory_space<vmem>>, vector<16xf32>,
        tpu.vector_store %arg11[%swap3A_827], %add3A_826 {strides = array<i32>} : memref<256xf32, #tpu.memory_space<vmem>>, vector<16xf32>,
        %add3A_829 = arith.addi %add3A_164, %mul3A_135 : i32
        %get3A_830 = arith.index_cast %add3A_829 : i32 to index
        %get3A_831 = tpu.vector_load %arg4[%get3A_830] {strides = array<i32>} : memref<6144xf32, #tpu.memory_space<vmem>>, vector<16xf32>,
        %add3A_832 = arith.addi %add3A_115, %mul3A_135 : i32
        %get3A_833 = arith.index_cast %add3A_832 : i32 to index
        %get3A_834 = tpu.vector_load %arg4[%get3A_833] {strides = array<i32>} : memref<6144xf32, #tpu.memory_space<vmem>>, vector<16xf32>,
        %sub3A_835 = arith.subf %get3A_831, %get3A_834 : vector<16xf32>
        %mul3A_836 = arith.mulf %sub3A_835, %sub3A_835 : vector<16xf32>
        %add3A_837 = arith.addf %broadcast_in_dim3A_0, %mul3A_836 : vector<16xf32>
        %add3A_838 = arith.addi %add3A_164, %mul3A_137 : i32
        %get3A_839 = arith.index_cast %add3A_838 : i32 to index
        %get3A_840 = tpu.vector_load %arg4[%get3A_839] {strides = array<i32>} : memref<6144xf32, #tpu.memory_space<vmem>>, vector<16xf32>,
        %add3A_841 = arith.addi %add3A_115, %mul3A_137 : i32
        %get3A_842 = arith.index_cast %add3A_841 : i32 to index
        %get3A_843 = tpu.vector_load %arg4[%get3A_842] {strides = array<i32>} : memref<6144xf32, #tpu.memory_space<vmem>>, vector<16xf32>,
        %sub3A_844 = arith.subf %get3A_840, %get3A_843 : vector<16xf32>
        %mul3A_845 = arith.mulf %sub3A_844, %sub3A_844 : vector<16xf32>
        %add3A_846 = arith.addf %add3A_837, %mul3A_845 : vector<16xf32>
        %add3A_847 = arith.addi %add3A_164, %mul3A_139 : i32
        %get3A_848 = arith.index_cast %add3A_847 : i32 to index
        %get3A_849 = tpu.vector_load %arg4[%get3A_848] {strides = array<i32>} : memref<6144xf32, #tpu.memory_space<vmem>>, vector<16xf32>,
        %add3A_850 = arith.addi %add3A_115, %mul3A_139 : i32
        %get3A_851 = arith.index_cast %add3A_850 : i32 to index
        %get3A_852 = tpu.vector_load %arg4[%get3A_851] {strides = array<i32>} : memref<6144xf32, #tpu.memory_space<vmem>>, vector<16xf32>,
        %sub3A_853 = arith.subf %get3A_849, %get3A_852 : vector<16xf32>
        %mul3A_854 = arith.mulf %sub3A_853, %sub3A_853 : vector<16xf32>
        %add3A_855 = arith.addf %add3A_846, %mul3A_854 : vector<16xf32>
        %add3A_856 = arith.addi %add3A_164, %mul3A_141 : i32
        %get3A_857 = arith.index_cast %add3A_856 : i32 to index
        %get3A_858 = tpu.vector_load %arg4[%get3A_857] {strides = array<i32>} : memref<6144xf32, #tpu.memory_space<vmem>>, vector<16xf32>,
        %add3A_859 = arith.addi %add3A_115, %mul3A_141 : i32
        %get3A_860 = arith.index_cast %add3A_859 : i32 to index
        %get3A_861 = tpu.vector_load %arg4[%get3A_860] {strides = array<i32>} : memref<6144xf32, #tpu.memory_space<vmem>>, vector<16xf32>,
        %sub3A_862 = arith.subf %get3A_858, %get3A_861 : vector<16xf32>
        %mul3A_863 = arith.mulf %sub3A_862, %sub3A_862 : vector<16xf32>
        %add3A_864 = arith.addf %add3A_855, %mul3A_863 : vector<16xf32>
        %add3A_865 = arith.addi %add3A_164, %mul3A_143 : i32
        %get3A_866 = arith.index_cast %add3A_865 : i32 to index
        %get3A_867 = tpu.vector_load %arg4[%get3A_866] {strides = array<i32>} : memref<6144xf32, #tpu.memory_space<vmem>>, vector<16xf32>,
        %add3A_868 = arith.addi %add3A_115, %mul3A_143 : i32
        %get3A_869 = arith.index_cast %add3A_868 : i32 to index
        %get3A_870 = tpu.vector_load %arg4[%get3A_869] {strides = array<i32>} : memref<6144xf32, #tpu.memory_space<vmem>>, vector<16xf32>,
        %sub3A_871 = arith.subf %get3A_867, %get3A_870 : vector<16xf32>
        %mul3A_872 = arith.mulf %sub3A_871, %sub3A_871 : vector<16xf32>
        %add3A_873 = arith.addf %add3A_864, %mul3A_872 : vector<16xf32>
        %add3A_874 = arith.addi %add3A_164, %mul3A_145 : i32
        %get3A_875 = arith.index_cast %add3A_874 : i32 to index
        %get3A_876 = tpu.vector_load %arg4[%get3A_875] {strides = array<i32>} : memref<6144xf32, #tpu.memory_space<vmem>>, vector<16xf32>,
        %add3A_877 = arith.addi %add3A_115, %mul3A_145 : i32
        %get3A_878 = arith.index_cast %add3A_877 : i32 to index
        %get3A_879 = tpu.vector_load %arg4[%get3A_878] {strides = array<i32>} : memref<6144xf32, #tpu.memory_space<vmem>>, vector<16xf32>,
        %sub3A_880 = arith.subf %get3A_876, %get3A_879 : vector<16xf32>
        %mul3A_881 = arith.mulf %sub3A_880, %sub3A_880 : vector<16xf32>
        %add3A_882 = arith.addf %add3A_873, %mul3A_881 : vector<16xf32>
        %add3A_883 = arith.addi %add3A_164, %mul3A_147 : i32
        %get3A_884 = arith.index_cast %add3A_883 : i32 to index
        %get3A_885 = tpu.vector_load %arg4[%get3A_884] {strides = array<i32>} : memref<6144xf32, #tpu.memory_space<vmem>>, vector<16xf32>,
        %add3A_886 = arith.addi %add3A_115, %mul3A_147 : i32
        %get3A_887 = arith.index_cast %add3A_886 : i32 to index
        %get3A_888 = tpu.vector_load %arg4[%get3A_887] {strides = array<i32>} : memref<6144xf32, #tpu.memory_space<vmem>>, vector<16xf32>,
        %sub3A_889 = arith.subf %get3A_885, %get3A_888 : vector<16xf32>
        %mul3A_890 = arith.mulf %sub3A_889, %sub3A_889 : vector<16xf32>
        %add3A_891 = arith.addf %add3A_882, %mul3A_890 : vector<16xf32>
        %add3A_892 = arith.addi %add3A_164, %mul3A_149 : i32
        %get3A_893 = arith.index_cast %add3A_892 : i32 to index
        %get3A_894 = tpu.vector_load %arg4[%get3A_893] {strides = array<i32>} : memref<6144xf32, #tpu.memory_space<vmem>>, vector<16xf32>,
        %add3A_895 = arith.addi %add3A_115, %mul3A_149 : i32
        %get3A_896 = arith.index_cast %add3A_895 : i32 to index
        %get3A_897 = tpu.vector_load %arg4[%get3A_896] {strides = array<i32>} : memref<6144xf32, #tpu.memory_space<vmem>>, vector<16xf32>,
        %sub3A_898 = arith.subf %get3A_894, %get3A_897 : vector<16xf32>
        %mul3A_899 = arith.mulf %sub3A_898, %sub3A_898 : vector<16xf32>
        %add3A_900 = arith.addf %add3A_891, %mul3A_899 : vector<16xf32>
        %swap3A_901 = arith.constant 144 : index
        %swap3A_902 = tpu.vector_load %arg11[%swap3A_901] {strides = array<i32>} : memref<256xf32, #tpu.memory_space<vmem>>, vector<16xf32>,
        tpu.vector_store %arg11[%swap3A_901], %add3A_900 {strides = array<i32>} : memref<256xf32, #tpu.memory_space<vmem>>, vector<16xf32>,
        %add3A_903 = arith.addi %add3A_164, %mul3A_135 : i32
        %get3A_904 = arith.index_cast %add3A_903 : i32 to index
        %get3A_905 = tpu.vector_load %arg4[%get3A_904] {strides = array<i32>} : memref<6144xf32, #tpu.memory_space<vmem>>, vector<16xf32>,
        %add3A_906 = arith.addi %add3A_118, %mul3A_135 : i32
        %get3A_907 = arith.index_cast %add3A_906 : i32 to index
        %get3A_908 = tpu.vector_load %arg4[%get3A_907] {strides = array<i32>} : memref<6144xf32, #tpu.memory_space<vmem>>, vector<16xf32>,
        %sub3A_909 = arith.subf %get3A_905, %get3A_908 : vector<16xf32>
        %mul3A_910 = arith.mulf %sub3A_909, %sub3A_909 : vector<16xf32>
        %add3A_911 = arith.addf %broadcast_in_dim3A_0, %mul3A_910 : vector<16xf32>
        %add3A_912 = arith.addi %add3A_164, %mul3A_137 : i32
        %get3A_913 = arith.index_cast %add3A_912 : i32 to index
        %get3A_914 = tpu.vector_load %arg4[%get3A_913] {strides = array<i32>} : memref<6144xf32, #tpu.memory_space<vmem>>, vector<16xf32>,
        %add3A_915 = arith.addi %add3A_118, %mul3A_137 : i32
        %get3A_916 = arith.index_cast %add3A_915 : i32 to index
        %get3A_917 = tpu.vector_load %arg4[%get3A_916] {strides = array<i32>} : memref<6144xf32, #tpu.memory_space<vmem>>, vector<16xf32>,
        %sub3A_918 = arith.subf %get3A_914, %get3A_917 : vector<16xf32>
        %mul3A_919 = arith.mulf %sub3A_918, %sub3A_918 : vector<16xf32>
        %add3A_920 = arith.addf %add3A_911, %mul3A_919 : vector<16xf32>
        %add3A_921 = arith.addi %add3A_164, %mul3A_139 : i32
        %get3A_922 = arith.index_cast %add3A_921 : i32 to index
        %get3A_923 = tpu.vector_load %arg4[%get3A_922] {strides = array<i32>} : memref<6144xf32, #tpu.memory_space<vmem>>, vector<16xf32>,
        %add3A_924 = arith.addi %add3A_118, %mul3A_139 : i32
        %get3A_925 = arith.index_cast %add3A_924 : i32 to index
        %get3A_926 = tpu.vector_load %arg4[%get3A_925] {strides = array<i32>} : memref<6144xf32, #tpu.memory_space<vmem>>, vector<16xf32>,
        %sub3A_927 = arith.subf %get3A_923, %get3A_926 : vector<16xf32>
        %mul3A_928 = arith.mulf %sub3A_927, %sub3A_927 : vector<16xf32>
        %add3A_929 = arith.addf %add3A_920, %mul3A_928 : vector<16xf32>
        %add3A_930 = arith.addi %add3A_164, %mul3A_141 : i32
        %get3A_931 = arith.index_cast %add3A_930 : i32 to index
        %get3A_932 = tpu.vector_load %arg4[%get3A_931] {strides = array<i32>} : memref<6144xf32, #tpu.memory_space<vmem>>, vector<16xf32>,
        %add3A_933 = arith.addi %add3A_118, %mul3A_141 : i32
        %get3A_934 = arith.index_cast %add3A_933 : i32 to index
        %get3A_935 = tpu.vector_load %arg4[%get3A_934] {strides = array<i32>} : memref<6144xf32, #tpu.memory_space<vmem>>, vector<16xf32>,
        %sub3A_936 = arith.subf %get3A_932, %get3A_935 : vector<16xf32>
        %mul3A_937 = arith.mulf %sub3A_936, %sub3A_936 : vector<16xf32>
        %add3A_938 = arith.addf %add3A_929, %mul3A_937 : vector<16xf32>
        %add3A_939 = arith.addi %add3A_164, %mul3A_143 : i32
        %get3A_940 = arith.index_cast %add3A_939 : i32 to index
        %get3A_941 = tpu.vector_load %arg4[%get3A_940] {strides = array<i32>} : memref<6144xf32, #tpu.memory_space<vmem>>, vector<16xf32>,
        %add3A_942 = arith.addi %add3A_118, %mul3A_143 : i32
        %get3A_943 = arith.index_cast %add3A_942 : i32 to index
        %get3A_944 = tpu.vector_load %arg4[%get3A_943] {strides = array<i32>} : memref<6144xf32, #tpu.memory_space<vmem>>, vector<16xf32>,
        %sub3A_945 = arith.subf %get3A_941, %get3A_944 : vector<16xf32>
        %mul3A_946 = arith.mulf %sub3A_945, %sub3A_945 : vector<16xf32>
        %add3A_947 = arith.addf %add3A_938, %mul3A_946 : vector<16xf32>
        %add3A_948 = arith.addi %add3A_164, %mul3A_145 : i32
        %get3A_949 = arith.index_cast %add3A_948 : i32 to index
        %get3A_950 = tpu.vector_load %arg4[%get3A_949] {strides = array<i32>} : memref<6144xf32, #tpu.memory_space<vmem>>, vector<16xf32>,
        %add3A_951 = arith.addi %add3A_118, %mul3A_145 : i32
        %get3A_952 = arith.index_cast %add3A_951 : i32 to index
        %get3A_953 = tpu.vector_load %arg4[%get3A_952] {strides = array<i32>} : memref<6144xf32, #tpu.memory_space<vmem>>, vector<16xf32>,
        %sub3A_954 = arith.subf %get3A_950, %get3A_953 : vector<16xf32>
        %mul3A_955 = arith.mulf %sub3A_954, %sub3A_954 : vector<16xf32>
        %add3A_956 = arith.addf %add3A_947, %mul3A_955 : vector<16xf32>
        %add3A_957 = arith.addi %add3A_164, %mul3A_147 : i32
        %get3A_958 = arith.index_cast %add3A_957 : i32 to index
        %get3A_959 = tpu.vector_load %arg4[%get3A_958] {strides = array<i32>} : memref<6144xf32, #tpu.memory_space<vmem>>, vector<16xf32>,
        %add3A_960 = arith.addi %add3A_118, %mul3A_147 : i32
        %get3A_961 = arith.index_cast %add3A_960 : i32 to index
        %get3A_962 = tpu.vector_load %arg4[%get3A_961] {strides = array<i32>} : memref<6144xf32, #tpu.memory_space<vmem>>, vector<16xf32>,
        %sub3A_963 = arith.subf %get3A_959, %get3A_962 : vector<16xf32>
        %mul3A_964 = arith.mulf %sub3A_963, %sub3A_963 : vector<16xf32>
        %add3A_965 = arith.addf %add3A_956, %mul3A_964 : vector<16xf32>
        %add3A_966 = arith.addi %add3A_164, %mul3A_149 : i32
        %get3A_967 = arith.index_cast %add3A_966 : i32 to index
        %get3A_968 = tpu.vector_load %arg4[%get3A_967] {strides = array<i32>} : memref<6144xf32, #tpu.memory_space<vmem>>, vector<16xf32>,
        %add3A_969 = arith.addi %add3A_118, %mul3A_149 : i32
        %get3A_970 = arith.index_cast %add3A_969 : i32 to index
        %get3A_971 = tpu.vector_load %arg4[%get3A_970] {strides = array<i32>} : memref<6144xf32, #tpu.memory_space<vmem>>, vector<16xf32>,
        %sub3A_972 = arith.subf %get3A_968, %get3A_971 : vector<16xf32>
        %mul3A_973 = arith.mulf %sub3A_972, %sub3A_972 : vector<16xf32>
        %add3A_974 = arith.addf %add3A_965, %mul3A_973 : vector<16xf32>
        %swap3A_975 = arith.constant 160 : index
        %swap3A_976 = tpu.vector_load %arg11[%swap3A_975] {strides = array<i32>} : memref<256xf32, #tpu.memory_space<vmem>>, vector<16xf32>,
        tpu.vector_store %arg11[%swap3A_975], %add3A_974 {strides = array<i32>} : memref<256xf32, #tpu.memory_space<vmem>>, vector<16xf32>,
        %add3A_977 = arith.addi %add3A_164, %mul3A_135 : i32
        %get3A_978 = arith.index_cast %add3A_977 : i32 to index
        %get3A_979 = tpu.vector_load %arg4[%get3A_978] {strides = array<i32>} : memref<6144xf32, #tpu.memory_space<vmem>>, vector<16xf32>,
        %add3A_980 = arith.addi %add3A_121, %mul3A_135 : i32
        %get3A_981 = arith.index_cast %add3A_980 : i32 to index
        %get3A_982 = tpu.vector_load %arg4[%get3A_981] {strides = array<i32>} : memref<6144xf32, #tpu.memory_space<vmem>>, vector<16xf32>,
        %sub3A_983 = arith.subf %get3A_979, %get3A_982 : vector<16xf32>
        %mul3A_984 = arith.mulf %sub3A_983, %sub3A_983 : vector<16xf32>
        %add3A_985 = arith.addf %broadcast_in_dim3A_0, %mul3A_984 : vector<16xf32>
        %add3A_986 = arith.addi %add3A_164, %mul3A_137 : i32
        %get3A_987 = arith.index_cast %add3A_986 : i32 to index
        %get3A_988 = tpu.vector_load %arg4[%get3A_987] {strides = array<i32>} : memref<6144xf32, #tpu.memory_space<vmem>>, vector<16xf32>,
        %add3A_989 = arith.addi %add3A_121, %mul3A_137 : i32
        %get3A_990 = arith.index_cast %add3A_989 : i32 to index
        %get3A_991 = tpu.vector_load %arg4[%get3A_990] {strides = array<i32>} : memref<6144xf32, #tpu.memory_space<vmem>>, vector<16xf32>,
        %sub3A_992 = arith.subf %get3A_988, %get3A_991 : vector<16xf32>
        %mul3A_993 = arith.mulf %sub3A_992, %sub3A_992 : vector<16xf32>
        %add3A_994 = arith.addf %add3A_985, %mul3A_993 : vector<16xf32>
        %add3A_995 = arith.addi %add3A_164, %mul3A_139 : i32
        %get3A_996 = arith.index_cast %add3A_995 : i32 to index
        %get3A_997 = tpu.vector_load %arg4[%get3A_996] {strides = array<i32>} : memref<6144xf32, #tpu.memory_space<vmem>>, vector<16xf32>,
        %add3A_998 = arith.addi %add3A_121, %mul3A_139 : i32
        %get3A_999 = arith.index_cast %add3A_998 : i32 to index
        %get3A_1000 = tpu.vector_load %arg4[%get3A_999] {strides = array<i32>} : memref<6144xf32, #tpu.memory_space<vmem>>, vector<16xf32>,
        %sub3A_1001 = arith.subf %get3A_997, %get3A_1000 : vector<16xf32>
        %mul3A_1002 = arith.mulf %sub3A_1001, %sub3A_1001 : vector<16xf32>
        %add3A_1003 = arith.addf %add3A_994, %mul3A_1002 : vector<16xf32>
        %add3A_1004 = arith.addi %add3A_164, %mul3A_141 : i32
        %get3A_1005 = arith.index_cast %add3A_1004 : i32 to index
        %get3A_1006 = tpu.vector_load %arg4[%get3A_1005] {strides = array<i32>} : memref<6144xf32, #tpu.memory_space<vmem>>, vector<16xf32>,
        %add3A_1007 = arith.addi %add3A_121, %mul3A_141 : i32
        %get3A_1008 = arith.index_cast %add3A_1007 : i32 to index
        %get3A_1009 = tpu.vector_load %arg4[%get3A_1008] {strides = array<i32>} : memref<6144xf32, #tpu.memory_space<vmem>>, vector<16xf32>,
        %sub3A_1010 = arith.subf %get3A_1006, %get3A_1009 : vector<16xf32>
        %mul3A_1011 = arith.mulf %sub3A_1010, %sub3A_1010 : vector<16xf32>
        %add3A_1012 = arith.addf %add3A_1003, %mul3A_1011 : vector<16xf32>
        %add3A_1013 = arith.addi %add3A_164, %mul3A_143 : i32
        %get3A_1014 = arith.index_cast %add3A_1013 : i32 to index
        %get3A_1015 = tpu.vector_load %arg4[%get3A_1014] {strides = array<i32>} : memref<6144xf32, #tpu.memory_space<vmem>>, vector<16xf32>,
        %add3A_1016 = arith.addi %add3A_121, %mul3A_143 : i32
        %get3A_1017 = arith.index_cast %add3A_1016 : i32 to index
        %get3A_1018 = tpu.vector_load %arg4[%get3A_1017] {strides = array<i32>} : memref<6144xf32, #tpu.memory_space<vmem>>, vector<16xf32>,
        %sub3A_1019 = arith.subf %get3A_1015, %get3A_1018 : vector<16xf32>
        %mul3A_1020 = arith.mulf %sub3A_1019, %sub3A_1019 : vector<16xf32>
        %add3A_1021 = arith.addf %add3A_1012, %mul3A_1020 : vector<16xf32>
        %add3A_1022 = arith.addi %add3A_164, %mul3A_145 : i32
        %get3A_1023 = arith.index_cast %add3A_1022 : i32 to index
        %get3A_1024 = tpu.vector_load %arg4[%get3A_1023] {strides = array<i32>} : memref<6144xf32, #tpu.memory_space<vmem>>, vector<16xf32>,
        %add3A_1025 = arith.addi %add3A_121, %mul3A_145 : i32
        %get3A_1026 = arith.index_cast %add3A_1025 : i32 to index
        %get3A_1027 = tpu.vector_load %arg4[%get3A_1026] {strides = array<i32>} : memref<6144xf32, #tpu.memory_space<vmem>>, vector<16xf32>,
        %sub3A_1028 = arith.subf %get3A_1024, %get3A_1027 : vector<16xf32>
        %mul3A_1029 = arith.mulf %sub3A_1028, %sub3A_1028 : vector<16xf32>
        %add3A_1030 = arith.addf %add3A_1021, %mul3A_1029 : vector<16xf32>
        %add3A_1031 = arith.addi %add3A_164, %mul3A_147 : i32
        %get3A_1032 = arith.index_cast %add3A_1031 : i32 to index
        %get3A_1033 = tpu.vector_load %arg4[%get3A_1032] {strides = array<i32>} : memref<6144xf32, #tpu.memory_space<vmem>>, vector<16xf32>,
        %add3A_1034 = arith.addi %add3A_121, %mul3A_147 : i32
        %get3A_1035 = arith.index_cast %add3A_1034 : i32 to index
        %get3A_1036 = tpu.vector_load %arg4[%get3A_1035] {strides = array<i32>} : memref<6144xf32, #tpu.memory_space<vmem>>, vector<16xf32>,
        %sub3A_1037 = arith.subf %get3A_1033, %get3A_1036 : vector<16xf32>
        %mul3A_1038 = arith.mulf %sub3A_1037, %sub3A_1037 : vector<16xf32>
        %add3A_1039 = arith.addf %add3A_1030, %mul3A_1038 : vector<16xf32>
        %add3A_1040 = arith.addi %add3A_164, %mul3A_149 : i32
        %get3A_1041 = arith.index_cast %add3A_1040 : i32 to index
        %get3A_1042 = tpu.vector_load %arg4[%get3A_1041] {strides = array<i32>} : memref<6144xf32, #tpu.memory_space<vmem>>, vector<16xf32>,
        %add3A_1043 = arith.addi %add3A_121, %mul3A_149 : i32
        %get3A_1044 = arith.index_cast %add3A_1043 : i32 to index
        %get3A_1045 = tpu.vector_load %arg4[%get3A_1044] {strides = array<i32>} : memref<6144xf32, #tpu.memory_space<vmem>>, vector<16xf32>,
        %sub3A_1046 = arith.subf %get3A_1042, %get3A_1045 : vector<16xf32>
        %mul3A_1047 = arith.mulf %sub3A_1046, %sub3A_1046 : vector<16xf32>
        %add3A_1048 = arith.addf %add3A_1039, %mul3A_1047 : vector<16xf32>
        %swap3A_1049 = arith.constant 176 : index
        %swap3A_1050 = tpu.vector_load %arg11[%swap3A_1049] {strides = array<i32>} : memref<256xf32, #tpu.memory_space<vmem>>, vector<16xf32>,
        tpu.vector_store %arg11[%swap3A_1049], %add3A_1048 {strides = array<i32>} : memref<256xf32, #tpu.memory_space<vmem>>, vector<16xf32>,
        %add3A_1051 = arith.addi %add3A_164, %mul3A_135 : i32
        %get3A_1052 = arith.index_cast %add3A_1051 : i32 to index
        %get3A_1053 = tpu.vector_load %arg4[%get3A_1052] {strides = array<i32>} : memref<6144xf32, #tpu.memory_space<vmem>>, vector<16xf32>,
        %add3A_1054 = arith.addi %add3A_124, %mul3A_135 : i32
        %get3A_1055 = arith.index_cast %add3A_1054 : i32 to index
        %get3A_1056 = tpu.vector_load %arg4[%get3A_1055] {strides = array<i32>} : memref<6144xf32, #tpu.memory_space<vmem>>, vector<16xf32>,
        %sub3A_1057 = arith.subf %get3A_1053, %get3A_1056 : vector<16xf32>
        %mul3A_1058 = arith.mulf %sub3A_1057, %sub3A_1057 : vector<16xf32>
        %add3A_1059 = arith.addf %broadcast_in_dim3A_0, %mul3A_1058 : vector<16xf32>
        %add3A_1060 = arith.addi %add3A_164, %mul3A_137 : i32
        %get3A_1061 = arith.index_cast %add3A_1060 : i32 to index
        %get3A_1062 = tpu.vector_load %arg4[%get3A_1061] {strides = array<i32>} : memref<6144xf32, #tpu.memory_space<vmem>>, vector<16xf32>,
        %add3A_1063 = arith.addi %add3A_124, %mul3A_137 : i32
        %get3A_1064 = arith.index_cast %add3A_1063 : i32 to index
        %get3A_1065 = tpu.vector_load %arg4[%get3A_1064] {strides = array<i32>} : memref<6144xf32, #tpu.memory_space<vmem>>, vector<16xf32>,
        %sub3A_1066 = arith.subf %get3A_1062, %get3A_1065 : vector<16xf32>
        %mul3A_1067 = arith.mulf %sub3A_1066, %sub3A_1066 : vector<16xf32>
        %add3A_1068 = arith.addf %add3A_1059, %mul3A_1067 : vector<16xf32>
        %add3A_1069 = arith.addi %add3A_164, %mul3A_139 : i32
        %get3A_1070 = arith.index_cast %add3A_1069 : i32 to index
        %get3A_1071 = tpu.vector_load %arg4[%get3A_1070] {strides = array<i32>} : memref<6144xf32, #tpu.memory_space<vmem>>, vector<16xf32>,
        %add3A_1072 = arith.addi %add3A_124, %mul3A_139 : i32
        %get3A_1073 = arith.index_cast %add3A_1072 : i32 to index
        %get3A_1074 = tpu.vector_load %arg4[%get3A_1073] {strides = array<i32>} : memref<6144xf32, #tpu.memory_space<vmem>>, vector<16xf32>,
        %sub3A_1075 = arith.subf %get3A_1071, %get3A_1074 : vector<16xf32>
        %mul3A_1076 = arith.mulf %sub3A_1075, %sub3A_1075 : vector<16xf32>
        %add3A_1077 = arith.addf %add3A_1068, %mul3A_1076 : vector<16xf32>
        %add3A_1078 = arith.addi %add3A_164, %mul3A_141 : i32
        %get3A_1079 = arith.index_cast %add3A_1078 : i32 to index
        %get3A_1080 = tpu.vector_load %arg4[%get3A_1079] {strides = array<i32>} : memref<6144xf32, #tpu.memory_space<vmem>>, vector<16xf32>,
        %add3A_1081 = arith.addi %add3A_124, %mul3A_141 : i32
        %get3A_1082 = arith.index_cast %add3A_1081 : i32 to index
        %get3A_1083 = tpu.vector_load %arg4[%get3A_1082] {strides = array<i32>} : memref<6144xf32, #tpu.memory_space<vmem>>, vector<16xf32>,
        %sub3A_1084 = arith.subf %get3A_1080, %get3A_1083 : vector<16xf32>
        %mul3A_1085 = arith.mulf %sub3A_1084, %sub3A_1084 : vector<16xf32>
        %add3A_1086 = arith.addf %add3A_1077, %mul3A_1085 : vector<16xf32>
        %add3A_1087 = arith.addi %add3A_164, %mul3A_143 : i32
        %get3A_1088 = arith.index_cast %add3A_1087 : i32 to index
        %get3A_1089 = tpu.vector_load %arg4[%get3A_1088] {strides = array<i32>} : memref<6144xf32, #tpu.memory_space<vmem>>, vector<16xf32>,
        %add3A_1090 = arith.addi %add3A_124, %mul3A_143 : i32
        %get3A_1091 = arith.index_cast %add3A_1090 : i32 to index
        %get3A_1092 = tpu.vector_load %arg4[%get3A_1091] {strides = array<i32>} : memref<6144xf32, #tpu.memory_space<vmem>>, vector<16xf32>,
        %sub3A_1093 = arith.subf %get3A_1089, %get3A_1092 : vector<16xf32>
        %mul3A_1094 = arith.mulf %sub3A_1093, %sub3A_1093 : vector<16xf32>
        %add3A_1095 = arith.addf %add3A_1086, %mul3A_1094 : vector<16xf32>
        %add3A_1096 = arith.addi %add3A_164, %mul3A_145 : i32
        %get3A_1097 = arith.index_cast %add3A_1096 : i32 to index
        %get3A_1098 = tpu.vector_load %arg4[%get3A_1097] {strides = array<i32>} : memref<6144xf32, #tpu.memory_space<vmem>>, vector<16xf32>,
        %add3A_1099 = arith.addi %add3A_124, %mul3A_145 : i32
        %get3A_1100 = arith.index_cast %add3A_1099 : i32 to index
        %get3A_1101 = tpu.vector_load %arg4[%get3A_1100] {strides = array<i32>} : memref<6144xf32, #tpu.memory_space<vmem>>, vector<16xf32>,
        %sub3A_1102 = arith.subf %get3A_1098, %get3A_1101 : vector<16xf32>
        %mul3A_1103 = arith.mulf %sub3A_1102, %sub3A_1102 : vector<16xf32>
        %add3A_1104 = arith.addf %add3A_1095, %mul3A_1103 : vector<16xf32>
        %add3A_1105 = arith.addi %add3A_164, %mul3A_147 : i32
        %get3A_1106 = arith.index_cast %add3A_1105 : i32 to index
        %get3A_1107 = tpu.vector_load %arg4[%get3A_1106] {strides = array<i32>} : memref<6144xf32, #tpu.memory_space<vmem>>, vector<16xf32>,
        %add3A_1108 = arith.addi %add3A_124, %mul3A_147 : i32
        %get3A_1109 = arith.index_cast %add3A_1108 : i32 to index
        %get3A_1110 = tpu.vector_load %arg4[%get3A_1109] {strides = array<i32>} : memref<6144xf32, #tpu.memory_space<vmem>>, vector<16xf32>,
        %sub3A_1111 = arith.subf %get3A_1107, %get3A_1110 : vector<16xf32>
        %mul3A_1112 = arith.mulf %sub3A_1111, %sub3A_1111 : vector<16xf32>
        %add3A_1113 = arith.addf %add3A_1104, %mul3A_1112 : vector<16xf32>
        %add3A_1114 = arith.addi %add3A_164, %mul3A_149 : i32
        %get3A_1115 = arith.index_cast %add3A_1114 : i32 to index
        %get3A_1116 = tpu.vector_load %arg4[%get3A_1115] {strides = array<i32>} : memref<6144xf32, #tpu.memory_space<vmem>>, vector<16xf32>,
        %add3A_1117 = arith.addi %add3A_124, %mul3A_149 : i32
        %get3A_1118 = arith.index_cast %add3A_1117 : i32 to index
        %get3A_1119 = tpu.vector_load %arg4[%get3A_1118] {strides = array<i32>} : memref<6144xf32, #tpu.memory_space<vmem>>, vector<16xf32>,
        %sub3A_1120 = arith.subf %get3A_1116, %get3A_1119 : vector<16xf32>
        %mul3A_1121 = arith.mulf %sub3A_1120, %sub3A_1120 : vector<16xf32>
        %add3A_1122 = arith.addf %add3A_1113, %mul3A_1121 : vector<16xf32>
        %swap3A_1123 = arith.constant 192 : index
        %swap3A_1124 = tpu.vector_load %arg11[%swap3A_1123] {strides = array<i32>} : memref<256xf32, #tpu.memory_space<vmem>>, vector<16xf32>,
        tpu.vector_store %arg11[%swap3A_1123], %add3A_1122 {strides = array<i32>} : memref<256xf32, #tpu.memory_space<vmem>>, vector<16xf32>,
        %add3A_1125 = arith.addi %add3A_164, %mul3A_135 : i32
        %get3A_1126 = arith.index_cast %add3A_1125 : i32 to index
        %get3A_1127 = tpu.vector_load %arg4[%get3A_1126] {strides = array<i32>} : memref<6144xf32, #tpu.memory_space<vmem>>, vector<16xf32>,
        %add3A_1128 = arith.addi %add3A_127, %mul3A_135 : i32
        %get3A_1129 = arith.index_cast %add3A_1128 : i32 to index
        %get3A_1130 = tpu.vector_load %arg4[%get3A_1129] {strides = array<i32>} : memref<6144xf32, #tpu.memory_space<vmem>>, vector<16xf32>,
        %sub3A_1131 = arith.subf %get3A_1127, %get3A_1130 : vector<16xf32>
        %mul3A_1132 = arith.mulf %sub3A_1131, %sub3A_1131 : vector<16xf32>
        %add3A_1133 = arith.addf %broadcast_in_dim3A_0, %mul3A_1132 : vector<16xf32>
        %add3A_1134 = arith.addi %add3A_164, %mul3A_137 : i32
        %get3A_1135 = arith.index_cast %add3A_1134 : i32 to index
        %get3A_1136 = tpu.vector_load %arg4[%get3A_1135] {strides = array<i32>} : memref<6144xf32, #tpu.memory_space<vmem>>, vector<16xf32>,
        %add3A_1137 = arith.addi %add3A_127, %mul3A_137 : i32
        %get3A_1138 = arith.index_cast %add3A_1137 : i32 to index
        %get3A_1139 = tpu.vector_load %arg4[%get3A_1138] {strides = array<i32>} : memref<6144xf32, #tpu.memory_space<vmem>>, vector<16xf32>,
        %sub3A_1140 = arith.subf %get3A_1136, %get3A_1139 : vector<16xf32>
        %mul3A_1141 = arith.mulf %sub3A_1140, %sub3A_1140 : vector<16xf32>
        %add3A_1142 = arith.addf %add3A_1133, %mul3A_1141 : vector<16xf32>
        %add3A_1143 = arith.addi %add3A_164, %mul3A_139 : i32
        %get3A_1144 = arith.index_cast %add3A_1143 : i32 to index
        %get3A_1145 = tpu.vector_load %arg4[%get3A_1144] {strides = array<i32>} : memref<6144xf32, #tpu.memory_space<vmem>>, vector<16xf32>,
        %add3A_1146 = arith.addi %add3A_127, %mul3A_139 : i32
        %get3A_1147 = arith.index_cast %add3A_1146 : i32 to index
        %get3A_1148 = tpu.vector_load %arg4[%get3A_1147] {strides = array<i32>} : memref<6144xf32, #tpu.memory_space<vmem>>, vector<16xf32>,
        %sub3A_1149 = arith.subf %get3A_1145, %get3A_1148 : vector<16xf32>
        %mul3A_1150 = arith.mulf %sub3A_1149, %sub3A_1149 : vector<16xf32>
        %add3A_1151 = arith.addf %add3A_1142, %mul3A_1150 : vector<16xf32>
        %add3A_1152 = arith.addi %add3A_164, %mul3A_141 : i32
        %get3A_1153 = arith.index_cast %add3A_1152 : i32 to index
        %get3A_1154 = tpu.vector_load %arg4[%get3A_1153] {strides = array<i32>} : memref<6144xf32, #tpu.memory_space<vmem>>, vector<16xf32>,
        %add3A_1155 = arith.addi %add3A_127, %mul3A_141 : i32
        %get3A_1156 = arith.index_cast %add3A_1155 : i32 to index
        %get3A_1157 = tpu.vector_load %arg4[%get3A_1156] {strides = array<i32>} : memref<6144xf32, #tpu.memory_space<vmem>>, vector<16xf32>,
        %sub3A_1158 = arith.subf %get3A_1154, %get3A_1157 : vector<16xf32>
        %mul3A_1159 = arith.mulf %sub3A_1158, %sub3A_1158 : vector<16xf32>
        %add3A_1160 = arith.addf %add3A_1151, %mul3A_1159 : vector<16xf32>
        %add3A_1161 = arith.addi %add3A_164, %mul3A_143 : i32
        %get3A_1162 = arith.index_cast %add3A_1161 : i32 to index
        %get3A_1163 = tpu.vector_load %arg4[%get3A_1162] {strides = array<i32>} : memref<6144xf32, #tpu.memory_space<vmem>>, vector<16xf32>,
        %add3A_1164 = arith.addi %add3A_127, %mul3A_143 : i32
        %get3A_1165 = arith.index_cast %add3A_1164 : i32 to index
        %get3A_1166 = tpu.vector_load %arg4[%get3A_1165] {strides = array<i32>} : memref<6144xf32, #tpu.memory_space<vmem>>, vector<16xf32>,
        %sub3A_1167 = arith.subf %get3A_1163, %get3A_1166 : vector<16xf32>
        %mul3A_1168 = arith.mulf %sub3A_1167, %sub3A_1167 : vector<16xf32>
        %add3A_1169 = arith.addf %add3A_1160, %mul3A_1168 : vector<16xf32>
        %add3A_1170 = arith.addi %add3A_164, %mul3A_145 : i32
        %get3A_1171 = arith.index_cast %add3A_1170 : i32 to index
        %get3A_1172 = tpu.vector_load %arg4[%get3A_1171] {strides = array<i32>} : memref<6144xf32, #tpu.memory_space<vmem>>, vector<16xf32>,
        %add3A_1173 = arith.addi %add3A_127, %mul3A_145 : i32
        %get3A_1174 = arith.index_cast %add3A_1173 : i32 to index
        %get3A_1175 = tpu.vector_load %arg4[%get3A_1174] {strides = array<i32>} : memref<6144xf32, #tpu.memory_space<vmem>>, vector<16xf32>,
        %sub3A_1176 = arith.subf %get3A_1172, %get3A_1175 : vector<16xf32>
        %mul3A_1177 = arith.mulf %sub3A_1176, %sub3A_1176 : vector<16xf32>
        %add3A_1178 = arith.addf %add3A_1169, %mul3A_1177 : vector<16xf32>
        %add3A_1179 = arith.addi %add3A_164, %mul3A_147 : i32
        %get3A_1180 = arith.index_cast %add3A_1179 : i32 to index
        %get3A_1181 = tpu.vector_load %arg4[%get3A_1180] {strides = array<i32>} : memref<6144xf32, #tpu.memory_space<vmem>>, vector<16xf32>,
        %add3A_1182 = arith.addi %add3A_127, %mul3A_147 : i32
        %get3A_1183 = arith.index_cast %add3A_1182 : i32 to index
        %get3A_1184 = tpu.vector_load %arg4[%get3A_1183] {strides = array<i32>} : memref<6144xf32, #tpu.memory_space<vmem>>, vector<16xf32>,
        %sub3A_1185 = arith.subf %get3A_1181, %get3A_1184 : vector<16xf32>
        %mul3A_1186 = arith.mulf %sub3A_1185, %sub3A_1185 : vector<16xf32>
        %add3A_1187 = arith.addf %add3A_1178, %mul3A_1186 : vector<16xf32>
        %add3A_1188 = arith.addi %add3A_164, %mul3A_149 : i32
        %get3A_1189 = arith.index_cast %add3A_1188 : i32 to index
        %get3A_1190 = tpu.vector_load %arg4[%get3A_1189] {strides = array<i32>} : memref<6144xf32, #tpu.memory_space<vmem>>, vector<16xf32>,
        %add3A_1191 = arith.addi %add3A_127, %mul3A_149 : i32
        %get3A_1192 = arith.index_cast %add3A_1191 : i32 to index
        %get3A_1193 = tpu.vector_load %arg4[%get3A_1192] {strides = array<i32>} : memref<6144xf32, #tpu.memory_space<vmem>>, vector<16xf32>,
        %sub3A_1194 = arith.subf %get3A_1190, %get3A_1193 : vector<16xf32>
        %mul3A_1195 = arith.mulf %sub3A_1194, %sub3A_1194 : vector<16xf32>
        %add3A_1196 = arith.addf %add3A_1187, %mul3A_1195 : vector<16xf32>
        %swap3A_1197 = arith.constant 208 : index
        %swap3A_1198 = tpu.vector_load %arg11[%swap3A_1197] {strides = array<i32>} : memref<256xf32, #tpu.memory_space<vmem>>, vector<16xf32>,
        tpu.vector_store %arg11[%swap3A_1197], %add3A_1196 {strides = array<i32>} : memref<256xf32, #tpu.memory_space<vmem>>, vector<16xf32>,
        %add3A_1199 = arith.addi %add3A_164, %mul3A_135 : i32
        %get3A_1200 = arith.index_cast %add3A_1199 : i32 to index
        %get3A_1201 = tpu.vector_load %arg4[%get3A_1200] {strides = array<i32>} : memref<6144xf32, #tpu.memory_space<vmem>>, vector<16xf32>,
        %add3A_1202 = arith.addi %add3A_130, %mul3A_135 : i32
        %get3A_1203 = arith.index_cast %add3A_1202 : i32 to index
        %get3A_1204 = tpu.vector_load %arg4[%get3A_1203] {strides = array<i32>} : memref<6144xf32, #tpu.memory_space<vmem>>, vector<16xf32>,
        %sub3A_1205 = arith.subf %get3A_1201, %get3A_1204 : vector<16xf32>
        %mul3A_1206 = arith.mulf %sub3A_1205, %sub3A_1205 : vector<16xf32>
        %add3A_1207 = arith.addf %broadcast_in_dim3A_0, %mul3A_1206 : vector<16xf32>
        %add3A_1208 = arith.addi %add3A_164, %mul3A_137 : i32
        %get3A_1209 = arith.index_cast %add3A_1208 : i32 to index
        %get3A_1210 = tpu.vector_load %arg4[%get3A_1209] {strides = array<i32>} : memref<6144xf32, #tpu.memory_space<vmem>>, vector<16xf32>,
        %add3A_1211 = arith.addi %add3A_130, %mul3A_137 : i32
        %get3A_1212 = arith.index_cast %add3A_1211 : i32 to index
        %get3A_1213 = tpu.vector_load %arg4[%get3A_1212] {strides = array<i32>} : memref<6144xf32, #tpu.memory_space<vmem>>, vector<16xf32>,
        %sub3A_1214 = arith.subf %get3A_1210, %get3A_1213 : vector<16xf32>
        %mul3A_1215 = arith.mulf %sub3A_1214, %sub3A_1214 : vector<16xf32>
        %add3A_1216 = arith.addf %add3A_1207, %mul3A_1215 : vector<16xf32>
        %add3A_1217 = arith.addi %add3A_164, %mul3A_139 : i32
        %get3A_1218 = arith.index_cast %add3A_1217 : i32 to index
        %get3A_1219 = tpu.vector_load %arg4[%get3A_1218] {strides = array<i32>} : memref<6144xf32, #tpu.memory_space<vmem>>, vector<16xf32>,
        %add3A_1220 = arith.addi %add3A_130, %mul3A_139 : i32
        %get3A_1221 = arith.index_cast %add3A_1220 : i32 to index
        %get3A_1222 = tpu.vector_load %arg4[%get3A_1221] {strides = array<i32>} : memref<6144xf32, #tpu.memory_space<vmem>>, vector<16xf32>,
        %sub3A_1223 = arith.subf %get3A_1219, %get3A_1222 : vector<16xf32>
        %mul3A_1224 = arith.mulf %sub3A_1223, %sub3A_1223 : vector<16xf32>
        %add3A_1225 = arith.addf %add3A_1216, %mul3A_1224 : vector<16xf32>
        %add3A_1226 = arith.addi %add3A_164, %mul3A_141 : i32
        %get3A_1227 = arith.index_cast %add3A_1226 : i32 to index
        %get3A_1228 = tpu.vector_load %arg4[%get3A_1227] {strides = array<i32>} : memref<6144xf32, #tpu.memory_space<vmem>>, vector<16xf32>,
        %add3A_1229 = arith.addi %add3A_130, %mul3A_141 : i32
        %get3A_1230 = arith.index_cast %add3A_1229 : i32 to index
        %get3A_1231 = tpu.vector_load %arg4[%get3A_1230] {strides = array<i32>} : memref<6144xf32, #tpu.memory_space<vmem>>, vector<16xf32>,
        %sub3A_1232 = arith.subf %get3A_1228, %get3A_1231 : vector<16xf32>
        %mul3A_1233 = arith.mulf %sub3A_1232, %sub3A_1232 : vector<16xf32>
        %add3A_1234 = arith.addf %add3A_1225, %mul3A_1233 : vector<16xf32>
        %add3A_1235 = arith.addi %add3A_164, %mul3A_143 : i32
        %get3A_1236 = arith.index_cast %add3A_1235 : i32 to index
        %get3A_1237 = tpu.vector_load %arg4[%get3A_1236] {strides = array<i32>} : memref<6144xf32, #tpu.memory_space<vmem>>, vector<16xf32>,
        %add3A_1238 = arith.addi %add3A_130, %mul3A_143 : i32
        %get3A_1239 = arith.index_cast %add3A_1238 : i32 to index
        %get3A_1240 = tpu.vector_load %arg4[%get3A_1239] {strides = array<i32>} : memref<6144xf32, #tpu.memory_space<vmem>>, vector<16xf32>,
        %sub3A_1241 = arith.subf %get3A_1237, %get3A_1240 : vector<16xf32>
        %mul3A_1242 = arith.mulf %sub3A_1241, %sub3A_1241 : vector<16xf32>
        %add3A_1243 = arith.addf %add3A_1234, %mul3A_1242 : vector<16xf32>
        %add3A_1244 = arith.addi %add3A_164, %mul3A_145 : i32
        %get3A_1245 = arith.index_cast %add3A_1244 : i32 to index
        %get3A_1246 = tpu.vector_load %arg4[%get3A_1245] {strides = array<i32>} : memref<6144xf32, #tpu.memory_space<vmem>>, vector<16xf32>,
        %add3A_1247 = arith.addi %add3A_130, %mul3A_145 : i32
        %get3A_1248 = arith.index_cast %add3A_1247 : i32 to index
        %get3A_1249 = tpu.vector_load %arg4[%get3A_1248] {strides = array<i32>} : memref<6144xf32, #tpu.memory_space<vmem>>, vector<16xf32>,
        %sub3A_1250 = arith.subf %get3A_1246, %get3A_1249 : vector<16xf32>
        %mul3A_1251 = arith.mulf %sub3A_1250, %sub3A_1250 : vector<16xf32>
        %add3A_1252 = arith.addf %add3A_1243, %mul3A_1251 : vector<16xf32>
        %add3A_1253 = arith.addi %add3A_164, %mul3A_147 : i32
        %get3A_1254 = arith.index_cast %add3A_1253 : i32 to index
        %get3A_1255 = tpu.vector_load %arg4[%get3A_1254] {strides = array<i32>} : memref<6144xf32, #tpu.memory_space<vmem>>, vector<16xf32>,
        %add3A_1256 = arith.addi %add3A_130, %mul3A_147 : i32
        %get3A_1257 = arith.index_cast %add3A_1256 : i32 to index
        %get3A_1258 = tpu.vector_load %arg4[%get3A_1257] {strides = array<i32>} : memref<6144xf32, #tpu.memory_space<vmem>>, vector<16xf32>,
        %sub3A_1259 = arith.subf %get3A_1255, %get3A_1258 : vector<16xf32>
        %mul3A_1260 = arith.mulf %sub3A_1259, %sub3A_1259 : vector<16xf32>
        %add3A_1261 = arith.addf %add3A_1252, %mul3A_1260 : vector<16xf32>
        %add3A_1262 = arith.addi %add3A_164, %mul3A_149 : i32
        %get3A_1263 = arith.index_cast %add3A_1262 : i32 to index
        %get3A_1264 = tpu.vector_load %arg4[%get3A_1263] {strides = array<i32>} : memref<6144xf32, #tpu.memory_space<vmem>>, vector<16xf32>,
        %add3A_1265 = arith.addi %add3A_130, %mul3A_149 : i32
        %get3A_1266 = arith.index_cast %add3A_1265 : i32 to index
        %get3A_1267 = tpu.vector_load %arg4[%get3A_1266] {strides = array<i32>} : memref<6144xf32, #tpu.memory_space<vmem>>, vector<16xf32>,
        %sub3A_1268 = arith.subf %get3A_1264, %get3A_1267 : vector<16xf32>
        %mul3A_1269 = arith.mulf %sub3A_1268, %sub3A_1268 : vector<16xf32>
        %add3A_1270 = arith.addf %add3A_1261, %mul3A_1269 : vector<16xf32>
        %swap3A_1271 = arith.constant 224 : index
        %swap3A_1272 = tpu.vector_load %arg11[%swap3A_1271] {strides = array<i32>} : memref<256xf32, #tpu.memory_space<vmem>>, vector<16xf32>,
        tpu.vector_store %arg11[%swap3A_1271], %add3A_1270 {strides = array<i32>} : memref<256xf32, #tpu.memory_space<vmem>>, vector<16xf32>,
        %add3A_1273 = arith.addi %add3A_164, %mul3A_135 : i32
        %get3A_1274 = arith.index_cast %add3A_1273 : i32 to index
        %get3A_1275 = tpu.vector_load %arg4[%get3A_1274] {strides = array<i32>} : memref<6144xf32, #tpu.memory_space<vmem>>, vector<16xf32>,
        %add3A_1276 = arith.addi %add3A_133, %mul3A_135 : i32
        %get3A_1277 = arith.index_cast %add3A_1276 : i32 to index
        %get3A_1278 = tpu.vector_load %arg4[%get3A_1277] {strides = array<i32>} : memref<6144xf32, #tpu.memory_space<vmem>>, vector<16xf32>,
        %sub3A_1279 = arith.subf %get3A_1275, %get3A_1278 : vector<16xf32>
        %mul3A_1280 = arith.mulf %sub3A_1279, %sub3A_1279 : vector<16xf32>
        %add3A_1281 = arith.addf %broadcast_in_dim3A_0, %mul3A_1280 : vector<16xf32>
        %add3A_1282 = arith.addi %add3A_164, %mul3A_137 : i32
        %get3A_1283 = arith.index_cast %add3A_1282 : i32 to index
        %get3A_1284 = tpu.vector_load %arg4[%get3A_1283] {strides = array<i32>} : memref<6144xf32, #tpu.memory_space<vmem>>, vector<16xf32>,
        %add3A_1285 = arith.addi %add3A_133, %mul3A_137 : i32
        %get3A_1286 = arith.index_cast %add3A_1285 : i32 to index
        %get3A_1287 = tpu.vector_load %arg4[%get3A_1286] {strides = array<i32>} : memref<6144xf32, #tpu.memory_space<vmem>>, vector<16xf32>,
        %sub3A_1288 = arith.subf %get3A_1284, %get3A_1287 : vector<16xf32>
        %mul3A_1289 = arith.mulf %sub3A_1288, %sub3A_1288 : vector<16xf32>
        %add3A_1290 = arith.addf %add3A_1281, %mul3A_1289 : vector<16xf32>
        %add3A_1291 = arith.addi %add3A_164, %mul3A_139 : i32
        %get3A_1292 = arith.index_cast %add3A_1291 : i32 to index
        %get3A_1293 = tpu.vector_load %arg4[%get3A_1292] {strides = array<i32>} : memref<6144xf32, #tpu.memory_space<vmem>>, vector<16xf32>,
        %add3A_1294 = arith.addi %add3A_133, %mul3A_139 : i32
        %get3A_1295 = arith.index_cast %add3A_1294 : i32 to index
        %get3A_1296 = tpu.vector_load %arg4[%get3A_1295] {strides = array<i32>} : memref<6144xf32, #tpu.memory_space<vmem>>, vector<16xf32>,
        %sub3A_1297 = arith.subf %get3A_1293, %get3A_1296 : vector<16xf32>
        %mul3A_1298 = arith.mulf %sub3A_1297, %sub3A_1297 : vector<16xf32>
        %add3A_1299 = arith.addf %add3A_1290, %mul3A_1298 : vector<16xf32>
        %add3A_1300 = arith.addi %add3A_164, %mul3A_141 : i32
        %get3A_1301 = arith.index_cast %add3A_1300 : i32 to index
        %get3A_1302 = tpu.vector_load %arg4[%get3A_1301] {strides = array<i32>} : memref<6144xf32, #tpu.memory_space<vmem>>, vector<16xf32>,
        %add3A_1303 = arith.addi %add3A_133, %mul3A_141 : i32
        %get3A_1304 = arith.index_cast %add3A_1303 : i32 to index
        %get3A_1305 = tpu.vector_load %arg4[%get3A_1304] {strides = array<i32>} : memref<6144xf32, #tpu.memory_space<vmem>>, vector<16xf32>,
        %sub3A_1306 = arith.subf %get3A_1302, %get3A_1305 : vector<16xf32>
        %mul3A_1307 = arith.mulf %sub3A_1306, %sub3A_1306 : vector<16xf32>
        %add3A_1308 = arith.addf %add3A_1299, %mul3A_1307 : vector<16xf32>
        %add3A_1309 = arith.addi %add3A_164, %mul3A_143 : i32
        %get3A_1310 = arith.index_cast %add3A_1309 : i32 to index
        %get3A_1311 = tpu.vector_load %arg4[%get3A_1310] {strides = array<i32>} : memref<6144xf32, #tpu.memory_space<vmem>>, vector<16xf32>,
        %add3A_1312 = arith.addi %add3A_133, %mul3A_143 : i32
        %get3A_1313 = arith.index_cast %add3A_1312 : i32 to index
        %get3A_1314 = tpu.vector_load %arg4[%get3A_1313] {strides = array<i32>} : memref<6144xf32, #tpu.memory_space<vmem>>, vector<16xf32>,
        %sub3A_1315 = arith.subf %get3A_1311, %get3A_1314 : vector<16xf32>
        %mul3A_1316 = arith.mulf %sub3A_1315, %sub3A_1315 : vector<16xf32>
        %add3A_1317 = arith.addf %add3A_1308, %mul3A_1316 : vector<16xf32>
        %add3A_1318 = arith.addi %add3A_164, %mul3A_145 : i32
        %get3A_1319 = arith.index_cast %add3A_1318 : i32 to index
        %get3A_1320 = tpu.vector_load %arg4[%get3A_1319] {strides = array<i32>} : memref<6144xf32, #tpu.memory_space<vmem>>, vector<16xf32>,
        %add3A_1321 = arith.addi %add3A_133, %mul3A_145 : i32
        %get3A_1322 = arith.index_cast %add3A_1321 : i32 to index
        %get3A_1323 = tpu.vector_load %arg4[%get3A_1322] {strides = array<i32>} : memref<6144xf32, #tpu.memory_space<vmem>>, vector<16xf32>,
        %sub3A_1324 = arith.subf %get3A_1320, %get3A_1323 : vector<16xf32>
        %mul3A_1325 = arith.mulf %sub3A_1324, %sub3A_1324 : vector<16xf32>
        %add3A_1326 = arith.addf %add3A_1317, %mul3A_1325 : vector<16xf32>
        %add3A_1327 = arith.addi %add3A_164, %mul3A_147 : i32
        %get3A_1328 = arith.index_cast %add3A_1327 : i32 to index
        %get3A_1329 = tpu.vector_load %arg4[%get3A_1328] {strides = array<i32>} : memref<6144xf32, #tpu.memory_space<vmem>>, vector<16xf32>,
        %add3A_1330 = arith.addi %add3A_133, %mul3A_147 : i32
        %get3A_1331 = arith.index_cast %add3A_1330 : i32 to index
        %get3A_1332 = tpu.vector_load %arg4[%get3A_1331] {strides = array<i32>} : memref<6144xf32, #tpu.memory_space<vmem>>, vector<16xf32>,
        %sub3A_1333 = arith.subf %get3A_1329, %get3A_1332 : vector<16xf32>
        %mul3A_1334 = arith.mulf %sub3A_1333, %sub3A_1333 : vector<16xf32>
        %add3A_1335 = arith.addf %add3A_1326, %mul3A_1334 : vector<16xf32>
        %add3A_1336 = arith.addi %add3A_164, %mul3A_149 : i32
        %get3A_1337 = arith.index_cast %add3A_1336 : i32 to index
        %get3A_1338 = tpu.vector_load %arg4[%get3A_1337] {strides = array<i32>} : memref<6144xf32, #tpu.memory_space<vmem>>, vector<16xf32>,
        %add3A_1339 = arith.addi %add3A_133, %mul3A_149 : i32
        %get3A_1340 = arith.index_cast %add3A_1339 : i32 to index
        %get3A_1341 = tpu.vector_load %arg4[%get3A_1340] {strides = array<i32>} : memref<6144xf32, #tpu.memory_space<vmem>>, vector<16xf32>,
        %sub3A_1342 = arith.subf %get3A_1338, %get3A_1341 : vector<16xf32>
        %mul3A_1343 = arith.mulf %sub3A_1342, %sub3A_1342 : vector<16xf32>
        %add3A_1344 = arith.addf %add3A_1335, %mul3A_1343 : vector<16xf32>
        %swap3A_1345 = arith.constant 240 : index
        %swap3A_1346 = tpu.vector_load %arg11[%swap3A_1345] {strides = array<i32>} : memref<256xf32, #tpu.memory_space<vmem>>, vector<16xf32>,
        tpu.vector_store %arg11[%swap3A_1345], %add3A_1344 {strides = array<i32>} : memref<256xf32, #tpu.memory_space<vmem>>, vector<16xf32>,
        %mul3A_1347 = arith.constant 16 : i32
        %mul3A_1348 = vector.broadcast %mul3A_1347 : i32 to vector<16xi32>
        %mul3A_1349 = arith.muli %iota3A, %mul3A_1348 : vector<16xi32>
        %add3A_1350 = arith.constant 0 : i32
        %add3A_1351 = vector.broadcast %add3A_1350 : i32 to vector<16xi32>
        %add3A_1352 = arith.addi %mul3A_1349, %add3A_1351 : vector<16xi32>
        %gather3A = tpu.vector_load_idx %arg11[%add3A_1352] : memref<256xf32, #tpu.memory_space<vmem>>[vector<16xi32>], vector<16xf32>,
        %add3A_1353 = arith.addf %broadcast_in_dim3A_0, %gather3A : vector<16xf32>
        %mul3A_1354 = arith.constant 16 : i32
        %mul3A_1355 = vector.broadcast %mul3A_1354 : i32 to vector<16xi32>
        %mul3A_1356 = arith.muli %iota3A, %mul3A_1355 : vector<16xi32>
        %add3A_1357 = arith.constant 1 : i32
        %add3A_1358 = vector.broadcast %add3A_1357 : i32 to vector<16xi32>
        %add3A_1359 = arith.addi %mul3A_1356, %add3A_1358 : vector<16xi32>
        %gather3A_1360 = tpu.vector_load_idx %arg11[%add3A_1359] : memref<256xf32, #tpu.memory_space<vmem>>[vector<16xi32>], vector<16xf32>,
        %add3A_1361 = arith.addf %add3A_1353, %gather3A_1360 : vector<16xf32>
        %mul3A_1362 = arith.constant 16 : i32
        %mul3A_1363 = vector.broadcast %mul3A_1362 : i32 to vector<16xi32>
        %mul3A_1364 = arith.muli %iota3A, %mul3A_1363 : vector<16xi32>
        %add3A_1365 = arith.constant 2 : i32
        %add3A_1366 = vector.broadcast %add3A_1365 : i32 to vector<16xi32>
        %add3A_1367 = arith.addi %mul3A_1364, %add3A_1366 : vector<16xi32>
        %gather3A_1368 = tpu.vector_load_idx %arg11[%add3A_1367] : memref<256xf32, #tpu.memory_space<vmem>>[vector<16xi32>], vector<16xf32>,
        %add3A_1369 = arith.addf %add3A_1361, %gather3A_1368 : vector<16xf32>
        %mul3A_1370 = arith.constant 16 : i32
        %mul3A_1371 = vector.broadcast %mul3A_1370 : i32 to vector<16xi32>
        %mul3A_1372 = arith.muli %iota3A, %mul3A_1371 : vector<16xi32>
        %add3A_1373 = arith.constant 3 : i32
        %add3A_1374 = vector.broadcast %add3A_1373 : i32 to vector<16xi32>
        %add3A_1375 = arith.addi %mul3A_1372, %add3A_1374 : vector<16xi32>
        %gather3A_1376 = tpu.vector_load_idx %arg11[%add3A_1375] : memref<256xf32, #tpu.memory_space<vmem>>[vector<16xi32>], vector<16xf32>,
        %add3A_1377 = arith.addf %add3A_1369, %gather3A_1376 : vector<16xf32>
        %mul3A_1378 = arith.constant 16 : i32
        %mul3A_1379 = vector.broadcast %mul3A_1378 : i32 to vector<16xi32>
        %mul3A_1380 = arith.muli %iota3A, %mul3A_1379 : vector<16xi32>
        %add3A_1381 = arith.constant 4 : i32
        %add3A_1382 = vector.broadcast %add3A_1381 : i32 to vector<16xi32>
        %add3A_1383 = arith.addi %mul3A_1380, %add3A_1382 : vector<16xi32>
        %gather3A_1384 = tpu.vector_load_idx %arg11[%add3A_1383] : memref<256xf32, #tpu.memory_space<vmem>>[vector<16xi32>], vector<16xf32>,
        %add3A_1385 = arith.addf %add3A_1377, %gather3A_1384 : vector<16xf32>
        %mul3A_1386 = arith.constant 16 : i32
        %mul3A_1387 = vector.broadcast %mul3A_1386 : i32 to vector<16xi32>
        %mul3A_1388 = arith.muli %iota3A, %mul3A_1387 : vector<16xi32>
        %add3A_1389 = arith.constant 5 : i32
        %add3A_1390 = vector.broadcast %add3A_1389 : i32 to vector<16xi32>
        %add3A_1391 = arith.addi %mul3A_1388, %add3A_1390 : vector<16xi32>
        %gather3A_1392 = tpu.vector_load_idx %arg11[%add3A_1391] : memref<256xf32, #tpu.memory_space<vmem>>[vector<16xi32>], vector<16xf32>,
        %add3A_1393 = arith.addf %add3A_1385, %gather3A_1392 : vector<16xf32>
        %mul3A_1394 = arith.constant 16 : i32
        %mul3A_1395 = vector.broadcast %mul3A_1394 : i32 to vector<16xi32>
        %mul3A_1396 = arith.muli %iota3A, %mul3A_1395 : vector<16xi32>
        %add3A_1397 = arith.constant 6 : i32
        %add3A_1398 = vector.broadcast %add3A_1397 : i32 to vector<16xi32>
        %add3A_1399 = arith.addi %mul3A_1396, %add3A_1398 : vector<16xi32>
        %gather3A_1400 = tpu.vector_load_idx %arg11[%add3A_1399] : memref<256xf32, #tpu.memory_space<vmem>>[vector<16xi32>], vector<16xf32>,
        %add3A_1401 = arith.addf %add3A_1393, %gather3A_1400 : vector<16xf32>
        %mul3A_1402 = arith.constant 16 : i32
        %mul3A_1403 = vector.broadcast %mul3A_1402 : i32 to vector<16xi32>
        %mul3A_1404 = arith.muli %iota3A, %mul3A_1403 : vector<16xi32>
        %add3A_1405 = arith.constant 7 : i32
        %add3A_1406 = vector.broadcast %add3A_1405 : i32 to vector<16xi32>
        %add3A_1407 = arith.addi %mul3A_1404, %add3A_1406 : vector<16xi32>
        %gather3A_1408 = tpu.vector_load_idx %arg11[%add3A_1407] : memref<256xf32, #tpu.memory_space<vmem>>[vector<16xi32>], vector<16xf32>,
        %add3A_1409 = arith.addf %add3A_1401, %gather3A_1408 : vector<16xf32>
        %mul3A_1410 = arith.constant 16 : i32
        %mul3A_1411 = vector.broadcast %mul3A_1410 : i32 to vector<16xi32>
        %mul3A_1412 = arith.muli %iota3A, %mul3A_1411 : vector<16xi32>
        %add3A_1413 = arith.constant 8 : i32
        %add3A_1414 = vector.broadcast %add3A_1413 : i32 to vector<16xi32>
        %add3A_1415 = arith.addi %mul3A_1412, %add3A_1414 : vector<16xi32>
        %gather3A_1416 = tpu.vector_load_idx %arg11[%add3A_1415] : memref<256xf32, #tpu.memory_space<vmem>>[vector<16xi32>], vector<16xf32>,
        %add3A_1417 = arith.addf %add3A_1409, %gather3A_1416 : vector<16xf32>
        %mul3A_1418 = arith.constant 16 : i32
        %mul3A_1419 = vector.broadcast %mul3A_1418 : i32 to vector<16xi32>
        %mul3A_1420 = arith.muli %iota3A, %mul3A_1419 : vector<16xi32>
        %add3A_1421 = arith.constant 9 : i32
        %add3A_1422 = vector.broadcast %add3A_1421 : i32 to vector<16xi32>
        %add3A_1423 = arith.addi %mul3A_1420, %add3A_1422 : vector<16xi32>
        %gather3A_1424 = tpu.vector_load_idx %arg11[%add3A_1423] : memref<256xf32, #tpu.memory_space<vmem>>[vector<16xi32>], vector<16xf32>,
        %add3A_1425 = arith.addf %add3A_1417, %gather3A_1424 : vector<16xf32>
        %mul3A_1426 = arith.constant 16 : i32
        %mul3A_1427 = vector.broadcast %mul3A_1426 : i32 to vector<16xi32>
        %mul3A_1428 = arith.muli %iota3A, %mul3A_1427 : vector<16xi32>
        %add3A_1429 = arith.constant 10 : i32
        %add3A_1430 = vector.broadcast %add3A_1429 : i32 to vector<16xi32>
        %add3A_1431 = arith.addi %mul3A_1428, %add3A_1430 : vector<16xi32>
        %gather3A_1432 = tpu.vector_load_idx %arg11[%add3A_1431] : memref<256xf32, #tpu.memory_space<vmem>>[vector<16xi32>], vector<16xf32>,
        %add3A_1433 = arith.addf %add3A_1425, %gather3A_1432 : vector<16xf32>
        %mul3A_1434 = arith.constant 16 : i32
        %mul3A_1435 = vector.broadcast %mul3A_1434 : i32 to vector<16xi32>
        %mul3A_1436 = arith.muli %iota3A, %mul3A_1435 : vector<16xi32>
        %add3A_1437 = arith.constant 11 : i32
        %add3A_1438 = vector.broadcast %add3A_1437 : i32 to vector<16xi32>
        %add3A_1439 = arith.addi %mul3A_1436, %add3A_1438 : vector<16xi32>
        %gather3A_1440 = tpu.vector_load_idx %arg11[%add3A_1439] : memref<256xf32, #tpu.memory_space<vmem>>[vector<16xi32>], vector<16xf32>,
        %add3A_1441 = arith.addf %add3A_1433, %gather3A_1440 : vector<16xf32>
        %mul3A_1442 = arith.constant 16 : i32
        %mul3A_1443 = vector.broadcast %mul3A_1442 : i32 to vector<16xi32>
        %mul3A_1444 = arith.muli %iota3A, %mul3A_1443 : vector<16xi32>
        %add3A_1445 = arith.constant 12 : i32
        %add3A_1446 = vector.broadcast %add3A_1445 : i32 to vector<16xi32>
        %add3A_1447 = arith.addi %mul3A_1444, %add3A_1446 : vector<16xi32>
        %gather3A_1448 = tpu.vector_load_idx %arg11[%add3A_1447] : memref<256xf32, #tpu.memory_space<vmem>>[vector<16xi32>], vector<16xf32>,
        %add3A_1449 = arith.addf %add3A_1441, %gather3A_1448 : vector<16xf32>
        %mul3A_1450 = arith.constant 16 : i32
        %mul3A_1451 = vector.broadcast %mul3A_1450 : i32 to vector<16xi32>
        %mul3A_1452 = arith.muli %iota3A, %mul3A_1451 : vector<16xi32>
        %add3A_1453 = arith.constant 13 : i32
        %add3A_1454 = vector.broadcast %add3A_1453 : i32 to vector<16xi32>
        %add3A_1455 = arith.addi %mul3A_1452, %add3A_1454 : vector<16xi32>
        %gather3A_1456 = tpu.vector_load_idx %arg11[%add3A_1455] : memref<256xf32, #tpu.memory_space<vmem>>[vector<16xi32>], vector<16xf32>,
        %add3A_1457 = arith.addf %add3A_1449, %gather3A_1456 : vector<16xf32>
        %mul3A_1458 = arith.constant 16 : i32
        %mul3A_1459 = vector.broadcast %mul3A_1458 : i32 to vector<16xi32>
        %mul3A_1460 = arith.muli %iota3A, %mul3A_1459 : vector<16xi32>
        %add3A_1461 = arith.constant 14 : i32
        %add3A_1462 = vector.broadcast %add3A_1461 : i32 to vector<16xi32>
        %add3A_1463 = arith.addi %mul3A_1460, %add3A_1462 : vector<16xi32>
        %gather3A_1464 = tpu.vector_load_idx %arg11[%add3A_1463] : memref<256xf32, #tpu.memory_space<vmem>>[vector<16xi32>], vector<16xf32>,
        %add3A_1465 = arith.addf %add3A_1457, %gather3A_1464 : vector<16xf32>
        %mul3A_1466 = arith.constant 16 : i32
        %mul3A_1467 = vector.broadcast %mul3A_1466 : i32 to vector<16xi32>
        %mul3A_1468 = arith.muli %iota3A, %mul3A_1467 : vector<16xi32>
        %add3A_1469 = arith.constant 15 : i32
        %add3A_1470 = vector.broadcast %add3A_1469 : i32 to vector<16xi32>
        %add3A_1471 = arith.addi %mul3A_1468, %add3A_1470 : vector<16xi32>
        %gather3A_1472 = tpu.vector_load_idx %arg11[%add3A_1471] : memref<256xf32, #tpu.memory_space<vmem>>[vector<16xi32>], vector<16xf32>,
        %add3A_1473 = arith.addf %add3A_1465, %gather3A_1472 : vector<16xf32>
        %mul3A_1474 = vector.broadcast %select_n3A_89 : f32 to vector<16xf32>
        %mul3A_1475 = arith.mulf %add3A_1473, %mul3A_1474 : vector<16xf32>
        %bitcast_convert_type3A = tpu.bitcast %mul3A_1475 : vector<16xf32> -> vector<16xi32>
        %shift_right_arithmetic3A = arith.constant 1 : i32
        %shift_right_arithmetic3A_1476 = vector.broadcast %shift_right_arithmetic3A : i32 to vector<16xi32>
        %shift_right_arithmetic3A_1477 = arith.shrsi %bitcast_convert_type3A, %shift_right_arithmetic3A_1476 : vector<16xi32>
        %sub3A_1478 = arith.constant 1597463007 : i32
        %sub3A_1479 = vector.broadcast %sub3A_1478 : i32 to vector<16xi32>
        %sub3A_1480 = arith.subi %sub3A_1479, %shift_right_arithmetic3A_1477 : vector<16xi32>
        %bitcast_convert_type3A_1481 = tpu.bitcast %sub3A_1480 : vector<16xi32> -> vector<16xf32>
        %mul3A_1482 = arith.constant 5.000000e-01 : f32
        %mul3A_1483 = vector.broadcast %mul3A_1482 : f32 to vector<16xf32>
        %mul3A_1484 = arith.mulf %mul3A_1483, %mul3A_1475 : vector<16xf32>
        %mul3A_1485 = arith.mulf %mul3A_1484, %bitcast_convert_type3A_1481 : vector<16xf32>
        %mul3A_1486 = arith.mulf %mul3A_1485, %bitcast_convert_type3A_1481 : vector<16xf32>
        %sub3A_1487 = arith.constant 1.500000e+00 : f32
        %sub3A_1488 = vector.broadcast %sub3A_1487 : f32 to vector<16xf32>
        %sub3A_1489 = arith.subf %sub3A_1488, %mul3A_1486 : vector<16xf32>
        %mul3A_1490 = arith.mulf %bitcast_convert_type3A_1481, %sub3A_1489 : vector<16xf32>
        %mul3A_1491 = arith.constant 5.000000e-01 : f32
        %mul3A_1492 = vector.broadcast %mul3A_1491 : f32 to vector<16xf32>
        %mul3A_1493 = arith.mulf %mul3A_1492, %mul3A_1475 : vector<16xf32>
        %mul3A_1494 = arith.mulf %mul3A_1493, %mul3A_1490 : vector<16xf32>
        %mul3A_1495 = arith.mulf %mul3A_1494, %mul3A_1490 : vector<16xf32>
        %sub3A_1496 = arith.constant 1.500000e+00 : f32
        %sub3A_1497 = vector.broadcast %sub3A_1496 : f32 to vector<16xf32>
        %sub3A_1498 = arith.subf %sub3A_1497, %mul3A_1495 : vector<16xf32>
        %mul3A_1499 = arith.mulf %mul3A_1490, %sub3A_1498 : vector<16xf32>
        %mul3A_1500 = arith.constant 5.000000e-01 : f32
        %mul3A_1501 = vector.broadcast %mul3A_1500 : f32 to vector<16xf32>
        %mul3A_1502 = arith.mulf %mul3A_1501, %mul3A_1475 : vector<16xf32>
        %mul3A_1503 = arith.mulf %mul3A_1502, %mul3A_1499 : vector<16xf32>
        %mul3A_1504 = arith.mulf %mul3A_1503, %mul3A_1499 : vector<16xf32>
        %sub3A_1505 = arith.constant 1.500000e+00 : f32
        %sub3A_1506 = vector.broadcast %sub3A_1505 : f32 to vector<16xf32>
        %sub3A_1507 = arith.subf %sub3A_1506, %mul3A_1504 : vector<16xf32>
        %mul3A_1508 = arith.mulf %mul3A_1499, %sub3A_1507 : vector<16xf32>
        %mul3A_1509 = arith.constant 5.000000e-01 : f32
        %mul3A_1510 = vector.broadcast %mul3A_1509 : f32 to vector<16xf32>
        %mul3A_1511 = arith.mulf %mul3A_1510, %mul3A_1475 : vector<16xf32>
        %mul3A_1512 = arith.mulf %mul3A_1511, %mul3A_1508 : vector<16xf32>
        %mul3A_1513 = arith.mulf %mul3A_1512, %mul3A_1508 : vector<16xf32>
        %sub3A_1514 = arith.constant 1.500000e+00 : f32
        %sub3A_1515 = vector.broadcast %sub3A_1514 : f32 to vector<16xf32>
        %sub3A_1516 = arith.subf %sub3A_1515, %mul3A_1513 : vector<16xf32>
        %mul3A_1517 = arith.mulf %mul3A_1508, %sub3A_1516 : vector<16xf32>
        %mul3A_1518 = arith.mulf %mul3A_1475, %mul3A_1517 : vector<16xf32>
        %add3A_1519 = arith.constant 9.99999993E-9 : f32
        %add3A_1520 = vector.broadcast %add3A_1519 : f32 to vector<16xf32>
        %add3A_1521 = arith.addf %mul3A_1518, %add3A_1520 : vector<16xf32>
        %mul3A_1522 = arith.constant 16 : i32
        %mul3A_1523 = arith.muli %scan3A_158, %mul3A_1522 : i32
        %swap3A_1524 = arith.index_cast %mul3A_1523 : i32 to index
        %swap3A_1525 = tpu.vector_load %arg12[%swap3A_1524] {strides = array<i32>} : memref<1024xf32, #tpu.memory_space<vmem>>, vector<16xf32>,
        tpu.vector_store %arg12[%swap3A_1524], %add3A_1521 {strides = array<i32>} : memref<1024xf32, #tpu.memory_space<vmem>>, vector<16xf32>,
        %scan3A_1526 = arith.constant 0 : i32
        scf.yield %scan3A_1526 : i32
      }
      %scan3A_155 = arith.constant 4 : i32
      %mul3A_156 = arith.constant 64 : i32
      %mul3A_157 = arith.muli %arg1, %mul3A_156 : i32
      "tpu.region"() ({
        %run_scoped3A = tpu.sem_alloc : memref<!tpu.dma_semaphore, #tpu.memory_space<semaphore_mem>>
        %dma_start3A_158 = arith.constant 0 : i32
        %dma_start3A_159 = tpu.memref_slice %arg12[%dma_start3A_158] : memref<1024xf32, #tpu.memory_space<vmem>> -> memref<64xf32, #tpu.memory_space<vmem>>
        %dma_start3A_160 = tpu.memref_slice %arg14[%mul3A_157] : memref<512xf32, #tpu.memory_space<vmem_shared>> -> memref<64xf32, #tpu.memory_space<vmem_shared>>
        %dma_start3A_161 = tpu.memref_slice %arg14[%mul3A_157] : memref<512xf32, #tpu.memory_space<vmem_shared>> -> memref<64xf32, #tpu.memory_space<vmem_shared>>
        %dma_start3A_162 = arith.constant 0 : i32
        %dma_start3A_163 = tpu.memref_slice %arg12[%dma_start3A_162] : memref<1024xf32, #tpu.memory_space<vmem>> -> memref<64xf32, #tpu.memory_space<vmem>>
        tpu.enqueue_dma source(%dma_start3A_163 : memref<64xf32, #tpu.memory_space<vmem>>) target(%dma_start3A_161 : memref<64xf32, #tpu.memory_space<vmem_shared>>) target_semaphore(%run_scoped3A : memref<!tpu.dma_semaphore, #tpu.memory_space<semaphore_mem>>)
        %dma_wait3A_164 = arith.constant 0 : i32
        %dma_wait3A_165 = tpu.memref_slice %arg12[%dma_wait3A_164] : memref<1024xf32, #tpu.memory_space<vmem>> -> memref<64xf32, #tpu.memory_space<vmem>>
        %dma_wait3A_166 = tpu.memref_slice %arg14[%mul3A_157] : memref<512xf32, #tpu.memory_space<vmem_shared>> -> memref<64xf32, #tpu.memory_space<vmem_shared>>
        %dma_wait3A_167 = tpu.memref_slice %arg14[%mul3A_157] : memref<512xf32, #tpu.memory_space<vmem_shared>> -> memref<64xf32, #tpu.memory_space<vmem_shared>>
        %dma_wait3A_168 = arith.constant 0 : i32
        %dma_wait3A_169 = tpu.memref_slice %arg12[%dma_wait3A_168] : memref<1024xf32, #tpu.memory_space<vmem>> -> memref<64xf32, #tpu.memory_space<vmem>>
        tpu.wait_dma2 semaphore(%run_scoped3A : memref<!tpu.dma_semaphore, #tpu.memory_space<semaphore_mem>>) src(%dma_wait3A_169 : memref<64xf32, #tpu.memory_space<vmem>>) dst(%dma_wait3A_167 : memref<64xf32, #tpu.memory_space<vmem_shared>>)
        tpu.yield
      }) : () -> ()
    } else {
    }
    %barrier3A = arith.constant 0 : index
    tpu.barrier barrier_id(%barrier3A)
    %eq3A_4 = arith.constant 0 : i32
    %eq3A_5 = arith.cmpi eq, %arg0, %eq3A_4 : i32
    %lt3A_6 = arith.constant 4 : i32
    %lt3A_7 = arith.cmpi slt, %arg1, %lt3A_6 : i32
    %and3A_8 = arith.andi %eq3A_5, %lt3A_7 : i1
    %convert_element_type3A_9 = arith.extui %and3A_8 : i1 to i32
    %cond3A_10 = arith.constant 0 : i32
    %cond3A_11 = arith.cmpi ne, %convert_element_type3A_9, %cond3A_10 : i32
    scf.if %cond3A_11 {
      "tpu.region"() ({
        %run_scoped3A = tpu.sem_alloc : memref<!tpu.dma_semaphore, #tpu.memory_space<semaphore_mem>>
        %dma_start3A = arith.constant 0 : i32
        %dma_start3A_81 = tpu.memref_slice %arg12[%dma_start3A] : memref<1024xf32, #tpu.memory_space<vmem>> -> memref<512xf32, #tpu.memory_space<vmem>>
        %dma_start3A_82 = arith.constant 0 : i32
        %dma_start3A_83 = tpu.memref_slice %arg12[%dma_start3A_82] : memref<1024xf32, #tpu.memory_space<vmem>> -> memref<512xf32, #tpu.memory_space<vmem>>
        tpu.enqueue_dma source(%arg14 : memref<512xf32, #tpu.memory_space<vmem_shared>>) target(%dma_start3A_83 : memref<512xf32, #tpu.memory_space<vmem>>) target_semaphore(%run_scoped3A : memref<!tpu.dma_semaphore, #tpu.memory_space<semaphore_mem>>)
        %dma_wait3A = arith.constant 0 : i32
        %dma_wait3A_84 = tpu.memref_slice %arg12[%dma_wait3A] : memref<1024xf32, #tpu.memory_space<vmem>> -> memref<512xf32, #tpu.memory_space<vmem>>
        %dma_wait3A_85 = arith.constant 0 : i32
        %dma_wait3A_86 = tpu.memref_slice %arg12[%dma_wait3A_85] : memref<1024xf32, #tpu.memory_space<vmem>> -> memref<512xf32, #tpu.memory_space<vmem>>
        tpu.wait_dma2 semaphore(%run_scoped3A : memref<!tpu.dma_semaphore, #tpu.memory_space<semaphore_mem>>) src(%arg14 : memref<512xf32, #tpu.memory_space<vmem_shared>>) dst(%dma_wait3A_86 : memref<512xf32, #tpu.memory_space<vmem>>)
        tpu.yield
      }) : () -> ()
      %mul3A = arith.constant 64 : i32
      %mul3A_29 = vector.broadcast %mul3A : i32 to vector<16xi32>
      %mul3A_30 = arith.muli %iota3A, %mul3A_29 : vector<16xi32>
      %add3A = arith.constant 0 : i32
      %add3A_31 = vector.broadcast %add3A : i32 to vector<16xi32>
      %add3A_32 = arith.addi %mul3A_30, %add3A_31 : vector<16xi32>
      %gather3A = tpu.vector_load_idx %arg12[%add3A_32] : memref<1024xf32, #tpu.memory_space<vmem>>[vector<16xi32>], vector<16xf32>,
      %swap3A = arith.constant 0 : index
      %swap3A_33 = tpu.vector_load %arg5[%swap3A] {strides = array<i32>} : memref<1024xf32, #tpu.memory_space<vmem>>, vector<16xf32>,
      tpu.vector_store %arg5[%swap3A], %gather3A {strides = array<i32>} : memref<1024xf32, #tpu.memory_space<vmem>>, vector<16xf32>,
      %sub3A = arith.constant 1.000000e+00 : f32
      %sub3A_34 = vector.broadcast %sub3A : f32 to vector<16xf32>
      %sub3A_35 = arith.subf %broadcast_in_dim3A_0, %sub3A_34 : vector<16xf32>
      %swap3A_36 = arith.constant 0 : index
      %swap3A_37 = tpu.vector_load %arg6[%swap3A_36] {strides = array<i32>} : memref<1024xf32, #tpu.memory_space<vmem>>, vector<16xf32>,
      tpu.vector_store %arg6[%swap3A_36], %sub3A_35 {strides = array<i32>} : memref<1024xf32, #tpu.memory_space<vmem>>, vector<16xf32>,
      %sub3A_38 = arith.constant 1.000000e+00 : f32
      %sub3A_39 = vector.broadcast %sub3A_38 : f32 to vector<16xf32>
      %sub3A_40 = arith.subf %broadcast_in_dim3A_0, %sub3A_39 : vector<16xf32>
      %swap3A_41 = arith.constant 0 : index
      %swap3A_42 = tpu.vector_load %arg7[%swap3A_41] {strides = array<i32>} : memref<1024xf32, #tpu.memory_space<vmem>>, vector<16xf32>,
      tpu.vector_store %arg7[%swap3A_41], %sub3A_40 {strides = array<i32>} : memref<1024xf32, #tpu.memory_space<vmem>>, vector<16xf32>,
      %add3A_43 = arith.constant 1.000000e+00 : f32
      %add3A_44 = vector.broadcast %add3A_43 : f32 to vector<16xf32>
      %add3A_45 = arith.addf %broadcast_in_dim3A_0, %add3A_44 : vector<16xf32>
      %swap3A_46 = arith.constant 0 : index
      %swap3A_47 = tpu.vector_load %arg8[%swap3A_46] {strides = array<i32>} : memref<1024xf32, #tpu.memory_space<vmem>>, vector<16xf32>,
      tpu.vector_store %arg8[%swap3A_46], %add3A_45 {strides = array<i32>} : memref<1024xf32, #tpu.memory_space<vmem>>, vector<16xf32>,
      %swap3A_48 = arith.constant 0 : index
      %swap3A_49 = tpu.vector_load %arg9[%swap3A_48] {strides = array<i32>} : memref<1024xf32, #tpu.memory_space<vmem>>, vector<16xf32>,
      tpu.vector_store %arg9[%swap3A_48], %gather3A {strides = array<i32>} : memref<1024xf32, #tpu.memory_space<vmem>>, vector<16xf32>,
      %scan3A = arith.constant 0 : i32
      %scan3A_50 = arith.constant 1 : i32
      %scan3A_51 = arith.constant 7 : i32
      %scan3A_52 = arith.addi %scan3A_50, %scan3A_51 : i32
      %scan3A_53 = arith.constant 1 : i32
      %scan3A_54 = scf.for %scan3A_81 = %scan3A_50 to %scan3A_52 step %scan3A_53 iter_args(%scan3A_82 = %scan3A) -> (i32)  : i32 {
        %mul3A_83 = arith.constant 8 : i32
        %mul3A_84 = arith.muli %scan3A_81, %mul3A_83 : i32
        %add3A_85 = vector.broadcast %mul3A_84 : i32 to vector<16xi32>
        %add3A_86 = arith.addi %mul3A_30, %add3A_85 : vector<16xi32>
        %gather3A_87 = tpu.vector_load_idx %arg12[%add3A_86] : memref<1024xf32, #tpu.memory_space<vmem>>[vector<16xi32>], vector<16xf32>,
        %sub3A_88 = arith.constant 8 : i32
        %sub3A_89 = arith.subi %mul3A_84, %sub3A_88 : i32
        %mul3A_90 = arith.constant 16 : i32
        %mul3A_91 = arith.muli %sub3A_89, %mul3A_90 : i32
        %get3A = arith.index_cast %mul3A_91 : i32 to index
        %get3A_92 = tpu.vector_load %arg5[%get3A] {strides = array<i32>} : memref<1024xf32, #tpu.memory_space<vmem>>, vector<16xf32>,
        %add3A_93 = arith.addf %gather3A_87, %get3A_92 : vector<16xf32>
        %sub3A_94 = arith.constant 8 : i32
        %sub3A_95 = arith.subi %mul3A_84, %sub3A_94 : i32
        %mul3A_96 = arith.constant 16 : i32
        %mul3A_97 = arith.muli %sub3A_95, %mul3A_96 : i32
        %get3A_98 = arith.index_cast %mul3A_97 : i32 to index
        %get3A_99 = tpu.vector_load %arg8[%get3A_98] {strides = array<i32>} : memref<1024xf32, #tpu.memory_space<vmem>>, vector<16xf32>,
        %add3A_100 = arith.constant 1.000000e+00 : f32
        %add3A_101 = vector.broadcast %add3A_100 : f32 to vector<16xf32>
        %add3A_102 = arith.addf %get3A_99, %add3A_101 : vector<16xf32>
        %mul3A_103 = arith.constant 16 : i32
        %mul3A_104 = arith.muli %mul3A_84, %mul3A_103 : i32
        %swap3A_105 = arith.index_cast %mul3A_104 : i32 to index
        %swap3A_106 = tpu.vector_load %arg5[%swap3A_105] {strides = array<i32>} : memref<1024xf32, #tpu.memory_space<vmem>>, vector<16xf32>,
        tpu.vector_store %arg5[%swap3A_105], %add3A_93 {strides = array<i32>} : memref<1024xf32, #tpu.memory_space<vmem>>, vector<16xf32>,
        %sub3A_107 = arith.constant 1 : i32
        %sub3A_108 = arith.subi %scan3A_81, %sub3A_107 : i32
        %convert_element_type3A_109 = arith.sitofp %sub3A_108 : i32 to f32
        %add3A_110 = vector.broadcast %convert_element_type3A_109 : f32 to vector<16xf32>
        %add3A_111 = arith.addf %broadcast_in_dim3A_0, %add3A_110 : vector<16xf32>
        %mul3A_112 = arith.constant 16 : i32
        %mul3A_113 = arith.muli %mul3A_84, %mul3A_112 : i32
        %swap3A_114 = arith.index_cast %mul3A_113 : i32 to index
        %swap3A_115 = tpu.vector_load %arg6[%swap3A_114] {strides = array<i32>} : memref<1024xf32, #tpu.memory_space<vmem>>, vector<16xf32>,
        tpu.vector_store %arg6[%swap3A_114], %add3A_111 {strides = array<i32>} : memref<1024xf32, #tpu.memory_space<vmem>>, vector<16xf32>,
        %mul3A_116 = arith.constant 16 : i32
        %mul3A_117 = arith.muli %mul3A_84, %mul3A_116 : i32
        %swap3A_118 = arith.index_cast %mul3A_117 : i32 to index
        %swap3A_119 = tpu.vector_load %arg7[%swap3A_118] {strides = array<i32>} : memref<1024xf32, #tpu.memory_space<vmem>>, vector<16xf32>,
        tpu.vector_store %arg7[%swap3A_118], %broadcast_in_dim3A_0 {strides = array<i32>} : memref<1024xf32, #tpu.memory_space<vmem>>, vector<16xf32>,
        %mul3A_120 = arith.constant 16 : i32
        %mul3A_121 = arith.muli %mul3A_84, %mul3A_120 : i32
        %swap3A_122 = arith.index_cast %mul3A_121 : i32 to index
        %swap3A_123 = tpu.vector_load %arg8[%swap3A_122] {strides = array<i32>} : memref<1024xf32, #tpu.memory_space<vmem>>, vector<16xf32>,
        tpu.vector_store %arg8[%swap3A_122], %add3A_102 {strides = array<i32>} : memref<1024xf32, #tpu.memory_space<vmem>>, vector<16xf32>,
        %div3A = arith.divf %add3A_93, %add3A_102 : vector<16xf32>
        %mul3A_124 = arith.constant 16 : i32
        %mul3A_125 = arith.muli %mul3A_84, %mul3A_124 : i32
        %swap3A_126 = arith.index_cast %mul3A_125 : i32 to index
        %swap3A_127 = tpu.vector_load %arg9[%swap3A_126] {strides = array<i32>} : memref<1024xf32, #tpu.memory_space<vmem>>, vector<16xf32>,
        tpu.vector_store %arg9[%swap3A_126], %div3A {strides = array<i32>} : memref<1024xf32, #tpu.memory_space<vmem>>, vector<16xf32>,
        %scan3A_128 = arith.constant 0 : i32
        scf.yield %scan3A_128 : i32
      }
      %scan3A_55 = arith.constant 7 : i32
      %scan3A_56 = arith.constant 0 : i32
      %scan3A_57 = arith.constant 1 : i32
      %scan3A_58 = arith.constant 7 : i32
      %scan3A_59 = arith.addi %scan3A_57, %scan3A_58 : i32
      %scan3A_60 = arith.constant 1 : i32
      %scan3A_61 = scf.for %scan3A_81 = %scan3A_57 to %scan3A_59 step %scan3A_60 iter_args(%scan3A_82 = %scan3A_56) -> (i32)  : i32 {
        %add3A_83 = vector.broadcast %scan3A_81 : i32 to vector<16xi32>
        %add3A_84 = arith.addi %mul3A_30, %add3A_83 : vector<16xi32>
        %gather3A_85 = tpu.vector_load_idx %arg12[%add3A_84] : memref<1024xf32, #tpu.memory_space<vmem>>[vector<16xi32>], vector<16xf32>,
        %sub3A_86 = arith.constant 1 : i32
        %sub3A_87 = arith.subi %scan3A_81, %sub3A_86 : i32
        %mul3A_88 = arith.constant 16 : i32
        %mul3A_89 = arith.muli %sub3A_87, %mul3A_88 : i32
        %get3A = arith.index_cast %mul3A_89 : i32 to index
        %get3A_90 = tpu.vector_load %arg5[%get3A] {strides = array<i32>} : memref<1024xf32, #tpu.memory_space<vmem>>, vector<16xf32>,
        %add3A_91 = arith.addf %gather3A_85, %get3A_90 : vector<16xf32>
        %sub3A_92 = arith.constant 1 : i32
        %sub3A_93 = arith.subi %scan3A_81, %sub3A_92 : i32
        %mul3A_94 = arith.constant 16 : i32
        %mul3A_95 = arith.muli %sub3A_93, %mul3A_94 : i32
        %get3A_96 = arith.index_cast %mul3A_95 : i32 to index
        %get3A_97 = tpu.vector_load %arg8[%get3A_96] {strides = array<i32>} : memref<1024xf32, #tpu.memory_space<vmem>>, vector<16xf32>,
        %add3A_98 = arith.constant 1.000000e+00 : f32
        %add3A_99 = vector.broadcast %add3A_98 : f32 to vector<16xf32>
        %add3A_100 = arith.addf %get3A_97, %add3A_99 : vector<16xf32>
        %mul3A_101 = arith.constant 16 : i32
        %mul3A_102 = arith.muli %scan3A_81, %mul3A_101 : i32
        %swap3A_103 = arith.index_cast %mul3A_102 : i32 to index
        %swap3A_104 = tpu.vector_load %arg5[%swap3A_103] {strides = array<i32>} : memref<1024xf32, #tpu.memory_space<vmem>>, vector<16xf32>,
        tpu.vector_store %arg5[%swap3A_103], %add3A_91 {strides = array<i32>} : memref<1024xf32, #tpu.memory_space<vmem>>, vector<16xf32>,
        %mul3A_105 = arith.constant 16 : i32
        %mul3A_106 = arith.muli %scan3A_81, %mul3A_105 : i32
        %swap3A_107 = arith.index_cast %mul3A_106 : i32 to index
        %swap3A_108 = tpu.vector_load %arg6[%swap3A_107] {strides = array<i32>} : memref<1024xf32, #tpu.memory_space<vmem>>, vector<16xf32>,
        tpu.vector_store %arg6[%swap3A_107], %broadcast_in_dim3A_0 {strides = array<i32>} : memref<1024xf32, #tpu.memory_space<vmem>>, vector<16xf32>,
        %sub3A_109 = arith.constant 1 : i32
        %sub3A_110 = arith.subi %scan3A_81, %sub3A_109 : i32
        %convert_element_type3A_111 = arith.sitofp %sub3A_110 : i32 to f32
        %add3A_112 = vector.broadcast %convert_element_type3A_111 : f32 to vector<16xf32>
        %add3A_113 = arith.addf %broadcast_in_dim3A_0, %add3A_112 : vector<16xf32>
        %mul3A_114 = arith.constant 16 : i32
        %mul3A_115 = arith.muli %scan3A_81, %mul3A_114 : i32
        %swap3A_116 = arith.index_cast %mul3A_115 : i32 to index
        %swap3A_117 = tpu.vector_load %arg7[%swap3A_116] {strides = array<i32>} : memref<1024xf32, #tpu.memory_space<vmem>>, vector<16xf32>,
        tpu.vector_store %arg7[%swap3A_116], %add3A_113 {strides = array<i32>} : memref<1024xf32, #tpu.memory_space<vmem>>, vector<16xf32>,
        %mul3A_118 = arith.constant 16 : i32
        %mul3A_119 = arith.muli %scan3A_81, %mul3A_118 : i32
        %swap3A_120 = arith.index_cast %mul3A_119 : i32 to index
        %swap3A_121 = tpu.vector_load %arg8[%swap3A_120] {strides = array<i32>} : memref<1024xf32, #tpu.memory_space<vmem>>, vector<16xf32>,
        tpu.vector_store %arg8[%swap3A_120], %add3A_100 {strides = array<i32>} : memref<1024xf32, #tpu.memory_space<vmem>>, vector<16xf32>,
        %div3A = arith.divf %add3A_91, %add3A_100 : vector<16xf32>
        %mul3A_122 = arith.constant 16 : i32
        %mul3A_123 = arith.muli %scan3A_81, %mul3A_122 : i32
        %swap3A_124 = arith.index_cast %mul3A_123 : i32 to index
        %swap3A_125 = tpu.vector_load %arg9[%swap3A_124] {strides = array<i32>} : memref<1024xf32, #tpu.memory_space<vmem>>, vector<16xf32>,
        tpu.vector_store %arg9[%swap3A_124], %div3A {strides = array<i32>} : memref<1024xf32, #tpu.memory_space<vmem>>, vector<16xf32>,
        %scan3A_126 = arith.constant 0 : i32
        scf.yield %scan3A_126 : i32
      }
      %scan3A_62 = arith.constant 7 : i32
      %scan3A_63 = arith.constant 0 : i32
      %scan3A_64 = arith.constant 1 : i32
      %scan3A_65 = arith.constant 7 : i32
      %scan3A_66 = arith.addi %scan3A_64, %scan3A_65 : i32
      %scan3A_67 = arith.constant 1 : i32
      %scan3A_68 = scf.for %scan3A_81 = %scan3A_64 to %scan3A_66 step %scan3A_67 iter_args(%scan3A_82 = %scan3A_63) -> (i32)  : i32 {
        %mul3A_83 = arith.constant 128 : i32
        %mul3A_84 = arith.muli %scan3A_81, %mul3A_83 : i32
        %convert_element_type3A_85 = arith.sitofp %scan3A_81 : i32 to f32
        %add3A_86 = vector.broadcast %convert_element_type3A_85 : f32 to vector<16xf32>
        %add3A_87 = arith.addf %broadcast_in_dim3A_0, %add3A_86 : vector<16xf32>
        %get3A = arith.index_cast %mul3A_84 : i32 to index
        %get3A_88 = tpu.vector_load %arg5[%get3A] {strides = array<i32>} : memref<1024xf32, #tpu.memory_space<vmem>>, vector<16xf32>,
        %get3A_89 = arith.index_cast %mul3A_84 : i32 to index
        %get3A_90 = tpu.vector_load %arg8[%get3A_89] {strides = array<i32>} : memref<1024xf32, #tpu.memory_space<vmem>>, vector<16xf32>,
        %get3A_91 = arith.index_cast %mul3A_84 : i32 to index
        %get3A_92 = tpu.vector_load %arg9[%get3A_91] {strides = array<i32>} : memref<1024xf32, #tpu.memory_space<vmem>>, vector<16xf32>,
        %scan3A_93 = arith.constant 1 : i32
        %scan3A_94 = arith.constant 7 : i32
        %scan3A_95 = arith.addi %scan3A_93, %scan3A_94 : i32
        %scan3A_96 = arith.constant 1 : i32
        %scan3A_97:3 = scf.for %scan3A_100 = %scan3A_93 to %scan3A_95 step %scan3A_96 iter_args(%scan3A_101 = %get3A_88, %scan3A_102 = %get3A_90, %scan3A_103 = %get3A_92) -> (vector<16xf32>, vector<16xf32>, vector<16xf32>)  : i32 {
          %mul3A_104 = arith.constant 16 : i32
          %mul3A_105 = arith.muli %scan3A_100, %mul3A_104 : i32
          %add3A_106 = arith.addi %mul3A_84, %mul3A_105 : i32
          %sub3A_107 = arith.constant 128 : i32
          %sub3A_108 = arith.subi %add3A_106, %sub3A_107 : i32
          %get3A_109 = arith.index_cast %sub3A_108 : i32 to index
          %get3A_110 = tpu.vector_load %arg9[%get3A_109] {strides = array<i32>} : memref<1024xf32, #tpu.memory_space<vmem>>, vector<16xf32>,
          %sub3A_111 = arith.constant 144 : i32
          %sub3A_112 = arith.subi %add3A_106, %sub3A_111 : i32
          %get3A_113 = arith.index_cast %sub3A_112 : i32 to index
          %get3A_114 = tpu.vector_load %arg9[%get3A_113] {strides = array<i32>} : memref<1024xf32, #tpu.memory_space<vmem>>, vector<16xf32>,
          %le3A = arith.cmpf ole, %get3A_110, %scan3A_103 : vector<16xf32>
          %le3A_115 = arith.cmpf ole, %get3A_110, %get3A_114 : vector<16xf32>
          %and3A_116 = arith.andi %le3A, %le3A_115 : vector<16xi1>
          %le3A_117 = arith.cmpf ole, %scan3A_103, %get3A_114 : vector<16xf32>
          %sub3A_118 = arith.constant 128 : i32
          %sub3A_119 = arith.subi %add3A_106, %sub3A_118 : i32
          %get3A_120 = arith.index_cast %sub3A_119 : i32 to index
          %get3A_121 = tpu.vector_load %arg5[%get3A_120] {strides = array<i32>} : memref<1024xf32, #tpu.memory_space<vmem>>, vector<16xf32>,
          %sub3A_122 = arith.constant 144 : i32
          %sub3A_123 = arith.subi %add3A_106, %sub3A_122 : i32
          %get3A_124 = arith.index_cast %sub3A_123 : i32 to index
          %get3A_125 = tpu.vector_load %arg5[%get3A_124] {strides = array<i32>} : memref<1024xf32, #tpu.memory_space<vmem>>, vector<16xf32>,
          %sub3A_126 = arith.constant 128 : i32
          %sub3A_127 = arith.subi %add3A_106, %sub3A_126 : i32
          %get3A_128 = arith.index_cast %sub3A_127 : i32 to index
          %get3A_129 = tpu.vector_load %arg8[%get3A_128] {strides = array<i32>} : memref<1024xf32, #tpu.memory_space<vmem>>, vector<16xf32>,
          %sub3A_130 = arith.constant 144 : i32
          %sub3A_131 = arith.subi %add3A_106, %sub3A_130 : i32
          %get3A_132 = arith.index_cast %sub3A_131 : i32 to index
          %get3A_133 = tpu.vector_load %arg8[%get3A_132] {strides = array<i32>} : memref<1024xf32, #tpu.memory_space<vmem>>, vector<16xf32>,
          %shift_right_arithmetic3A = arith.constant 4 : i32
          %shift_right_arithmetic3A_134 = arith.shrsi %add3A_106, %shift_right_arithmetic3A : i32
          %add3A_135 = vector.broadcast %shift_right_arithmetic3A_134 : i32 to vector<16xi32>
          %add3A_136 = arith.addi %mul3A_30, %add3A_135 : vector<16xi32>
          %gather3A_137 = tpu.vector_load_idx %arg12[%add3A_136] : memref<1024xf32, #tpu.memory_space<vmem>>[vector<16xi32>], vector<16xf32>,
          %select_n3A = arith.select %le3A_117, %scan3A_101, %get3A_125 : vector<16xi1>, vector<16xf32>
          %select_n3A_138 = arith.select %and3A_116, %get3A_121, %select_n3A : vector<16xi1>, vector<16xf32>
          %add3A_139 = arith.addf %gather3A_137, %select_n3A_138 : vector<16xf32>
          %select_n3A_140 = arith.select %le3A_117, %scan3A_102, %get3A_133 : vector<16xi1>, vector<16xf32>
          %select_n3A_141 = arith.select %and3A_116, %get3A_129, %select_n3A_140 : vector<16xi1>, vector<16xf32>
          %add3A_142 = arith.constant 1.000000e+00 : f32
          %add3A_143 = vector.broadcast %add3A_142 : f32 to vector<16xf32>
          %add3A_144 = arith.addf %add3A_143, %select_n3A_141 : vector<16xf32>
          %convert_element_type3A_145 = arith.sitofp %scan3A_100 : i32 to f32
          %add3A_146 = vector.broadcast %convert_element_type3A_145 : f32 to vector<16xf32>
          %add3A_147 = arith.addf %broadcast_in_dim3A_0, %add3A_146 : vector<16xf32>
          %div3A = arith.divf %add3A_139, %add3A_144 : vector<16xf32>
          %swap3A_148 = arith.index_cast %add3A_106 : i32 to index
          %swap3A_149 = tpu.vector_load %arg5[%swap3A_148] {strides = array<i32>} : memref<1024xf32, #tpu.memory_space<vmem>>, vector<16xf32>,
          tpu.vector_store %arg5[%swap3A_148], %add3A_139 {strides = array<i32>} : memref<1024xf32, #tpu.memory_space<vmem>>, vector<16xf32>,
          %not3A = arith.constant dense<true> : vector<16xi1>
          %not3A_150 = arith.xori %and3A_116, %not3A : vector<16xi1>
          %and3A_151 = arith.andi %not3A_150, %le3A_117 : vector<16xi1>
          %sub3A_152 = arith.constant 1.000000e+00 : f32
          %sub3A_153 = vector.broadcast %sub3A_152 : f32 to vector<16xf32>
          %sub3A_154 = arith.subf %add3A_87, %sub3A_153 : vector<16xf32>
          %select_n3A_155 = arith.select %and3A_151, %add3A_87, %sub3A_154 : vector<16xi1>, vector<16xf32>
          %swap3A_156 = arith.index_cast %add3A_106 : i32 to index
          %swap3A_157 = tpu.vector_load %arg6[%swap3A_156] {strides = array<i32>} : memref<1024xf32, #tpu.memory_space<vmem>>, vector<16xf32>,
          tpu.vector_store %arg6[%swap3A_156], %select_n3A_155 {strides = array<i32>} : memref<1024xf32, #tpu.memory_space<vmem>>, vector<16xf32>,
          %sub3A_158 = arith.constant 1.000000e+00 : f32
          %sub3A_159 = vector.broadcast %sub3A_158 : f32 to vector<16xf32>
          %sub3A_160 = arith.subf %add3A_147, %sub3A_159 : vector<16xf32>
          %select_n3A_161 = arith.select %and3A_116, %add3A_147, %sub3A_160 : vector<16xi1>, vector<16xf32>
          %swap3A_162 = arith.index_cast %add3A_106 : i32 to index
          %swap3A_163 = tpu.vector_load %arg7[%swap3A_162] {strides = array<i32>} : memref<1024xf32, #tpu.memory_space<vmem>>, vector<16xf32>,
          tpu.vector_store %arg7[%swap3A_162], %select_n3A_161 {strides = array<i32>} : memref<1024xf32, #tpu.memory_space<vmem>>, vector<16xf32>,
          %swap3A_164 = arith.index_cast %add3A_106 : i32 to index
          %swap3A_165 = tpu.vector_load %arg8[%swap3A_164] {strides = array<i32>} : memref<1024xf32, #tpu.memory_space<vmem>>, vector<16xf32>,
          tpu.vector_store %arg8[%swap3A_164], %add3A_144 {strides = array<i32>} : memref<1024xf32, #tpu.memory_space<vmem>>, vector<16xf32>,
          %swap3A_166 = arith.index_cast %add3A_106 : i32 to index
          %swap3A_167 = tpu.vector_load %arg9[%swap3A_166] {strides = array<i32>} : memref<1024xf32, #tpu.memory_space<vmem>>, vector<16xf32>,
          tpu.vector_store %arg9[%swap3A_166], %div3A {strides = array<i32>} : memref<1024xf32, #tpu.memory_space<vmem>>, vector<16xf32>,
          scf.yield %add3A_139, %add3A_144, %div3A : vector<16xf32>, vector<16xf32>, vector<16xf32>
        }
        %scan3A_98 = arith.constant 7 : i32
        %scan3A_99 = arith.constant 0 : i32
        scf.yield %scan3A_99 : i32
      }
      %scan3A_69 = arith.constant 7 : i32
      %broadcast_in_dim3A_70 = arith.constant 0 : i32
      %broadcast_in_dim3A_71 = vector.broadcast %broadcast_in_dim3A_70 : i32 to vector<16xi32>
      %add3A_72 = arith.constant 7 : i32
      %add3A_73 = vector.broadcast %add3A_72 : i32 to vector<16xi32>
      %add3A_74 = arith.addi %broadcast_in_dim3A_71, %add3A_73 : vector<16xi32>
      %scan3A_75 = arith.constant 0 : i32
      %scan3A_76 = arith.constant 16 : i32
      %scan3A_77 = arith.addi %scan3A_75, %scan3A_76 : i32
      %scan3A_78 = arith.constant 1 : i32
      %scan3A_79:2 = scf.for %scan3A_81 = %scan3A_75 to %scan3A_77 step %scan3A_78 iter_args(%scan3A_82 = %add3A_74, %scan3A_83 = %add3A_74) -> (vector<16xi32>, vector<16xi32>)  : i32 {
        %mul3A_84 = arith.constant 16 : i32
        %mul3A_85 = arith.muli %scan3A_81, %mul3A_84 : i32
        %swap3A_86 = arith.index_cast %mul3A_85 : i32 to index
        %swap3A_87 = tpu.vector_load %arg10[%swap3A_86] {strides = array<i32>} : memref<512xi32, #tpu.memory_space<vmem>>, vector<16xi32>,
        tpu.vector_store %arg10[%swap3A_86], %scan3A_82 {strides = array<i32>} : memref<512xi32, #tpu.memory_space<vmem>>, vector<16xi32>,
        %mul3A_88 = arith.constant 16 : i32
        %mul3A_89 = arith.muli %scan3A_81, %mul3A_88 : i32
        %add3A_90 = arith.constant 256 : i32
        %add3A_91 = arith.addi %add3A_90, %mul3A_89 : i32
        %swap3A_92 = arith.index_cast %add3A_91 : i32 to index
        %swap3A_93 = tpu.vector_load %arg10[%swap3A_92] {strides = array<i32>} : memref<512xi32, #tpu.memory_space<vmem>>, vector<16xi32>,
        tpu.vector_store %arg10[%swap3A_92], %scan3A_83 {strides = array<i32>} : memref<512xi32, #tpu.memory_space<vmem>>, vector<16xi32>,
        %ge3A = arith.constant 0 : i32
        %ge3A_94 = vector.broadcast %ge3A : i32 to vector<16xi32>
        %ge3A_95 = arith.cmpi sge, %scan3A_82, %ge3A_94 : vector<16xi32>
        %jit3A = arith.constant 0 : i32
        %jit3A_96 = arith.constant 7 : i32
        %max3A = vector.broadcast %jit3A : i32 to vector<16xi32>
        %max3A_97 = arith.maxsi %max3A, %scan3A_82 : vector<16xi32>
        %min3A = vector.broadcast %jit3A_96 : i32 to vector<16xi32>
        %min3A_98 = arith.minsi %min3A, %max3A_97 : vector<16xi32>
        %jit3A_99 = arith.constant 0 : i32
        %jit3A_100 = arith.constant 7 : i32
        %max3A_101 = vector.broadcast %jit3A_99 : i32 to vector<16xi32>
        %max3A_102 = arith.maxsi %max3A_101, %scan3A_83 : vector<16xi32>
        %min3A_103 = vector.broadcast %jit3A_100 : i32 to vector<16xi32>
        %min3A_104 = arith.minsi %min3A_103, %max3A_102 : vector<16xi32>
        %mul3A_105 = arith.constant 8 : i32
        %mul3A_106 = vector.broadcast %mul3A_105 : i32 to vector<16xi32>
        %mul3A_107 = arith.muli %min3A_98, %mul3A_106 : vector<16xi32>
        %add3A_108 = arith.addi %mul3A_107, %min3A_104 : vector<16xi32>
        %mul3A_109 = arith.constant 16 : i32
        %mul3A_110 = vector.broadcast %mul3A_109 : i32 to vector<16xi32>
        %mul3A_111 = arith.muli %add3A_108, %mul3A_110 : vector<16xi32>
        %add3A_112 = arith.addi %mul3A_111, %iota3A : vector<16xi32>
        %gather3A_113 = tpu.vector_load_idx %arg6[%add3A_112] : memref<1024xf32, #tpu.memory_space<vmem>>[vector<16xi32>], vector<16xf32>,
        %convert_element_type3A_114 = arith.fptosi %gather3A_113 : vector<16xf32> to vector<16xi32>
        %gather3A_115 = tpu.vector_load_idx %arg7[%add3A_112] : memref<1024xf32, #tpu.memory_space<vmem>>[vector<16xi32>], vector<16xf32>,
        %convert_element_type3A_116 = arith.fptosi %gather3A_115 : vector<16xf32> to vector<16xi32>
        %select_n3A = arith.select %ge3A_95, %convert_element_type3A_114, %scan3A_82 : vector<16xi1>, vector<16xi32>
        %select_n3A_117 = arith.select %ge3A_95, %convert_element_type3A_116, %scan3A_83 : vector<16xi1>, vector<16xi32>
        scf.yield %select_n3A, %select_n3A_117 : vector<16xi32>, vector<16xi32>
      }
      %scan3A_80 = arith.constant 16 : i32
    } else {
    }
    %eq3A_12 = arith.constant 0 : i32
    %eq3A_13 = arith.cmpi eq, %arg0, %eq3A_12 : i32
    %lt3A_14 = arith.constant 4 : i32
    %lt3A_15 = arith.cmpi slt, %arg1, %lt3A_14 : i32
    %and3A_16 = arith.andi %eq3A_13, %lt3A_15 : i1
    %convert_element_type3A_17 = arith.extui %and3A_16 : i1 to i32
    %cond3A_18 = arith.constant 0 : i32
    %cond3A_19 = arith.cmpi ne, %convert_element_type3A_17, %cond3A_18 : i32
    scf.if %cond3A_19 {
      %and3A_29 = arith.constant 1 : i32
      %and3A_30 = arith.andi %arg1, %and3A_29 : i32
      %shift_right_arithmetic3A = arith.constant 1 : i32
      %shift_right_arithmetic3A_31 = arith.shrsi %arg1, %shift_right_arithmetic3A : i32
      %add3A = arith.constant 1 : i32
      %add3A_32 = arith.addi %add3A, %shift_right_arithmetic3A_31 : i32
      %sub3A = arith.constant 1 : i32
      %sub3A_33 = arith.subi %add3A_32, %sub3A : i32
      %mul3A = arith.constant 2 : i32
      %mul3A_34 = arith.muli %sub3A_33, %mul3A : i32
      %add3A_35 = arith.addi %mul3A_34, %and3A_30 : i32
      %add3A_36 = arith.constant 4 : i32
      %add3A_37 = arith.addi %add3A_36, %add3A_35 : i32
      %mul3A_38 = arith.constant 16 : i32
      %mul3A_39 = vector.broadcast %mul3A_38 : i32 to vector<16xi32>
      %mul3A_40 = arith.muli %iota3A, %mul3A_39 : vector<16xi32>
      %add3A_41 = vector.broadcast %add3A_37 : i32 to vector<16xi32>
      %add3A_42 = arith.addi %mul3A_40, %add3A_41 : vector<16xi32>
      %gather3A = tpu.vector_load_idx %arg10[%add3A_42] : memref<512xi32, #tpu.memory_space<vmem>>[vector<16xi32>], vector<16xi32>,
      %mul3A_43 = arith.constant 16 : i32
      %mul3A_44 = vector.broadcast %mul3A_43 : i32 to vector<16xi32>
      %mul3A_45 = arith.muli %iota3A, %mul3A_44 : vector<16xi32>
      %add3A_46 = arith.constant 256 : i32
      %add3A_47 = vector.broadcast %add3A_46 : i32 to vector<16xi32>
      %add3A_48 = arith.addi %add3A_47, %mul3A_45 : vector<16xi32>
      %add3A_49 = vector.broadcast %add3A_37 : i32 to vector<16xi32>
      %add3A_50 = arith.addi %add3A_48, %add3A_49 : vector<16xi32>
      %gather3A_51 = tpu.vector_load_idx %arg10[%add3A_50] : memref<512xi32, #tpu.memory_space<vmem>>[vector<16xi32>], vector<16xi32>,
      %ge3A = arith.constant 0 : i32
      %ge3A_52 = vector.broadcast %ge3A : i32 to vector<16xi32>
      %ge3A_53 = arith.cmpi sge, %gather3A, %ge3A_52 : vector<16xi32>
      %mul3A_54 = arith.constant 1024 : i32
      %mul3A_55 = arith.muli %and3A_30, %mul3A_54 : i32
      %jit3A = arith.constant 0 : i32
      %jit3A_56 = arith.constant 7 : i32
      %max3A = vector.broadcast %jit3A : i32 to vector<16xi32>
      %max3A_57 = arith.maxsi %max3A, %gather3A : vector<16xi32>
      %min3A = vector.broadcast %jit3A_56 : i32 to vector<16xi32>
      %min3A_58 = arith.minsi %min3A, %max3A_57 : vector<16xi32>
      %mul3A_59 = arith.constant 16 : i32
      %mul3A_60 = vector.broadcast %mul3A_59 : i32 to vector<16xi32>
      %mul3A_61 = arith.muli %min3A_58, %mul3A_60 : vector<16xi32>
      %add3A_62 = vector.broadcast %mul3A_55 : i32 to vector<16xi32>
      %add3A_63 = arith.addi %add3A_62, %mul3A_61 : vector<16xi32>
      %mul3A_64 = arith.constant 2 : i32
      %mul3A_65 = arith.muli %add3A_32, %mul3A_64 : i32
      %add3A_66 = arith.addi %mul3A_65, %and3A_30 : i32
      %mul3A_67 = arith.constant 1024 : i32
      %mul3A_68 = arith.muli %add3A_66, %mul3A_67 : i32
      %jit3A_69 = arith.constant 0 : i32
      %jit3A_70 = arith.constant 7 : i32
      %max3A_71 = vector.broadcast %jit3A_69 : i32 to vector<16xi32>
      %max3A_72 = arith.maxsi %max3A_71, %gather3A_51 : vector<16xi32>
      %min3A_73 = vector.broadcast %jit3A_70 : i32 to vector<16xi32>
      %min3A_74 = arith.minsi %min3A_73, %max3A_72 : vector<16xi32>
      %mul3A_75 = arith.constant 16 : i32
      %mul3A_76 = vector.broadcast %mul3A_75 : i32 to vector<16xi32>
      %mul3A_77 = arith.muli %min3A_74, %mul3A_76 : vector<16xi32>
      %add3A_78 = vector.broadcast %mul3A_68 : i32 to vector<16xi32>
      %add3A_79 = arith.addi %add3A_78, %mul3A_77 : vector<16xi32>
      %scan3A = arith.constant 0 : i32
      %scan3A_80 = arith.constant 0 : i32
      %scan3A_81 = arith.constant 7 : i32
      %scan3A_82 = arith.addi %scan3A_80, %scan3A_81 : i32
      %scan3A_83 = arith.constant 1 : i32
      %scan3A_84 = scf.for %scan3A_1162 = %scan3A_80 to %scan3A_82 step %scan3A_83 iter_args(%scan3A_1163 = %scan3A) -> (i32)  : i32 {
        %mul3A_1164 = arith.constant 2 : i32
        %mul3A_1165 = arith.muli %scan3A_1162, %mul3A_1164 : i32
        %mul3A_1166 = arith.constant 16 : i32
        %mul3A_1167 = arith.muli %mul3A_1165, %mul3A_1166 : i32
        %add3A_1168 = arith.addi %mul3A_1167, %add3A_35 : i32
        %broadcast_in_dim3A_1169 = arith.constant 0 : i32
        %broadcast_in_dim3A_1170 = vector.broadcast %broadcast_in_dim3A_1169 : i32 to vector<16xi32>
        %add3A_1171 = vector.broadcast %add3A_1168 : i32 to vector<16xi32>
        %add3A_1172 = arith.addi %broadcast_in_dim3A_1170, %add3A_1171 : vector<16xi32>
        %gather3A_1173 = tpu.vector_load_idx %arg10[%add3A_1172] : memref<512xi32, #tpu.memory_space<vmem>>[vector<16xi32>], vector<16xi32>,
        %mul3A_1174 = arith.constant 16 : i32
        %mul3A_1175 = arith.muli %mul3A_1165, %mul3A_1174 : i32
        %add3A_1176 = arith.constant 256 : i32
        %add3A_1177 = arith.addi %add3A_1176, %mul3A_1175 : i32
        %add3A_1178 = arith.addi %add3A_1177, %add3A_35 : i32
        %broadcast_in_dim3A_1179 = arith.constant 0 : i32
        %broadcast_in_dim3A_1180 = vector.broadcast %broadcast_in_dim3A_1179 : i32 to vector<16xi32>
        %add3A_1181 = vector.broadcast %add3A_1178 : i32 to vector<16xi32>
        %add3A_1182 = arith.addi %broadcast_in_dim3A_1180, %add3A_1181 : vector<16xi32>
        %gather3A_1183 = tpu.vector_load_idx %arg10[%add3A_1182] : memref<512xi32, #tpu.memory_space<vmem>>[vector<16xi32>], vector<16xi32>,
        %ge3A_1184 = arith.constant 0 : i32
        %ge3A_1185 = vector.broadcast %ge3A_1184 : i32 to vector<16xi32>
        %ge3A_1186 = arith.cmpi sge, %gather3A_1173, %ge3A_1185 : vector<16xi32>
        %jit3A_1187 = arith.constant 0 : i32
        %jit3A_1188 = arith.constant 7 : i32
        %max3A_1189 = vector.broadcast %jit3A_1187 : i32 to vector<16xi32>
        %max3A_1190 = arith.maxsi %max3A_1189, %gather3A_1173 : vector<16xi32>
        %min3A_1191 = vector.broadcast %jit3A_1188 : i32 to vector<16xi32>
        %min3A_1192 = arith.minsi %min3A_1191, %max3A_1190 : vector<16xi32>
        %mul3A_1193 = arith.constant 128 : i32
        %mul3A_1194 = vector.broadcast %mul3A_1193 : i32 to vector<16xi32>
        %mul3A_1195 = arith.muli %min3A_1192, %mul3A_1194 : vector<16xi32>
        %add3A_1196 = arith.addi %add3A_63, %mul3A_1195 : vector<16xi32>
        %jit3A_1197 = arith.constant 0 : i32
        %jit3A_1198 = arith.constant 7 : i32
        %max3A_1199 = vector.broadcast %jit3A_1197 : i32 to vector<16xi32>
        %max3A_1200 = arith.maxsi %max3A_1199, %gather3A_1183 : vector<16xi32>
        %min3A_1201 = vector.broadcast %jit3A_1198 : i32 to vector<16xi32>
        %min3A_1202 = arith.minsi %min3A_1201, %max3A_1200 : vector<16xi32>
        %mul3A_1203 = arith.constant 128 : i32
        %mul3A_1204 = vector.broadcast %mul3A_1203 : i32 to vector<16xi32>
        %mul3A_1205 = arith.muli %min3A_1202, %mul3A_1204 : vector<16xi32>
        %add3A_1206 = arith.addi %add3A_79, %mul3A_1205 : vector<16xi32>
        %add3A_1207 = arith.constant 0 : i32
        %add3A_1208 = vector.broadcast %add3A_1207 : i32 to vector<16xi32>
        %add3A_1209 = arith.addi %add3A_1196, %add3A_1208 : vector<16xi32>
        %gather3A_1210 = tpu.vector_load_idx %arg4[%add3A_1209] : memref<6144xf32, #tpu.memory_space<vmem>>[vector<16xi32>], vector<16xf32>,
        %add3A_1211 = arith.constant 0 : i32
        %add3A_1212 = vector.broadcast %add3A_1211 : i32 to vector<16xi32>
        %add3A_1213 = arith.addi %add3A_1206, %add3A_1212 : vector<16xi32>
        %gather3A_1214 = tpu.vector_load_idx %arg4[%add3A_1213] : memref<6144xf32, #tpu.memory_space<vmem>>[vector<16xi32>], vector<16xf32>,
        %sub3A_1215 = arith.subf %gather3A_1210, %gather3A_1214 : vector<16xf32>
        %mul3A_1216 = arith.mulf %sub3A_1215, %sub3A_1215 : vector<16xf32>
        %add3A_1217 = arith.addf %broadcast_in_dim3A_0, %mul3A_1216 : vector<16xf32>
        %add3A_1218 = arith.constant 1 : i32
        %add3A_1219 = vector.broadcast %add3A_1218 : i32 to vector<16xi32>
        %add3A_1220 = arith.addi %add3A_1196, %add3A_1219 : vector<16xi32>
        %gather3A_1221 = tpu.vector_load_idx %arg4[%add3A_1220] : memref<6144xf32, #tpu.memory_space<vmem>>[vector<16xi32>], vector<16xf32>,
        %add3A_1222 = arith.constant 1 : i32
        %add3A_1223 = vector.broadcast %add3A_1222 : i32 to vector<16xi32>
        %add3A_1224 = arith.addi %add3A_1206, %add3A_1223 : vector<16xi32>
        %gather3A_1225 = tpu.vector_load_idx %arg4[%add3A_1224] : memref<6144xf32, #tpu.memory_space<vmem>>[vector<16xi32>], vector<16xf32>,
        %sub3A_1226 = arith.subf %gather3A_1221, %gather3A_1225 : vector<16xf32>
        %mul3A_1227 = arith.mulf %sub3A_1226, %sub3A_1226 : vector<16xf32>
        %add3A_1228 = arith.addf %add3A_1217, %mul3A_1227 : vector<16xf32>
        %add3A_1229 = arith.constant 2 : i32
        %add3A_1230 = vector.broadcast %add3A_1229 : i32 to vector<16xi32>
        %add3A_1231 = arith.addi %add3A_1196, %add3A_1230 : vector<16xi32>
        %gather3A_1232 = tpu.vector_load_idx %arg4[%add3A_1231] : memref<6144xf32, #tpu.memory_space<vmem>>[vector<16xi32>], vector<16xf32>,
        %add3A_1233 = arith.constant 2 : i32
        %add3A_1234 = vector.broadcast %add3A_1233 : i32 to vector<16xi32>
        %add3A_1235 = arith.addi %add3A_1206, %add3A_1234 : vector<16xi32>
        %gather3A_1236 = tpu.vector_load_idx %arg4[%add3A_1235] : memref<6144xf32, #tpu.memory_space<vmem>>[vector<16xi32>], vector<16xf32>,
        %sub3A_1237 = arith.subf %gather3A_1232, %gather3A_1236 : vector<16xf32>
        %mul3A_1238 = arith.mulf %sub3A_1237, %sub3A_1237 : vector<16xf32>
        %add3A_1239 = arith.addf %add3A_1228, %mul3A_1238 : vector<16xf32>
        %add3A_1240 = arith.constant 3 : i32
        %add3A_1241 = vector.broadcast %add3A_1240 : i32 to vector<16xi32>
        %add3A_1242 = arith.addi %add3A_1196, %add3A_1241 : vector<16xi32>
        %gather3A_1243 = tpu.vector_load_idx %arg4[%add3A_1242] : memref<6144xf32, #tpu.memory_space<vmem>>[vector<16xi32>], vector<16xf32>,
        %add3A_1244 = arith.constant 3 : i32
        %add3A_1245 = vector.broadcast %add3A_1244 : i32 to vector<16xi32>
        %add3A_1246 = arith.addi %add3A_1206, %add3A_1245 : vector<16xi32>
        %gather3A_1247 = tpu.vector_load_idx %arg4[%add3A_1246] : memref<6144xf32, #tpu.memory_space<vmem>>[vector<16xi32>], vector<16xf32>,
        %sub3A_1248 = arith.subf %gather3A_1243, %gather3A_1247 : vector<16xf32>
        %mul3A_1249 = arith.mulf %sub3A_1248, %sub3A_1248 : vector<16xf32>
        %add3A_1250 = arith.addf %add3A_1239, %mul3A_1249 : vector<16xf32>
        %add3A_1251 = arith.constant 4 : i32
        %add3A_1252 = vector.broadcast %add3A_1251 : i32 to vector<16xi32>
        %add3A_1253 = arith.addi %add3A_1196, %add3A_1252 : vector<16xi32>
        %gather3A_1254 = tpu.vector_load_idx %arg4[%add3A_1253] : memref<6144xf32, #tpu.memory_space<vmem>>[vector<16xi32>], vector<16xf32>,
        %add3A_1255 = arith.constant 4 : i32
        %add3A_1256 = vector.broadcast %add3A_1255 : i32 to vector<16xi32>
        %add3A_1257 = arith.addi %add3A_1206, %add3A_1256 : vector<16xi32>
        %gather3A_1258 = tpu.vector_load_idx %arg4[%add3A_1257] : memref<6144xf32, #tpu.memory_space<vmem>>[vector<16xi32>], vector<16xf32>,
        %sub3A_1259 = arith.subf %gather3A_1254, %gather3A_1258 : vector<16xf32>
        %mul3A_1260 = arith.mulf %sub3A_1259, %sub3A_1259 : vector<16xf32>
        %add3A_1261 = arith.addf %add3A_1250, %mul3A_1260 : vector<16xf32>
        %add3A_1262 = arith.constant 5 : i32
        %add3A_1263 = vector.broadcast %add3A_1262 : i32 to vector<16xi32>
        %add3A_1264 = arith.addi %add3A_1196, %add3A_1263 : vector<16xi32>
        %gather3A_1265 = tpu.vector_load_idx %arg4[%add3A_1264] : memref<6144xf32, #tpu.memory_space<vmem>>[vector<16xi32>], vector<16xf32>,
        %add3A_1266 = arith.constant 5 : i32
        %add3A_1267 = vector.broadcast %add3A_1266 : i32 to vector<16xi32>
        %add3A_1268 = arith.addi %add3A_1206, %add3A_1267 : vector<16xi32>
        %gather3A_1269 = tpu.vector_load_idx %arg4[%add3A_1268] : memref<6144xf32, #tpu.memory_space<vmem>>[vector<16xi32>], vector<16xf32>,
        %sub3A_1270 = arith.subf %gather3A_1265, %gather3A_1269 : vector<16xf32>
        %mul3A_1271 = arith.mulf %sub3A_1270, %sub3A_1270 : vector<16xf32>
        %add3A_1272 = arith.addf %add3A_1261, %mul3A_1271 : vector<16xf32>
        %add3A_1273 = arith.constant 6 : i32
        %add3A_1274 = vector.broadcast %add3A_1273 : i32 to vector<16xi32>
        %add3A_1275 = arith.addi %add3A_1196, %add3A_1274 : vector<16xi32>
        %gather3A_1276 = tpu.vector_load_idx %arg4[%add3A_1275] : memref<6144xf32, #tpu.memory_space<vmem>>[vector<16xi32>], vector<16xf32>,
        %add3A_1277 = arith.constant 6 : i32
        %add3A_1278 = vector.broadcast %add3A_1277 : i32 to vector<16xi32>
        %add3A_1279 = arith.addi %add3A_1206, %add3A_1278 : vector<16xi32>
        %gather3A_1280 = tpu.vector_load_idx %arg4[%add3A_1279] : memref<6144xf32, #tpu.memory_space<vmem>>[vector<16xi32>], vector<16xf32>,
        %sub3A_1281 = arith.subf %gather3A_1276, %gather3A_1280 : vector<16xf32>
        %mul3A_1282 = arith.mulf %sub3A_1281, %sub3A_1281 : vector<16xf32>
        %add3A_1283 = arith.addf %add3A_1272, %mul3A_1282 : vector<16xf32>
        %add3A_1284 = arith.constant 7 : i32
        %add3A_1285 = vector.broadcast %add3A_1284 : i32 to vector<16xi32>
        %add3A_1286 = arith.addi %add3A_1196, %add3A_1285 : vector<16xi32>
        %gather3A_1287 = tpu.vector_load_idx %arg4[%add3A_1286] : memref<6144xf32, #tpu.memory_space<vmem>>[vector<16xi32>], vector<16xf32>,
        %add3A_1288 = arith.constant 7 : i32
        %add3A_1289 = vector.broadcast %add3A_1288 : i32 to vector<16xi32>
        %add3A_1290 = arith.addi %add3A_1206, %add3A_1289 : vector<16xi32>
        %gather3A_1291 = tpu.vector_load_idx %arg4[%add3A_1290] : memref<6144xf32, #tpu.memory_space<vmem>>[vector<16xi32>], vector<16xf32>,
        %sub3A_1292 = arith.subf %gather3A_1287, %gather3A_1291 : vector<16xf32>
        %mul3A_1293 = arith.mulf %sub3A_1292, %sub3A_1292 : vector<16xf32>
        %add3A_1294 = arith.addf %add3A_1283, %mul3A_1293 : vector<16xf32>
        %add3A_1295 = arith.constant 8 : i32
        %add3A_1296 = vector.broadcast %add3A_1295 : i32 to vector<16xi32>
        %add3A_1297 = arith.addi %add3A_1196, %add3A_1296 : vector<16xi32>
        %gather3A_1298 = tpu.vector_load_idx %arg4[%add3A_1297] : memref<6144xf32, #tpu.memory_space<vmem>>[vector<16xi32>], vector<16xf32>,
        %add3A_1299 = arith.constant 8 : i32
        %add3A_1300 = vector.broadcast %add3A_1299 : i32 to vector<16xi32>
        %add3A_1301 = arith.addi %add3A_1206, %add3A_1300 : vector<16xi32>
        %gather3A_1302 = tpu.vector_load_idx %arg4[%add3A_1301] : memref<6144xf32, #tpu.memory_space<vmem>>[vector<16xi32>], vector<16xf32>,
        %sub3A_1303 = arith.subf %gather3A_1298, %gather3A_1302 : vector<16xf32>
        %mul3A_1304 = arith.mulf %sub3A_1303, %sub3A_1303 : vector<16xf32>
        %add3A_1305 = arith.addf %add3A_1294, %mul3A_1304 : vector<16xf32>
        %add3A_1306 = arith.constant 9 : i32
        %add3A_1307 = vector.broadcast %add3A_1306 : i32 to vector<16xi32>
        %add3A_1308 = arith.addi %add3A_1196, %add3A_1307 : vector<16xi32>
        %gather3A_1309 = tpu.vector_load_idx %arg4[%add3A_1308] : memref<6144xf32, #tpu.memory_space<vmem>>[vector<16xi32>], vector<16xf32>,
        %add3A_1310 = arith.constant 9 : i32
        %add3A_1311 = vector.broadcast %add3A_1310 : i32 to vector<16xi32>
        %add3A_1312 = arith.addi %add3A_1206, %add3A_1311 : vector<16xi32>
        %gather3A_1313 = tpu.vector_load_idx %arg4[%add3A_1312] : memref<6144xf32, #tpu.memory_space<vmem>>[vector<16xi32>], vector<16xf32>,
        %sub3A_1314 = arith.subf %gather3A_1309, %gather3A_1313 : vector<16xf32>
        %mul3A_1315 = arith.mulf %sub3A_1314, %sub3A_1314 : vector<16xf32>
        %add3A_1316 = arith.addf %add3A_1305, %mul3A_1315 : vector<16xf32>
        %add3A_1317 = arith.constant 10 : i32
        %add3A_1318 = vector.broadcast %add3A_1317 : i32 to vector<16xi32>
        %add3A_1319 = arith.addi %add3A_1196, %add3A_1318 : vector<16xi32>
        %gather3A_1320 = tpu.vector_load_idx %arg4[%add3A_1319] : memref<6144xf32, #tpu.memory_space<vmem>>[vector<16xi32>], vector<16xf32>,
        %add3A_1321 = arith.constant 10 : i32
        %add3A_1322 = vector.broadcast %add3A_1321 : i32 to vector<16xi32>
        %add3A_1323 = arith.addi %add3A_1206, %add3A_1322 : vector<16xi32>
        %gather3A_1324 = tpu.vector_load_idx %arg4[%add3A_1323] : memref<6144xf32, #tpu.memory_space<vmem>>[vector<16xi32>], vector<16xf32>,
        %sub3A_1325 = arith.subf %gather3A_1320, %gather3A_1324 : vector<16xf32>
        %mul3A_1326 = arith.mulf %sub3A_1325, %sub3A_1325 : vector<16xf32>
        %add3A_1327 = arith.addf %add3A_1316, %mul3A_1326 : vector<16xf32>
        %add3A_1328 = arith.constant 11 : i32
        %add3A_1329 = vector.broadcast %add3A_1328 : i32 to vector<16xi32>
        %add3A_1330 = arith.addi %add3A_1196, %add3A_1329 : vector<16xi32>
        %gather3A_1331 = tpu.vector_load_idx %arg4[%add3A_1330] : memref<6144xf32, #tpu.memory_space<vmem>>[vector<16xi32>], vector<16xf32>,
        %add3A_1332 = arith.constant 11 : i32
        %add3A_1333 = vector.broadcast %add3A_1332 : i32 to vector<16xi32>
        %add3A_1334 = arith.addi %add3A_1206, %add3A_1333 : vector<16xi32>
        %gather3A_1335 = tpu.vector_load_idx %arg4[%add3A_1334] : memref<6144xf32, #tpu.memory_space<vmem>>[vector<16xi32>], vector<16xf32>,
        %sub3A_1336 = arith.subf %gather3A_1331, %gather3A_1335 : vector<16xf32>
        %mul3A_1337 = arith.mulf %sub3A_1336, %sub3A_1336 : vector<16xf32>
        %add3A_1338 = arith.addf %add3A_1327, %mul3A_1337 : vector<16xf32>
        %add3A_1339 = arith.constant 12 : i32
        %add3A_1340 = vector.broadcast %add3A_1339 : i32 to vector<16xi32>
        %add3A_1341 = arith.addi %add3A_1196, %add3A_1340 : vector<16xi32>
        %gather3A_1342 = tpu.vector_load_idx %arg4[%add3A_1341] : memref<6144xf32, #tpu.memory_space<vmem>>[vector<16xi32>], vector<16xf32>,
        %add3A_1343 = arith.constant 12 : i32
        %add3A_1344 = vector.broadcast %add3A_1343 : i32 to vector<16xi32>
        %add3A_1345 = arith.addi %add3A_1206, %add3A_1344 : vector<16xi32>
        %gather3A_1346 = tpu.vector_load_idx %arg4[%add3A_1345] : memref<6144xf32, #tpu.memory_space<vmem>>[vector<16xi32>], vector<16xf32>,
        %sub3A_1347 = arith.subf %gather3A_1342, %gather3A_1346 : vector<16xf32>
        %mul3A_1348 = arith.mulf %sub3A_1347, %sub3A_1347 : vector<16xf32>
        %add3A_1349 = arith.addf %add3A_1338, %mul3A_1348 : vector<16xf32>
        %add3A_1350 = arith.constant 13 : i32
        %add3A_1351 = vector.broadcast %add3A_1350 : i32 to vector<16xi32>
        %add3A_1352 = arith.addi %add3A_1196, %add3A_1351 : vector<16xi32>
        %gather3A_1353 = tpu.vector_load_idx %arg4[%add3A_1352] : memref<6144xf32, #tpu.memory_space<vmem>>[vector<16xi32>], vector<16xf32>,
        %add3A_1354 = arith.constant 13 : i32
        %add3A_1355 = vector.broadcast %add3A_1354 : i32 to vector<16xi32>
        %add3A_1356 = arith.addi %add3A_1206, %add3A_1355 : vector<16xi32>
        %gather3A_1357 = tpu.vector_load_idx %arg4[%add3A_1356] : memref<6144xf32, #tpu.memory_space<vmem>>[vector<16xi32>], vector<16xf32>,
        %sub3A_1358 = arith.subf %gather3A_1353, %gather3A_1357 : vector<16xf32>
        %mul3A_1359 = arith.mulf %sub3A_1358, %sub3A_1358 : vector<16xf32>
        %add3A_1360 = arith.addf %add3A_1349, %mul3A_1359 : vector<16xf32>
        %add3A_1361 = arith.constant 14 : i32
        %add3A_1362 = vector.broadcast %add3A_1361 : i32 to vector<16xi32>
        %add3A_1363 = arith.addi %add3A_1196, %add3A_1362 : vector<16xi32>
        %gather3A_1364 = tpu.vector_load_idx %arg4[%add3A_1363] : memref<6144xf32, #tpu.memory_space<vmem>>[vector<16xi32>], vector<16xf32>,
        %add3A_1365 = arith.constant 14 : i32
        %add3A_1366 = vector.broadcast %add3A_1365 : i32 to vector<16xi32>
        %add3A_1367 = arith.addi %add3A_1206, %add3A_1366 : vector<16xi32>
        %gather3A_1368 = tpu.vector_load_idx %arg4[%add3A_1367] : memref<6144xf32, #tpu.memory_space<vmem>>[vector<16xi32>], vector<16xf32>,
        %sub3A_1369 = arith.subf %gather3A_1364, %gather3A_1368 : vector<16xf32>
        %mul3A_1370 = arith.mulf %sub3A_1369, %sub3A_1369 : vector<16xf32>
        %add3A_1371 = arith.addf %add3A_1360, %mul3A_1370 : vector<16xf32>
        %add3A_1372 = arith.constant 15 : i32
        %add3A_1373 = vector.broadcast %add3A_1372 : i32 to vector<16xi32>
        %add3A_1374 = arith.addi %add3A_1196, %add3A_1373 : vector<16xi32>
        %gather3A_1375 = tpu.vector_load_idx %arg4[%add3A_1374] : memref<6144xf32, #tpu.memory_space<vmem>>[vector<16xi32>], vector<16xf32>,
        %add3A_1376 = arith.constant 15 : i32
        %add3A_1377 = vector.broadcast %add3A_1376 : i32 to vector<16xi32>
        %add3A_1378 = arith.addi %add3A_1206, %add3A_1377 : vector<16xi32>
        %gather3A_1379 = tpu.vector_load_idx %arg4[%add3A_1378] : memref<6144xf32, #tpu.memory_space<vmem>>[vector<16xi32>], vector<16xf32>,
        %sub3A_1380 = arith.subf %gather3A_1375, %gather3A_1379 : vector<16xf32>
        %mul3A_1381 = arith.mulf %sub3A_1380, %sub3A_1380 : vector<16xf32>
        %add3A_1382 = arith.addf %add3A_1371, %mul3A_1381 : vector<16xf32>
        %and3A_1383 = arith.andi %ge3A_1186, %ge3A_53 : vector<16xi1>
        %select_n3A_1384 = arith.select %and3A_1383, %add3A_1382, %broadcast_in_dim3A_0 : vector<16xi1>, vector<16xf32>
        %mul3A_1385 = arith.constant 16 : i32
        %mul3A_1386 = arith.muli %mul3A_1165, %mul3A_1385 : i32
        %swap3A_1387 = arith.index_cast %mul3A_1386 : i32 to index
        %swap3A_1388 = tpu.vector_load %arg11[%swap3A_1387] {strides = array<i32>} : memref<256xf32, #tpu.memory_space<vmem>>, vector<16xf32>,
        tpu.vector_store %arg11[%swap3A_1387], %select_n3A_1384 {strides = array<i32>} : memref<256xf32, #tpu.memory_space<vmem>>, vector<16xf32>,
        %mul3A_1389 = arith.constant 2 : i32
        %mul3A_1390 = arith.muli %scan3A_1162, %mul3A_1389 : i32
        %add3A_1391 = arith.constant 1 : i32
        %add3A_1392 = arith.addi %mul3A_1390, %add3A_1391 : i32
        %mul3A_1393 = arith.constant 16 : i32
        %mul3A_1394 = arith.muli %add3A_1392, %mul3A_1393 : i32
        %add3A_1395 = arith.addi %mul3A_1394, %add3A_35 : i32
        %broadcast_in_dim3A_1396 = arith.constant 0 : i32
        %broadcast_in_dim3A_1397 = vector.broadcast %broadcast_in_dim3A_1396 : i32 to vector<16xi32>
        %add3A_1398 = vector.broadcast %add3A_1395 : i32 to vector<16xi32>
        %add3A_1399 = arith.addi %broadcast_in_dim3A_1397, %add3A_1398 : vector<16xi32>
        %gather3A_1400 = tpu.vector_load_idx %arg10[%add3A_1399] : memref<512xi32, #tpu.memory_space<vmem>>[vector<16xi32>], vector<16xi32>,
        %mul3A_1401 = arith.constant 16 : i32
        %mul3A_1402 = arith.muli %add3A_1392, %mul3A_1401 : i32
        %add3A_1403 = arith.constant 256 : i32
        %add3A_1404 = arith.addi %add3A_1403, %mul3A_1402 : i32
        %add3A_1405 = arith.addi %add3A_1404, %add3A_35 : i32
        %broadcast_in_dim3A_1406 = arith.constant 0 : i32
        %broadcast_in_dim3A_1407 = vector.broadcast %broadcast_in_dim3A_1406 : i32 to vector<16xi32>
        %add3A_1408 = vector.broadcast %add3A_1405 : i32 to vector<16xi32>
        %add3A_1409 = arith.addi %broadcast_in_dim3A_1407, %add3A_1408 : vector<16xi32>
        %gather3A_1410 = tpu.vector_load_idx %arg10[%add3A_1409] : memref<512xi32, #tpu.memory_space<vmem>>[vector<16xi32>], vector<16xi32>,
        %ge3A_1411 = arith.constant 0 : i32
        %ge3A_1412 = vector.broadcast %ge3A_1411 : i32 to vector<16xi32>
        %ge3A_1413 = arith.cmpi sge, %gather3A_1400, %ge3A_1412 : vector<16xi32>
        %jit3A_1414 = arith.constant 0 : i32
        %jit3A_1415 = arith.constant 7 : i32
        %max3A_1416 = vector.broadcast %jit3A_1414 : i32 to vector<16xi32>
        %max3A_1417 = arith.maxsi %max3A_1416, %gather3A_1400 : vector<16xi32>
        %min3A_1418 = vector.broadcast %jit3A_1415 : i32 to vector<16xi32>
        %min3A_1419 = arith.minsi %min3A_1418, %max3A_1417 : vector<16xi32>
        %mul3A_1420 = arith.constant 128 : i32
        %mul3A_1421 = vector.broadcast %mul3A_1420 : i32 to vector<16xi32>
        %mul3A_1422 = arith.muli %min3A_1419, %mul3A_1421 : vector<16xi32>
        %add3A_1423 = arith.addi %add3A_63, %mul3A_1422 : vector<16xi32>
        %jit3A_1424 = arith.constant 0 : i32
        %jit3A_1425 = arith.constant 7 : i32
        %max3A_1426 = vector.broadcast %jit3A_1424 : i32 to vector<16xi32>
        %max3A_1427 = arith.maxsi %max3A_1426, %gather3A_1410 : vector<16xi32>
        %min3A_1428 = vector.broadcast %jit3A_1425 : i32 to vector<16xi32>
        %min3A_1429 = arith.minsi %min3A_1428, %max3A_1427 : vector<16xi32>
        %mul3A_1430 = arith.constant 128 : i32
        %mul3A_1431 = vector.broadcast %mul3A_1430 : i32 to vector<16xi32>
        %mul3A_1432 = arith.muli %min3A_1429, %mul3A_1431 : vector<16xi32>
        %add3A_1433 = arith.addi %add3A_79, %mul3A_1432 : vector<16xi32>
        %add3A_1434 = arith.constant 0 : i32
        %add3A_1435 = vector.broadcast %add3A_1434 : i32 to vector<16xi32>
        %add3A_1436 = arith.addi %add3A_1423, %add3A_1435 : vector<16xi32>
        %gather3A_1437 = tpu.vector_load_idx %arg4[%add3A_1436] : memref<6144xf32, #tpu.memory_space<vmem>>[vector<16xi32>], vector<16xf32>,
        %add3A_1438 = arith.constant 0 : i32
        %add3A_1439 = vector.broadcast %add3A_1438 : i32 to vector<16xi32>
        %add3A_1440 = arith.addi %add3A_1433, %add3A_1439 : vector<16xi32>
        %gather3A_1441 = tpu.vector_load_idx %arg4[%add3A_1440] : memref<6144xf32, #tpu.memory_space<vmem>>[vector<16xi32>], vector<16xf32>,
        %sub3A_1442 = arith.subf %gather3A_1437, %gather3A_1441 : vector<16xf32>
        %mul3A_1443 = arith.mulf %sub3A_1442, %sub3A_1442 : vector<16xf32>
        %add3A_1444 = arith.addf %broadcast_in_dim3A_0, %mul3A_1443 : vector<16xf32>
        %add3A_1445 = arith.constant 1 : i32
        %add3A_1446 = vector.broadcast %add3A_1445 : i32 to vector<16xi32>
        %add3A_1447 = arith.addi %add3A_1423, %add3A_1446 : vector<16xi32>
        %gather3A_1448 = tpu.vector_load_idx %arg4[%add3A_1447] : memref<6144xf32, #tpu.memory_space<vmem>>[vector<16xi32>], vector<16xf32>,
        %add3A_1449 = arith.constant 1 : i32
        %add3A_1450 = vector.broadcast %add3A_1449 : i32 to vector<16xi32>
        %add3A_1451 = arith.addi %add3A_1433, %add3A_1450 : vector<16xi32>
        %gather3A_1452 = tpu.vector_load_idx %arg4[%add3A_1451] : memref<6144xf32, #tpu.memory_space<vmem>>[vector<16xi32>], vector<16xf32>,
        %sub3A_1453 = arith.subf %gather3A_1448, %gather3A_1452 : vector<16xf32>
        %mul3A_1454 = arith.mulf %sub3A_1453, %sub3A_1453 : vector<16xf32>
        %add3A_1455 = arith.addf %add3A_1444, %mul3A_1454 : vector<16xf32>
        %add3A_1456 = arith.constant 2 : i32
        %add3A_1457 = vector.broadcast %add3A_1456 : i32 to vector<16xi32>
        %add3A_1458 = arith.addi %add3A_1423, %add3A_1457 : vector<16xi32>
        %gather3A_1459 = tpu.vector_load_idx %arg4[%add3A_1458] : memref<6144xf32, #tpu.memory_space<vmem>>[vector<16xi32>], vector<16xf32>,
        %add3A_1460 = arith.constant 2 : i32
        %add3A_1461 = vector.broadcast %add3A_1460 : i32 to vector<16xi32>
        %add3A_1462 = arith.addi %add3A_1433, %add3A_1461 : vector<16xi32>
        %gather3A_1463 = tpu.vector_load_idx %arg4[%add3A_1462] : memref<6144xf32, #tpu.memory_space<vmem>>[vector<16xi32>], vector<16xf32>,
        %sub3A_1464 = arith.subf %gather3A_1459, %gather3A_1463 : vector<16xf32>
        %mul3A_1465 = arith.mulf %sub3A_1464, %sub3A_1464 : vector<16xf32>
        %add3A_1466 = arith.addf %add3A_1455, %mul3A_1465 : vector<16xf32>
        %add3A_1467 = arith.constant 3 : i32
        %add3A_1468 = vector.broadcast %add3A_1467 : i32 to vector<16xi32>
        %add3A_1469 = arith.addi %add3A_1423, %add3A_1468 : vector<16xi32>
        %gather3A_1470 = tpu.vector_load_idx %arg4[%add3A_1469] : memref<6144xf32, #tpu.memory_space<vmem>>[vector<16xi32>], vector<16xf32>,
        %add3A_1471 = arith.constant 3 : i32
        %add3A_1472 = vector.broadcast %add3A_1471 : i32 to vector<16xi32>
        %add3A_1473 = arith.addi %add3A_1433, %add3A_1472 : vector<16xi32>
        %gather3A_1474 = tpu.vector_load_idx %arg4[%add3A_1473] : memref<6144xf32, #tpu.memory_space<vmem>>[vector<16xi32>], vector<16xf32>,
        %sub3A_1475 = arith.subf %gather3A_1470, %gather3A_1474 : vector<16xf32>
        %mul3A_1476 = arith.mulf %sub3A_1475, %sub3A_1475 : vector<16xf32>
        %add3A_1477 = arith.addf %add3A_1466, %mul3A_1476 : vector<16xf32>
        %add3A_1478 = arith.constant 4 : i32
        %add3A_1479 = vector.broadcast %add3A_1478 : i32 to vector<16xi32>
        %add3A_1480 = arith.addi %add3A_1423, %add3A_1479 : vector<16xi32>
        %gather3A_1481 = tpu.vector_load_idx %arg4[%add3A_1480] : memref<6144xf32, #tpu.memory_space<vmem>>[vector<16xi32>], vector<16xf32>,
        %add3A_1482 = arith.constant 4 : i32
        %add3A_1483 = vector.broadcast %add3A_1482 : i32 to vector<16xi32>
        %add3A_1484 = arith.addi %add3A_1433, %add3A_1483 : vector<16xi32>
        %gather3A_1485 = tpu.vector_load_idx %arg4[%add3A_1484] : memref<6144xf32, #tpu.memory_space<vmem>>[vector<16xi32>], vector<16xf32>,
        %sub3A_1486 = arith.subf %gather3A_1481, %gather3A_1485 : vector<16xf32>
        %mul3A_1487 = arith.mulf %sub3A_1486, %sub3A_1486 : vector<16xf32>
        %add3A_1488 = arith.addf %add3A_1477, %mul3A_1487 : vector<16xf32>
        %add3A_1489 = arith.constant 5 : i32
        %add3A_1490 = vector.broadcast %add3A_1489 : i32 to vector<16xi32>
        %add3A_1491 = arith.addi %add3A_1423, %add3A_1490 : vector<16xi32>
        %gather3A_1492 = tpu.vector_load_idx %arg4[%add3A_1491] : memref<6144xf32, #tpu.memory_space<vmem>>[vector<16xi32>], vector<16xf32>,
        %add3A_1493 = arith.constant 5 : i32
        %add3A_1494 = vector.broadcast %add3A_1493 : i32 to vector<16xi32>
        %add3A_1495 = arith.addi %add3A_1433, %add3A_1494 : vector<16xi32>
        %gather3A_1496 = tpu.vector_load_idx %arg4[%add3A_1495] : memref<6144xf32, #tpu.memory_space<vmem>>[vector<16xi32>], vector<16xf32>,
        %sub3A_1497 = arith.subf %gather3A_1492, %gather3A_1496 : vector<16xf32>
        %mul3A_1498 = arith.mulf %sub3A_1497, %sub3A_1497 : vector<16xf32>
        %add3A_1499 = arith.addf %add3A_1488, %mul3A_1498 : vector<16xf32>
        %add3A_1500 = arith.constant 6 : i32
        %add3A_1501 = vector.broadcast %add3A_1500 : i32 to vector<16xi32>
        %add3A_1502 = arith.addi %add3A_1423, %add3A_1501 : vector<16xi32>
        %gather3A_1503 = tpu.vector_load_idx %arg4[%add3A_1502] : memref<6144xf32, #tpu.memory_space<vmem>>[vector<16xi32>], vector<16xf32>,
        %add3A_1504 = arith.constant 6 : i32
        %add3A_1505 = vector.broadcast %add3A_1504 : i32 to vector<16xi32>
        %add3A_1506 = arith.addi %add3A_1433, %add3A_1505 : vector<16xi32>
        %gather3A_1507 = tpu.vector_load_idx %arg4[%add3A_1506] : memref<6144xf32, #tpu.memory_space<vmem>>[vector<16xi32>], vector<16xf32>,
        %sub3A_1508 = arith.subf %gather3A_1503, %gather3A_1507 : vector<16xf32>
        %mul3A_1509 = arith.mulf %sub3A_1508, %sub3A_1508 : vector<16xf32>
        %add3A_1510 = arith.addf %add3A_1499, %mul3A_1509 : vector<16xf32>
        %add3A_1511 = arith.constant 7 : i32
        %add3A_1512 = vector.broadcast %add3A_1511 : i32 to vector<16xi32>
        %add3A_1513 = arith.addi %add3A_1423, %add3A_1512 : vector<16xi32>
        %gather3A_1514 = tpu.vector_load_idx %arg4[%add3A_1513] : memref<6144xf32, #tpu.memory_space<vmem>>[vector<16xi32>], vector<16xf32>,
        %add3A_1515 = arith.constant 7 : i32
        %add3A_1516 = vector.broadcast %add3A_1515 : i32 to vector<16xi32>
        %add3A_1517 = arith.addi %add3A_1433, %add3A_1516 : vector<16xi32>
        %gather3A_1518 = tpu.vector_load_idx %arg4[%add3A_1517] : memref<6144xf32, #tpu.memory_space<vmem>>[vector<16xi32>], vector<16xf32>,
        %sub3A_1519 = arith.subf %gather3A_1514, %gather3A_1518 : vector<16xf32>
        %mul3A_1520 = arith.mulf %sub3A_1519, %sub3A_1519 : vector<16xf32>
        %add3A_1521 = arith.addf %add3A_1510, %mul3A_1520 : vector<16xf32>
        %add3A_1522 = arith.constant 8 : i32
        %add3A_1523 = vector.broadcast %add3A_1522 : i32 to vector<16xi32>
        %add3A_1524 = arith.addi %add3A_1423, %add3A_1523 : vector<16xi32>
        %gather3A_1525 = tpu.vector_load_idx %arg4[%add3A_1524] : memref<6144xf32, #tpu.memory_space<vmem>>[vector<16xi32>], vector<16xf32>,
        %add3A_1526 = arith.constant 8 : i32
        %add3A_1527 = vector.broadcast %add3A_1526 : i32 to vector<16xi32>
        %add3A_1528 = arith.addi %add3A_1433, %add3A_1527 : vector<16xi32>
        %gather3A_1529 = tpu.vector_load_idx %arg4[%add3A_1528] : memref<6144xf32, #tpu.memory_space<vmem>>[vector<16xi32>], vector<16xf32>,
        %sub3A_1530 = arith.subf %gather3A_1525, %gather3A_1529 : vector<16xf32>
        %mul3A_1531 = arith.mulf %sub3A_1530, %sub3A_1530 : vector<16xf32>
        %add3A_1532 = arith.addf %add3A_1521, %mul3A_1531 : vector<16xf32>
        %add3A_1533 = arith.constant 9 : i32
        %add3A_1534 = vector.broadcast %add3A_1533 : i32 to vector<16xi32>
        %add3A_1535 = arith.addi %add3A_1423, %add3A_1534 : vector<16xi32>
        %gather3A_1536 = tpu.vector_load_idx %arg4[%add3A_1535] : memref<6144xf32, #tpu.memory_space<vmem>>[vector<16xi32>], vector<16xf32>,
        %add3A_1537 = arith.constant 9 : i32
        %add3A_1538 = vector.broadcast %add3A_1537 : i32 to vector<16xi32>
        %add3A_1539 = arith.addi %add3A_1433, %add3A_1538 : vector<16xi32>
        %gather3A_1540 = tpu.vector_load_idx %arg4[%add3A_1539] : memref<6144xf32, #tpu.memory_space<vmem>>[vector<16xi32>], vector<16xf32>,
        %sub3A_1541 = arith.subf %gather3A_1536, %gather3A_1540 : vector<16xf32>
        %mul3A_1542 = arith.mulf %sub3A_1541, %sub3A_1541 : vector<16xf32>
        %add3A_1543 = arith.addf %add3A_1532, %mul3A_1542 : vector<16xf32>
        %add3A_1544 = arith.constant 10 : i32
        %add3A_1545 = vector.broadcast %add3A_1544 : i32 to vector<16xi32>
        %add3A_1546 = arith.addi %add3A_1423, %add3A_1545 : vector<16xi32>
        %gather3A_1547 = tpu.vector_load_idx %arg4[%add3A_1546] : memref<6144xf32, #tpu.memory_space<vmem>>[vector<16xi32>], vector<16xf32>,
        %add3A_1548 = arith.constant 10 : i32
        %add3A_1549 = vector.broadcast %add3A_1548 : i32 to vector<16xi32>
        %add3A_1550 = arith.addi %add3A_1433, %add3A_1549 : vector<16xi32>
        %gather3A_1551 = tpu.vector_load_idx %arg4[%add3A_1550] : memref<6144xf32, #tpu.memory_space<vmem>>[vector<16xi32>], vector<16xf32>,
        %sub3A_1552 = arith.subf %gather3A_1547, %gather3A_1551 : vector<16xf32>
        %mul3A_1553 = arith.mulf %sub3A_1552, %sub3A_1552 : vector<16xf32>
        %add3A_1554 = arith.addf %add3A_1543, %mul3A_1553 : vector<16xf32>
        %add3A_1555 = arith.constant 11 : i32
        %add3A_1556 = vector.broadcast %add3A_1555 : i32 to vector<16xi32>
        %add3A_1557 = arith.addi %add3A_1423, %add3A_1556 : vector<16xi32>
        %gather3A_1558 = tpu.vector_load_idx %arg4[%add3A_1557] : memref<6144xf32, #tpu.memory_space<vmem>>[vector<16xi32>], vector<16xf32>,
        %add3A_1559 = arith.constant 11 : i32
        %add3A_1560 = vector.broadcast %add3A_1559 : i32 to vector<16xi32>
        %add3A_1561 = arith.addi %add3A_1433, %add3A_1560 : vector<16xi32>
        %gather3A_1562 = tpu.vector_load_idx %arg4[%add3A_1561] : memref<6144xf32, #tpu.memory_space<vmem>>[vector<16xi32>], vector<16xf32>,
        %sub3A_1563 = arith.subf %gather3A_1558, %gather3A_1562 : vector<16xf32>
        %mul3A_1564 = arith.mulf %sub3A_1563, %sub3A_1563 : vector<16xf32>
        %add3A_1565 = arith.addf %add3A_1554, %mul3A_1564 : vector<16xf32>
        %add3A_1566 = arith.constant 12 : i32
        %add3A_1567 = vector.broadcast %add3A_1566 : i32 to vector<16xi32>
        %add3A_1568 = arith.addi %add3A_1423, %add3A_1567 : vector<16xi32>
        %gather3A_1569 = tpu.vector_load_idx %arg4[%add3A_1568] : memref<6144xf32, #tpu.memory_space<vmem>>[vector<16xi32>], vector<16xf32>,
        %add3A_1570 = arith.constant 12 : i32
        %add3A_1571 = vector.broadcast %add3A_1570 : i32 to vector<16xi32>
        %add3A_1572 = arith.addi %add3A_1433, %add3A_1571 : vector<16xi32>
        %gather3A_1573 = tpu.vector_load_idx %arg4[%add3A_1572] : memref<6144xf32, #tpu.memory_space<vmem>>[vector<16xi32>], vector<16xf32>,
        %sub3A_1574 = arith.subf %gather3A_1569, %gather3A_1573 : vector<16xf32>
        %mul3A_1575 = arith.mulf %sub3A_1574, %sub3A_1574 : vector<16xf32>
        %add3A_1576 = arith.addf %add3A_1565, %mul3A_1575 : vector<16xf32>
        %add3A_1577 = arith.constant 13 : i32
        %add3A_1578 = vector.broadcast %add3A_1577 : i32 to vector<16xi32>
        %add3A_1579 = arith.addi %add3A_1423, %add3A_1578 : vector<16xi32>
        %gather3A_1580 = tpu.vector_load_idx %arg4[%add3A_1579] : memref<6144xf32, #tpu.memory_space<vmem>>[vector<16xi32>], vector<16xf32>,
        %add3A_1581 = arith.constant 13 : i32
        %add3A_1582 = vector.broadcast %add3A_1581 : i32 to vector<16xi32>
        %add3A_1583 = arith.addi %add3A_1433, %add3A_1582 : vector<16xi32>
        %gather3A_1584 = tpu.vector_load_idx %arg4[%add3A_1583] : memref<6144xf32, #tpu.memory_space<vmem>>[vector<16xi32>], vector<16xf32>,
        %sub3A_1585 = arith.subf %gather3A_1580, %gather3A_1584 : vector<16xf32>
        %mul3A_1586 = arith.mulf %sub3A_1585, %sub3A_1585 : vector<16xf32>
        %add3A_1587 = arith.addf %add3A_1576, %mul3A_1586 : vector<16xf32>
        %add3A_1588 = arith.constant 14 : i32
        %add3A_1589 = vector.broadcast %add3A_1588 : i32 to vector<16xi32>
        %add3A_1590 = arith.addi %add3A_1423, %add3A_1589 : vector<16xi32>
        %gather3A_1591 = tpu.vector_load_idx %arg4[%add3A_1590] : memref<6144xf32, #tpu.memory_space<vmem>>[vector<16xi32>], vector<16xf32>,
        %add3A_1592 = arith.constant 14 : i32
        %add3A_1593 = vector.broadcast %add3A_1592 : i32 to vector<16xi32>
        %add3A_1594 = arith.addi %add3A_1433, %add3A_1593 : vector<16xi32>
        %gather3A_1595 = tpu.vector_load_idx %arg4[%add3A_1594] : memref<6144xf32, #tpu.memory_space<vmem>>[vector<16xi32>], vector<16xf32>,
        %sub3A_1596 = arith.subf %gather3A_1591, %gather3A_1595 : vector<16xf32>
        %mul3A_1597 = arith.mulf %sub3A_1596, %sub3A_1596 : vector<16xf32>
        %add3A_1598 = arith.addf %add3A_1587, %mul3A_1597 : vector<16xf32>
        %add3A_1599 = arith.constant 15 : i32
        %add3A_1600 = vector.broadcast %add3A_1599 : i32 to vector<16xi32>
        %add3A_1601 = arith.addi %add3A_1423, %add3A_1600 : vector<16xi32>
        %gather3A_1602 = tpu.vector_load_idx %arg4[%add3A_1601] : memref<6144xf32, #tpu.memory_space<vmem>>[vector<16xi32>], vector<16xf32>,
        %add3A_1603 = arith.constant 15 : i32
        %add3A_1604 = vector.broadcast %add3A_1603 : i32 to vector<16xi32>
        %add3A_1605 = arith.addi %add3A_1433, %add3A_1604 : vector<16xi32>
        %gather3A_1606 = tpu.vector_load_idx %arg4[%add3A_1605] : memref<6144xf32, #tpu.memory_space<vmem>>[vector<16xi32>], vector<16xf32>,
        %sub3A_1607 = arith.subf %gather3A_1602, %gather3A_1606 : vector<16xf32>
        %mul3A_1608 = arith.mulf %sub3A_1607, %sub3A_1607 : vector<16xf32>
        %add3A_1609 = arith.addf %add3A_1598, %mul3A_1608 : vector<16xf32>
        %and3A_1610 = arith.andi %ge3A_1413, %ge3A_53 : vector<16xi1>
        %select_n3A_1611 = arith.select %and3A_1610, %add3A_1609, %broadcast_in_dim3A_0 : vector<16xi1>, vector<16xf32>
        %mul3A_1612 = arith.constant 16 : i32
        %mul3A_1613 = arith.muli %add3A_1392, %mul3A_1612 : i32
        %swap3A_1614 = arith.index_cast %mul3A_1613 : i32 to index
        %swap3A_1615 = tpu.vector_load %arg11[%swap3A_1614] {strides = array<i32>} : memref<256xf32, #tpu.memory_space<vmem>>, vector<16xf32>,
        tpu.vector_store %arg11[%swap3A_1614], %select_n3A_1611 {strides = array<i32>} : memref<256xf32, #tpu.memory_space<vmem>>, vector<16xf32>,
        %scan3A_1616 = arith.constant 0 : i32
        scf.yield %scan3A_1616 : i32
      }
      %scan3A_85 = arith.constant 7 : i32
      %add3A_86 = arith.constant 224 : i32
      %add3A_87 = arith.addi %add3A_86, %add3A_35 : i32
      %broadcast_in_dim3A_88 = arith.constant 0 : i32
      %broadcast_in_dim3A_89 = vector.broadcast %broadcast_in_dim3A_88 : i32 to vector<16xi32>
      %add3A_90 = vector.broadcast %add3A_87 : i32 to vector<16xi32>
      %add3A_91 = arith.addi %broadcast_in_dim3A_89, %add3A_90 : vector<16xi32>
      %gather3A_92 = tpu.vector_load_idx %arg10[%add3A_91] : memref<512xi32, #tpu.memory_space<vmem>>[vector<16xi32>], vector<16xi32>,
      %add3A_93 = arith.constant 480 : i32
      %add3A_94 = arith.addi %add3A_93, %add3A_35 : i32
      %broadcast_in_dim3A_95 = arith.constant 0 : i32
      %broadcast_in_dim3A_96 = vector.broadcast %broadcast_in_dim3A_95 : i32 to vector<16xi32>
      %add3A_97 = vector.broadcast %add3A_94 : i32 to vector<16xi32>
      %add3A_98 = arith.addi %broadcast_in_dim3A_96, %add3A_97 : vector<16xi32>
      %gather3A_99 = tpu.vector_load_idx %arg10[%add3A_98] : memref<512xi32, #tpu.memory_space<vmem>>[vector<16xi32>], vector<16xi32>,
      %ge3A_100 = arith.constant 0 : i32
      %ge3A_101 = vector.broadcast %ge3A_100 : i32 to vector<16xi32>
      %ge3A_102 = arith.cmpi sge, %gather3A_92, %ge3A_101 : vector<16xi32>
      %jit3A_103 = arith.constant 0 : i32
      %jit3A_104 = arith.constant 7 : i32
      %max3A_105 = vector.broadcast %jit3A_103 : i32 to vector<16xi32>
      %max3A_106 = arith.maxsi %max3A_105, %gather3A_92 : vector<16xi32>
      %min3A_107 = vector.broadcast %jit3A_104 : i32 to vector<16xi32>
      %min3A_108 = arith.minsi %min3A_107, %max3A_106 : vector<16xi32>
      %mul3A_109 = arith.constant 128 : i32
      %mul3A_110 = vector.broadcast %mul3A_109 : i32 to vector<16xi32>
      %mul3A_111 = arith.muli %min3A_108, %mul3A_110 : vector<16xi32>
      %add3A_112 = arith.addi %add3A_63, %mul3A_111 : vector<16xi32>
      %jit3A_113 = arith.constant 0 : i32
      %jit3A_114 = arith.constant 7 : i32
      %max3A_115 = vector.broadcast %jit3A_113 : i32 to vector<16xi32>
      %max3A_116 = arith.maxsi %max3A_115, %gather3A_99 : vector<16xi32>
      %min3A_117 = vector.broadcast %jit3A_114 : i32 to vector<16xi32>
      %min3A_118 = arith.minsi %min3A_117, %max3A_116 : vector<16xi32>
      %mul3A_119 = arith.constant 128 : i32
      %mul3A_120 = vector.broadcast %mul3A_119 : i32 to vector<16xi32>
      %mul3A_121 = arith.muli %min3A_118, %mul3A_120 : vector<16xi32>
      %add3A_122 = arith.addi %add3A_79, %mul3A_121 : vector<16xi32>
      %add3A_123 = arith.constant 0 : i32
      %add3A_124 = vector.broadcast %add3A_123 : i32 to vector<16xi32>
      %add3A_125 = arith.addi %add3A_112, %add3A_124 : vector<16xi32>
      %gather3A_126 = tpu.vector_load_idx %arg4[%add3A_125] : memref<6144xf32, #tpu.memory_space<vmem>>[vector<16xi32>], vector<16xf32>,
      %add3A_127 = arith.constant 0 : i32
      %add3A_128 = vector.broadcast %add3A_127 : i32 to vector<16xi32>
      %add3A_129 = arith.addi %add3A_122, %add3A_128 : vector<16xi32>
      %gather3A_130 = tpu.vector_load_idx %arg4[%add3A_129] : memref<6144xf32, #tpu.memory_space<vmem>>[vector<16xi32>], vector<16xf32>,
      %sub3A_131 = arith.subf %gather3A_126, %gather3A_130 : vector<16xf32>
      %mul3A_132 = arith.mulf %sub3A_131, %sub3A_131 : vector<16xf32>
      %add3A_133 = arith.addf %broadcast_in_dim3A_0, %mul3A_132 : vector<16xf32>
      %add3A_134 = arith.constant 1 : i32
      %add3A_135 = vector.broadcast %add3A_134 : i32 to vector<16xi32>
      %add3A_136 = arith.addi %add3A_112, %add3A_135 : vector<16xi32>
      %gather3A_137 = tpu.vector_load_idx %arg4[%add3A_136] : memref<6144xf32, #tpu.memory_space<vmem>>[vector<16xi32>], vector<16xf32>,
      %add3A_138 = arith.constant 1 : i32
      %add3A_139 = vector.broadcast %add3A_138 : i32 to vector<16xi32>
      %add3A_140 = arith.addi %add3A_122, %add3A_139 : vector<16xi32>
      %gather3A_141 = tpu.vector_load_idx %arg4[%add3A_140] : memref<6144xf32, #tpu.memory_space<vmem>>[vector<16xi32>], vector<16xf32>,
      %sub3A_142 = arith.subf %gather3A_137, %gather3A_141 : vector<16xf32>
      %mul3A_143 = arith.mulf %sub3A_142, %sub3A_142 : vector<16xf32>
      %add3A_144 = arith.addf %add3A_133, %mul3A_143 : vector<16xf32>
      %add3A_145 = arith.constant 2 : i32
      %add3A_146 = vector.broadcast %add3A_145 : i32 to vector<16xi32>
      %add3A_147 = arith.addi %add3A_112, %add3A_146 : vector<16xi32>
      %gather3A_148 = tpu.vector_load_idx %arg4[%add3A_147] : memref<6144xf32, #tpu.memory_space<vmem>>[vector<16xi32>], vector<16xf32>,
      %add3A_149 = arith.constant 2 : i32
      %add3A_150 = vector.broadcast %add3A_149 : i32 to vector<16xi32>
      %add3A_151 = arith.addi %add3A_122, %add3A_150 : vector<16xi32>
      %gather3A_152 = tpu.vector_load_idx %arg4[%add3A_151] : memref<6144xf32, #tpu.memory_space<vmem>>[vector<16xi32>], vector<16xf32>,
      %sub3A_153 = arith.subf %gather3A_148, %gather3A_152 : vector<16xf32>
      %mul3A_154 = arith.mulf %sub3A_153, %sub3A_153 : vector<16xf32>
      %add3A_155 = arith.addf %add3A_144, %mul3A_154 : vector<16xf32>
      %add3A_156 = arith.constant 3 : i32
      %add3A_157 = vector.broadcast %add3A_156 : i32 to vector<16xi32>
      %add3A_158 = arith.addi %add3A_112, %add3A_157 : vector<16xi32>
      %gather3A_159 = tpu.vector_load_idx %arg4[%add3A_158] : memref<6144xf32, #tpu.memory_space<vmem>>[vector<16xi32>], vector<16xf32>,
      %add3A_160 = arith.constant 3 : i32
      %add3A_161 = vector.broadcast %add3A_160 : i32 to vector<16xi32>
      %add3A_162 = arith.addi %add3A_122, %add3A_161 : vector<16xi32>
      %gather3A_163 = tpu.vector_load_idx %arg4[%add3A_162] : memref<6144xf32, #tpu.memory_space<vmem>>[vector<16xi32>], vector<16xf32>,
      %sub3A_164 = arith.subf %gather3A_159, %gather3A_163 : vector<16xf32>
      %mul3A_165 = arith.mulf %sub3A_164, %sub3A_164 : vector<16xf32>
      %add3A_166 = arith.addf %add3A_155, %mul3A_165 : vector<16xf32>
      %add3A_167 = arith.constant 4 : i32
      %add3A_168 = vector.broadcast %add3A_167 : i32 to vector<16xi32>
      %add3A_169 = arith.addi %add3A_112, %add3A_168 : vector<16xi32>
      %gather3A_170 = tpu.vector_load_idx %arg4[%add3A_169] : memref<6144xf32, #tpu.memory_space<vmem>>[vector<16xi32>], vector<16xf32>,
      %add3A_171 = arith.constant 4 : i32
      %add3A_172 = vector.broadcast %add3A_171 : i32 to vector<16xi32>
      %add3A_173 = arith.addi %add3A_122, %add3A_172 : vector<16xi32>
      %gather3A_174 = tpu.vector_load_idx %arg4[%add3A_173] : memref<6144xf32, #tpu.memory_space<vmem>>[vector<16xi32>], vector<16xf32>,
      %sub3A_175 = arith.subf %gather3A_170, %gather3A_174 : vector<16xf32>
      %mul3A_176 = arith.mulf %sub3A_175, %sub3A_175 : vector<16xf32>
      %add3A_177 = arith.addf %add3A_166, %mul3A_176 : vector<16xf32>
      %add3A_178 = arith.constant 5 : i32
      %add3A_179 = vector.broadcast %add3A_178 : i32 to vector<16xi32>
      %add3A_180 = arith.addi %add3A_112, %add3A_179 : vector<16xi32>
      %gather3A_181 = tpu.vector_load_idx %arg4[%add3A_180] : memref<6144xf32, #tpu.memory_space<vmem>>[vector<16xi32>], vector<16xf32>,
      %add3A_182 = arith.constant 5 : i32
      %add3A_183 = vector.broadcast %add3A_182 : i32 to vector<16xi32>
      %add3A_184 = arith.addi %add3A_122, %add3A_183 : vector<16xi32>
      %gather3A_185 = tpu.vector_load_idx %arg4[%add3A_184] : memref<6144xf32, #tpu.memory_space<vmem>>[vector<16xi32>], vector<16xf32>,
      %sub3A_186 = arith.subf %gather3A_181, %gather3A_185 : vector<16xf32>
      %mul3A_187 = arith.mulf %sub3A_186, %sub3A_186 : vector<16xf32>
      %add3A_188 = arith.addf %add3A_177, %mul3A_187 : vector<16xf32>
      %add3A_189 = arith.constant 6 : i32
      %add3A_190 = vector.broadcast %add3A_189 : i32 to vector<16xi32>
      %add3A_191 = arith.addi %add3A_112, %add3A_190 : vector<16xi32>
      %gather3A_192 = tpu.vector_load_idx %arg4[%add3A_191] : memref<6144xf32, #tpu.memory_space<vmem>>[vector<16xi32>], vector<16xf32>,
      %add3A_193 = arith.constant 6 : i32
      %add3A_194 = vector.broadcast %add3A_193 : i32 to vector<16xi32>
      %add3A_195 = arith.addi %add3A_122, %add3A_194 : vector<16xi32>
      %gather3A_196 = tpu.vector_load_idx %arg4[%add3A_195] : memref<6144xf32, #tpu.memory_space<vmem>>[vector<16xi32>], vector<16xf32>,
      %sub3A_197 = arith.subf %gather3A_192, %gather3A_196 : vector<16xf32>
      %mul3A_198 = arith.mulf %sub3A_197, %sub3A_197 : vector<16xf32>
      %add3A_199 = arith.addf %add3A_188, %mul3A_198 : vector<16xf32>
      %add3A_200 = arith.constant 7 : i32
      %add3A_201 = vector.broadcast %add3A_200 : i32 to vector<16xi32>
      %add3A_202 = arith.addi %add3A_112, %add3A_201 : vector<16xi32>
      %gather3A_203 = tpu.vector_load_idx %arg4[%add3A_202] : memref<6144xf32, #tpu.memory_space<vmem>>[vector<16xi32>], vector<16xf32>,
      %add3A_204 = arith.constant 7 : i32
      %add3A_205 = vector.broadcast %add3A_204 : i32 to vector<16xi32>
      %add3A_206 = arith.addi %add3A_122, %add3A_205 : vector<16xi32>
      %gather3A_207 = tpu.vector_load_idx %arg4[%add3A_206] : memref<6144xf32, #tpu.memory_space<vmem>>[vector<16xi32>], vector<16xf32>,
      %sub3A_208 = arith.subf %gather3A_203, %gather3A_207 : vector<16xf32>
      %mul3A_209 = arith.mulf %sub3A_208, %sub3A_208 : vector<16xf32>
      %add3A_210 = arith.addf %add3A_199, %mul3A_209 : vector<16xf32>
      %add3A_211 = arith.constant 8 : i32
      %add3A_212 = vector.broadcast %add3A_211 : i32 to vector<16xi32>
      %add3A_213 = arith.addi %add3A_112, %add3A_212 : vector<16xi32>
      %gather3A_214 = tpu.vector_load_idx %arg4[%add3A_213] : memref<6144xf32, #tpu.memory_space<vmem>>[vector<16xi32>], vector<16xf32>,
      %add3A_215 = arith.constant 8 : i32
      %add3A_216 = vector.broadcast %add3A_215 : i32 to vector<16xi32>
      %add3A_217 = arith.addi %add3A_122, %add3A_216 : vector<16xi32>
      %gather3A_218 = tpu.vector_load_idx %arg4[%add3A_217] : memref<6144xf32, #tpu.memory_space<vmem>>[vector<16xi32>], vector<16xf32>,
      %sub3A_219 = arith.subf %gather3A_214, %gather3A_218 : vector<16xf32>
      %mul3A_220 = arith.mulf %sub3A_219, %sub3A_219 : vector<16xf32>
      %add3A_221 = arith.addf %add3A_210, %mul3A_220 : vector<16xf32>
      %add3A_222 = arith.constant 9 : i32
      %add3A_223 = vector.broadcast %add3A_222 : i32 to vector<16xi32>
      %add3A_224 = arith.addi %add3A_112, %add3A_223 : vector<16xi32>
      %gather3A_225 = tpu.vector_load_idx %arg4[%add3A_224] : memref<6144xf32, #tpu.memory_space<vmem>>[vector<16xi32>], vector<16xf32>,
      %add3A_226 = arith.constant 9 : i32
      %add3A_227 = vector.broadcast %add3A_226 : i32 to vector<16xi32>
      %add3A_228 = arith.addi %add3A_122, %add3A_227 : vector<16xi32>
      %gather3A_229 = tpu.vector_load_idx %arg4[%add3A_228] : memref<6144xf32, #tpu.memory_space<vmem>>[vector<16xi32>], vector<16xf32>,
      %sub3A_230 = arith.subf %gather3A_225, %gather3A_229 : vector<16xf32>
      %mul3A_231 = arith.mulf %sub3A_230, %sub3A_230 : vector<16xf32>
      %add3A_232 = arith.addf %add3A_221, %mul3A_231 : vector<16xf32>
      %add3A_233 = arith.constant 10 : i32
      %add3A_234 = vector.broadcast %add3A_233 : i32 to vector<16xi32>
      %add3A_235 = arith.addi %add3A_112, %add3A_234 : vector<16xi32>
      %gather3A_236 = tpu.vector_load_idx %arg4[%add3A_235] : memref<6144xf32, #tpu.memory_space<vmem>>[vector<16xi32>], vector<16xf32>,
      %add3A_237 = arith.constant 10 : i32
      %add3A_238 = vector.broadcast %add3A_237 : i32 to vector<16xi32>
      %add3A_239 = arith.addi %add3A_122, %add3A_238 : vector<16xi32>
      %gather3A_240 = tpu.vector_load_idx %arg4[%add3A_239] : memref<6144xf32, #tpu.memory_space<vmem>>[vector<16xi32>], vector<16xf32>,
      %sub3A_241 = arith.subf %gather3A_236, %gather3A_240 : vector<16xf32>
      %mul3A_242 = arith.mulf %sub3A_241, %sub3A_241 : vector<16xf32>
      %add3A_243 = arith.addf %add3A_232, %mul3A_242 : vector<16xf32>
      %add3A_244 = arith.constant 11 : i32
      %add3A_245 = vector.broadcast %add3A_244 : i32 to vector<16xi32>
      %add3A_246 = arith.addi %add3A_112, %add3A_245 : vector<16xi32>
      %gather3A_247 = tpu.vector_load_idx %arg4[%add3A_246] : memref<6144xf32, #tpu.memory_space<vmem>>[vector<16xi32>], vector<16xf32>,
      %add3A_248 = arith.constant 11 : i32
      %add3A_249 = vector.broadcast %add3A_248 : i32 to vector<16xi32>
      %add3A_250 = arith.addi %add3A_122, %add3A_249 : vector<16xi32>
      %gather3A_251 = tpu.vector_load_idx %arg4[%add3A_250] : memref<6144xf32, #tpu.memory_space<vmem>>[vector<16xi32>], vector<16xf32>,
      %sub3A_252 = arith.subf %gather3A_247, %gather3A_251 : vector<16xf32>
      %mul3A_253 = arith.mulf %sub3A_252, %sub3A_252 : vector<16xf32>
      %add3A_254 = arith.addf %add3A_243, %mul3A_253 : vector<16xf32>
      %add3A_255 = arith.constant 12 : i32
      %add3A_256 = vector.broadcast %add3A_255 : i32 to vector<16xi32>
      %add3A_257 = arith.addi %add3A_112, %add3A_256 : vector<16xi32>
      %gather3A_258 = tpu.vector_load_idx %arg4[%add3A_257] : memref<6144xf32, #tpu.memory_space<vmem>>[vector<16xi32>], vector<16xf32>,
      %add3A_259 = arith.constant 12 : i32
      %add3A_260 = vector.broadcast %add3A_259 : i32 to vector<16xi32>
      %add3A_261 = arith.addi %add3A_122, %add3A_260 : vector<16xi32>
      %gather3A_262 = tpu.vector_load_idx %arg4[%add3A_261] : memref<6144xf32, #tpu.memory_space<vmem>>[vector<16xi32>], vector<16xf32>,
      %sub3A_263 = arith.subf %gather3A_258, %gather3A_262 : vector<16xf32>
      %mul3A_264 = arith.mulf %sub3A_263, %sub3A_263 : vector<16xf32>
      %add3A_265 = arith.addf %add3A_254, %mul3A_264 : vector<16xf32>
      %add3A_266 = arith.constant 13 : i32
      %add3A_267 = vector.broadcast %add3A_266 : i32 to vector<16xi32>
      %add3A_268 = arith.addi %add3A_112, %add3A_267 : vector<16xi32>
      %gather3A_269 = tpu.vector_load_idx %arg4[%add3A_268] : memref<6144xf32, #tpu.memory_space<vmem>>[vector<16xi32>], vector<16xf32>,
      %add3A_270 = arith.constant 13 : i32
      %add3A_271 = vector.broadcast %add3A_270 : i32 to vector<16xi32>
      %add3A_272 = arith.addi %add3A_122, %add3A_271 : vector<16xi32>
      %gather3A_273 = tpu.vector_load_idx %arg4[%add3A_272] : memref<6144xf32, #tpu.memory_space<vmem>>[vector<16xi32>], vector<16xf32>,
      %sub3A_274 = arith.subf %gather3A_269, %gather3A_273 : vector<16xf32>
      %mul3A_275 = arith.mulf %sub3A_274, %sub3A_274 : vector<16xf32>
      %add3A_276 = arith.addf %add3A_265, %mul3A_275 : vector<16xf32>
      %add3A_277 = arith.constant 14 : i32
      %add3A_278 = vector.broadcast %add3A_277 : i32 to vector<16xi32>
      %add3A_279 = arith.addi %add3A_112, %add3A_278 : vector<16xi32>
      %gather3A_280 = tpu.vector_load_idx %arg4[%add3A_279] : memref<6144xf32, #tpu.memory_space<vmem>>[vector<16xi32>], vector<16xf32>,
      %add3A_281 = arith.constant 14 : i32
      %add3A_282 = vector.broadcast %add3A_281 : i32 to vector<16xi32>
      %add3A_283 = arith.addi %add3A_122, %add3A_282 : vector<16xi32>
      %gather3A_284 = tpu.vector_load_idx %arg4[%add3A_283] : memref<6144xf32, #tpu.memory_space<vmem>>[vector<16xi32>], vector<16xf32>,
      %sub3A_285 = arith.subf %gather3A_280, %gather3A_284 : vector<16xf32>
      %mul3A_286 = arith.mulf %sub3A_285, %sub3A_285 : vector<16xf32>
      %add3A_287 = arith.addf %add3A_276, %mul3A_286 : vector<16xf32>
      %add3A_288 = arith.constant 15 : i32
      %add3A_289 = vector.broadcast %add3A_288 : i32 to vector<16xi32>
      %add3A_290 = arith.addi %add3A_112, %add3A_289 : vector<16xi32>
      %gather3A_291 = tpu.vector_load_idx %arg4[%add3A_290] : memref<6144xf32, #tpu.memory_space<vmem>>[vector<16xi32>], vector<16xf32>,
      %add3A_292 = arith.constant 15 : i32
      %add3A_293 = vector.broadcast %add3A_292 : i32 to vector<16xi32>
      %add3A_294 = arith.addi %add3A_122, %add3A_293 : vector<16xi32>
      %gather3A_295 = tpu.vector_load_idx %arg4[%add3A_294] : memref<6144xf32, #tpu.memory_space<vmem>>[vector<16xi32>], vector<16xf32>,
      %sub3A_296 = arith.subf %gather3A_291, %gather3A_295 : vector<16xf32>
      %mul3A_297 = arith.mulf %sub3A_296, %sub3A_296 : vector<16xf32>
      %add3A_298 = arith.addf %add3A_287, %mul3A_297 : vector<16xf32>
      %and3A_299 = arith.andi %ge3A_102, %ge3A_53 : vector<16xi1>
      %select_n3A = arith.select %and3A_299, %add3A_298, %broadcast_in_dim3A_0 : vector<16xi1>, vector<16xf32>
      %swap3A = arith.constant 224 : index
      %swap3A_300 = tpu.vector_load %arg11[%swap3A] {strides = array<i32>} : memref<256xf32, #tpu.memory_space<vmem>>, vector<16xf32>,
      tpu.vector_store %arg11[%swap3A], %select_n3A {strides = array<i32>} : memref<256xf32, #tpu.memory_space<vmem>>, vector<16xf32>,
      %get3A = arith.constant 0 : index
      %get3A_301 = tpu.vector_load %arg11[%get3A] {strides = array<i32>} : memref<256xf32, #tpu.memory_space<vmem>>, vector<16xf32>,
      %bitcast_convert_type3A = tpu.bitcast %get3A_301 : vector<16xf32> -> vector<16xi32>
      %shift_right_arithmetic3A_302 = arith.constant 1 : i32
      %shift_right_arithmetic3A_303 = vector.broadcast %shift_right_arithmetic3A_302 : i32 to vector<16xi32>
      %shift_right_arithmetic3A_304 = arith.shrsi %bitcast_convert_type3A, %shift_right_arithmetic3A_303 : vector<16xi32>
      %sub3A_305 = arith.constant 1597463007 : i32
      %sub3A_306 = vector.broadcast %sub3A_305 : i32 to vector<16xi32>
      %sub3A_307 = arith.subi %sub3A_306, %shift_right_arithmetic3A_304 : vector<16xi32>
      %bitcast_convert_type3A_308 = tpu.bitcast %sub3A_307 : vector<16xi32> -> vector<16xf32>
      %mul3A_309 = arith.constant 5.000000e-01 : f32
      %mul3A_310 = vector.broadcast %mul3A_309 : f32 to vector<16xf32>
      %mul3A_311 = arith.mulf %mul3A_310, %get3A_301 : vector<16xf32>
      %mul3A_312 = arith.mulf %mul3A_311, %bitcast_convert_type3A_308 : vector<16xf32>
      %mul3A_313 = arith.mulf %mul3A_312, %bitcast_convert_type3A_308 : vector<16xf32>
      %sub3A_314 = arith.constant 1.500000e+00 : f32
      %sub3A_315 = vector.broadcast %sub3A_314 : f32 to vector<16xf32>
      %sub3A_316 = arith.subf %sub3A_315, %mul3A_313 : vector<16xf32>
      %mul3A_317 = arith.mulf %bitcast_convert_type3A_308, %sub3A_316 : vector<16xf32>
      %mul3A_318 = arith.constant 5.000000e-01 : f32
      %mul3A_319 = vector.broadcast %mul3A_318 : f32 to vector<16xf32>
      %mul3A_320 = arith.mulf %mul3A_319, %get3A_301 : vector<16xf32>
      %mul3A_321 = arith.mulf %mul3A_320, %mul3A_317 : vector<16xf32>
      %mul3A_322 = arith.mulf %mul3A_321, %mul3A_317 : vector<16xf32>
      %sub3A_323 = arith.constant 1.500000e+00 : f32
      %sub3A_324 = vector.broadcast %sub3A_323 : f32 to vector<16xf32>
      %sub3A_325 = arith.subf %sub3A_324, %mul3A_322 : vector<16xf32>
      %mul3A_326 = arith.mulf %mul3A_317, %sub3A_325 : vector<16xf32>
      %mul3A_327 = arith.constant 5.000000e-01 : f32
      %mul3A_328 = vector.broadcast %mul3A_327 : f32 to vector<16xf32>
      %mul3A_329 = arith.mulf %mul3A_328, %get3A_301 : vector<16xf32>
      %mul3A_330 = arith.mulf %mul3A_329, %mul3A_326 : vector<16xf32>
      %mul3A_331 = arith.mulf %mul3A_330, %mul3A_326 : vector<16xf32>
      %sub3A_332 = arith.constant 1.500000e+00 : f32
      %sub3A_333 = vector.broadcast %sub3A_332 : f32 to vector<16xf32>
      %sub3A_334 = arith.subf %sub3A_333, %mul3A_331 : vector<16xf32>
      %mul3A_335 = arith.mulf %mul3A_326, %sub3A_334 : vector<16xf32>
      %mul3A_336 = arith.constant 5.000000e-01 : f32
      %mul3A_337 = vector.broadcast %mul3A_336 : f32 to vector<16xf32>
      %mul3A_338 = arith.mulf %mul3A_337, %get3A_301 : vector<16xf32>
      %mul3A_339 = arith.mulf %mul3A_338, %mul3A_335 : vector<16xf32>
      %mul3A_340 = arith.mulf %mul3A_339, %mul3A_335 : vector<16xf32>
      %sub3A_341 = arith.constant 1.500000e+00 : f32
      %sub3A_342 = vector.broadcast %sub3A_341 : f32 to vector<16xf32>
      %sub3A_343 = arith.subf %sub3A_342, %mul3A_340 : vector<16xf32>
      %mul3A_344 = arith.mulf %mul3A_335, %sub3A_343 : vector<16xf32>
      %mul3A_345 = arith.mulf %get3A_301, %mul3A_344 : vector<16xf32>
      %add3A_346 = arith.addf %broadcast_in_dim3A_0, %mul3A_345 : vector<16xf32>
      %get3A_347 = arith.constant 16 : index
      %get3A_348 = tpu.vector_load %arg11[%get3A_347] {strides = array<i32>} : memref<256xf32, #tpu.memory_space<vmem>>, vector<16xf32>,
      %bitcast_convert_type3A_349 = tpu.bitcast %get3A_348 : vector<16xf32> -> vector<16xi32>
      %shift_right_arithmetic3A_350 = arith.constant 1 : i32
      %shift_right_arithmetic3A_351 = vector.broadcast %shift_right_arithmetic3A_350 : i32 to vector<16xi32>
      %shift_right_arithmetic3A_352 = arith.shrsi %bitcast_convert_type3A_349, %shift_right_arithmetic3A_351 : vector<16xi32>
      %sub3A_353 = arith.constant 1597463007 : i32
      %sub3A_354 = vector.broadcast %sub3A_353 : i32 to vector<16xi32>
      %sub3A_355 = arith.subi %sub3A_354, %shift_right_arithmetic3A_352 : vector<16xi32>
      %bitcast_convert_type3A_356 = tpu.bitcast %sub3A_355 : vector<16xi32> -> vector<16xf32>
      %mul3A_357 = arith.constant 5.000000e-01 : f32
      %mul3A_358 = vector.broadcast %mul3A_357 : f32 to vector<16xf32>
      %mul3A_359 = arith.mulf %mul3A_358, %get3A_348 : vector<16xf32>
      %mul3A_360 = arith.mulf %mul3A_359, %bitcast_convert_type3A_356 : vector<16xf32>
      %mul3A_361 = arith.mulf %mul3A_360, %bitcast_convert_type3A_356 : vector<16xf32>
      %sub3A_362 = arith.constant 1.500000e+00 : f32
      %sub3A_363 = vector.broadcast %sub3A_362 : f32 to vector<16xf32>
      %sub3A_364 = arith.subf %sub3A_363, %mul3A_361 : vector<16xf32>
      %mul3A_365 = arith.mulf %bitcast_convert_type3A_356, %sub3A_364 : vector<16xf32>
      %mul3A_366 = arith.constant 5.000000e-01 : f32
      %mul3A_367 = vector.broadcast %mul3A_366 : f32 to vector<16xf32>
      %mul3A_368 = arith.mulf %mul3A_367, %get3A_348 : vector<16xf32>
      %mul3A_369 = arith.mulf %mul3A_368, %mul3A_365 : vector<16xf32>
      %mul3A_370 = arith.mulf %mul3A_369, %mul3A_365 : vector<16xf32>
      %sub3A_371 = arith.constant 1.500000e+00 : f32
      %sub3A_372 = vector.broadcast %sub3A_371 : f32 to vector<16xf32>
      %sub3A_373 = arith.subf %sub3A_372, %mul3A_370 : vector<16xf32>
      %mul3A_374 = arith.mulf %mul3A_365, %sub3A_373 : vector<16xf32>
      %mul3A_375 = arith.constant 5.000000e-01 : f32
      %mul3A_376 = vector.broadcast %mul3A_375 : f32 to vector<16xf32>
      %mul3A_377 = arith.mulf %mul3A_376, %get3A_348 : vector<16xf32>
      %mul3A_378 = arith.mulf %mul3A_377, %mul3A_374 : vector<16xf32>
      %mul3A_379 = arith.mulf %mul3A_378, %mul3A_374 : vector<16xf32>
      %sub3A_380 = arith.constant 1.500000e+00 : f32
      %sub3A_381 = vector.broadcast %sub3A_380 : f32 to vector<16xf32>
      %sub3A_382 = arith.subf %sub3A_381, %mul3A_379 : vector<16xf32>
      %mul3A_383 = arith.mulf %mul3A_374, %sub3A_382 : vector<16xf32>
      %mul3A_384 = arith.constant 5.000000e-01 : f32
      %mul3A_385 = vector.broadcast %mul3A_384 : f32 to vector<16xf32>
      %mul3A_386 = arith.mulf %mul3A_385, %get3A_348 : vector<16xf32>
      %mul3A_387 = arith.mulf %mul3A_386, %mul3A_383 : vector<16xf32>
      %mul3A_388 = arith.mulf %mul3A_387, %mul3A_383 : vector<16xf32>
      %sub3A_389 = arith.constant 1.500000e+00 : f32
      %sub3A_390 = vector.broadcast %sub3A_389 : f32 to vector<16xf32>
      %sub3A_391 = arith.subf %sub3A_390, %mul3A_388 : vector<16xf32>
      %mul3A_392 = arith.mulf %mul3A_383, %sub3A_391 : vector<16xf32>
      %mul3A_393 = arith.mulf %get3A_348, %mul3A_392 : vector<16xf32>
      %add3A_394 = arith.addf %add3A_346, %mul3A_393 : vector<16xf32>
      %get3A_395 = arith.constant 32 : index
      %get3A_396 = tpu.vector_load %arg11[%get3A_395] {strides = array<i32>} : memref<256xf32, #tpu.memory_space<vmem>>, vector<16xf32>,
      %bitcast_convert_type3A_397 = tpu.bitcast %get3A_396 : vector<16xf32> -> vector<16xi32>
      %shift_right_arithmetic3A_398 = arith.constant 1 : i32
      %shift_right_arithmetic3A_399 = vector.broadcast %shift_right_arithmetic3A_398 : i32 to vector<16xi32>
      %shift_right_arithmetic3A_400 = arith.shrsi %bitcast_convert_type3A_397, %shift_right_arithmetic3A_399 : vector<16xi32>
      %sub3A_401 = arith.constant 1597463007 : i32
      %sub3A_402 = vector.broadcast %sub3A_401 : i32 to vector<16xi32>
      %sub3A_403 = arith.subi %sub3A_402, %shift_right_arithmetic3A_400 : vector<16xi32>
      %bitcast_convert_type3A_404 = tpu.bitcast %sub3A_403 : vector<16xi32> -> vector<16xf32>
      %mul3A_405 = arith.constant 5.000000e-01 : f32
      %mul3A_406 = vector.broadcast %mul3A_405 : f32 to vector<16xf32>
      %mul3A_407 = arith.mulf %mul3A_406, %get3A_396 : vector<16xf32>
      %mul3A_408 = arith.mulf %mul3A_407, %bitcast_convert_type3A_404 : vector<16xf32>
      %mul3A_409 = arith.mulf %mul3A_408, %bitcast_convert_type3A_404 : vector<16xf32>
      %sub3A_410 = arith.constant 1.500000e+00 : f32
      %sub3A_411 = vector.broadcast %sub3A_410 : f32 to vector<16xf32>
      %sub3A_412 = arith.subf %sub3A_411, %mul3A_409 : vector<16xf32>
      %mul3A_413 = arith.mulf %bitcast_convert_type3A_404, %sub3A_412 : vector<16xf32>
      %mul3A_414 = arith.constant 5.000000e-01 : f32
      %mul3A_415 = vector.broadcast %mul3A_414 : f32 to vector<16xf32>
      %mul3A_416 = arith.mulf %mul3A_415, %get3A_396 : vector<16xf32>
      %mul3A_417 = arith.mulf %mul3A_416, %mul3A_413 : vector<16xf32>
      %mul3A_418 = arith.mulf %mul3A_417, %mul3A_413 : vector<16xf32>
      %sub3A_419 = arith.constant 1.500000e+00 : f32
      %sub3A_420 = vector.broadcast %sub3A_419 : f32 to vector<16xf32>
      %sub3A_421 = arith.subf %sub3A_420, %mul3A_418 : vector<16xf32>
      %mul3A_422 = arith.mulf %mul3A_413, %sub3A_421 : vector<16xf32>
      %mul3A_423 = arith.constant 5.000000e-01 : f32
      %mul3A_424 = vector.broadcast %mul3A_423 : f32 to vector<16xf32>
      %mul3A_425 = arith.mulf %mul3A_424, %get3A_396 : vector<16xf32>
      %mul3A_426 = arith.mulf %mul3A_425, %mul3A_422 : vector<16xf32>
      %mul3A_427 = arith.mulf %mul3A_426, %mul3A_422 : vector<16xf32>
      %sub3A_428 = arith.constant 1.500000e+00 : f32
      %sub3A_429 = vector.broadcast %sub3A_428 : f32 to vector<16xf32>
      %sub3A_430 = arith.subf %sub3A_429, %mul3A_427 : vector<16xf32>
      %mul3A_431 = arith.mulf %mul3A_422, %sub3A_430 : vector<16xf32>
      %mul3A_432 = arith.constant 5.000000e-01 : f32
      %mul3A_433 = vector.broadcast %mul3A_432 : f32 to vector<16xf32>
      %mul3A_434 = arith.mulf %mul3A_433, %get3A_396 : vector<16xf32>
      %mul3A_435 = arith.mulf %mul3A_434, %mul3A_431 : vector<16xf32>
      %mul3A_436 = arith.mulf %mul3A_435, %mul3A_431 : vector<16xf32>
      %sub3A_437 = arith.constant 1.500000e+00 : f32
      %sub3A_438 = vector.broadcast %sub3A_437 : f32 to vector<16xf32>
      %sub3A_439 = arith.subf %sub3A_438, %mul3A_436 : vector<16xf32>
      %mul3A_440 = arith.mulf %mul3A_431, %sub3A_439 : vector<16xf32>
      %mul3A_441 = arith.mulf %get3A_396, %mul3A_440 : vector<16xf32>
      %add3A_442 = arith.addf %add3A_394, %mul3A_441 : vector<16xf32>
      %get3A_443 = arith.constant 48 : index
      %get3A_444 = tpu.vector_load %arg11[%get3A_443] {strides = array<i32>} : memref<256xf32, #tpu.memory_space<vmem>>, vector<16xf32>,
      %bitcast_convert_type3A_445 = tpu.bitcast %get3A_444 : vector<16xf32> -> vector<16xi32>
      %shift_right_arithmetic3A_446 = arith.constant 1 : i32
      %shift_right_arithmetic3A_447 = vector.broadcast %shift_right_arithmetic3A_446 : i32 to vector<16xi32>
      %shift_right_arithmetic3A_448 = arith.shrsi %bitcast_convert_type3A_445, %shift_right_arithmetic3A_447 : vector<16xi32>
      %sub3A_449 = arith.constant 1597463007 : i32
      %sub3A_450 = vector.broadcast %sub3A_449 : i32 to vector<16xi32>
      %sub3A_451 = arith.subi %sub3A_450, %shift_right_arithmetic3A_448 : vector<16xi32>
      %bitcast_convert_type3A_452 = tpu.bitcast %sub3A_451 : vector<16xi32> -> vector<16xf32>
      %mul3A_453 = arith.constant 5.000000e-01 : f32
      %mul3A_454 = vector.broadcast %mul3A_453 : f32 to vector<16xf32>
      %mul3A_455 = arith.mulf %mul3A_454, %get3A_444 : vector<16xf32>
      %mul3A_456 = arith.mulf %mul3A_455, %bitcast_convert_type3A_452 : vector<16xf32>
      %mul3A_457 = arith.mulf %mul3A_456, %bitcast_convert_type3A_452 : vector<16xf32>
      %sub3A_458 = arith.constant 1.500000e+00 : f32
      %sub3A_459 = vector.broadcast %sub3A_458 : f32 to vector<16xf32>
      %sub3A_460 = arith.subf %sub3A_459, %mul3A_457 : vector<16xf32>
      %mul3A_461 = arith.mulf %bitcast_convert_type3A_452, %sub3A_460 : vector<16xf32>
      %mul3A_462 = arith.constant 5.000000e-01 : f32
      %mul3A_463 = vector.broadcast %mul3A_462 : f32 to vector<16xf32>
      %mul3A_464 = arith.mulf %mul3A_463, %get3A_444 : vector<16xf32>
      %mul3A_465 = arith.mulf %mul3A_464, %mul3A_461 : vector<16xf32>
      %mul3A_466 = arith.mulf %mul3A_465, %mul3A_461 : vector<16xf32>
      %sub3A_467 = arith.constant 1.500000e+00 : f32
      %sub3A_468 = vector.broadcast %sub3A_467 : f32 to vector<16xf32>
      %sub3A_469 = arith.subf %sub3A_468, %mul3A_466 : vector<16xf32>
      %mul3A_470 = arith.mulf %mul3A_461, %sub3A_469 : vector<16xf32>
      %mul3A_471 = arith.constant 5.000000e-01 : f32
      %mul3A_472 = vector.broadcast %mul3A_471 : f32 to vector<16xf32>
      %mul3A_473 = arith.mulf %mul3A_472, %get3A_444 : vector<16xf32>
      %mul3A_474 = arith.mulf %mul3A_473, %mul3A_470 : vector<16xf32>
      %mul3A_475 = arith.mulf %mul3A_474, %mul3A_470 : vector<16xf32>
      %sub3A_476 = arith.constant 1.500000e+00 : f32
      %sub3A_477 = vector.broadcast %sub3A_476 : f32 to vector<16xf32>
      %sub3A_478 = arith.subf %sub3A_477, %mul3A_475 : vector<16xf32>
      %mul3A_479 = arith.mulf %mul3A_470, %sub3A_478 : vector<16xf32>
      %mul3A_480 = arith.constant 5.000000e-01 : f32
      %mul3A_481 = vector.broadcast %mul3A_480 : f32 to vector<16xf32>
      %mul3A_482 = arith.mulf %mul3A_481, %get3A_444 : vector<16xf32>
      %mul3A_483 = arith.mulf %mul3A_482, %mul3A_479 : vector<16xf32>
      %mul3A_484 = arith.mulf %mul3A_483, %mul3A_479 : vector<16xf32>
      %sub3A_485 = arith.constant 1.500000e+00 : f32
      %sub3A_486 = vector.broadcast %sub3A_485 : f32 to vector<16xf32>
      %sub3A_487 = arith.subf %sub3A_486, %mul3A_484 : vector<16xf32>
      %mul3A_488 = arith.mulf %mul3A_479, %sub3A_487 : vector<16xf32>
      %mul3A_489 = arith.mulf %get3A_444, %mul3A_488 : vector<16xf32>
      %add3A_490 = arith.addf %add3A_442, %mul3A_489 : vector<16xf32>
      %get3A_491 = arith.constant 64 : index
      %get3A_492 = tpu.vector_load %arg11[%get3A_491] {strides = array<i32>} : memref<256xf32, #tpu.memory_space<vmem>>, vector<16xf32>,
      %bitcast_convert_type3A_493 = tpu.bitcast %get3A_492 : vector<16xf32> -> vector<16xi32>
      %shift_right_arithmetic3A_494 = arith.constant 1 : i32
      %shift_right_arithmetic3A_495 = vector.broadcast %shift_right_arithmetic3A_494 : i32 to vector<16xi32>
      %shift_right_arithmetic3A_496 = arith.shrsi %bitcast_convert_type3A_493, %shift_right_arithmetic3A_495 : vector<16xi32>
      %sub3A_497 = arith.constant 1597463007 : i32
      %sub3A_498 = vector.broadcast %sub3A_497 : i32 to vector<16xi32>
      %sub3A_499 = arith.subi %sub3A_498, %shift_right_arithmetic3A_496 : vector<16xi32>
      %bitcast_convert_type3A_500 = tpu.bitcast %sub3A_499 : vector<16xi32> -> vector<16xf32>
      %mul3A_501 = arith.constant 5.000000e-01 : f32
      %mul3A_502 = vector.broadcast %mul3A_501 : f32 to vector<16xf32>
      %mul3A_503 = arith.mulf %mul3A_502, %get3A_492 : vector<16xf32>
      %mul3A_504 = arith.mulf %mul3A_503, %bitcast_convert_type3A_500 : vector<16xf32>
      %mul3A_505 = arith.mulf %mul3A_504, %bitcast_convert_type3A_500 : vector<16xf32>
      %sub3A_506 = arith.constant 1.500000e+00 : f32
      %sub3A_507 = vector.broadcast %sub3A_506 : f32 to vector<16xf32>
      %sub3A_508 = arith.subf %sub3A_507, %mul3A_505 : vector<16xf32>
      %mul3A_509 = arith.mulf %bitcast_convert_type3A_500, %sub3A_508 : vector<16xf32>
      %mul3A_510 = arith.constant 5.000000e-01 : f32
      %mul3A_511 = vector.broadcast %mul3A_510 : f32 to vector<16xf32>
      %mul3A_512 = arith.mulf %mul3A_511, %get3A_492 : vector<16xf32>
      %mul3A_513 = arith.mulf %mul3A_512, %mul3A_509 : vector<16xf32>
      %mul3A_514 = arith.mulf %mul3A_513, %mul3A_509 : vector<16xf32>
      %sub3A_515 = arith.constant 1.500000e+00 : f32
      %sub3A_516 = vector.broadcast %sub3A_515 : f32 to vector<16xf32>
      %sub3A_517 = arith.subf %sub3A_516, %mul3A_514 : vector<16xf32>
      %mul3A_518 = arith.mulf %mul3A_509, %sub3A_517 : vector<16xf32>
      %mul3A_519 = arith.constant 5.000000e-01 : f32
      %mul3A_520 = vector.broadcast %mul3A_519 : f32 to vector<16xf32>
      %mul3A_521 = arith.mulf %mul3A_520, %get3A_492 : vector<16xf32>
      %mul3A_522 = arith.mulf %mul3A_521, %mul3A_518 : vector<16xf32>
      %mul3A_523 = arith.mulf %mul3A_522, %mul3A_518 : vector<16xf32>
      %sub3A_524 = arith.constant 1.500000e+00 : f32
      %sub3A_525 = vector.broadcast %sub3A_524 : f32 to vector<16xf32>
      %sub3A_526 = arith.subf %sub3A_525, %mul3A_523 : vector<16xf32>
      %mul3A_527 = arith.mulf %mul3A_518, %sub3A_526 : vector<16xf32>
      %mul3A_528 = arith.constant 5.000000e-01 : f32
      %mul3A_529 = vector.broadcast %mul3A_528 : f32 to vector<16xf32>
      %mul3A_530 = arith.mulf %mul3A_529, %get3A_492 : vector<16xf32>
      %mul3A_531 = arith.mulf %mul3A_530, %mul3A_527 : vector<16xf32>
      %mul3A_532 = arith.mulf %mul3A_531, %mul3A_527 : vector<16xf32>
      %sub3A_533 = arith.constant 1.500000e+00 : f32
      %sub3A_534 = vector.broadcast %sub3A_533 : f32 to vector<16xf32>
      %sub3A_535 = arith.subf %sub3A_534, %mul3A_532 : vector<16xf32>
      %mul3A_536 = arith.mulf %mul3A_527, %sub3A_535 : vector<16xf32>
      %mul3A_537 = arith.mulf %get3A_492, %mul3A_536 : vector<16xf32>
      %add3A_538 = arith.addf %add3A_490, %mul3A_537 : vector<16xf32>
      %get3A_539 = arith.constant 80 : index
      %get3A_540 = tpu.vector_load %arg11[%get3A_539] {strides = array<i32>} : memref<256xf32, #tpu.memory_space<vmem>>, vector<16xf32>,
      %bitcast_convert_type3A_541 = tpu.bitcast %get3A_540 : vector<16xf32> -> vector<16xi32>
      %shift_right_arithmetic3A_542 = arith.constant 1 : i32
      %shift_right_arithmetic3A_543 = vector.broadcast %shift_right_arithmetic3A_542 : i32 to vector<16xi32>
      %shift_right_arithmetic3A_544 = arith.shrsi %bitcast_convert_type3A_541, %shift_right_arithmetic3A_543 : vector<16xi32>
      %sub3A_545 = arith.constant 1597463007 : i32
      %sub3A_546 = vector.broadcast %sub3A_545 : i32 to vector<16xi32>
      %sub3A_547 = arith.subi %sub3A_546, %shift_right_arithmetic3A_544 : vector<16xi32>
      %bitcast_convert_type3A_548 = tpu.bitcast %sub3A_547 : vector<16xi32> -> vector<16xf32>
      %mul3A_549 = arith.constant 5.000000e-01 : f32
      %mul3A_550 = vector.broadcast %mul3A_549 : f32 to vector<16xf32>
      %mul3A_551 = arith.mulf %mul3A_550, %get3A_540 : vector<16xf32>
      %mul3A_552 = arith.mulf %mul3A_551, %bitcast_convert_type3A_548 : vector<16xf32>
      %mul3A_553 = arith.mulf %mul3A_552, %bitcast_convert_type3A_548 : vector<16xf32>
      %sub3A_554 = arith.constant 1.500000e+00 : f32
      %sub3A_555 = vector.broadcast %sub3A_554 : f32 to vector<16xf32>
      %sub3A_556 = arith.subf %sub3A_555, %mul3A_553 : vector<16xf32>
      %mul3A_557 = arith.mulf %bitcast_convert_type3A_548, %sub3A_556 : vector<16xf32>
      %mul3A_558 = arith.constant 5.000000e-01 : f32
      %mul3A_559 = vector.broadcast %mul3A_558 : f32 to vector<16xf32>
      %mul3A_560 = arith.mulf %mul3A_559, %get3A_540 : vector<16xf32>
      %mul3A_561 = arith.mulf %mul3A_560, %mul3A_557 : vector<16xf32>
      %mul3A_562 = arith.mulf %mul3A_561, %mul3A_557 : vector<16xf32>
      %sub3A_563 = arith.constant 1.500000e+00 : f32
      %sub3A_564 = vector.broadcast %sub3A_563 : f32 to vector<16xf32>
      %sub3A_565 = arith.subf %sub3A_564, %mul3A_562 : vector<16xf32>
      %mul3A_566 = arith.mulf %mul3A_557, %sub3A_565 : vector<16xf32>
      %mul3A_567 = arith.constant 5.000000e-01 : f32
      %mul3A_568 = vector.broadcast %mul3A_567 : f32 to vector<16xf32>
      %mul3A_569 = arith.mulf %mul3A_568, %get3A_540 : vector<16xf32>
      %mul3A_570 = arith.mulf %mul3A_569, %mul3A_566 : vector<16xf32>
      %mul3A_571 = arith.mulf %mul3A_570, %mul3A_566 : vector<16xf32>
      %sub3A_572 = arith.constant 1.500000e+00 : f32
      %sub3A_573 = vector.broadcast %sub3A_572 : f32 to vector<16xf32>
      %sub3A_574 = arith.subf %sub3A_573, %mul3A_571 : vector<16xf32>
      %mul3A_575 = arith.mulf %mul3A_566, %sub3A_574 : vector<16xf32>
      %mul3A_576 = arith.constant 5.000000e-01 : f32
      %mul3A_577 = vector.broadcast %mul3A_576 : f32 to vector<16xf32>
      %mul3A_578 = arith.mulf %mul3A_577, %get3A_540 : vector<16xf32>
      %mul3A_579 = arith.mulf %mul3A_578, %mul3A_575 : vector<16xf32>
      %mul3A_580 = arith.mulf %mul3A_579, %mul3A_575 : vector<16xf32>
      %sub3A_581 = arith.constant 1.500000e+00 : f32
      %sub3A_582 = vector.broadcast %sub3A_581 : f32 to vector<16xf32>
      %sub3A_583 = arith.subf %sub3A_582, %mul3A_580 : vector<16xf32>
      %mul3A_584 = arith.mulf %mul3A_575, %sub3A_583 : vector<16xf32>
      %mul3A_585 = arith.mulf %get3A_540, %mul3A_584 : vector<16xf32>
      %add3A_586 = arith.addf %add3A_538, %mul3A_585 : vector<16xf32>
      %get3A_587 = arith.constant 96 : index
      %get3A_588 = tpu.vector_load %arg11[%get3A_587] {strides = array<i32>} : memref<256xf32, #tpu.memory_space<vmem>>, vector<16xf32>,
      %bitcast_convert_type3A_589 = tpu.bitcast %get3A_588 : vector<16xf32> -> vector<16xi32>
      %shift_right_arithmetic3A_590 = arith.constant 1 : i32
      %shift_right_arithmetic3A_591 = vector.broadcast %shift_right_arithmetic3A_590 : i32 to vector<16xi32>
      %shift_right_arithmetic3A_592 = arith.shrsi %bitcast_convert_type3A_589, %shift_right_arithmetic3A_591 : vector<16xi32>
      %sub3A_593 = arith.constant 1597463007 : i32
      %sub3A_594 = vector.broadcast %sub3A_593 : i32 to vector<16xi32>
      %sub3A_595 = arith.subi %sub3A_594, %shift_right_arithmetic3A_592 : vector<16xi32>
      %bitcast_convert_type3A_596 = tpu.bitcast %sub3A_595 : vector<16xi32> -> vector<16xf32>
      %mul3A_597 = arith.constant 5.000000e-01 : f32
      %mul3A_598 = vector.broadcast %mul3A_597 : f32 to vector<16xf32>
      %mul3A_599 = arith.mulf %mul3A_598, %get3A_588 : vector<16xf32>
      %mul3A_600 = arith.mulf %mul3A_599, %bitcast_convert_type3A_596 : vector<16xf32>
      %mul3A_601 = arith.mulf %mul3A_600, %bitcast_convert_type3A_596 : vector<16xf32>
      %sub3A_602 = arith.constant 1.500000e+00 : f32
      %sub3A_603 = vector.broadcast %sub3A_602 : f32 to vector<16xf32>
      %sub3A_604 = arith.subf %sub3A_603, %mul3A_601 : vector<16xf32>
      %mul3A_605 = arith.mulf %bitcast_convert_type3A_596, %sub3A_604 : vector<16xf32>
      %mul3A_606 = arith.constant 5.000000e-01 : f32
      %mul3A_607 = vector.broadcast %mul3A_606 : f32 to vector<16xf32>
      %mul3A_608 = arith.mulf %mul3A_607, %get3A_588 : vector<16xf32>
      %mul3A_609 = arith.mulf %mul3A_608, %mul3A_605 : vector<16xf32>
      %mul3A_610 = arith.mulf %mul3A_609, %mul3A_605 : vector<16xf32>
      %sub3A_611 = arith.constant 1.500000e+00 : f32
      %sub3A_612 = vector.broadcast %sub3A_611 : f32 to vector<16xf32>
      %sub3A_613 = arith.subf %sub3A_612, %mul3A_610 : vector<16xf32>
      %mul3A_614 = arith.mulf %mul3A_605, %sub3A_613 : vector<16xf32>
      %mul3A_615 = arith.constant 5.000000e-01 : f32
      %mul3A_616 = vector.broadcast %mul3A_615 : f32 to vector<16xf32>
      %mul3A_617 = arith.mulf %mul3A_616, %get3A_588 : vector<16xf32>
      %mul3A_618 = arith.mulf %mul3A_617, %mul3A_614 : vector<16xf32>
      %mul3A_619 = arith.mulf %mul3A_618, %mul3A_614 : vector<16xf32>
      %sub3A_620 = arith.constant 1.500000e+00 : f32
      %sub3A_621 = vector.broadcast %sub3A_620 : f32 to vector<16xf32>
      %sub3A_622 = arith.subf %sub3A_621, %mul3A_619 : vector<16xf32>
      %mul3A_623 = arith.mulf %mul3A_614, %sub3A_622 : vector<16xf32>
      %mul3A_624 = arith.constant 5.000000e-01 : f32
      %mul3A_625 = vector.broadcast %mul3A_624 : f32 to vector<16xf32>
      %mul3A_626 = arith.mulf %mul3A_625, %get3A_588 : vector<16xf32>
      %mul3A_627 = arith.mulf %mul3A_626, %mul3A_623 : vector<16xf32>
      %mul3A_628 = arith.mulf %mul3A_627, %mul3A_623 : vector<16xf32>
      %sub3A_629 = arith.constant 1.500000e+00 : f32
      %sub3A_630 = vector.broadcast %sub3A_629 : f32 to vector<16xf32>
      %sub3A_631 = arith.subf %sub3A_630, %mul3A_628 : vector<16xf32>
      %mul3A_632 = arith.mulf %mul3A_623, %sub3A_631 : vector<16xf32>
      %mul3A_633 = arith.mulf %get3A_588, %mul3A_632 : vector<16xf32>
      %add3A_634 = arith.addf %add3A_586, %mul3A_633 : vector<16xf32>
      %get3A_635 = arith.constant 112 : index
      %get3A_636 = tpu.vector_load %arg11[%get3A_635] {strides = array<i32>} : memref<256xf32, #tpu.memory_space<vmem>>, vector<16xf32>,
      %bitcast_convert_type3A_637 = tpu.bitcast %get3A_636 : vector<16xf32> -> vector<16xi32>
      %shift_right_arithmetic3A_638 = arith.constant 1 : i32
      %shift_right_arithmetic3A_639 = vector.broadcast %shift_right_arithmetic3A_638 : i32 to vector<16xi32>
      %shift_right_arithmetic3A_640 = arith.shrsi %bitcast_convert_type3A_637, %shift_right_arithmetic3A_639 : vector<16xi32>
      %sub3A_641 = arith.constant 1597463007 : i32
      %sub3A_642 = vector.broadcast %sub3A_641 : i32 to vector<16xi32>
      %sub3A_643 = arith.subi %sub3A_642, %shift_right_arithmetic3A_640 : vector<16xi32>
      %bitcast_convert_type3A_644 = tpu.bitcast %sub3A_643 : vector<16xi32> -> vector<16xf32>
      %mul3A_645 = arith.constant 5.000000e-01 : f32
      %mul3A_646 = vector.broadcast %mul3A_645 : f32 to vector<16xf32>
      %mul3A_647 = arith.mulf %mul3A_646, %get3A_636 : vector<16xf32>
      %mul3A_648 = arith.mulf %mul3A_647, %bitcast_convert_type3A_644 : vector<16xf32>
      %mul3A_649 = arith.mulf %mul3A_648, %bitcast_convert_type3A_644 : vector<16xf32>
      %sub3A_650 = arith.constant 1.500000e+00 : f32
      %sub3A_651 = vector.broadcast %sub3A_650 : f32 to vector<16xf32>
      %sub3A_652 = arith.subf %sub3A_651, %mul3A_649 : vector<16xf32>
      %mul3A_653 = arith.mulf %bitcast_convert_type3A_644, %sub3A_652 : vector<16xf32>
      %mul3A_654 = arith.constant 5.000000e-01 : f32
      %mul3A_655 = vector.broadcast %mul3A_654 : f32 to vector<16xf32>
      %mul3A_656 = arith.mulf %mul3A_655, %get3A_636 : vector<16xf32>
      %mul3A_657 = arith.mulf %mul3A_656, %mul3A_653 : vector<16xf32>
      %mul3A_658 = arith.mulf %mul3A_657, %mul3A_653 : vector<16xf32>
      %sub3A_659 = arith.constant 1.500000e+00 : f32
      %sub3A_660 = vector.broadcast %sub3A_659 : f32 to vector<16xf32>
      %sub3A_661 = arith.subf %sub3A_660, %mul3A_658 : vector<16xf32>
      %mul3A_662 = arith.mulf %mul3A_653, %sub3A_661 : vector<16xf32>
      %mul3A_663 = arith.constant 5.000000e-01 : f32
      %mul3A_664 = vector.broadcast %mul3A_663 : f32 to vector<16xf32>
      %mul3A_665 = arith.mulf %mul3A_664, %get3A_636 : vector<16xf32>
      %mul3A_666 = arith.mulf %mul3A_665, %mul3A_662 : vector<16xf32>
      %mul3A_667 = arith.mulf %mul3A_666, %mul3A_662 : vector<16xf32>
      %sub3A_668 = arith.constant 1.500000e+00 : f32
      %sub3A_669 = vector.broadcast %sub3A_668 : f32 to vector<16xf32>
      %sub3A_670 = arith.subf %sub3A_669, %mul3A_667 : vector<16xf32>
      %mul3A_671 = arith.mulf %mul3A_662, %sub3A_670 : vector<16xf32>
      %mul3A_672 = arith.constant 5.000000e-01 : f32
      %mul3A_673 = vector.broadcast %mul3A_672 : f32 to vector<16xf32>
      %mul3A_674 = arith.mulf %mul3A_673, %get3A_636 : vector<16xf32>
      %mul3A_675 = arith.mulf %mul3A_674, %mul3A_671 : vector<16xf32>
      %mul3A_676 = arith.mulf %mul3A_675, %mul3A_671 : vector<16xf32>
      %sub3A_677 = arith.constant 1.500000e+00 : f32
      %sub3A_678 = vector.broadcast %sub3A_677 : f32 to vector<16xf32>
      %sub3A_679 = arith.subf %sub3A_678, %mul3A_676 : vector<16xf32>
      %mul3A_680 = arith.mulf %mul3A_671, %sub3A_679 : vector<16xf32>
      %mul3A_681 = arith.mulf %get3A_636, %mul3A_680 : vector<16xf32>
      %add3A_682 = arith.addf %add3A_634, %mul3A_681 : vector<16xf32>
      %get3A_683 = arith.constant 128 : index
      %get3A_684 = tpu.vector_load %arg11[%get3A_683] {strides = array<i32>} : memref<256xf32, #tpu.memory_space<vmem>>, vector<16xf32>,
      %bitcast_convert_type3A_685 = tpu.bitcast %get3A_684 : vector<16xf32> -> vector<16xi32>
      %shift_right_arithmetic3A_686 = arith.constant 1 : i32
      %shift_right_arithmetic3A_687 = vector.broadcast %shift_right_arithmetic3A_686 : i32 to vector<16xi32>
      %shift_right_arithmetic3A_688 = arith.shrsi %bitcast_convert_type3A_685, %shift_right_arithmetic3A_687 : vector<16xi32>
      %sub3A_689 = arith.constant 1597463007 : i32
      %sub3A_690 = vector.broadcast %sub3A_689 : i32 to vector<16xi32>
      %sub3A_691 = arith.subi %sub3A_690, %shift_right_arithmetic3A_688 : vector<16xi32>
      %bitcast_convert_type3A_692 = tpu.bitcast %sub3A_691 : vector<16xi32> -> vector<16xf32>
      %mul3A_693 = arith.constant 5.000000e-01 : f32
      %mul3A_694 = vector.broadcast %mul3A_693 : f32 to vector<16xf32>
      %mul3A_695 = arith.mulf %mul3A_694, %get3A_684 : vector<16xf32>
      %mul3A_696 = arith.mulf %mul3A_695, %bitcast_convert_type3A_692 : vector<16xf32>
      %mul3A_697 = arith.mulf %mul3A_696, %bitcast_convert_type3A_692 : vector<16xf32>
      %sub3A_698 = arith.constant 1.500000e+00 : f32
      %sub3A_699 = vector.broadcast %sub3A_698 : f32 to vector<16xf32>
      %sub3A_700 = arith.subf %sub3A_699, %mul3A_697 : vector<16xf32>
      %mul3A_701 = arith.mulf %bitcast_convert_type3A_692, %sub3A_700 : vector<16xf32>
      %mul3A_702 = arith.constant 5.000000e-01 : f32
      %mul3A_703 = vector.broadcast %mul3A_702 : f32 to vector<16xf32>
      %mul3A_704 = arith.mulf %mul3A_703, %get3A_684 : vector<16xf32>
      %mul3A_705 = arith.mulf %mul3A_704, %mul3A_701 : vector<16xf32>
      %mul3A_706 = arith.mulf %mul3A_705, %mul3A_701 : vector<16xf32>
      %sub3A_707 = arith.constant 1.500000e+00 : f32
      %sub3A_708 = vector.broadcast %sub3A_707 : f32 to vector<16xf32>
      %sub3A_709 = arith.subf %sub3A_708, %mul3A_706 : vector<16xf32>
      %mul3A_710 = arith.mulf %mul3A_701, %sub3A_709 : vector<16xf32>
      %mul3A_711 = arith.constant 5.000000e-01 : f32
      %mul3A_712 = vector.broadcast %mul3A_711 : f32 to vector<16xf32>
      %mul3A_713 = arith.mulf %mul3A_712, %get3A_684 : vector<16xf32>
      %mul3A_714 = arith.mulf %mul3A_713, %mul3A_710 : vector<16xf32>
      %mul3A_715 = arith.mulf %mul3A_714, %mul3A_710 : vector<16xf32>
      %sub3A_716 = arith.constant 1.500000e+00 : f32
      %sub3A_717 = vector.broadcast %sub3A_716 : f32 to vector<16xf32>
      %sub3A_718 = arith.subf %sub3A_717, %mul3A_715 : vector<16xf32>
      %mul3A_719 = arith.mulf %mul3A_710, %sub3A_718 : vector<16xf32>
      %mul3A_720 = arith.constant 5.000000e-01 : f32
      %mul3A_721 = vector.broadcast %mul3A_720 : f32 to vector<16xf32>
      %mul3A_722 = arith.mulf %mul3A_721, %get3A_684 : vector<16xf32>
      %mul3A_723 = arith.mulf %mul3A_722, %mul3A_719 : vector<16xf32>
      %mul3A_724 = arith.mulf %mul3A_723, %mul3A_719 : vector<16xf32>
      %sub3A_725 = arith.constant 1.500000e+00 : f32
      %sub3A_726 = vector.broadcast %sub3A_725 : f32 to vector<16xf32>
      %sub3A_727 = arith.subf %sub3A_726, %mul3A_724 : vector<16xf32>
      %mul3A_728 = arith.mulf %mul3A_719, %sub3A_727 : vector<16xf32>
      %mul3A_729 = arith.mulf %get3A_684, %mul3A_728 : vector<16xf32>
      %add3A_730 = arith.addf %add3A_682, %mul3A_729 : vector<16xf32>
      %get3A_731 = arith.constant 144 : index
      %get3A_732 = tpu.vector_load %arg11[%get3A_731] {strides = array<i32>} : memref<256xf32, #tpu.memory_space<vmem>>, vector<16xf32>,
      %bitcast_convert_type3A_733 = tpu.bitcast %get3A_732 : vector<16xf32> -> vector<16xi32>
      %shift_right_arithmetic3A_734 = arith.constant 1 : i32
      %shift_right_arithmetic3A_735 = vector.broadcast %shift_right_arithmetic3A_734 : i32 to vector<16xi32>
      %shift_right_arithmetic3A_736 = arith.shrsi %bitcast_convert_type3A_733, %shift_right_arithmetic3A_735 : vector<16xi32>
      %sub3A_737 = arith.constant 1597463007 : i32
      %sub3A_738 = vector.broadcast %sub3A_737 : i32 to vector<16xi32>
      %sub3A_739 = arith.subi %sub3A_738, %shift_right_arithmetic3A_736 : vector<16xi32>
      %bitcast_convert_type3A_740 = tpu.bitcast %sub3A_739 : vector<16xi32> -> vector<16xf32>
      %mul3A_741 = arith.constant 5.000000e-01 : f32
      %mul3A_742 = vector.broadcast %mul3A_741 : f32 to vector<16xf32>
      %mul3A_743 = arith.mulf %mul3A_742, %get3A_732 : vector<16xf32>
      %mul3A_744 = arith.mulf %mul3A_743, %bitcast_convert_type3A_740 : vector<16xf32>
      %mul3A_745 = arith.mulf %mul3A_744, %bitcast_convert_type3A_740 : vector<16xf32>
      %sub3A_746 = arith.constant 1.500000e+00 : f32
      %sub3A_747 = vector.broadcast %sub3A_746 : f32 to vector<16xf32>
      %sub3A_748 = arith.subf %sub3A_747, %mul3A_745 : vector<16xf32>
      %mul3A_749 = arith.mulf %bitcast_convert_type3A_740, %sub3A_748 : vector<16xf32>
      %mul3A_750 = arith.constant 5.000000e-01 : f32
      %mul3A_751 = vector.broadcast %mul3A_750 : f32 to vector<16xf32>
      %mul3A_752 = arith.mulf %mul3A_751, %get3A_732 : vector<16xf32>
      %mul3A_753 = arith.mulf %mul3A_752, %mul3A_749 : vector<16xf32>
      %mul3A_754 = arith.mulf %mul3A_753, %mul3A_749 : vector<16xf32>
      %sub3A_755 = arith.constant 1.500000e+00 : f32
      %sub3A_756 = vector.broadcast %sub3A_755 : f32 to vector<16xf32>
      %sub3A_757 = arith.subf %sub3A_756, %mul3A_754 : vector<16xf32>
      %mul3A_758 = arith.mulf %mul3A_749, %sub3A_757 : vector<16xf32>
      %mul3A_759 = arith.constant 5.000000e-01 : f32
      %mul3A_760 = vector.broadcast %mul3A_759 : f32 to vector<16xf32>
      %mul3A_761 = arith.mulf %mul3A_760, %get3A_732 : vector<16xf32>
      %mul3A_762 = arith.mulf %mul3A_761, %mul3A_758 : vector<16xf32>
      %mul3A_763 = arith.mulf %mul3A_762, %mul3A_758 : vector<16xf32>
      %sub3A_764 = arith.constant 1.500000e+00 : f32
      %sub3A_765 = vector.broadcast %sub3A_764 : f32 to vector<16xf32>
      %sub3A_766 = arith.subf %sub3A_765, %mul3A_763 : vector<16xf32>
      %mul3A_767 = arith.mulf %mul3A_758, %sub3A_766 : vector<16xf32>
      %mul3A_768 = arith.constant 5.000000e-01 : f32
      %mul3A_769 = vector.broadcast %mul3A_768 : f32 to vector<16xf32>
      %mul3A_770 = arith.mulf %mul3A_769, %get3A_732 : vector<16xf32>
      %mul3A_771 = arith.mulf %mul3A_770, %mul3A_767 : vector<16xf32>
      %mul3A_772 = arith.mulf %mul3A_771, %mul3A_767 : vector<16xf32>
      %sub3A_773 = arith.constant 1.500000e+00 : f32
      %sub3A_774 = vector.broadcast %sub3A_773 : f32 to vector<16xf32>
      %sub3A_775 = arith.subf %sub3A_774, %mul3A_772 : vector<16xf32>
      %mul3A_776 = arith.mulf %mul3A_767, %sub3A_775 : vector<16xf32>
      %mul3A_777 = arith.mulf %get3A_732, %mul3A_776 : vector<16xf32>
      %add3A_778 = arith.addf %add3A_730, %mul3A_777 : vector<16xf32>
      %get3A_779 = arith.constant 160 : index
      %get3A_780 = tpu.vector_load %arg11[%get3A_779] {strides = array<i32>} : memref<256xf32, #tpu.memory_space<vmem>>, vector<16xf32>,
      %bitcast_convert_type3A_781 = tpu.bitcast %get3A_780 : vector<16xf32> -> vector<16xi32>
      %shift_right_arithmetic3A_782 = arith.constant 1 : i32
      %shift_right_arithmetic3A_783 = vector.broadcast %shift_right_arithmetic3A_782 : i32 to vector<16xi32>
      %shift_right_arithmetic3A_784 = arith.shrsi %bitcast_convert_type3A_781, %shift_right_arithmetic3A_783 : vector<16xi32>
      %sub3A_785 = arith.constant 1597463007 : i32
      %sub3A_786 = vector.broadcast %sub3A_785 : i32 to vector<16xi32>
      %sub3A_787 = arith.subi %sub3A_786, %shift_right_arithmetic3A_784 : vector<16xi32>
      %bitcast_convert_type3A_788 = tpu.bitcast %sub3A_787 : vector<16xi32> -> vector<16xf32>
      %mul3A_789 = arith.constant 5.000000e-01 : f32
      %mul3A_790 = vector.broadcast %mul3A_789 : f32 to vector<16xf32>
      %mul3A_791 = arith.mulf %mul3A_790, %get3A_780 : vector<16xf32>
      %mul3A_792 = arith.mulf %mul3A_791, %bitcast_convert_type3A_788 : vector<16xf32>
      %mul3A_793 = arith.mulf %mul3A_792, %bitcast_convert_type3A_788 : vector<16xf32>
      %sub3A_794 = arith.constant 1.500000e+00 : f32
      %sub3A_795 = vector.broadcast %sub3A_794 : f32 to vector<16xf32>
      %sub3A_796 = arith.subf %sub3A_795, %mul3A_793 : vector<16xf32>
      %mul3A_797 = arith.mulf %bitcast_convert_type3A_788, %sub3A_796 : vector<16xf32>
      %mul3A_798 = arith.constant 5.000000e-01 : f32
      %mul3A_799 = vector.broadcast %mul3A_798 : f32 to vector<16xf32>
      %mul3A_800 = arith.mulf %mul3A_799, %get3A_780 : vector<16xf32>
      %mul3A_801 = arith.mulf %mul3A_800, %mul3A_797 : vector<16xf32>
      %mul3A_802 = arith.mulf %mul3A_801, %mul3A_797 : vector<16xf32>
      %sub3A_803 = arith.constant 1.500000e+00 : f32
      %sub3A_804 = vector.broadcast %sub3A_803 : f32 to vector<16xf32>
      %sub3A_805 = arith.subf %sub3A_804, %mul3A_802 : vector<16xf32>
      %mul3A_806 = arith.mulf %mul3A_797, %sub3A_805 : vector<16xf32>
      %mul3A_807 = arith.constant 5.000000e-01 : f32
      %mul3A_808 = vector.broadcast %mul3A_807 : f32 to vector<16xf32>
      %mul3A_809 = arith.mulf %mul3A_808, %get3A_780 : vector<16xf32>
      %mul3A_810 = arith.mulf %mul3A_809, %mul3A_806 : vector<16xf32>
      %mul3A_811 = arith.mulf %mul3A_810, %mul3A_806 : vector<16xf32>
      %sub3A_812 = arith.constant 1.500000e+00 : f32
      %sub3A_813 = vector.broadcast %sub3A_812 : f32 to vector<16xf32>
      %sub3A_814 = arith.subf %sub3A_813, %mul3A_811 : vector<16xf32>
      %mul3A_815 = arith.mulf %mul3A_806, %sub3A_814 : vector<16xf32>
      %mul3A_816 = arith.constant 5.000000e-01 : f32
      %mul3A_817 = vector.broadcast %mul3A_816 : f32 to vector<16xf32>
      %mul3A_818 = arith.mulf %mul3A_817, %get3A_780 : vector<16xf32>
      %mul3A_819 = arith.mulf %mul3A_818, %mul3A_815 : vector<16xf32>
      %mul3A_820 = arith.mulf %mul3A_819, %mul3A_815 : vector<16xf32>
      %sub3A_821 = arith.constant 1.500000e+00 : f32
      %sub3A_822 = vector.broadcast %sub3A_821 : f32 to vector<16xf32>
      %sub3A_823 = arith.subf %sub3A_822, %mul3A_820 : vector<16xf32>
      %mul3A_824 = arith.mulf %mul3A_815, %sub3A_823 : vector<16xf32>
      %mul3A_825 = arith.mulf %get3A_780, %mul3A_824 : vector<16xf32>
      %add3A_826 = arith.addf %add3A_778, %mul3A_825 : vector<16xf32>
      %get3A_827 = arith.constant 176 : index
      %get3A_828 = tpu.vector_load %arg11[%get3A_827] {strides = array<i32>} : memref<256xf32, #tpu.memory_space<vmem>>, vector<16xf32>,
      %bitcast_convert_type3A_829 = tpu.bitcast %get3A_828 : vector<16xf32> -> vector<16xi32>
      %shift_right_arithmetic3A_830 = arith.constant 1 : i32
      %shift_right_arithmetic3A_831 = vector.broadcast %shift_right_arithmetic3A_830 : i32 to vector<16xi32>
      %shift_right_arithmetic3A_832 = arith.shrsi %bitcast_convert_type3A_829, %shift_right_arithmetic3A_831 : vector<16xi32>
      %sub3A_833 = arith.constant 1597463007 : i32
      %sub3A_834 = vector.broadcast %sub3A_833 : i32 to vector<16xi32>
      %sub3A_835 = arith.subi %sub3A_834, %shift_right_arithmetic3A_832 : vector<16xi32>
      %bitcast_convert_type3A_836 = tpu.bitcast %sub3A_835 : vector<16xi32> -> vector<16xf32>
      %mul3A_837 = arith.constant 5.000000e-01 : f32
      %mul3A_838 = vector.broadcast %mul3A_837 : f32 to vector<16xf32>
      %mul3A_839 = arith.mulf %mul3A_838, %get3A_828 : vector<16xf32>
      %mul3A_840 = arith.mulf %mul3A_839, %bitcast_convert_type3A_836 : vector<16xf32>
      %mul3A_841 = arith.mulf %mul3A_840, %bitcast_convert_type3A_836 : vector<16xf32>
      %sub3A_842 = arith.constant 1.500000e+00 : f32
      %sub3A_843 = vector.broadcast %sub3A_842 : f32 to vector<16xf32>
      %sub3A_844 = arith.subf %sub3A_843, %mul3A_841 : vector<16xf32>
      %mul3A_845 = arith.mulf %bitcast_convert_type3A_836, %sub3A_844 : vector<16xf32>
      %mul3A_846 = arith.constant 5.000000e-01 : f32
      %mul3A_847 = vector.broadcast %mul3A_846 : f32 to vector<16xf32>
      %mul3A_848 = arith.mulf %mul3A_847, %get3A_828 : vector<16xf32>
      %mul3A_849 = arith.mulf %mul3A_848, %mul3A_845 : vector<16xf32>
      %mul3A_850 = arith.mulf %mul3A_849, %mul3A_845 : vector<16xf32>
      %sub3A_851 = arith.constant 1.500000e+00 : f32
      %sub3A_852 = vector.broadcast %sub3A_851 : f32 to vector<16xf32>
      %sub3A_853 = arith.subf %sub3A_852, %mul3A_850 : vector<16xf32>
      %mul3A_854 = arith.mulf %mul3A_845, %sub3A_853 : vector<16xf32>
      %mul3A_855 = arith.constant 5.000000e-01 : f32
      %mul3A_856 = vector.broadcast %mul3A_855 : f32 to vector<16xf32>
      %mul3A_857 = arith.mulf %mul3A_856, %get3A_828 : vector<16xf32>
      %mul3A_858 = arith.mulf %mul3A_857, %mul3A_854 : vector<16xf32>
      %mul3A_859 = arith.mulf %mul3A_858, %mul3A_854 : vector<16xf32>
      %sub3A_860 = arith.constant 1.500000e+00 : f32
      %sub3A_861 = vector.broadcast %sub3A_860 : f32 to vector<16xf32>
      %sub3A_862 = arith.subf %sub3A_861, %mul3A_859 : vector<16xf32>
      %mul3A_863 = arith.mulf %mul3A_854, %sub3A_862 : vector<16xf32>
      %mul3A_864 = arith.constant 5.000000e-01 : f32
      %mul3A_865 = vector.broadcast %mul3A_864 : f32 to vector<16xf32>
      %mul3A_866 = arith.mulf %mul3A_865, %get3A_828 : vector<16xf32>
      %mul3A_867 = arith.mulf %mul3A_866, %mul3A_863 : vector<16xf32>
      %mul3A_868 = arith.mulf %mul3A_867, %mul3A_863 : vector<16xf32>
      %sub3A_869 = arith.constant 1.500000e+00 : f32
      %sub3A_870 = vector.broadcast %sub3A_869 : f32 to vector<16xf32>
      %sub3A_871 = arith.subf %sub3A_870, %mul3A_868 : vector<16xf32>
      %mul3A_872 = arith.mulf %mul3A_863, %sub3A_871 : vector<16xf32>
      %mul3A_873 = arith.mulf %get3A_828, %mul3A_872 : vector<16xf32>
      %add3A_874 = arith.addf %add3A_826, %mul3A_873 : vector<16xf32>
      %get3A_875 = arith.constant 192 : index
      %get3A_876 = tpu.vector_load %arg11[%get3A_875] {strides = array<i32>} : memref<256xf32, #tpu.memory_space<vmem>>, vector<16xf32>,
      %bitcast_convert_type3A_877 = tpu.bitcast %get3A_876 : vector<16xf32> -> vector<16xi32>
      %shift_right_arithmetic3A_878 = arith.constant 1 : i32
      %shift_right_arithmetic3A_879 = vector.broadcast %shift_right_arithmetic3A_878 : i32 to vector<16xi32>
      %shift_right_arithmetic3A_880 = arith.shrsi %bitcast_convert_type3A_877, %shift_right_arithmetic3A_879 : vector<16xi32>
      %sub3A_881 = arith.constant 1597463007 : i32
      %sub3A_882 = vector.broadcast %sub3A_881 : i32 to vector<16xi32>
      %sub3A_883 = arith.subi %sub3A_882, %shift_right_arithmetic3A_880 : vector<16xi32>
      %bitcast_convert_type3A_884 = tpu.bitcast %sub3A_883 : vector<16xi32> -> vector<16xf32>
      %mul3A_885 = arith.constant 5.000000e-01 : f32
      %mul3A_886 = vector.broadcast %mul3A_885 : f32 to vector<16xf32>
      %mul3A_887 = arith.mulf %mul3A_886, %get3A_876 : vector<16xf32>
      %mul3A_888 = arith.mulf %mul3A_887, %bitcast_convert_type3A_884 : vector<16xf32>
      %mul3A_889 = arith.mulf %mul3A_888, %bitcast_convert_type3A_884 : vector<16xf32>
      %sub3A_890 = arith.constant 1.500000e+00 : f32
      %sub3A_891 = vector.broadcast %sub3A_890 : f32 to vector<16xf32>
      %sub3A_892 = arith.subf %sub3A_891, %mul3A_889 : vector<16xf32>
      %mul3A_893 = arith.mulf %bitcast_convert_type3A_884, %sub3A_892 : vector<16xf32>
      %mul3A_894 = arith.constant 5.000000e-01 : f32
      %mul3A_895 = vector.broadcast %mul3A_894 : f32 to vector<16xf32>
      %mul3A_896 = arith.mulf %mul3A_895, %get3A_876 : vector<16xf32>
      %mul3A_897 = arith.mulf %mul3A_896, %mul3A_893 : vector<16xf32>
      %mul3A_898 = arith.mulf %mul3A_897, %mul3A_893 : vector<16xf32>
      %sub3A_899 = arith.constant 1.500000e+00 : f32
      %sub3A_900 = vector.broadcast %sub3A_899 : f32 to vector<16xf32>
      %sub3A_901 = arith.subf %sub3A_900, %mul3A_898 : vector<16xf32>
      %mul3A_902 = arith.mulf %mul3A_893, %sub3A_901 : vector<16xf32>
      %mul3A_903 = arith.constant 5.000000e-01 : f32
      %mul3A_904 = vector.broadcast %mul3A_903 : f32 to vector<16xf32>
      %mul3A_905 = arith.mulf %mul3A_904, %get3A_876 : vector<16xf32>
      %mul3A_906 = arith.mulf %mul3A_905, %mul3A_902 : vector<16xf32>
      %mul3A_907 = arith.mulf %mul3A_906, %mul3A_902 : vector<16xf32>
      %sub3A_908 = arith.constant 1.500000e+00 : f32
      %sub3A_909 = vector.broadcast %sub3A_908 : f32 to vector<16xf32>
      %sub3A_910 = arith.subf %sub3A_909, %mul3A_907 : vector<16xf32>
      %mul3A_911 = arith.mulf %mul3A_902, %sub3A_910 : vector<16xf32>
      %mul3A_912 = arith.constant 5.000000e-01 : f32
      %mul3A_913 = vector.broadcast %mul3A_912 : f32 to vector<16xf32>
      %mul3A_914 = arith.mulf %mul3A_913, %get3A_876 : vector<16xf32>
      %mul3A_915 = arith.mulf %mul3A_914, %mul3A_911 : vector<16xf32>
      %mul3A_916 = arith.mulf %mul3A_915, %mul3A_911 : vector<16xf32>
      %sub3A_917 = arith.constant 1.500000e+00 : f32
      %sub3A_918 = vector.broadcast %sub3A_917 : f32 to vector<16xf32>
      %sub3A_919 = arith.subf %sub3A_918, %mul3A_916 : vector<16xf32>
      %mul3A_920 = arith.mulf %mul3A_911, %sub3A_919 : vector<16xf32>
      %mul3A_921 = arith.mulf %get3A_876, %mul3A_920 : vector<16xf32>
      %add3A_922 = arith.addf %add3A_874, %mul3A_921 : vector<16xf32>
      %get3A_923 = arith.constant 208 : index
      %get3A_924 = tpu.vector_load %arg11[%get3A_923] {strides = array<i32>} : memref<256xf32, #tpu.memory_space<vmem>>, vector<16xf32>,
      %bitcast_convert_type3A_925 = tpu.bitcast %get3A_924 : vector<16xf32> -> vector<16xi32>
      %shift_right_arithmetic3A_926 = arith.constant 1 : i32
      %shift_right_arithmetic3A_927 = vector.broadcast %shift_right_arithmetic3A_926 : i32 to vector<16xi32>
      %shift_right_arithmetic3A_928 = arith.shrsi %bitcast_convert_type3A_925, %shift_right_arithmetic3A_927 : vector<16xi32>
      %sub3A_929 = arith.constant 1597463007 : i32
      %sub3A_930 = vector.broadcast %sub3A_929 : i32 to vector<16xi32>
      %sub3A_931 = arith.subi %sub3A_930, %shift_right_arithmetic3A_928 : vector<16xi32>
      %bitcast_convert_type3A_932 = tpu.bitcast %sub3A_931 : vector<16xi32> -> vector<16xf32>
      %mul3A_933 = arith.constant 5.000000e-01 : f32
      %mul3A_934 = vector.broadcast %mul3A_933 : f32 to vector<16xf32>
      %mul3A_935 = arith.mulf %mul3A_934, %get3A_924 : vector<16xf32>
      %mul3A_936 = arith.mulf %mul3A_935, %bitcast_convert_type3A_932 : vector<16xf32>
      %mul3A_937 = arith.mulf %mul3A_936, %bitcast_convert_type3A_932 : vector<16xf32>
      %sub3A_938 = arith.constant 1.500000e+00 : f32
      %sub3A_939 = vector.broadcast %sub3A_938 : f32 to vector<16xf32>
      %sub3A_940 = arith.subf %sub3A_939, %mul3A_937 : vector<16xf32>
      %mul3A_941 = arith.mulf %bitcast_convert_type3A_932, %sub3A_940 : vector<16xf32>
      %mul3A_942 = arith.constant 5.000000e-01 : f32
      %mul3A_943 = vector.broadcast %mul3A_942 : f32 to vector<16xf32>
      %mul3A_944 = arith.mulf %mul3A_943, %get3A_924 : vector<16xf32>
      %mul3A_945 = arith.mulf %mul3A_944, %mul3A_941 : vector<16xf32>
      %mul3A_946 = arith.mulf %mul3A_945, %mul3A_941 : vector<16xf32>
      %sub3A_947 = arith.constant 1.500000e+00 : f32
      %sub3A_948 = vector.broadcast %sub3A_947 : f32 to vector<16xf32>
      %sub3A_949 = arith.subf %sub3A_948, %mul3A_946 : vector<16xf32>
      %mul3A_950 = arith.mulf %mul3A_941, %sub3A_949 : vector<16xf32>
      %mul3A_951 = arith.constant 5.000000e-01 : f32
      %mul3A_952 = vector.broadcast %mul3A_951 : f32 to vector<16xf32>
      %mul3A_953 = arith.mulf %mul3A_952, %get3A_924 : vector<16xf32>
      %mul3A_954 = arith.mulf %mul3A_953, %mul3A_950 : vector<16xf32>
      %mul3A_955 = arith.mulf %mul3A_954, %mul3A_950 : vector<16xf32>
      %sub3A_956 = arith.constant 1.500000e+00 : f32
      %sub3A_957 = vector.broadcast %sub3A_956 : f32 to vector<16xf32>
      %sub3A_958 = arith.subf %sub3A_957, %mul3A_955 : vector<16xf32>
      %mul3A_959 = arith.mulf %mul3A_950, %sub3A_958 : vector<16xf32>
      %mul3A_960 = arith.constant 5.000000e-01 : f32
      %mul3A_961 = vector.broadcast %mul3A_960 : f32 to vector<16xf32>
      %mul3A_962 = arith.mulf %mul3A_961, %get3A_924 : vector<16xf32>
      %mul3A_963 = arith.mulf %mul3A_962, %mul3A_959 : vector<16xf32>
      %mul3A_964 = arith.mulf %mul3A_963, %mul3A_959 : vector<16xf32>
      %sub3A_965 = arith.constant 1.500000e+00 : f32
      %sub3A_966 = vector.broadcast %sub3A_965 : f32 to vector<16xf32>
      %sub3A_967 = arith.subf %sub3A_966, %mul3A_964 : vector<16xf32>
      %mul3A_968 = arith.mulf %mul3A_959, %sub3A_967 : vector<16xf32>
      %mul3A_969 = arith.mulf %get3A_924, %mul3A_968 : vector<16xf32>
      %add3A_970 = arith.addf %add3A_922, %mul3A_969 : vector<16xf32>
      %get3A_971 = arith.constant 224 : index
      %get3A_972 = tpu.vector_load %arg11[%get3A_971] {strides = array<i32>} : memref<256xf32, #tpu.memory_space<vmem>>, vector<16xf32>,
      %bitcast_convert_type3A_973 = tpu.bitcast %get3A_972 : vector<16xf32> -> vector<16xi32>
      %shift_right_arithmetic3A_974 = arith.constant 1 : i32
      %shift_right_arithmetic3A_975 = vector.broadcast %shift_right_arithmetic3A_974 : i32 to vector<16xi32>
      %shift_right_arithmetic3A_976 = arith.shrsi %bitcast_convert_type3A_973, %shift_right_arithmetic3A_975 : vector<16xi32>
      %sub3A_977 = arith.constant 1597463007 : i32
      %sub3A_978 = vector.broadcast %sub3A_977 : i32 to vector<16xi32>
      %sub3A_979 = arith.subi %sub3A_978, %shift_right_arithmetic3A_976 : vector<16xi32>
      %bitcast_convert_type3A_980 = tpu.bitcast %sub3A_979 : vector<16xi32> -> vector<16xf32>
      %mul3A_981 = arith.constant 5.000000e-01 : f32
      %mul3A_982 = vector.broadcast %mul3A_981 : f32 to vector<16xf32>
      %mul3A_983 = arith.mulf %mul3A_982, %get3A_972 : vector<16xf32>
      %mul3A_984 = arith.mulf %mul3A_983, %bitcast_convert_type3A_980 : vector<16xf32>
      %mul3A_985 = arith.mulf %mul3A_984, %bitcast_convert_type3A_980 : vector<16xf32>
      %sub3A_986 = arith.constant 1.500000e+00 : f32
      %sub3A_987 = vector.broadcast %sub3A_986 : f32 to vector<16xf32>
      %sub3A_988 = arith.subf %sub3A_987, %mul3A_985 : vector<16xf32>
      %mul3A_989 = arith.mulf %bitcast_convert_type3A_980, %sub3A_988 : vector<16xf32>
      %mul3A_990 = arith.constant 5.000000e-01 : f32
      %mul3A_991 = vector.broadcast %mul3A_990 : f32 to vector<16xf32>
      %mul3A_992 = arith.mulf %mul3A_991, %get3A_972 : vector<16xf32>
      %mul3A_993 = arith.mulf %mul3A_992, %mul3A_989 : vector<16xf32>
      %mul3A_994 = arith.mulf %mul3A_993, %mul3A_989 : vector<16xf32>
      %sub3A_995 = arith.constant 1.500000e+00 : f32
      %sub3A_996 = vector.broadcast %sub3A_995 : f32 to vector<16xf32>
      %sub3A_997 = arith.subf %sub3A_996, %mul3A_994 : vector<16xf32>
      %mul3A_998 = arith.mulf %mul3A_989, %sub3A_997 : vector<16xf32>
      %mul3A_999 = arith.constant 5.000000e-01 : f32
      %mul3A_1000 = vector.broadcast %mul3A_999 : f32 to vector<16xf32>
      %mul3A_1001 = arith.mulf %mul3A_1000, %get3A_972 : vector<16xf32>
      %mul3A_1002 = arith.mulf %mul3A_1001, %mul3A_998 : vector<16xf32>
      %mul3A_1003 = arith.mulf %mul3A_1002, %mul3A_998 : vector<16xf32>
      %sub3A_1004 = arith.constant 1.500000e+00 : f32
      %sub3A_1005 = vector.broadcast %sub3A_1004 : f32 to vector<16xf32>
      %sub3A_1006 = arith.subf %sub3A_1005, %mul3A_1003 : vector<16xf32>
      %mul3A_1007 = arith.mulf %mul3A_998, %sub3A_1006 : vector<16xf32>
      %mul3A_1008 = arith.constant 5.000000e-01 : f32
      %mul3A_1009 = vector.broadcast %mul3A_1008 : f32 to vector<16xf32>
      %mul3A_1010 = arith.mulf %mul3A_1009, %get3A_972 : vector<16xf32>
      %mul3A_1011 = arith.mulf %mul3A_1010, %mul3A_1007 : vector<16xf32>
      %mul3A_1012 = arith.mulf %mul3A_1011, %mul3A_1007 : vector<16xf32>
      %sub3A_1013 = arith.constant 1.500000e+00 : f32
      %sub3A_1014 = vector.broadcast %sub3A_1013 : f32 to vector<16xf32>
      %sub3A_1015 = arith.subf %sub3A_1014, %mul3A_1012 : vector<16xf32>
      %mul3A_1016 = arith.mulf %mul3A_1007, %sub3A_1015 : vector<16xf32>
      %mul3A_1017 = arith.mulf %get3A_972, %mul3A_1016 : vector<16xf32>
      %add3A_1018 = arith.addf %add3A_970, %mul3A_1017 : vector<16xf32>
      %swap3A_1019 = arith.constant 240 : index
      %swap3A_1020 = tpu.vector_load %arg11[%swap3A_1019] {strides = array<i32>} : memref<256xf32, #tpu.memory_space<vmem>>, vector<16xf32>,
      tpu.vector_store %arg11[%swap3A_1019], %add3A_1018 {strides = array<i32>} : memref<256xf32, #tpu.memory_space<vmem>>, vector<16xf32>,
      %xor3A = arith.constant 8 : i32
      %xor3A_1021 = vector.broadcast %xor3A : i32 to vector<16xi32>
      %xor3A_1022 = arith.xori %iota3A, %xor3A_1021 : vector<16xi32>
      %add3A_1023 = arith.constant 240 : i32
      %add3A_1024 = vector.broadcast %add3A_1023 : i32 to vector<16xi32>
      %add3A_1025 = arith.addi %add3A_1024, %xor3A_1022 : vector<16xi32>
      %gather3A_1026 = tpu.vector_load_idx %arg11[%add3A_1025] : memref<256xf32, #tpu.memory_space<vmem>>[vector<16xi32>], vector<16xf32>,
      %add3A_1027 = arith.addf %add3A_1018, %gather3A_1026 : vector<16xf32>
      %swap3A_1028 = arith.constant 240 : index
      %swap3A_1029 = tpu.vector_load %arg11[%swap3A_1028] {strides = array<i32>} : memref<256xf32, #tpu.memory_space<vmem>>, vector<16xf32>,
      tpu.vector_store %arg11[%swap3A_1028], %add3A_1027 {strides = array<i32>} : memref<256xf32, #tpu.memory_space<vmem>>, vector<16xf32>,
      %xor3A_1030 = arith.constant 4 : i32
      %xor3A_1031 = vector.broadcast %xor3A_1030 : i32 to vector<16xi32>
      %xor3A_1032 = arith.xori %iota3A, %xor3A_1031 : vector<16xi32>
      %add3A_1033 = arith.constant 240 : i32
      %add3A_1034 = vector.broadcast %add3A_1033 : i32 to vector<16xi32>
      %add3A_1035 = arith.addi %add3A_1034, %xor3A_1032 : vector<16xi32>
      %gather3A_1036 = tpu.vector_load_idx %arg11[%add3A_1035] : memref<256xf32, #tpu.memory_space<vmem>>[vector<16xi32>], vector<16xf32>,
      %add3A_1037 = arith.addf %add3A_1027, %gather3A_1036 : vector<16xf32>
      %swap3A_1038 = arith.constant 240 : index
      %swap3A_1039 = tpu.vector_load %arg11[%swap3A_1038] {strides = array<i32>} : memref<256xf32, #tpu.memory_space<vmem>>, vector<16xf32>,
      tpu.vector_store %arg11[%swap3A_1038], %add3A_1037 {strides = array<i32>} : memref<256xf32, #tpu.memory_space<vmem>>, vector<16xf32>,
      %xor3A_1040 = arith.constant 2 : i32
      %xor3A_1041 = vector.broadcast %xor3A_1040 : i32 to vector<16xi32>
      %xor3A_1042 = arith.xori %iota3A, %xor3A_1041 : vector<16xi32>
      %add3A_1043 = arith.constant 240 : i32
      %add3A_1044 = vector.broadcast %add3A_1043 : i32 to vector<16xi32>
      %add3A_1045 = arith.addi %add3A_1044, %xor3A_1042 : vector<16xi32>
      %gather3A_1046 = tpu.vector_load_idx %arg11[%add3A_1045] : memref<256xf32, #tpu.memory_space<vmem>>[vector<16xi32>], vector<16xf32>,
      %add3A_1047 = arith.addf %add3A_1037, %gather3A_1046 : vector<16xf32>
      %swap3A_1048 = arith.constant 240 : index
      %swap3A_1049 = tpu.vector_load %arg11[%swap3A_1048] {strides = array<i32>} : memref<256xf32, #tpu.memory_space<vmem>>, vector<16xf32>,
      tpu.vector_store %arg11[%swap3A_1048], %add3A_1047 {strides = array<i32>} : memref<256xf32, #tpu.memory_space<vmem>>, vector<16xf32>,
      %xor3A_1050 = arith.constant 1 : i32
      %xor3A_1051 = vector.broadcast %xor3A_1050 : i32 to vector<16xi32>
      %xor3A_1052 = arith.xori %iota3A, %xor3A_1051 : vector<16xi32>
      %add3A_1053 = arith.constant 240 : i32
      %add3A_1054 = vector.broadcast %add3A_1053 : i32 to vector<16xi32>
      %add3A_1055 = arith.addi %add3A_1054, %xor3A_1052 : vector<16xi32>
      %gather3A_1056 = tpu.vector_load_idx %arg11[%add3A_1055] : memref<256xf32, #tpu.memory_space<vmem>>[vector<16xi32>], vector<16xf32>,
      %add3A_1057 = arith.addf %add3A_1047, %gather3A_1056 : vector<16xf32>
      %mul3A_1058 = arith.constant 16 : i32
      %mul3A_1059 = vector.broadcast %mul3A_1058 : i32 to vector<16xi32>
      %mul3A_1060 = arith.muli %iota3A, %mul3A_1059 : vector<16xi32>
      %add3A_1061 = vector.broadcast %add3A_35 : i32 to vector<16xi32>
      %add3A_1062 = arith.addi %mul3A_1060, %add3A_1061 : vector<16xi32>
      %gather3A_1063 = tpu.vector_load_idx %arg10[%add3A_1062] : memref<512xi32, #tpu.memory_space<vmem>>[vector<16xi32>], vector<16xi32>,
      %ge3A_1064 = arith.constant 0 : i32
      %ge3A_1065 = vector.broadcast %ge3A_1064 : i32 to vector<16xi32>
      %ge3A_1066 = arith.cmpi sge, %gather3A_1063, %ge3A_1065 : vector<16xi32>
      %jit3A_1067 = arith.constant 1.000000e+00 : f32
      %jit3A_1068 = arith.constant 0.000000e+00 : f32
      %broadcast_in_dim3A_1069 = vector.broadcast %jit3A_1067 : f32 to vector<16xf32>
      %broadcast_in_dim3A_1070 = vector.broadcast %jit3A_1068 : f32 to vector<16xf32>
      %select_n3A_1071 = arith.select %ge3A_1066, %broadcast_in_dim3A_1069, %broadcast_in_dim3A_1070 : vector<16xi1>, vector<16xf32>
      %swap3A_1072 = arith.constant 240 : index
      %swap3A_1073 = tpu.vector_load %arg11[%swap3A_1072] {strides = array<i32>} : memref<256xf32, #tpu.memory_space<vmem>>, vector<16xf32>,
      tpu.vector_store %arg11[%swap3A_1072], %select_n3A_1071 {strides = array<i32>} : memref<256xf32, #tpu.memory_space<vmem>>, vector<16xf32>,
      %xor3A_1074 = arith.constant 8 : i32
      %xor3A_1075 = vector.broadcast %xor3A_1074 : i32 to vector<16xi32>
      %xor3A_1076 = arith.xori %iota3A, %xor3A_1075 : vector<16xi32>
      %add3A_1077 = arith.constant 240 : i32
      %add3A_1078 = vector.broadcast %add3A_1077 : i32 to vector<16xi32>
      %add3A_1079 = arith.addi %add3A_1078, %xor3A_1076 : vector<16xi32>
      %gather3A_1080 = tpu.vector_load_idx %arg11[%add3A_1079] : memref<256xf32, #tpu.memory_space<vmem>>[vector<16xi32>], vector<16xf32>,
      %add3A_1081 = arith.addf %select_n3A_1071, %gather3A_1080 : vector<16xf32>
      %swap3A_1082 = arith.constant 240 : index
      %swap3A_1083 = tpu.vector_load %arg11[%swap3A_1082] {strides = array<i32>} : memref<256xf32, #tpu.memory_space<vmem>>, vector<16xf32>,
      tpu.vector_store %arg11[%swap3A_1082], %add3A_1081 {strides = array<i32>} : memref<256xf32, #tpu.memory_space<vmem>>, vector<16xf32>,
      %xor3A_1084 = arith.constant 4 : i32
      %xor3A_1085 = vector.broadcast %xor3A_1084 : i32 to vector<16xi32>
      %xor3A_1086 = arith.xori %iota3A, %xor3A_1085 : vector<16xi32>
      %add3A_1087 = arith.constant 240 : i32
      %add3A_1088 = vector.broadcast %add3A_1087 : i32 to vector<16xi32>
      %add3A_1089 = arith.addi %add3A_1088, %xor3A_1086 : vector<16xi32>
      %gather3A_1090 = tpu.vector_load_idx %arg11[%add3A_1089] : memref<256xf32, #tpu.memory_space<vmem>>[vector<16xi32>], vector<16xf32>,
      %add3A_1091 = arith.addf %add3A_1081, %gather3A_1090 : vector<16xf32>
      %swap3A_1092 = arith.constant 240 : index
      %swap3A_1093 = tpu.vector_load %arg11[%swap3A_1092] {strides = array<i32>} : memref<256xf32, #tpu.memory_space<vmem>>, vector<16xf32>,
      tpu.vector_store %arg11[%swap3A_1092], %add3A_1091 {strides = array<i32>} : memref<256xf32, #tpu.memory_space<vmem>>, vector<16xf32>,
      %xor3A_1094 = arith.constant 2 : i32
      %xor3A_1095 = vector.broadcast %xor3A_1094 : i32 to vector<16xi32>
      %xor3A_1096 = arith.xori %iota3A, %xor3A_1095 : vector<16xi32>
      %add3A_1097 = arith.constant 240 : i32
      %add3A_1098 = vector.broadcast %add3A_1097 : i32 to vector<16xi32>
      %add3A_1099 = arith.addi %add3A_1098, %xor3A_1096 : vector<16xi32>
      %gather3A_1100 = tpu.vector_load_idx %arg11[%add3A_1099] : memref<256xf32, #tpu.memory_space<vmem>>[vector<16xi32>], vector<16xf32>,
      %add3A_1101 = arith.addf %add3A_1091, %gather3A_1100 : vector<16xf32>
      %swap3A_1102 = arith.constant 240 : index
      %swap3A_1103 = tpu.vector_load %arg11[%swap3A_1102] {strides = array<i32>} : memref<256xf32, #tpu.memory_space<vmem>>, vector<16xf32>,
      tpu.vector_store %arg11[%swap3A_1102], %add3A_1101 {strides = array<i32>} : memref<256xf32, #tpu.memory_space<vmem>>, vector<16xf32>,
      %xor3A_1104 = arith.constant 1 : i32
      %xor3A_1105 = vector.broadcast %xor3A_1104 : i32 to vector<16xi32>
      %xor3A_1106 = arith.xori %iota3A, %xor3A_1105 : vector<16xi32>
      %add3A_1107 = arith.constant 240 : i32
      %add3A_1108 = vector.broadcast %add3A_1107 : i32 to vector<16xi32>
      %add3A_1109 = arith.addi %add3A_1108, %xor3A_1106 : vector<16xi32>
      %gather3A_1110 = tpu.vector_load_idx %arg11[%add3A_1109] : memref<256xf32, #tpu.memory_space<vmem>>[vector<16xi32>], vector<16xf32>,
      %add3A_1111 = arith.addf %add3A_1101, %gather3A_1110 : vector<16xf32>
      %jit3A_1112 = arith.constant 1.000000e+00 : f32
      %jit3A_1113 = arith.constant 0.000000e+00 : f32
      %broadcast_in_dim3A_1114 = vector.broadcast %jit3A_1112 : f32 to vector<16xf32>
      %broadcast_in_dim3A_1115 = vector.broadcast %jit3A_1113 : f32 to vector<16xf32>
      %select_n3A_1116 = arith.select %ge3A_53, %broadcast_in_dim3A_1114, %broadcast_in_dim3A_1115 : vector<16xi1>, vector<16xf32>
      %swap3A_1117 = arith.constant 240 : index
      %swap3A_1118 = tpu.vector_load %arg11[%swap3A_1117] {strides = array<i32>} : memref<256xf32, #tpu.memory_space<vmem>>, vector<16xf32>,
      tpu.vector_store %arg11[%swap3A_1117], %select_n3A_1116 {strides = array<i32>} : memref<256xf32, #tpu.memory_space<vmem>>, vector<16xf32>,
      %xor3A_1119 = arith.constant 8 : i32
      %xor3A_1120 = vector.broadcast %xor3A_1119 : i32 to vector<16xi32>
      %xor3A_1121 = arith.xori %iota3A, %xor3A_1120 : vector<16xi32>
      %add3A_1122 = arith.constant 240 : i32
      %add3A_1123 = vector.broadcast %add3A_1122 : i32 to vector<16xi32>
      %add3A_1124 = arith.addi %add3A_1123, %xor3A_1121 : vector<16xi32>
      %gather3A_1125 = tpu.vector_load_idx %arg11[%add3A_1124] : memref<256xf32, #tpu.memory_space<vmem>>[vector<16xi32>], vector<16xf32>,
      %add3A_1126 = arith.addf %select_n3A_1116, %gather3A_1125 : vector<16xf32>
      %swap3A_1127 = arith.constant 240 : index
      %swap3A_1128 = tpu.vector_load %arg11[%swap3A_1127] {strides = array<i32>} : memref<256xf32, #tpu.memory_space<vmem>>, vector<16xf32>,
      tpu.vector_store %arg11[%swap3A_1127], %add3A_1126 {strides = array<i32>} : memref<256xf32, #tpu.memory_space<vmem>>, vector<16xf32>,
      %xor3A_1129 = arith.constant 4 : i32
      %xor3A_1130 = vector.broadcast %xor3A_1129 : i32 to vector<16xi32>
      %xor3A_1131 = arith.xori %iota3A, %xor3A_1130 : vector<16xi32>
      %add3A_1132 = arith.constant 240 : i32
      %add3A_1133 = vector.broadcast %add3A_1132 : i32 to vector<16xi32>
      %add3A_1134 = arith.addi %add3A_1133, %xor3A_1131 : vector<16xi32>
      %gather3A_1135 = tpu.vector_load_idx %arg11[%add3A_1134] : memref<256xf32, #tpu.memory_space<vmem>>[vector<16xi32>], vector<16xf32>,
      %add3A_1136 = arith.addf %add3A_1126, %gather3A_1135 : vector<16xf32>
      %swap3A_1137 = arith.constant 240 : index
      %swap3A_1138 = tpu.vector_load %arg11[%swap3A_1137] {strides = array<i32>} : memref<256xf32, #tpu.memory_space<vmem>>, vector<16xf32>,
      tpu.vector_store %arg11[%swap3A_1137], %add3A_1136 {strides = array<i32>} : memref<256xf32, #tpu.memory_space<vmem>>, vector<16xf32>,
      %xor3A_1139 = arith.constant 2 : i32
      %xor3A_1140 = vector.broadcast %xor3A_1139 : i32 to vector<16xi32>
      %xor3A_1141 = arith.xori %iota3A, %xor3A_1140 : vector<16xi32>
      %add3A_1142 = arith.constant 240 : i32
      %add3A_1143 = vector.broadcast %add3A_1142 : i32 to vector<16xi32>
      %add3A_1144 = arith.addi %add3A_1143, %xor3A_1141 : vector<16xi32>
      %gather3A_1145 = tpu.vector_load_idx %arg11[%add3A_1144] : memref<256xf32, #tpu.memory_space<vmem>>[vector<16xi32>], vector<16xf32>,
      %add3A_1146 = arith.addf %add3A_1136, %gather3A_1145 : vector<16xf32>
      %swap3A_1147 = arith.constant 240 : index
      %swap3A_1148 = tpu.vector_load %arg11[%swap3A_1147] {strides = array<i32>} : memref<256xf32, #tpu.memory_space<vmem>>, vector<16xf32>,
      tpu.vector_store %arg11[%swap3A_1147], %add3A_1146 {strides = array<i32>} : memref<256xf32, #tpu.memory_space<vmem>>, vector<16xf32>,
      %xor3A_1149 = arith.constant 1 : i32
      %xor3A_1150 = vector.broadcast %xor3A_1149 : i32 to vector<16xi32>
      %xor3A_1151 = arith.xori %iota3A, %xor3A_1150 : vector<16xi32>
      %add3A_1152 = arith.constant 240 : i32
      %add3A_1153 = vector.broadcast %add3A_1152 : i32 to vector<16xi32>
      %add3A_1154 = arith.addi %add3A_1153, %xor3A_1151 : vector<16xi32>
      %gather3A_1155 = tpu.vector_load_idx %arg11[%add3A_1154] : memref<256xf32, #tpu.memory_space<vmem>>[vector<16xi32>], vector<16xf32>,
      %add3A_1156 = arith.addf %add3A_1146, %gather3A_1155 : vector<16xf32>
      %mul3A_1157 = arith.mulf %add3A_1111, %add3A_1156 : vector<16xf32>
      %div3A = arith.divf %add3A_1057, %mul3A_1157 : vector<16xf32>
      %swap3A_1158 = arith.constant 0 : index
      %swap3A_1159 = tpu.vector_load %arg13[%swap3A_1158] {strides = array<i32>} : memref<16xf32, #tpu.memory_space<vmem>>, vector<16xf32>,
      tpu.vector_store %arg13[%swap3A_1158], %div3A {strides = array<i32>} : memref<16xf32, #tpu.memory_space<vmem>>, vector<16xf32>,
      %mul3A_1160 = arith.constant 16 : i32
      %mul3A_1161 = arith.muli %arg1, %mul3A_1160 : i32
      "tpu.region"() ({
        %run_scoped3A = tpu.sem_alloc : memref<!tpu.dma_semaphore, #tpu.memory_space<semaphore_mem>>
        %dma_start3A = tpu.memref_slice %arg16[%mul3A_1161] : memref<64xf32, #tpu.memory_space<vmem_shared>> -> memref<16xf32, #tpu.memory_space<vmem_shared>>
        %dma_start3A_1162 = tpu.memref_slice %arg16[%mul3A_1161] : memref<64xf32, #tpu.memory_space<vmem_shared>> -> memref<16xf32, #tpu.memory_space<vmem_shared>>
        tpu.enqueue_dma source(%arg13 : memref<16xf32, #tpu.memory_space<vmem>>) target(%dma_start3A_1162 : memref<16xf32, #tpu.memory_space<vmem_shared>>) target_semaphore(%run_scoped3A : memref<!tpu.dma_semaphore, #tpu.memory_space<semaphore_mem>>)
        %dma_wait3A = tpu.memref_slice %arg16[%mul3A_1161] : memref<64xf32, #tpu.memory_space<vmem_shared>> -> memref<16xf32, #tpu.memory_space<vmem_shared>>
        %dma_wait3A_1163 = tpu.memref_slice %arg16[%mul3A_1161] : memref<64xf32, #tpu.memory_space<vmem_shared>> -> memref<16xf32, #tpu.memory_space<vmem_shared>>
        tpu.wait_dma2 semaphore(%run_scoped3A : memref<!tpu.dma_semaphore, #tpu.memory_space<semaphore_mem>>) src(%arg13 : memref<16xf32, #tpu.memory_space<vmem>>) dst(%dma_wait3A_1163 : memref<16xf32, #tpu.memory_space<vmem_shared>>)
        tpu.yield
      }) : () -> ()
    } else {
    }
    %barrier3A_20 = arith.constant 0 : index
    tpu.barrier barrier_id(%barrier3A_20)
    %eq3A_21 = arith.constant 0 : i32
    %eq3A_22 = arith.cmpi eq, %arg0, %eq3A_21 : i32
    %eq3A_23 = arith.constant 0 : i32
    %eq3A_24 = arith.cmpi eq, %arg1, %eq3A_23 : i32
    %and3A_25 = arith.andi %eq3A_22, %eq3A_24 : i1
    %convert_element_type3A_26 = arith.extui %and3A_25 : i1 to i32
    %cond3A_27 = arith.constant 0 : i32
    %cond3A_28 = arith.cmpi ne, %convert_element_type3A_26, %cond3A_27 : i32
    scf.if %cond3A_28 {
      "tpu.region"() ({
        %run_scoped3A = tpu.sem_alloc : memref<!tpu.dma_semaphore, #tpu.memory_space<semaphore_mem>>
        %dma_start3A = arith.constant 0 : i32
        %dma_start3A_45 = tpu.memref_slice %arg11[%dma_start3A] : memref<256xf32, #tpu.memory_space<vmem>> -> memref<64xf32, #tpu.memory_space<vmem>>
        %dma_start3A_46 = arith.constant 0 : i32
        %dma_start3A_47 = tpu.memref_slice %arg11[%dma_start3A_46] : memref<256xf32, #tpu.memory_space<vmem>> -> memref<64xf32, #tpu.memory_space<vmem>>
        tpu.enqueue_dma source(%arg16 : memref<64xf32, #tpu.memory_space<vmem_shared>>) target(%dma_start3A_47 : memref<64xf32, #tpu.memory_space<vmem>>) target_semaphore(%run_scoped3A : memref<!tpu.dma_semaphore, #tpu.memory_space<semaphore_mem>>)
        %dma_wait3A = arith.constant 0 : i32
        %dma_wait3A_48 = tpu.memref_slice %arg11[%dma_wait3A] : memref<256xf32, #tpu.memory_space<vmem>> -> memref<64xf32, #tpu.memory_space<vmem>>
        %dma_wait3A_49 = arith.constant 0 : i32
        %dma_wait3A_50 = tpu.memref_slice %arg11[%dma_wait3A_49] : memref<256xf32, #tpu.memory_space<vmem>> -> memref<64xf32, #tpu.memory_space<vmem>>
        tpu.wait_dma2 semaphore(%run_scoped3A : memref<!tpu.dma_semaphore, #tpu.memory_space<semaphore_mem>>) src(%arg16 : memref<64xf32, #tpu.memory_space<vmem_shared>>) dst(%dma_wait3A_50 : memref<64xf32, #tpu.memory_space<vmem>>)
        tpu.yield
      }) : () -> ()
      %get3A = arith.constant 0 : index
      %get3A_29 = tpu.vector_load %arg11[%get3A] {strides = array<i32>} : memref<256xf32, #tpu.memory_space<vmem>>, vector<16xf32>,
      %get3A_30 = arith.constant 16 : index
      %get3A_31 = tpu.vector_load %arg11[%get3A_30] {strides = array<i32>} : memref<256xf32, #tpu.memory_space<vmem>>, vector<16xf32>,
      %get3A_32 = arith.constant 32 : index
      %get3A_33 = tpu.vector_load %arg11[%get3A_32] {strides = array<i32>} : memref<256xf32, #tpu.memory_space<vmem>>, vector<16xf32>,
      %get3A_34 = arith.constant 48 : index
      %get3A_35 = tpu.vector_load %arg11[%get3A_34] {strides = array<i32>} : memref<256xf32, #tpu.memory_space<vmem>>, vector<16xf32>,
      %sub3A = arith.subf %get3A_29, %get3A_33 : vector<16xf32>
      %add3A = arith.constant 1.000000e-01 : f32
      %add3A_36 = vector.broadcast %add3A : f32 to vector<16xf32>
      %add3A_37 = arith.addf %sub3A, %add3A_36 : vector<16xf32>
      %max3A = arith.maximumf %add3A_37, %broadcast_in_dim3A_0 : vector<16xf32>
      %sub3A_38 = arith.subf %get3A_31, %get3A_35 : vector<16xf32>
      %add3A_39 = arith.constant 1.000000e-01 : f32
      %add3A_40 = vector.broadcast %add3A_39 : f32 to vector<16xf32>
      %add3A_41 = arith.addf %sub3A_38, %add3A_40 : vector<16xf32>
      %max3A_42 = arith.maximumf %add3A_41, %broadcast_in_dim3A_0 : vector<16xf32>
      %add3A_43 = arith.addf %max3A, %max3A_42 : vector<16xf32>
      %swap3A = arith.constant 0 : index
      %swap3A_44 = tpu.vector_load %arg13[%swap3A] {strides = array<i32>} : memref<16xf32, #tpu.memory_space<vmem>>, vector<16xf32>,
      tpu.vector_store %arg13[%swap3A], %add3A_43 {strides = array<i32>} : memref<16xf32, #tpu.memory_space<vmem>>, vector<16xf32>,
      "tpu.region"() ({
        %run_scoped3A = tpu.sem_alloc : memref<!tpu.dma_semaphore, #tpu.memory_space<semaphore_mem>>
        %dma_start3A = arith.constant 0 : i32
        %dma_start3A_45 = tpu.memref_slice %arg13[%dma_start3A] : memref<16xf32, #tpu.memory_space<vmem>> -> memref<1xf32, #tpu.memory_space<vmem>>
        %dma_start3A_46 = arith.constant 0 : i32
        %dma_start3A_47 = tpu.memref_slice %arg13[%dma_start3A_46] : memref<16xf32, #tpu.memory_space<vmem>> -> memref<1xf32, #tpu.memory_space<vmem>>
        tpu.enqueue_dma source(%dma_start3A_47 : memref<1xf32, #tpu.memory_space<vmem>>) target(%arg3 : memref<1xf32, #tpu.memory_space<hbm>>) target_semaphore(%run_scoped3A : memref<!tpu.dma_semaphore, #tpu.memory_space<semaphore_mem>>)
        %dma_wait3A = arith.constant 0 : i32
        %dma_wait3A_48 = tpu.memref_slice %arg13[%dma_wait3A] : memref<16xf32, #tpu.memory_space<vmem>> -> memref<1xf32, #tpu.memory_space<vmem>>
        %dma_wait3A_49 = arith.constant 0 : i32
        %dma_wait3A_50 = tpu.memref_slice %arg13[%dma_wait3A_49] : memref<16xf32, #tpu.memory_space<vmem>> -> memref<1xf32, #tpu.memory_space<vmem>>
        tpu.wait_dma2 semaphore(%run_scoped3A : memref<!tpu.dma_semaphore, #tpu.memory_space<semaphore_mem>>) src(%dma_wait3A_50 : memref<1xf32, #tpu.memory_space<vmem>>) dst(%arg3 : memref<1xf32, #tpu.memory_space<hbm>>)
        tpu.yield
      }) : () -> ()
    } else {
    }
    return
  }
}

</mosaic_0001>

<sc_bundles>
// kernel: _run.3.cloned.1.call-start
scs
__scs_entry_jumppad:
0x0: {  	(pc) =	sbr.rel $0x88, $3  }
0x1: {  	(tag) =	ssettag $0x0;
	lr =	simm.s32 $0x1  }
0x2: {  	[smem:$0x3FA0] =	sst lr;
	_ =	strace $0xD0000000  }
0x3: {  	_ = 	snop  }
0x4: {  	_ = 	snop  }
0x5: {  	_ = 	snop  }
0x6: {  	_ = 	snop  }
0x7: {  	_ = 	snop  }
__scs_overlays_trampoline_lowered:
0x8: {  	[smem:$0x3FAF] =	sst s0  }
0x9: {  	[smem:$0x3FB0] =	sst s1  }
0xa: {  	[smem:$0x3FB1] =	sst s2  }
0xb: {  	[smem:$0x3FB2] =	sst s3  }
0xc: {  	[smem:$0x3FB3] =	sst s4  }
0xd: {  	[smem:$0x3FB4] =	sst s5  }
0xe: {  	[smem:$0x3FB5] =	sst s6  }
0xf: {  	[smem:$0x3FB6] =	sst s7  }
0x10: {  	[smem:$0x3FB7] =	sst s8  }
0x11: {  	[smem:$0x3FB8] =	sst s9;
	s0 =	simm.s32 @!p0 $0x0  }
0x12: {  	s1 =	sld [smem:$0x3F9E];
	s0 =	simm.s32 @p0 $0x1  }
0x13: {  	[smem:$0x3FB9] =	sst s0;
	s0 =	simm.s32 @!p1 $0x0  }
0x14: {  	s2 =	sld [smem:$0x3F9D];
	s0 =	simm.s32 @p1 $0x1  }
0x15: {  	[smem:$0x3FBA] =	sst s0;
	s0 =	simm.s32 @!p2 $0x0  }
0x16: {  	s3 =	sld [smem:$0x3FDB];
	s0 =	simm.s32 @p2 $0x1  }
0x17: {  	s4 =	simm.s32 $0x1BF5;
	[smem:$0x3FBC] =	sst s0  }
0x18: {  	s0 =	sld [smem:$0x3F9F];
	_ =	swait.ge [sflag:s4], $0x0  }
0x19: {  	s7 =	sld [smem:$0x3FA0]  }
0x1a: {  	s8 =	sadd.s32 $0xFFFFE003, lr  }
0x1b: {  	s9 =	sadd.s32 $0xFFFFFEF7, lr;
	s5 =	simm.s32 $0xFFFFFFFF;
	p2 =	slt.u32 s8, $0xFFFFF086  }
0x1c: {  	p1 =	slt.u32 s9, $0xF7A;
	s5 =	simm.s32 @!p2 $0x0  }
0x1d: {  	s5 =	simm.s32 @p1 $0x1;
	p0 =	seq.s32 s7, s2  }
0x1e: {  	s7 =	smul.u32 @!p0 $0xF7A, s2;
	p2 =	seq.s32 @!p0 s5, $0x0  }
0x1f: {  	s9 =	smul.u32 $0xF7A, s1;
	s8 =	simm.s32 @!p0 $0x1BF5;
	p2 =	por !p2, p0  }
0x20: {  	[sflag:s8] =	ssyncset.s32 @!p0 $0xFFFFF086;
	s6 =	sadd.s32 @!p0 s3, s7;
	s7 =	simm.s32 @!p0 $0x108  }
0x21: {  	s3 =	sadd.s32 s3, s9;
	s6 =	sadd.s32 @!p0 $0x88, s6;
	s7 =	simm.s32 @p2 $0x1082  }
0x22: {  	[simem:s7], [sflag:s8] =	dma.local @!p0 [hbm:s6], $0xF7A  }
0x23: {  	s9 =	sor.u32 $0xD0000000, s2;
	s6 =	simm.s32 $0x108;
	_ =	swait.ge @!p0 [sflag:s8], $0x0  }
0x24: {  	s3 =	sadd.s32 $0x88, s3;
	s6 =	simm.s32 @!p1 $0x1082;
	[sflag:s4] =	ssyncset.s32 $0xFFFFF086  }
0x25: {  	[simem:s6], [sflag:s4] =	dma.local [hbm:s3], $0xF7A  }
0x26: {  	[smem:$0x3FA0] =	sst s1;
	(tag) =	ssettag s2;
	_ =	strace s9  }
0x27: {  	s1 =	sld [smem:$0x3FB0]  }
0x28: {  	s2 =	sld [smem:$0x3FB1]  }
0x29: {  	s4 =	sld [smem:$0x3FB3]  }
0x2a: {  	p0 =	seq.s32 s5, $0x0;
	s5 =	sld [smem:$0x3FB4]  }
0x2b: {  	s6 =	sld [smem:$0x3FB5]  }
0x2c: {  	s7 =	sld [smem:$0x3FB6]  }
0x2d: {  	s3 =	simm.s32 $0x108;
	s8 =	sld [smem:$0x3FB7]  }
0x2e: {  	s3 =	simm.s32 @!p0 $0x1082;
	s9 =	sld [smem:$0x3FB8]  }
0x2f: {  	lr =	sadd.s32 s0, s3;
	s0 =	sld [smem:$0x3FAF]  }
0x30: {  	s3 =	sld [smem:$0x3FB2]  }
0x31: {  	[smem:$0x3FBB] =	sst s10  }
0x32: {  	s10 =	sld [smem:$0x3FB9];
	_ =	sdelay $0x3  }
0x33: {  	p0 =	seq.s32 s10, $0x1;
	s10 =	sld [smem:$0x3FBB];
	_ =	sdelay $0x3  }
0x34: {  	[smem:$0x3FBB] =	sst s10  }
0x35: {  	s10 =	sld [smem:$0x3FBA];
	_ =	sdelay $0x3  }
0x36: {  	p1 =	seq.s32 s10, $0x1;
	s10 =	sld [smem:$0x3FBB];
	_ =	sdelay $0x3  }
0x37: {  	[smem:$0x3FBB] =	sst s10  }
0x38: {  	s10 =	sld [smem:$0x3FBC]  }
0x39: {  	_ = 	snop;
	(pc) =	sbr.ind lr, $3  }
0x3a: {  	_ = 	snop  }
0x3b: {  	_ = 	snop  }
0x3c: {  	p2 =	seq.s32 s10, $0x1;
	s10 =	sld [smem:$0x3FBB]  }
0x3d: {  	_ =	shalt  }
0x3e: {  	_ =	shalt  }
0x3f: {  	_ =	shalt  }
0x40: {  	_ =	shalt  }
0x41: {  	_ =	shalt  }
0x42: {  	_ =	shalt  }
0x43: {  	_ =	shalt  }
0x44: {  	_ =	shalt  }
0x45: {  	_ =	shalt  }
0x46: {  	_ =	shalt  }
0x47: {  	_ =	shalt  }
0x48: {  	_ =	shalt  }
0x49: {  	_ =	shalt  }
0x4a: {  	_ =	shalt  }
0x4b: {  	_ =	shalt  }
0x4c: {  	_ =	shalt  }
0x4d: {  	_ =	shalt  }
0x4e: {  	_ =	shalt  }
0x4f: {  	_ =	shalt  }
0x50: {  	_ =	shalt  }
0x51: {  	_ =	shalt  }
0x52: {  	_ =	shalt  }
0x53: {  	_ =	shalt  }
0x54: {  	_ =	shalt  }
0x55: {  	_ =	shalt  }
0x56: {  	_ =	shalt  }
0x57: {  	_ =	shalt  }
0x58: {  	_ =	shalt  }
0x59: {  	_ =	shalt  }
0x5a: {  	_ =	shalt  }
0x5b: {  	_ =	shalt  }
0x5c: {  	_ =	shalt  }
0x5d: {  	_ =	shalt  }
0x5e: {  	_ =	shalt  }
0x5f: {  	_ =	shalt  }
0x60: {  	_ =	shalt  }
0x61: {  	_ =	shalt  }
0x62: {  	_ =	shalt  }
0x63: {  	_ =	shalt  }
0x64: {  	_ =	shalt  }
0x65: {  	_ =	shalt  }
0x66: {  	_ =	shalt  }
0x67: {  	_ =	shalt  }
0x68: {  	_ =	shalt  }
0x69: {  	_ =	shalt  }
0x6a: {  	_ =	shalt  }
0x6b: {  	_ =	shalt  }
0x6c: {  	_ =	shalt  }
0x6d: {  	_ =	shalt  }
0x6e: {  	_ =	shalt  }
0x6f: {  	_ =	shalt  }
0x70: {  	_ =	shalt  }
0x71: {  	_ =	shalt  }
0x72: {  	_ =	shalt  }
0x73: {  	_ =	shalt  }
0x74: {  	_ =	shalt  }
0x75: {  	_ =	shalt  }
0x76: {  	_ =	shalt  }
0x77: {  	_ =	shalt  }
0x78: {  	_ =	shalt  }
0x79: {  	_ =	shalt  }
0x7a: {  	_ =	shalt  }
0x7b: {  	_ =	shalt  }
0x7c: {  	_ =	shalt  }
0x7d: {  	_ =	shalt  }
0x7e: {  	_ =	shalt  }
0x7f: {  	_ =	shalt  }
0x80: {  	_ =	shalt  }
0x81: {  	_ =	shalt  }
0x82: {  	_ =	shalt  }
0x83: {  	_ =	shalt  }
0x84: {  	_ =	shalt  }
0x85: {  	_ =	shalt  }
0x86: {  	_ =	shalt  }
0x87: {  	_ =	shalt  }
.Lfunc_end0:
.L_simem_size_0:
called_computation_lowered:
.L_overlay_start_0:
0x88: {  	s0 =	sld [smem:$0x3FD9]  }
0x89: {  	s1 =	sld [smem:$0x3FFE];
	_ =	sdelay $0x3  }
0x8a: {  	s0 =	sadd.s32 s1, s0  }
0x8b: {  	[smem:$0x3FC7] =	sst s0  }
0x8c: {  	_ = 	snop  }
0x8d: {  	s0 =	sld [smem:$0x3FC9]  }
0x8e: {  	s17 =	sld [smem:$0x3FD0];
	(tm) =	ssettm $0x1  }
0x8f: {  	s2 =	sld [smem:$0x3FFB];
	_ =	sdelay $0x3  }
0x90: {  	_ =	strace s2  }
0x91: {  	s2 =	sld [smem:$0x3FFC];
	_ =	sdelay $0x3  }
0x92: {  	_ =	strace s2  }
0x93: {  	s2 =	sld [smem:$0x3FFD];
	_ =	sdelay $0x3  }
0x94: {  	_ =	strace s2  }
0x95: {  	_ =	strace $0x8FFFFFFF  }
0x96: {  	s18 =	sld [smem:$0x3FDB];
	_ =	sdelay $0x1  }
0x97: {  	s3 =	simm.s32 $_scs_section_size  }
0x98: {  	s4 =	simm.s32 $_size__tile_overlayer_lowered;
	s5 =	simm.s32 $_tile_overlayer_lowered  }
0x99: {  	s21 =	simm.s32 $0x1BFF;
	s20 =	sshll.u32 s5, $0x1;
	s2 =	sadd.s32 s3, s18  }
0x9a: {  	s6 =	simm.s32 $0x0;
	s19 =	sshll.u32 s4, $0x1;
	s4 =	sadd.s32 s20, s2  }
0x9b: {  	[timem:s6], [sflag:s21] =	dma.local [hbm:s4], s19  }
0x9c: {  	_ =	swait.ge [sflag:s21], s19  }
0x9d: {  	s3 =	ssub.s32 $0x0, s19;
	[sflag:s21] =	ssyncset.done $0x0  }
0x9e: {  	[sflag:s21] =	ssyncadd.s32 s3;
	_ =	sdelay $0x1  }
0x9f: {  	s22 =	simm.s32 $0x1B8B  }
0xa0: {  	_ =	swait.ge [sflag:s22], $0x1  }
0xa1: {  	[sflag:s22] =	ssyncset.done $0x0  }
0xa2: {  	s23 =	simm.s32 $0x1B8E;
	[sflag:s22] =	ssyncadd.s32 $0xFFFFFFFF  }
0xa3: {  	s24 =	simm.s32 $execute0_lowered;
	[smem:$0x3FD2] =	sst s23  }
0xa4: {  	s3 =	sshll.u32 s24, $0x1;
	_ =	strace $0x80000046;
	[dreg:$0x1] =	wrdreg $0xFFFFFFFF  }
0xa5: {  	s25 =	simm.s32 $_size_execute0_lowered;
	s2 =	sadd.s32 s2, s3;
	[dreg:$0x0] =	wrdreg $0x0  }
0xa6: {  	s3 =	sshll.u32 s25, $0x1;
	[dreg:$0x2] =	wrdreg s2  }
0xa7: {  	[dreg:$0x3] =	wrdreg s3  }
0xa8: {  	[dreg:$0x4] =	wrdreg $0xC0  }
0xa9: {  	_ =	task [dreg:s6], $0x5FFFF  }
0xaa: {  	[dreg:$0x1] =	wrdreg $0xFFFFFFFF  }
0xab: {  	[dreg:$0x0] =	wrdreg $0x60  }
0xac: {  	[dreg:$0x2] =	wrdreg s0  }
0xad: {  	[dreg:$0x3] =	wrdreg s17  }
0xae: {  	[dreg:$0x4] =	wrdreg $0x33800  }
0xaf: {  	[dreg:$0x5] =	wrdreg $0x33A00  }
0xb0: {  	[dreg:$0x6] =	wrdreg $0x9  }
0xb1: {  	_ =	task.clear_ibuf [dreg:s6], $0x7FFFF;
	_ =	strace $0x90000046  }
0xb2: {  	s26 =	simm.s32 $0x9;
	_ =	strace $0x80000048  }
0xb3: {  	_ =	swait.ge [sflag:s26], $0x1  }
0xb4: {  	[sflag:s26] =	ssyncadd.s32 $0xFFFFFFFF  }
0xb5: {  	_ =	strace $0x90000048  }
0xb6: {  	_ =	sfence  }
0xb7: {  	s28 =	sld [smem:$0x0];
	_ =	sdelay $0x1  }
0xb8: {  	s29 =	srdreg.scid  }
0xb9: {  	s30 =	sshll.u32 s29, $0xD;
	s31 =	sshrl.u32 s29, $0x2  }
0xba: {  	s1 =	sand.u32 $0x1, s29;
	s2 =	sand.u32 $0x4000, s30;
	s0 =	sadd.s32 s31, s28  }
0xbb: {  	s1 =	sor.u32 s2, s1;
	s0 =	sshll.u32 s0, $0x11  }
0xbc: {  	s0 =	sor.u32 s0, s1  }
0xbd: {  	s0 =	sadd.s32 $0x8F2B, s0  }
0xbe: {  	[sflag:s0] =	ssyncadd.remote.s32 $0x1  }
0xbf: {  	_ =	sfence.sel $0xFFFF  }
0xc0: {  	[dreg:$0x0] =	wrdreg $0xFFFFFFFF;
	(pc) =	sbr.abs _section_cstart, $3  }
0xc1: {  	[dreg:$0x1] =	wrdreg $0xFFFFFFFF  }
0xc2: {  	_ =	task.clear_ibuf [dreg:s6], $0x2FFFF;
	_ =	strace $0x9FFFFFFF  }
0xc3: {  	(tm) =	ssettm $0x7FFFFFFF  }
tec
execute0_lowered:
.L_overlay_start_1:
0x0: {  	(tag) =	ssettag $0x1  }
0x1: {  	s30 =	stileid.u32  }
0x2: {  	p0 =	slt.u32 s30, $0x8  }
.Ltmp0:
0x3: {  	s2 =	rddreg [dreg:$0x0];
	(pc) =	sbr.rel @!p0 .LBB2_1-.Ltmp0, $4  }
0x4: {  	s0 =	rddreg [dreg:$0x2]  }
0x5: {  	s20 =	rddreg [dreg:$0x3];
	s6 =	simm.s32 $0x0  }
0x6: {  	[smem:$0x7FF] =	sst s6  }
0x7: {  	s13 =	rddreg [dreg:$0x4];
	_ =	strace $0x80000047  }
0x8: {  	p0 =	slt.u32 s30, $0x4;
	s10 =	sand.u32 $0x1, s30;
	s1 =	sand.u32 $0x3, s30  }
0x9: {  	s31 =	simm.s32 $0x80;
	s21 =	smov.u32 s0;
	s0 =	simm.s32 $0x10  }
0xa: {  	s4 =	simm.s32 $0x30;
	s14 =	simm.s32 $0x7;
	s31 =	simm.s32 @!p0 $0x10  }
0xb: {  	s0 =	simm.s32 @!p0 $0x80;
	s11 =	sadd.s32 $0x2, s1;
	s17 =	sshll.u32 s10, $0xA  }
0xc: {  	s4 =	simm.s32 @!p0 $0x180;
	s1 =	simm.s32 $0x50;
	s10 =	sshll.u32 s10, $0x7  }
0xd: {  	s14 =	simm.s32 @!p0 $0x4;
	s19 =	sshll.u32 s11, $0xA;
	s8 =	sshll.u32 s0, $0x1  }
0xe: {  	s5 =	sshll.u32 s0, $0x2;
	s11 =	sshll.u32 s11, $0x7;
	s10 =	sadd.s32 s2, s10  }
0xf: {  	[tilespmem:s17], [sflag:$0x1] =	stream.linear.gather [hbm4b:s10+s6], $0x400, $0x38;
	[tilespmem:$0x33A8] =	vst v63  }
0x10: {  	[dreg:$0x5] =	wrdreg s14;
	s22 =	sadd.s32 s2, s11;
	s23 =	sor.u32 s0, s19  }
0x11: {  	s10 =	simm.s32 $0x1;
	s24 =	sor.u32 s8, s19;
	[dreg:$0x9] =	wrdreg s23  }
0x12: {  	[tilespmem:s19], [sflag:$0x1] =	stream.linear.gather [hbm4b:s22+s6], $0x400, $0x38;
	[tilespmem:$0x33A8] =	vst v63  }
0x13: {  	s25 =	sor.u32 s4, s19;
	_ =	swait.ge [sflag:s10], $0x400;
	[dreg:$0xa] =	wrdreg s24  }
0x14: {  	s1 =	simm.s32 @!p0 $0x280;
	s26 =	sor.u32 s5, s19;
	[dreg:$0xb] =	wrdreg s25  }
0x15: {  	s14 =	sor.u32 s31, s19;
	s28 =	sor.u32 s1, s19;
	[dreg:$0xc] =	wrdreg s26  }
0x16: {  	s29 =	sadd.s32 s0, s14;
	[dreg:$0xd] =	wrdreg s28;
	[sflag:s10] =	ssyncset.done $0x0  }
0x17: {  	s9 =	sor.u32 s8, s14;
	[dreg:$0xe] =	wrdreg s29;
	[sflag:s10] =	ssyncadd.s32 $0xFFFFFC00  }
0x18: {  	s18 =	sadd.s32 s4, s14;
	_ =	swait.ge [sflag:s10], $0x400;
	[dreg:$0xf] =	wrdreg s9  }
0x19: {  	s22 =	sshll.u32 s31, $0x1;
	s24 =	sor.u32 s5, s14;
	[dreg:$0x10] =	wrdreg s18  }
0x1a: {  	s11 =	sor.u32 s22, s19;
	s25 =	sadd.s32 s1, s14;
	[dreg:$0x11] =	wrdreg s24  }
0x1b: {  	s26 =	sor.u32 s0, s11;
	[dreg:$0x12] =	wrdreg s25  }
0x1c: {  	s28 =	sadd.s32 s8, s11;
	[dreg:$0x13] =	wrdreg s26  }
0x1d: {  	s29 =	sadd.s32 s4, s11;
	[dreg:$0x15] =	wrdreg s28  }
0x1e: {  	s22 =	sor.u32 s1, s11;
	[dreg:$0x16] =	wrdreg s29  }
0x1f: {  	s7 =	simm.f32 $1.250000000e-01;
	s12 =	simm.s32 $0x180;
	[dreg:$0x18] =	wrdreg s22  }
0x20: {  	s13 =	simm.s32 $0x280;
	s15 =	simm.s32 $0x300;
	[dreg:$0x8] =	wrdreg s17  }
0x21: {  	s16 =	simm.s32 $0x380;
	s12 =	simm.s32 @!p0 $0x30;
	[dreg:$0x14] =	wrdreg s14  }
0x22: {  	s13 =	simm.s32 @!p0 $0x50;
	s12 =	sor.u32 s12, s19;
	[dreg:$0x1a] =	wrdreg s11  }
0x23: {  	s3 =	simm.s32 $0x60;
	s13 =	sor.u32 s13, s19;
	[dreg:$0x1b] =	wrdreg s12  }
0x24: {  	s16 =	simm.s32 @!p0 $0x70;
	s23 =	sshll.u32 s31, $0x2;
	[dreg:$0x1f] =	wrdreg s13  }
0x25: {  	s9 =	sor.u32 s16, s19;
	s16 =	sor.u32 s5, s11;
	[dreg:$0x7] =	wrdreg s31  }
0x26: {  	s18 =	sor.u32 s23, s19;
	s23 =	sadd.s32 s0, s12;
	[dreg:$0x17] =	wrdreg s16  }
0x27: {  	s7 =	simm.s32 @!p0 $0x3F800000;
	s24 =	sadd.s32 s8, s12;
	[dreg:$0x19] =	wrdreg s23  }
0x28: {  	s15 =	simm.s32 @!p0 $0x60;
	s25 =	sadd.s32 s4, s12;
	[dreg:$0x1c] =	wrdreg s24  }
0x29: {  	s3 =	simm.s32 @!p0 $0x300;
	s26 =	sor.u32 s5, s12;
	[dreg:$0x1e] =	wrdreg s25  }
0x2a: {  	s15 =	sor.u32 s15, s19;
	s28 =	sadd.s32 s1, s12;
	[smem:$0x7D4] =	sst s26  }
0x2b: {  	v8 =	vmov s7;
	s2 =	simm.s32 $0x70;
	s7 =	sadd.s32 s3, s15;
	[smem:$0x7D5] =	sst s28  }
0x2c: {  	s2 =	simm.s32 @!p0 $0x380;
	[smem:$0x7F0] =	sst s7  }
0x2d: {  	v4 =	vmov s17;
	s17 =	sadd.s32 s2, s11;
	[smem:$0x7F2] =	sst s19  }
0x2e: {  	[smem:$0x7F5] =	sst s17  }
0x2f: {  	[dreg:$0x1d] =	wrdreg s18  }
0x30: {  	[smem:$0x7F9] =	sst s15  }
0x31: {  	s29 =	sor.u32 s0, s18;
	[smem:$0x7FB] =	sst s9  }
0x32: {  	s16 =	sor.u32 s8, s18;
	[smem:$0x7D6] =	sst s29  }
0x33: {  	s22 =	sor.u32 s4, s18;
	[smem:$0x7D7] =	sst s16  }
0x34: {  	s23 =	sadd.s32 s5, s18;
	[smem:$0x7D8] =	sst s22  }
0x35: {  	s24 =	sadd.s32 s1, s18;
	[smem:$0x7D9] =	sst s23  }
0x36: {  	s25 =	sadd.s32 s0, s13;
	[smem:$0x7DA] =	sst s24  }
0x37: {  	s26 =	sor.u32 s8, s13;
	[smem:$0x7DB] =	sst s25  }
0x38: {  	s28 =	sadd.s32 s4, s13;
	[smem:$0x7DC] =	sst s26  }
0x39: {  	[smem:$0x7DD] =	sst s28;
	s29 =	sadd.s32 s5, s13  }
0x3a: {  	s16 =	sadd.s32 s1, s13;
	[smem:$0x7DE] =	sst s29  }
0x3b: {  	s22 =	sor.u32 s0, s15;
	[smem:$0x7DF] =	sst s16  }
0x3c: {  	s23 =	sadd.s32 s8, s15;
	[smem:$0x7E0] =	sst s22  }
0x3d: {  	s24 =	sadd.s32 s4, s15;
	[smem:$0x7E1] =	sst s23  }
0x3e: {  	s28 =	sadd.s32 s0, s9;
	[smem:$0x7E2] =	sst s24  }
0x3f: {  	[smem:$0x7E3] =	sst s28;
	s29 =	sadd.s32 s8, s9  }
0x40: {  	v0 =	vlaneseq.u32;
	s16 =	sadd.s32 s5, s15;
	[smem:$0x7E4] =	sst s29  }
0x41: {  	v7 =	vmul.u32 $0x10, v0;
	s22 =	sadd.s32 s4, s9;
	[smem:$0x7E5] =	sst s16  }
0x42: {  	s23 =	sadd.s32 s5, s9;
	[smem:$0x7E6] =	sst s22  }
0x43: {  	v0 =	vor.u32 $0x100, v7;
	s25 =	sor.u32 $0x4, s30;
	s24 =	sadd.s32 s1, s15;
	[smem:$0x7E7] =	sst s23  }
0x44: {  	s26 =	sor.u32 $0xE0, s30;
	v5 =	vor.u32 s25, v7;
	v6 =	vor.u32 s25, v0;
	s25 =	sadd.s32 s1, s9;
	[smem:$0x7E8] =	sst s24  }
0x45: {  	v1 =	vmov s26;
	s26 =	sor.u32 s3, s19;
	[smem:$0x7E9] =	sst s25  }
0x46: {  	s28 =	sor.u32 s3, s14;
	[smem:$0x7EA] =	sst s26  }
0x47: {  	v13 =	vmov s1;
	s1 =	sadd.s32 s3, s12;
	[smem:$0x7EB] =	sst s28  }
0x48: {  	v11 =	vmov s4;
	[sflag:s10] =	ssyncset.done $0x0;
	s4 =	sadd.s32 s3, s18;
	[smem:$0x7ED] =	sst s1  }
0x49: {  	v12 =	vmov s5;
	[sflag:s10] =	ssyncadd.s32 $0xFFFFFC00;
	s5 =	sadd.s32 s3, s13;
	[smem:$0x7EE] =	sst s4  }
0x4a: {  	v10 =	vmov s8;
	s10 =	sor.u32 $0x1E0, s30;
	s8 =	sadd.s32 s3, s9;
	[smem:$0x7EF] =	sst s5  }
0x4b: {  	v2 =	vmov s10;
	s10 =	sor.u32 s2, s19;
	[smem:$0x7F1] =	sst s8  }
0x4c: {  	v3 =	vmov s19;
	s19 =	sadd.s32 s2, s12;
	[smem:$0x7F3] =	sst s10  }
0x4d: {  	s29 =	sadd.s32 s3, s11;
	[smem:$0x7F6] =	sst s19  }
0x4e: {  	s16 =	sadd.s32 s2, s14;
	[smem:$0x7EC] =	sst s29  }
0x4f: {  	v9 =	vmov s0;
	v16 =	vmov s3;
	s22 =	sadd.s32 s2, s18;
	[smem:$0x7F4] =	sst s16  }
0x50: {  	v31 =	vmov s31;
	v14 =	vor.u32 $0x1, v7;
	v15 =	vor.u32 $0x2, v7;
	s23 =	sadd.s32 s2, s13;
	[smem:$0x7F7] =	sst s22  }
0x51: {  	v17 =	vor.u32 $0x3, v7;
	v18 =	vor.u32 $0x4, v7;
	v19 =	vor.u32 $0x5, v7;
	s24 =	sadd.s32 s2, s15;
	[smem:$0x7F8] =	sst s23  }
0x52: {  	v20 =	vor.u32 $0x6, v7;
	v21 =	vor.u32 $0x7, v7;
	v22 =	vor.u32 $0x8, v7;
	s25 =	sshll.u32 s30, $0x6;
	s26 =	sadd.s32 s2, s9;
	[smem:$0x7FA] =	sst s24  }
0x53: {  	v23 =	vor.u32 $0x9, v7;
	v24 =	vor.u32 $0xA, v7;
	v26 =	vor.u32 $0xB, v7;
	[smem:$0x7FC] =	sst s26;
	s28 =	sadd.s32 s25, s21;
	s29 =	sshll.u32 s30, $0x4  }
0x54: {  	v27 =	vor.u32 $0xC, v7;
	v28 =	vor.u32 $0xD, v7;
	v25 =	vmov s2;
	[smem:$0x7FD] =	sst s28;
	s2 =	sadd.s32 s29, s20  }
0x55: {  	v29 =	vor.u32 $0xE, v7;
	v30 =	vor.u32 $0xF, v7;
	s31 =	simm.s32 $0x2E00;
	v0 =	vor.u32 s30, v7;
	s30 =	simm.s32 $0x2F00;
	[dreg:$0x6] =	wrdreg s2  }
.LBB2_4:
0x56: {  	s2 =	rddreg [dreg:$0x5]  }
0x57: {  	s0 =	sld [smem:$0x7F2]  }
0x58: {  	s18 =	rddreg [dreg:$0x8];
	s3 =	sshll.u32 s6, s2  }
0x59: {  	s2 =	sadd.s32 s18, s3  }
0x5a: {  	s3 =	sand.u32 $0x60, s3;
	s4 =	sand.u32 $0x780, s2;
	v33 =	vld [tilespmem:s0+$0x0]  }
0x5b: {  	v34 =	vld.idx.msk [tilespmem:v9+s2+$0x0 ss:$0x1], $0xffff;
	s3 =	sor.u32 s3, s4  }
0x5c: {  	s4 =	rddreg [dreg:$0x9];
	v32 =	vld [tilespmem:s3+$0x0]  }
0x5d: {  	s19 =	rddreg [dreg:$0xa];
	v35 =	vld [tilespmem:s4+$0x0]  }
0x5e: {  	v37 =	vld [tilespmem:s19+$0x0]  }
0x5f: {  	s5 =	rddreg [dreg:$0xb];
	v36 =	vld.idx.msk [tilespmem:v10+s2+$0x0 ss:$0x1], $0xffff  }
0x60: {  	v39 =	vld [tilespmem:s5+$0x0]  }
0x61: {  	s1 =	rddreg [dreg:$0xc];
	v38 =	vld.idx.msk [tilespmem:v11+s2+$0x0 ss:$0x1], $0xffff  }
0x62: {  	v53 =	vld [tilespmem:s1+$0x0];
	v32 =	vsub.f32 v32, v33;
	v51 =	vsub.f32 v34, v35  }
0x63: {  	s8 =	rddreg [dreg:$0xd];
	v52 =	vld.idx.msk [tilespmem:v12+s2+$0x0 ss:$0x1], $0xffff  }
0x64: {  	s20 =	sld [smem:$0x7EA];
	v40 =	vld [tilespmem:s8+$0x0];
	v36 =	vsub.f32 v36, v37;
	v32 =	vmul.f32 v32, v32;
	v33 =	vmul.f32 v51, v51  }
0x65: {  	v54 =	vld.idx.msk [tilespmem:v13+s2+$0x0 ss:$0x1], $0xffff  }
0x66: {  	s21 =	sld [smem:$0x7F3];
	v57 =	vld.idx.msk [tilespmem:v16+s2+$0x0 ss:$0x1], $0xffff;
	v56 =	vsub.f32 v38, v39;
	v55 =	vmul.f32 v36, v36;
	v32 =	vadd.f32 v33, v32  }
0x67: {  	v58 =	vld [tilespmem:s20+$0x0]  }
0x68: {  	v60 =	vld.idx.msk [tilespmem:v25+s2+$0x0 ss:$0x1], $0xffff;
	v59 =	vmul.f32 v56, v56;
	v34 =	vsub.f32 v52, v53;
	v32 =	vadd.f32 v55, v32  }
0x69: {  	v61 =	vld [tilespmem:s21+$0x0]  }
0x6a: {  	v63 =	vsub.f32 v54, v40;
	v62 =	vmul.f32 v34, v34;
	v32 =	vadd.f32 v59, v32;
	_ =	sdelay $0x1  }
0x6b: {  	v39 =	vsub.f32 v57, v58;
	v37 =	vmul.f32 v63, v63;
	v32 =	vadd.f32 v62, v32;
	_ =	sdelay $0x1  }
0x6c: {  	v41 =	vsub.f32 v60, v61;
	v40 =	vmul.f32 v39, v39;
	v32 =	vadd.f32 v37, v32;
	_ =	sdelay $0x1  }
0x6d: {  	v42 =	vmul.f32 v41, v41;
	v32 =	vadd.f32 v40, v32;
	_ =	sdelay $0x1  }
0x6e: {  	v32 =	vadd.f32 v42, v32;
	_ =	sdelay $0x1  }
0x6f: {  	[tilespmem:$0x2E00] =	vst v32  }
0x70: {  	s15 =	rddreg [dreg:$0x14];
	v32 =	vld [tilespmem:s3+$0x0]  }
0x71: {  	v43 =	vld [tilespmem:s15+$0x0]  }
0x72: {  	s7 =	rddreg [dreg:$0xe];
	v44 =	vld.idx.msk [tilespmem:v9+s2+$0x0 ss:$0x1], $0xffff  }
0x73: {  	v45 =	vld [tilespmem:s7+$0x0]  }
0x74: {  	s10 =	rddreg [dreg:$0xf];
	v46 =	vld.idx.msk [tilespmem:v10+s2+$0x0 ss:$0x1], $0xffff  }
0x75: {  	v47 =	vld [tilespmem:s10+$0x0]  }
0x76: {  	s11 =	rddreg [dreg:$0x10];
	v48 =	vld.idx.msk [tilespmem:v11+s2+$0x0 ss:$0x1], $0xffff  }
0x77: {  	v49 =	vld [tilespmem:s11+$0x0]  }
0x78: {  	s12 =	rddreg [dreg:$0x11];
	v51 =	vld.idx.msk [tilespmem:v12+s2+$0x0 ss:$0x1], $0xffff;
	v32 =	vsub.f32 v32, v43;
	v50 =	vsub.f32 v44, v45  }
0x79: {  	s13 =	rddreg [dreg:$0x12];
	v52 =	vld [tilespmem:s12+$0x0]  }
0x7a: {  	s22 =	sld [smem:$0x7EB];
	v53 =	vld.idx.msk [tilespmem:v13+s2+$0x0 ss:$0x1], $0xffff;
	v36 =	vsub.f32 v46, v47;
	v32 =	vmul.f32 v32, v32;
	v33 =	vmul.f32 v50, v50  }
0x7b: {  	v54 =	vld [tilespmem:s13+$0x0]  }
0x7c: {  	s23 =	sld [smem:$0x7F4];
	v57 =	vld.idx.msk [tilespmem:v16+s2+$0x0 ss:$0x1], $0xffff;
	v56 =	vsub.f32 v48, v49;
	v55 =	vmul.f32 v36, v36;
	v32 =	vadd.f32 v33, v32  }
0x7d: {  	v58 =	vld [tilespmem:s22+$0x0]  }
0x7e: {  	v60 =	vld.idx.msk [tilespmem:v25+s2+$0x0 ss:$0x1], $0xffff;
	v34 =	vsub.f32 v51, v52;
	v59 =	vmul.f32 v56, v56;
	v32 =	vadd.f32 v55, v32  }
0x7f: {  	v61 =	vld [tilespmem:s23+$0x0]  }
0x80: {  	v63 =	vsub.f32 v53, v54;
	v62 =	vmul.f32 v34, v34;
	v32 =	vadd.f32 v59, v32;
	_ =	sdelay $0x1  }
0x81: {  	v39 =	vsub.f32 v57, v58;
	v37 =	vmul.f32 v63, v63;
	v32 =	vadd.f32 v62, v32;
	_ =	sdelay $0x1  }
0x82: {  	v41 =	vsub.f32 v60, v61;
	v40 =	vmul.f32 v39, v39;
	v32 =	vadd.f32 v37, v32;
	_ =	sdelay $0x1  }
0x83: {  	v42 =	vmul.f32 v41, v41;
	v32 =	vadd.f32 v40, v32;
	_ =	sdelay $0x1  }
0x84: {  	v32 =	vadd.f32 v42, v32;
	_ =	sdelay $0x1  }
0x85: {  	[tilespmem:$0x2E10] =	vst v32  }
0x86: {  	s20 =	rddreg [dreg:$0x1a];
	v32 =	vld [tilespmem:s3+$0x0]  }
0x87: {  	v43 =	vld [tilespmem:s20+$0x0]  }
0x88: {  	s14 =	rddreg [dreg:$0x13];
	v44 =	vld.idx.msk [tilespmem:v9+s2+$0x0 ss:$0x1], $0xffff  }
0x89: {  	v45 =	vld [tilespmem:s14+$0x0]  }
0x8a: {  	s16 =	rddreg [dreg:$0x15];
	v46 =	vld.idx.msk [tilespmem:v10+s2+$0x0 ss:$0x1], $0xffff  }
0x8b: {  	v47 =	vld [tilespmem:s16+$0x0]  }
0x8c: {  	s17 =	rddreg [dreg:$0x16];
	v48 =	vld.idx.msk [tilespmem:v11+s2+$0x0 ss:$0x1], $0xffff  }
0x8d: {  	v49 =	vld [tilespmem:s17+$0x0]  }
0x8e: {  	s18 =	rddreg [dreg:$0x17];
	v51 =	vld.idx.msk [tilespmem:v12+s2+$0x0 ss:$0x1], $0xffff;
	v32 =	vsub.f32 v32, v43;
	v50 =	vsub.f32 v44, v45  }
0x8f: {  	s25 =	rddreg [dreg:$0x18];
	v52 =	vld [tilespmem:s18+$0x0]  }
0x90: {  	s24 =	sld [smem:$0x7EC];
	v53 =	vld.idx.msk [tilespmem:v13+s2+$0x0 ss:$0x1], $0xffff;
	v36 =	vsub.f32 v46, v47;
	v32 =	vmul.f32 v32, v32;
	v33 =	vmul.f32 v50, v50  }
0x91: {  	v54 =	vld [tilespmem:s25+$0x0]  }
0x92: {  	s26 =	sld [smem:$0x7F5];
	v57 =	vld.idx.msk [tilespmem:v16+s2+$0x0 ss:$0x1], $0xffff;
	v56 =	vsub.f32 v48, v49;
	v55 =	vmul.f32 v36, v36;
	v32 =	vadd.f32 v33, v32  }
0x93: {  	v58 =	vld [tilespmem:s24+$0x0]  }
0x94: {  	v60 =	vld.idx.msk [tilespmem:v25+s2+$0x0 ss:$0x1], $0xffff;
	v34 =	vsub.f32 v51, v52;
	v59 =	vmul.f32 v56, v56;
	v32 =	vadd.f32 v55, v32  }
0x95: {  	v61 =	vld [tilespmem:s26+$0x0]  }
0x96: {  	v63 =	vsub.f32 v53, v54;
	v62 =	vmul.f32 v34, v34;
	v32 =	vadd.f32 v59, v32;
	_ =	sdelay $0x1  }
0x97: {  	v39 =	vsub.f32 v57, v58;
	v37 =	vmul.f32 v63, v63;
	v32 =	vadd.f32 v62, v32;
	_ =	sdelay $0x1  }
0x98: {  	v41 =	vsub.f32 v60, v61;
	v40 =	vmul.f32 v39, v39;
	v32 =	vadd.f32 v37, v32;
	_ =	sdelay $0x1  }
0x99: {  	v42 =	vmul.f32 v41, v41;
	v32 =	vadd.f32 v40, v32;
	_ =	sdelay $0x1  }
0x9a: {  	v32 =	vadd.f32 v42, v32;
	_ =	sdelay $0x1  }
0x9b: {  	[tilespmem:$0x2E20] =	vst v32  }
0x9c: {  	s26 =	rddreg [dreg:$0x1b];
	v32 =	vld [tilespmem:s3+$0x0]  }
0x9d: {  	v43 =	vld [tilespmem:s26+$0x0]  }
0x9e: {  	s19 =	rddreg [dreg:$0x19];
	v44 =	vld.idx.msk [tilespmem:v9+s2+$0x0 ss:$0x1], $0xffff  }
0x9f: {  	v45 =	vld [tilespmem:s19+$0x0]  }
0xa0: {  	s21 =	rddreg [dreg:$0x1c];
	v46 =	vld.idx.msk [tilespmem:v10+s2+$0x0 ss:$0x1], $0xffff  }
0xa1: {  	s22 =	rddreg [dreg:$0x1e];
	v47 =	vld [tilespmem:s21+$0x0]  }
0xa2: {  	s24 =	sld [smem:$0x7D4];
	v48 =	vld.idx.msk [tilespmem:v11+s2+$0x0 ss:$0x1], $0xffff  }
0xa3: {  	v49 =	vld [tilespmem:s22+$0x0]  }
0xa4: {  	s28 =	sld [smem:$0x7D5];
	v51 =	vld.idx.msk [tilespmem:v12+s2+$0x0 ss:$0x1], $0xffff;
	v32 =	vsub.f32 v32, v43;
	v50 =	vsub.f32 v44, v45  }
0xa5: {  	v52 =	vld [tilespmem:s24+$0x0]  }
0xa6: {  	s29 =	sld [smem:$0x7ED];
	v53 =	vld.idx.msk [tilespmem:v13+s2+$0x0 ss:$0x1], $0xffff;
	v36 =	vsub.f32 v46, v47;
	v32 =	vmul.f32 v32, v32;
	v33 =	vmul.f32 v50, v50  }
0xa7: {  	v54 =	vld [tilespmem:s28+$0x0]  }
0xa8: {  	s9 =	sld [smem:$0x7F6];
	v57 =	vld.idx.msk [tilespmem:v16+s2+$0x0 ss:$0x1], $0xffff;
	v56 =	vsub.f32 v48, v49;
	v55 =	vmul.f32 v36, v36;
	v32 =	vadd.f32 v33, v32  }
0xa9: {  	v58 =	vld [tilespmem:s29+$0x0]  }
0xaa: {  	v60 =	vld.idx.msk [tilespmem:v25+s2+$0x0 ss:$0x1], $0xffff;
	v34 =	vsub.f32 v51, v52;
	v59 =	vmul.f32 v56, v56;
	v32 =	vadd.f32 v55, v32  }
0xab: {  	v61 =	vld [tilespmem:s9+$0x0]  }
0xac: {  	v63 =	vsub.f32 v53, v54;
	v62 =	vmul.f32 v34, v34;
	v32 =	vadd.f32 v59, v32;
	_ =	sdelay $0x1  }
0xad: {  	v39 =	vsub.f32 v57, v58;
	v37 =	vmul.f32 v63, v63;
	v32 =	vadd.f32 v62, v32;
	_ =	sdelay $0x1  }
0xae: {  	v41 =	vsub.f32 v60, v61;
	v40 =	vmul.f32 v39, v39;
	v32 =	vadd.f32 v37, v32;
	_ =	sdelay $0x1  }
0xaf: {  	v42 =	vmul.f32 v41, v41;
	v32 =	vadd.f32 v40, v32;
	_ =	sdelay $0x1  }
0xb0: {  	v32 =	vadd.f32 v42, v32;
	_ =	sdelay $0x1  }
0xb1: {  	s23 =	sld [smem:$0x7D6];
	[tilespmem:$0x2E30] =	vst v32  }
0xb2: {  	s28 =	rddreg [dreg:$0x1d];
	v32 =	vld [tilespmem:s3+$0x0]  }
0xb3: {  	v43 =	vld [tilespmem:s28+$0x0]  }
0xb4: {  	s29 =	sld [smem:$0x7D7];
	v44 =	vld.idx.msk [tilespmem:v9+s2+$0x0 ss:$0x1], $0xffff  }
0xb5: {  	v45 =	vld [tilespmem:s23+$0x0]  }
0xb6: {  	s9 =	sld [smem:$0x7D8];
	v46 =	vld.idx.msk [tilespmem:v10+s2+$0x0 ss:$0x1], $0xffff  }
0xb7: {  	v47 =	vld [tilespmem:s29+$0x0]  }
0xb8: {  	v48 =	vld.idx.msk [tilespmem:v11+s2+$0x0 ss:$0x1], $0xffff;
	s23 =	sld [smem:$0x7D9]  }
0xb9: {  	v49 =	vld [tilespmem:s9+$0x0]  }
0xba: {  	v51 =	vld.idx.msk [tilespmem:v12+s2+$0x0 ss:$0x1], $0xffff;
	s29 =	sld [smem:$0x7DA];
	v32 =	vsub.f32 v32, v43;
	v50 =	vsub.f32 v44, v45  }
0xbb: {  	v52 =	vld [tilespmem:s23+$0x0]  }
0xbc: {  	v53 =	vld.idx.msk [tilespmem:v13+s2+$0x0 ss:$0x1], $0xffff;
	s9 =	sld [smem:$0x7EE];
	v36 =	vsub.f32 v46, v47;
	v32 =	vmul.f32 v32, v32;
	v33 =	vmul.f32 v50, v50  }
0xbd: {  	v54 =	vld [tilespmem:s29+$0x0]  }
0xbe: {  	v57 =	vld.idx.msk [tilespmem:v16+s2+$0x0 ss:$0x1], $0xffff;
	s23 =	sld [smem:$0x7F7];
	v56 =	vsub.f32 v48, v49;
	v55 =	vmul.f32 v36, v36;
	v32 =	vadd.f32 v33, v32  }
0xbf: {  	v58 =	vld [tilespmem:s9+$0x0]  }
0xc0: {  	v60 =	vld.idx.msk [tilespmem:v25+s2+$0x0 ss:$0x1], $0xffff;
	v59 =	vmul.f32 v56, v56;
	v34 =	vsub.f32 v51, v52;
	v32 =	vadd.f32 v55, v32  }
0xc1: {  	v61 =	vld [tilespmem:s23+$0x0]  }
0xc2: {  	v63 =	vsub.f32 v53, v54;
	v62 =	vmul.f32 v34, v34;
	v32 =	vadd.f32 v59, v32;
	_ =	sdelay $0x1  }
0xc3: {  	v39 =	vsub.f32 v57, v58;
	v37 =	vmul.f32 v63, v63;
	v32 =	vadd.f32 v62, v32;
	_ =	sdelay $0x1  }
0xc4: {  	v40 =	vmul.f32 v39, v39;
	v41 =	vsub.f32 v60, v61;
	v32 =	vadd.f32 v37, v32;
	_ =	sdelay $0x1  }
0xc5: {  	v42 =	vmul.f32 v41, v41;
	v32 =	vadd.f32 v40, v32;
	_ =	sdelay $0x1  }
0xc6: {  	v32 =	vadd.f32 v42, v32;
	_ =	sdelay $0x1  }
0xc7: {  	s29 =	sld [smem:$0x7DB];
	[tilespmem:$0x2E40] =	vst v32  }
0xc8: {  	s23 =	rddreg [dreg:$0x1f];
	v32 =	vld [tilespmem:s3+$0x0]  }
0xc9: {  	v43 =	vld [tilespmem:s23+$0x0]  }
0xca: {  	s9 =	sld [smem:$0x7DC];
	v44 =	vld.idx.msk [tilespmem:v9+s2+$0x0 ss:$0x1], $0xffff  }
0xcb: {  	v45 =	vld [tilespmem:s29+$0x0]  }
0xcc: {  	v46 =	vld.idx.msk [tilespmem:v10+s2+$0x0 ss:$0x1], $0xffff;
	s29 =	sld [smem:$0x7DD]  }
0xcd: {  	v47 =	vld [tilespmem:s9+$0x0]  }
0xce: {  	v48 =	vld.idx.msk [tilespmem:v11+s2+$0x0 ss:$0x1], $0xffff;
	s9 =	sld [smem:$0x7DE]  }
0xcf: {  	v49 =	vld [tilespmem:s29+$0x0]  }
0xd0: {  	v51 =	vld.idx.msk [tilespmem:v12+s2+$0x0 ss:$0x1], $0xffff;
	s29 =	sld [smem:$0x7DF];
	v32 =	vsub.f32 v32, v43;
	v50 =	vsub.f32 v44, v45  }
0xd1: {  	v52 =	vld [tilespmem:s9+$0x0]  }
0xd2: {  	v53 =	vld.idx.msk [tilespmem:v13+s2+$0x0 ss:$0x1], $0xffff;
	s9 =	sld [smem:$0x7EF];
	v36 =	vsub.f32 v46, v47;
	v32 =	vmul.f32 v32, v32;
	v33 =	vmul.f32 v50, v50  }
0xd3: {  	v54 =	vld [tilespmem:s29+$0x0]  }
0xd4: {  	v57 =	vld.idx.msk [tilespmem:v16+s2+$0x0 ss:$0x1], $0xffff;
	s29 =	sld [smem:$0x7F8];
	v55 =	vmul.f32 v36, v36;
	v56 =	vsub.f32 v48, v49;
	v32 =	vadd.f32 v33, v32  }
0xd5: {  	v58 =	vld [tilespmem:s9+$0x0]  }
0xd6: {  	v60 =	vld.idx.msk [tilespmem:v25+s2+$0x0 ss:$0x1], $0xffff;
	v34 =	vsub.f32 v51, v52;
	v59 =	vmul.f32 v56, v56;
	v32 =	vadd.f32 v55, v32  }
0xd7: {  	v61 =	vld [tilespmem:s29+$0x0]  }
0xd8: {  	v62 =	vmul.f32 v34, v34;
	v63 =	vsub.f32 v53, v54;
	v32 =	vadd.f32 v59, v32;
	_ =	sdelay $0x1  }
0xd9: {  	v39 =	vsub.f32 v57, v58;
	v37 =	vmul.f32 v63, v63;
	v32 =	vadd.f32 v62, v32;
	_ =	sdelay $0x1  }
0xda: {  	v40 =	vmul.f32 v39, v39;
	v41 =	vsub.f32 v60, v61;
	v32 =	vadd.f32 v37, v32;
	_ =	sdelay $0x1  }
0xdb: {  	v42 =	vmul.f32 v41, v41;
	v32 =	vadd.f32 v40, v32;
	_ =	sdelay $0x1  }
0xdc: {  	s9 =	sld [smem:$0x7E0];
	v32 =	vadd.f32 v42, v32;
	_ =	sdelay $0x1  }
0xdd: {  	[tilespmem:$0x2E50] =	vst v32  }
0xde: {  	v45 =	vld [tilespmem:s9+$0x0];
	s9 =	sld [smem:$0x7E1]  }
0xdf: {  	s29 =	sld [smem:$0x7F9]  }
0xe0: {  	v32 =	vld [tilespmem:s3+$0x0]  }
0xe1: {  	v47 =	vld [tilespmem:s9+$0x0];
	s9 =	sld [smem:$0x7E2]  }
0xe2: {  	v43 =	vld [tilespmem:s29+$0x0]  }
0xe3: {  	v44 =	vld.idx.msk [tilespmem:v9+s2+$0x0 ss:$0x1], $0xffff  }
0xe4: {  	v49 =	vld [tilespmem:s9+$0x0];
	s9 =	sld [smem:$0x7E5];
	_ =	sdelay $0x1  }
0xe5: {  	v46 =	vld.idx.msk [tilespmem:v10+s2+$0x0 ss:$0x1], $0xffff  }
0xe6: {  	v52 =	vld [tilespmem:s9+$0x0];
	s9 =	sld [smem:$0x7E8]  }
0xe7: {  	v48 =	vld.idx.msk [tilespmem:v11+s2+$0x0 ss:$0x1], $0xffff  }
0xe8: {  	v51 =	vld.idx.msk [tilespmem:v12+s2+$0x0 ss:$0x1], $0xffff;
	v32 =	vsub.f32 v32, v43;
	v50 =	vsub.f32 v44, v45  }
0xe9: {  	v54 =	vld [tilespmem:s9+$0x0];
	s9 =	sld [smem:$0x7F0]  }
0xea: {  	v32 =	vmul.f32 v32, v32;
	v33 =	vmul.f32 v50, v50;
	v36 =	vsub.f32 v46, v47  }
0xeb: {  	v53 =	vld.idx.msk [tilespmem:v13+s2+$0x0 ss:$0x1], $0xffff  }
0xec: {  	v32 =	vadd.f32 v33, v32;
	v55 =	vmul.f32 v36, v36;
	v56 =	vsub.f32 v48, v49;
	v58 =	vld [tilespmem:s9+$0x0];
	s9 =	sld [smem:$0x7FA]  }
0xed: {  	v57 =	vld.idx.msk [tilespmem:v16+s2+$0x0 ss:$0x1], $0xffff  }
0xee: {  	v60 =	vld.idx.msk [tilespmem:v25+s2+$0x0 ss:$0x1], $0xffff;
	v32 =	vadd.f32 v55, v32;
	v59 =	vmul.f32 v56, v56;
	v34 =	vsub.f32 v51, v52  }
0xef: {  	v61 =	vld [tilespmem:s9+$0x0]  }
0xf0: {  	v32 =	vadd.f32 v59, v32;
	v62 =	vmul.f32 v34, v34;
	v63 =	vsub.f32 v53, v54;
	_ =	sdelay $0x1  }
0xf1: {  	v32 =	vadd.f32 v62, v32;
	v37 =	vmul.f32 v63, v63;
	v39 =	vsub.f32 v57, v58;
	_ =	sdelay $0x1  }
0xf2: {  	v32 =	vadd.f32 v37, v32;
	v40 =	vmul.f32 v39, v39;
	v41 =	vsub.f32 v60, v61;
	_ =	sdelay $0x1  }
0xf3: {  	v32 =	vadd.f32 v40, v32;
	v42 =	vmul.f32 v41, v41;
	_ =	sdelay $0x1  }
0xf4: {  	v32 =	vadd.f32 v42, v32;
	_ =	sdelay $0x1  }
0xf5: {  	[tilespmem:$0x2E60] =	vst v32  }
0xf6: {  	v32 =	vld [tilespmem:s3+$0x0];
	s3 =	sld [smem:$0x7E3];
	_ =	sdelay $0x2  }
0xf7: {  	v45 =	vld [tilespmem:s3+$0x0];
	s3 =	sld [smem:$0x7E4]  }
0xf8: {  	s9 =	sld [smem:$0x7FB];
	_ =	sdelay $0x1  }
0xf9: {  	v47 =	vld [tilespmem:s3+$0x0];
	s3 =	sld [smem:$0x7E6]  }
0xfa: {  	v43 =	vld [tilespmem:s9+$0x0]  }
0xfb: {  	v44 =	vld.idx.msk [tilespmem:v9+s2+$0x0 ss:$0x1], $0xffff  }
0xfc: {  	v49 =	vld [tilespmem:s3+$0x0];
	s3 =	sld [smem:$0x7E7];
	_ =	sdelay $0x1  }
0xfd: {  	v46 =	vld.idx.msk [tilespmem:v10+s2+$0x0 ss:$0x1], $0xffff  }
0xfe: {  	v52 =	vld [tilespmem:s3+$0x0];
	s3 =	sld [smem:$0x7E9]  }
0xff: {  	v48 =	vld.idx.msk [tilespmem:v11+s2+$0x0 ss:$0x1], $0xffff  }
0x100: {  	v51 =	vld.idx.msk [tilespmem:v12+s2+$0x0 ss:$0x1], $0xffff;
	v32 =	vsub.f32 v32, v43;
	v50 =	vsub.f32 v44, v45  }
0x101: {  	v54 =	vld [tilespmem:s3+$0x0];
	s3 =	sld [smem:$0x7F1]  }
0x102: {  	v32 =	vmul.f32 v32, v32;
	v33 =	vmul.f32 v50, v50;
	v36 =	vsub.f32 v46, v47  }
0x103: {  	v53 =	vld.idx.msk [tilespmem:v13+s2+$0x0 ss:$0x1], $0xffff  }
0x104: {  	v32 =	vadd.f32 v33, v32;
	v55 =	vmul.f32 v36, v36;
	v56 =	vsub.f32 v48, v49;
	v58 =	vld [tilespmem:s3+$0x0];
	s3 =	sld [smem:$0x7FC]  }
0x105: {  	v57 =	vld.idx.msk [tilespmem:v16+s2+$0x0 ss:$0x1], $0xffff  }
0x106: {  	v60 =	vld.idx.msk [tilespmem:v25+s2+$0x0 ss:$0x1], $0xffff;
	v32 =	vadd.f32 v55, v32;
	v59 =	vmul.f32 v56, v56;
	v34 =	vsub.f32 v51, v52  }
0x107: {  	v61 =	vld [tilespmem:s3+$0x0]  }
0x108: {  	v32 =	vadd.f32 v59, v32;
	v62 =	vmul.f32 v34, v34;
	v63 =	vsub.f32 v53, v54;
	_ =	sdelay $0x1  }
0x109: {  	v32 =	vadd.f32 v62, v32;
	v37 =	vmul.f32 v63, v63;
	v39 =	vsub.f32 v57, v58;
	_ =	sdelay $0x1  }
0x10a: {  	v32 =	vadd.f32 v37, v32;
	v40 =	vmul.f32 v39, v39;
	v41 =	vsub.f32 v60, v61;
	_ =	sdelay $0x1  }
0x10b: {  	v32 =	vadd.f32 v40, v32;
	v42 =	vmul.f32 v41, v41;
	_ =	sdelay $0x1  }
0x10c: {  	s0 =	rddreg [dreg:$0x7];
	v32 =	vadd.f32 v42, v32  }
0x10d: {  	s3 =	sadd.s32 s2, s0;
	s0 =	sld [smem:$0x7F2]  }
0x10e: {  	[tilespmem:$0x2E70] =	vst v32  }
0x10f: {  	v32 =	vld.idx.msk [tilespmem:v31+s2+$0x0 ss:$0x1], $0xffff  }
0x110: {  	v43 =	vld [tilespmem:s0+$0x0]  }
0x111: {  	v44 =	vld.idx.msk [tilespmem:v9+s3+$0x0 ss:$0x1], $0xffff  }
0x112: {  	v45 =	vld [tilespmem:s4+$0x0]  }
0x113: {  	v46 =	vld.idx.msk [tilespmem:v10+s3+$0x0 ss:$0x1], $0xffff;
	s4 =	rddreg [dreg:$0xa]  }
0x114: {  	v47 =	vld [tilespmem:s4+$0x0]  }
0x115: {  	v48 =	vld.idx.msk [tilespmem:v11+s3+$0x0 ss:$0x1], $0xffff  }
0x116: {  	v49 =	vld [tilespmem:s5+$0x0]  }
0x117: {  	v51 =	vld.idx.msk [tilespmem:v12+s3+$0x0 ss:$0x1], $0xffff;
	v32 =	vsub.f32 v32, v43;
	v50 =	vsub.f32 v44, v45  }
0x118: {  	v52 =	vld [tilespmem:s1+$0x0]  }
0x119: {  	v53 =	vld.idx.msk [tilespmem:v13+s3+$0x0 ss:$0x1], $0xffff;
	s5 =	sld [smem:$0x7EA];
	v36 =	vsub.f32 v46, v47;
	v32 =	vmul.f32 v32, v32;
	v33 =	vmul.f32 v50, v50  }
0x11a: {  	v54 =	vld [tilespmem:s8+$0x0]  }
0x11b: {  	v57 =	vld.idx.msk [tilespmem:v16+s3+$0x0 ss:$0x1], $0xffff;
	s8 =	sld [smem:$0x7F3];
	v56 =	vsub.f32 v48, v49;
	v55 =	vmul.f32 v36, v36;
	v32 =	vadd.f32 v33, v32  }
0x11c: {  	v58 =	vld [tilespmem:s5+$0x0]  }
0x11d: {  	v60 =	vld.idx.msk [tilespmem:v25+s3+$0x0 ss:$0x1], $0xffff;
	v34 =	vsub.f32 v51, v52;
	v59 =	vmul.f32 v56, v56;
	v32 =	vadd.f32 v55, v32  }
0x11e: {  	v61 =	vld [tilespmem:s8+$0x0]  }
0x11f: {  	v63 =	vsub.f32 v53, v54;
	v62 =	vmul.f32 v34, v34;
	v32 =	vadd.f32 v59, v32;
	_ =	sdelay $0x1  }
0x120: {  	v37 =	vmul.f32 v63, v63;
	v39 =	vsub.f32 v57, v58;
	v32 =	vadd.f32 v62, v32;
	_ =	sdelay $0x1  }
0x121: {  	v41 =	vsub.f32 v60, v61;
	v40 =	vmul.f32 v39, v39;
	v32 =	vadd.f32 v37, v32;
	_ =	sdelay $0x1  }
0x122: {  	v42 =	vmul.f32 v41, v41;
	v32 =	vadd.f32 v40, v32;
	_ =	sdelay $0x1  }
0x123: {  	v32 =	vadd.f32 v42, v32;
	_ =	sdelay $0x1  }
0x124: {  	[tilespmem:$0x2E80] =	vst v32  }
0x125: {  	v32 =	vld.idx.msk [tilespmem:v31+s2+$0x0 ss:$0x1], $0xffff  }
0x126: {  	v43 =	vld [tilespmem:s15+$0x0]  }
0x127: {  	v44 =	vld.idx.msk [tilespmem:v9+s3+$0x0 ss:$0x1], $0xffff  }
0x128: {  	v45 =	vld [tilespmem:s7+$0x0]  }
0x129: {  	v46 =	vld.idx.msk [tilespmem:v10+s3+$0x0 ss:$0x1], $0xffff  }
0x12a: {  	v47 =	vld [tilespmem:s10+$0x0]  }
0x12b: {  	v48 =	vld.idx.msk [tilespmem:v11+s3+$0x0 ss:$0x1], $0xffff  }
0x12c: {  	v49 =	vld [tilespmem:s11+$0x0]  }
0x12d: {  	v51 =	vld.idx.msk [tilespmem:v12+s3+$0x0 ss:$0x1], $0xffff;
	v32 =	vsub.f32 v32, v43;
	v50 =	vsub.f32 v44, v45  }
0x12e: {  	v52 =	vld [tilespmem:s12+$0x0]  }
0x12f: {  	v54 =	vld [tilespmem:s13+$0x0];
	s13 =	sld [smem:$0x7EB];
	v36 =	vsub.f32 v46, v47;
	v32 =	vmul.f32 v32, v32;
	v33 =	vmul.f32 v50, v50  }
0x130: {  	v53 =	vld.idx.msk [tilespmem:v13+s3+$0x0 ss:$0x1], $0xffff  }
0x131: {  	v57 =	vld.idx.msk [tilespmem:v16+s3+$0x0 ss:$0x1], $0xffff;
	s15 =	sld [smem:$0x7F4];
	v56 =	vsub.f32 v48, v49;
	v55 =	vmul.f32 v36, v36;
	v32 =	vadd.f32 v33, v32  }
0x132: {  	v58 =	vld [tilespmem:s13+$0x0]  }
0x133: {  	v60 =	vld.idx.msk [tilespmem:v25+s3+$0x0 ss:$0x1], $0xffff;
	v34 =	vsub.f32 v51, v52;
	v59 =	vmul.f32 v56, v56;
	v32 =	vadd.f32 v55, v32  }
0x134: {  	v61 =	vld [tilespmem:s15+$0x0]  }
0x135: {  	v63 =	vsub.f32 v53, v54;
	v62 =	vmul.f32 v34, v34;
	v32 =	vadd.f32 v59, v32;
	_ =	sdelay $0x1  }
0x136: {  	v37 =	vmul.f32 v63, v63;
	v39 =	vsub.f32 v57, v58;
	v32 =	vadd.f32 v62, v32;
	_ =	sdelay $0x1  }
0x137: {  	v41 =	vsub.f32 v60, v61;
	v40 =	vmul.f32 v39, v39;
	v32 =	vadd.f32 v37, v32;
	_ =	sdelay $0x1  }
0x138: {  	v42 =	vmul.f32 v41, v41;
	v32 =	vadd.f32 v40, v32;
	_ =	sdelay $0x1  }
0x139: {  	v32 =	vadd.f32 v42, v32;
	_ =	sdelay $0x1  }
0x13a: {  	[tilespmem:$0x2E90] =	vst v32  }
0x13b: {  	v32 =	vld.idx.msk [tilespmem:v31+s2+$0x0 ss:$0x1], $0xffff  }
0x13c: {  	v43 =	vld [tilespmem:s20+$0x0]  }
0x13d: {  	v44 =	vld.idx.msk [tilespmem:v9+s3+$0x0 ss:$0x1], $0xffff  }
0x13e: {  	v45 =	vld [tilespmem:s14+$0x0]  }
0x13f: {  	v46 =	vld.idx.msk [tilespmem:v10+s3+$0x0 ss:$0x1], $0xffff  }
0x140: {  	v47 =	vld [tilespmem:s16+$0x0]  }
0x141: {  	v48 =	vld.idx.msk [tilespmem:v11+s3+$0x0 ss:$0x1], $0xffff  }
0x142: {  	v49 =	vld [tilespmem:s17+$0x0]  }
0x143: {  	v51 =	vld.idx.msk [tilespmem:v12+s3+$0x0 ss:$0x1], $0xffff;
	v32 =	vsub.f32 v32, v43;
	v50 =	vsub.f32 v44, v45  }
0x144: {  	v52 =	vld [tilespmem:s18+$0x0]  }
0x145: {  	v53 =	vld.idx.msk [tilespmem:v13+s3+$0x0 ss:$0x1], $0xffff;
	s17 =	sld [smem:$0x7EC];
	v36 =	vsub.f32 v46, v47;
	v32 =	vmul.f32 v32, v32;
	v33 =	vmul.f32 v50, v50  }
0x146: {  	v54 =	vld [tilespmem:s25+$0x0]  }
0x147: {  	v57 =	vld.idx.msk [tilespmem:v16+s3+$0x0 ss:$0x1], $0xffff;
	s18 =	sld [smem:$0x7F5];
	v56 =	vsub.f32 v48, v49;
	v55 =	vmul.f32 v36, v36;
	v32 =	vadd.f32 v33, v32  }
0x148: {  	v58 =	vld [tilespmem:s17+$0x0]  }
0x149: {  	v60 =	vld.idx.msk [tilespmem:v25+s3+$0x0 ss:$0x1], $0xffff;
	v34 =	vsub.f32 v51, v52;
	v59 =	vmul.f32 v56, v56;
	v32 =	vadd.f32 v55, v32  }
0x14a: {  	v61 =	vld [tilespmem:s18+$0x0]  }
0x14b: {  	v63 =	vsub.f32 v53, v54;
	v62 =	vmul.f32 v34, v34;
	v32 =	vadd.f32 v59, v32;
	_ =	sdelay $0x1  }
0x14c: {  	v37 =	vmul.f32 v63, v63;
	v39 =	vsub.f32 v57, v58;
	v32 =	vadd.f32 v62, v32;
	_ =	sdelay $0x1  }
0x14d: {  	v41 =	vsub.f32 v60, v61;
	v40 =	vmul.f32 v39, v39;
	v32 =	vadd.f32 v37, v32;
	_ =	sdelay $0x1  }
0x14e: {  	v42 =	vmul.f32 v41, v41;
	v32 =	vadd.f32 v40, v32;
	_ =	sdelay $0x1  }
0x14f: {  	v32 =	vadd.f32 v42, v32;
	_ =	sdelay $0x1  }
0x150: {  	[tilespmem:$0x2EA0] =	vst v32  }
0x151: {  	v32 =	vld.idx.msk [tilespmem:v31+s2+$0x0 ss:$0x1], $0xffff  }
0x152: {  	v43 =	vld [tilespmem:s26+$0x0]  }
0x153: {  	v44 =	vld.idx.msk [tilespmem:v9+s3+$0x0 ss:$0x1], $0xffff  }
0x154: {  	v45 =	vld [tilespmem:s19+$0x0]  }
0x155: {  	v46 =	vld.idx.msk [tilespmem:v10+s3+$0x0 ss:$0x1], $0xffff  }
0x156: {  	v47 =	vld [tilespmem:s21+$0x0]  }
0x157: {  	v48 =	vld.idx.msk [tilespmem:v11+s3+$0x0 ss:$0x1], $0xffff  }
0x158: {  	v49 =	vld [tilespmem:s22+$0x0]  }
0x159: {  	s20 =	sld [smem:$0x7D5];
	v51 =	vld.idx.msk [tilespmem:v12+s3+$0x0 ss:$0x1], $0xffff;
	v32 =	vsub.f32 v32, v43;
	v50 =	vsub.f32 v44, v45  }
0x15a: {  	v52 =	vld [tilespmem:s24+$0x0]  }
0x15b: {  	v53 =	vld.idx.msk [tilespmem:v13+s3+$0x0 ss:$0x1], $0xffff;
	s21 =	sld [smem:$0x7ED];
	v36 =	vsub.f32 v46, v47;
	v32 =	vmul.f32 v32, v32;
	v33 =	vmul.f32 v50, v50  }
0x15c: {  	v54 =	vld [tilespmem:s20+$0x0]  }
0x15d: {  	v57 =	vld.idx.msk [tilespmem:v16+s3+$0x0 ss:$0x1], $0xffff;
	s22 =	sld [smem:$0x7F6];
	v56 =	vsub.f32 v48, v49;
	v55 =	vmul.f32 v36, v36;
	v32 =	vadd.f32 v33, v32  }
0x15e: {  	v58 =	vld [tilespmem:s21+$0x0]  }
0x15f: {  	v60 =	vld.idx.msk [tilespmem:v25+s3+$0x0 ss:$0x1], $0xffff;
	v34 =	vsub.f32 v51, v52;
	v59 =	vmul.f32 v56, v56;
	v32 =	vadd.f32 v55, v32  }
0x160: {  	v61 =	vld [tilespmem:s22+$0x0]  }
0x161: {  	v63 =	vsub.f32 v53, v54;
	v62 =	vmul.f32 v34, v34;
	v32 =	vadd.f32 v59, v32;
	_ =	sdelay $0x1  }
0x162: {  	v37 =	vmul.f32 v63, v63;
	v39 =	vsub.f32 v57, v58;
	v32 =	vadd.f32 v62, v32;
	_ =	sdelay $0x1  }
0x163: {  	v41 =	vsub.f32 v60, v61;
	v40 =	vmul.f32 v39, v39;
	v32 =	vadd.f32 v37, v32;
	_ =	sdelay $0x1  }
0x164: {  	v42 =	vmul.f32 v41, v41;
	v32 =	vadd.f32 v40, v32;
	_ =	sdelay $0x1  }
0x165: {  	v32 =	vadd.f32 v42, v32;
	_ =	sdelay $0x1  }
0x166: {  	[tilespmem:$0x2EB0] =	vst v32  }
0x167: {  	s24 =	sld [smem:$0x7D6];
	v32 =	vld.idx.msk [tilespmem:v31+s2+$0x0 ss:$0x1], $0xffff  }
0x168: {  	v43 =	vld [tilespmem:s28+$0x0]  }
0x169: {  	s25 =	sld [smem:$0x7D7];
	v44 =	vld.idx.msk [tilespmem:v9+s3+$0x0 ss:$0x1], $0xffff  }
0x16a: {  	v45 =	vld [tilespmem:s24+$0x0]  }
0x16b: {  	s26 =	sld [smem:$0x7D8];
	v46 =	vld.idx.msk [tilespmem:v10+s3+$0x0 ss:$0x1], $0xffff  }
0x16c: {  	v47 =	vld [tilespmem:s25+$0x0]  }
0x16d: {  	v48 =	vld.idx.msk [tilespmem:v11+s3+$0x0 ss:$0x1], $0xffff;
	s28 =	sld [smem:$0x7D9]  }
0x16e: {  	v49 =	vld [tilespmem:s26+$0x0]  }
0x16f: {  	s1 =	sld [smem:$0x7DA];
	v51 =	vld.idx.msk [tilespmem:v12+s3+$0x0 ss:$0x1], $0xffff;
	v32 =	vsub.f32 v32, v43;
	v50 =	vsub.f32 v44, v45  }
0x170: {  	v52 =	vld [tilespmem:s28+$0x0]  }
0x171: {  	s4 =	sld [smem:$0x7EE];
	v53 =	vld.idx.msk [tilespmem:v13+s3+$0x0 ss:$0x1], $0xffff;
	v36 =	vsub.f32 v46, v47;
	v32 =	vmul.f32 v32, v32;
	v33 =	vmul.f32 v50, v50  }
0x172: {  	v54 =	vld [tilespmem:s1+$0x0]  }
0x173: {  	s5 =	sld [smem:$0x7F7];
	v57 =	vld.idx.msk [tilespmem:v16+s3+$0x0 ss:$0x1], $0xffff;
	v56 =	vsub.f32 v48, v49;
	v55 =	vmul.f32 v36, v36;
	v32 =	vadd.f32 v33, v32  }
0x174: {  	v58 =	vld [tilespmem:s4+$0x0]  }
0x175: {  	v60 =	vld.idx.msk [tilespmem:v25+s3+$0x0 ss:$0x1], $0xffff;
	v59 =	vmul.f32 v56, v56;
	v34 =	vsub.f32 v51, v52;
	v32 =	vadd.f32 v55, v32  }
0x176: {  	v61 =	vld [tilespmem:s5+$0x0]  }
0x177: {  	v63 =	vsub.f32 v53, v54;
	v62 =	vmul.f32 v34, v34;
	v32 =	vadd.f32 v59, v32;
	_ =	sdelay $0x1  }
0x178: {  	v39 =	vsub.f32 v57, v58;
	v37 =	vmul.f32 v63, v63;
	v32 =	vadd.f32 v62, v32;
	_ =	sdelay $0x1  }
0x179: {  	v41 =	vsub.f32 v60, v61;
	v40 =	vmul.f32 v39, v39;
	v32 =	vadd.f32 v37, v32;
	_ =	sdelay $0x1  }
0x17a: {  	v42 =	vmul.f32 v41, v41;
	v32 =	vadd.f32 v40, v32;
	_ =	sdelay $0x1  }
0x17b: {  	v32 =	vadd.f32 v42, v32;
	_ =	sdelay $0x1  }
0x17c: {  	[tilespmem:$0x2EC0] =	vst v32  }
0x17d: {  	s7 =	sld [smem:$0x7DB];
	v32 =	vld.idx.msk [tilespmem:v31+s2+$0x0 ss:$0x1], $0xffff  }
0x17e: {  	v43 =	vld [tilespmem:s23+$0x0]  }
0x17f: {  	s8 =	sld [smem:$0x7DC];
	v44 =	vld.idx.msk [tilespmem:v9+s3+$0x0 ss:$0x1], $0xffff  }
0x180: {  	v45 =	vld [tilespmem:s7+$0x0]  }
0x181: {  	s10 =	sld [smem:$0x7DD];
	v46 =	vld.idx.msk [tilespmem:v10+s3+$0x0 ss:$0x1], $0xffff  }
0x182: {  	v47 =	vld [tilespmem:s8+$0x0]  }
0x183: {  	s11 =	sld [smem:$0x7DE];
	v48 =	vld.idx.msk [tilespmem:v11+s3+$0x0 ss:$0x1], $0xffff  }
0x184: {  	v49 =	vld [tilespmem:s10+$0x0]  }
0x185: {  	s12 =	sld [smem:$0x7DF];
	v51 =	vld.idx.msk [tilespmem:v12+s3+$0x0 ss:$0x1], $0xffff;
	v32 =	vsub.f32 v32, v43;
	v50 =	vsub.f32 v44, v45  }
0x186: {  	v52 =	vld [tilespmem:s11+$0x0]  }
0x187: {  	s13 =	sld [smem:$0x7EF];
	v53 =	vld.idx.msk [tilespmem:v13+s3+$0x0 ss:$0x1], $0xffff;
	v36 =	vsub.f32 v46, v47;
	v32 =	vmul.f32 v32, v32;
	v33 =	vmul.f32 v50, v50  }
0x188: {  	v54 =	vld [tilespmem:s12+$0x0]  }
0x189: {  	s14 =	sld [smem:$0x7F8];
	v57 =	vld.idx.msk [tilespmem:v16+s3+$0x0 ss:$0x1], $0xffff;
	v56 =	vsub.f32 v48, v49;
	v55 =	vmul.f32 v36, v36;
	v32 =	vadd.f32 v33, v32  }
0x18a: {  	v58 =	vld [tilespmem:s13+$0x0]  }
0x18b: {  	v60 =	vld.idx.msk [tilespmem:v25+s3+$0x0 ss:$0x1], $0xffff;
	v34 =	vsub.f32 v51, v52;
	v59 =	vmul.f32 v56, v56;
	v32 =	vadd.f32 v55, v32  }
0x18c: {  	v61 =	vld [tilespmem:s14+$0x0]  }
0x18d: {  	v63 =	vsub.f32 v53, v54;
	v62 =	vmul.f32 v34, v34;
	v32 =	vadd.f32 v59, v32;
	_ =	sdelay $0x1  }
0x18e: {  	v40 =	vsub.f32 v57, v58;
	v37 =	vmul.f32 v63, v63;
	v32 =	vadd.f32 v62, v32;
	_ =	sdelay $0x1  }
0x18f: {  	v42 =	vsub.f32 v60, v61;
	v41 =	vmul.f32 v40, v40;
	v32 =	vadd.f32 v37, v32;
	_ =	sdelay $0x1  }
0x190: {  	v43 =	vmul.f32 v42, v42;
	v32 =	vadd.f32 v41, v32;
	_ =	sdelay $0x1  }
0x191: {  	v32 =	vadd.f32 v43, v32;
	_ =	sdelay $0x1  }
0x192: {  	[tilespmem:$0x2ED0] =	vst v32  }
0x193: {  	s15 =	sld [smem:$0x7E0];
	v32 =	vld.idx.msk [tilespmem:v31+s2+$0x0 ss:$0x1], $0xffff  }
0x194: {  	v44 =	vld [tilespmem:s29+$0x0]  }
0x195: {  	s16 =	sld [smem:$0x7E1];
	v45 =	vld.idx.msk [tilespmem:v9+s3+$0x0 ss:$0x1], $0xffff  }
0x196: {  	v46 =	vld [tilespmem:s15+$0x0]  }
0x197: {  	s17 =	sld [smem:$0x7E2];
	v47 =	vld.idx.msk [tilespmem:v10+s3+$0x0 ss:$0x1], $0xffff  }
0x198: {  	v48 =	vld [tilespmem:s16+$0x0]  }
0x199: {  	s18 =	sld [smem:$0x7E5];
	v49 =	vld.idx.msk [tilespmem:v11+s3+$0x0 ss:$0x1], $0xffff  }
0x19a: {  	v50 =	vld [tilespmem:s17+$0x0]  }
0x19b: {  	s19 =	sld [smem:$0x7E8];
	v52 =	vld.idx.msk [tilespmem:v12+s3+$0x0 ss:$0x1], $0xffff;
	v32 =	vsub.f32 v32, v44;
	v51 =	vsub.f32 v45, v46  }
0x19c: {  	v53 =	vld [tilespmem:s18+$0x0]  }
0x19d: {  	s20 =	sld [smem:$0x7F0];
	v54 =	vld.idx.msk [tilespmem:v13+s3+$0x0 ss:$0x1], $0xffff;
	v36 =	vsub.f32 v47, v48;
	v32 =	vmul.f32 v32, v32;
	v33 =	vmul.f32 v51, v51  }
0x19e: {  	v55 =	vld [tilespmem:s19+$0x0]  }
0x19f: {  	s21 =	sld [smem:$0x7FA];
	v58 =	vld.idx.msk [tilespmem:v16+s3+$0x0 ss:$0x1], $0xffff;
	v57 =	vsub.f32 v49, v50;
	v56 =	vmul.f32 v36, v36;
	v32 =	vadd.f32 v33, v32  }
0x1a0: {  	v59 =	vld [tilespmem:s20+$0x0]  }
0x1a1: {  	v61 =	vld.idx.msk [tilespmem:v25+s3+$0x0 ss:$0x1], $0xffff;
	v34 =	vsub.f32 v52, v53;
	v60 =	vmul.f32 v57, v57;
	v32 =	vadd.f32 v56, v32  }
0x1a2: {  	v62 =	vld [tilespmem:s21+$0x0]  }
0x1a3: {  	v41 =	vsub.f32 v54, v55;
	v63 =	vmul.f32 v34, v34;
	v32 =	vadd.f32 v60, v32;
	_ =	sdelay $0x1  }
0x1a4: {  	v43 =	vsub.f32 v58, v59;
	v42 =	vmul.f32 v41, v41;
	v32 =	vadd.f32 v63, v32;
	_ =	sdelay $0x1  }
0x1a5: {  	v45 =	vsub.f32 v61, v62;
	v44 =	vmul.f32 v43, v43;
	v32 =	vadd.f32 v42, v32;
	_ =	sdelay $0x1  }
0x1a6: {  	v46 =	vmul.f32 v45, v45;
	v32 =	vadd.f32 v44, v32;
	_ =	sdelay $0x1  }
0x1a7: {  	v32 =	vadd.f32 v46, v32;
	_ =	sdelay $0x1  }
0x1a8: {  	[tilespmem:$0x2EE0] =	vst v32  }
0x1a9: {  	s22 =	sld [smem:$0x7E3];
	v32 =	vld.idx.msk [tilespmem:v31+s2+$0x0 ss:$0x1], $0xffff  }
0x1aa: {  	v47 =	vld [tilespmem:s9+$0x0]  }
0x1ab: {  	s23 =	sld [smem:$0x7E4];
	v48 =	vld.idx.msk [tilespmem:v9+s3+$0x0 ss:$0x1], $0xffff  }
0x1ac: {  	v49 =	vld [tilespmem:s22+$0x0]  }
0x1ad: {  	s24 =	sld [smem:$0x7E6];
	v50 =	vld.idx.msk [tilespmem:v10+s3+$0x0 ss:$0x1], $0xffff  }
0x1ae: {  	v51 =	vld [tilespmem:s23+$0x0]  }
0x1af: {  	s25 =	sld [smem:$0x7E7];
	v52 =	vld.idx.msk [tilespmem:v11+s3+$0x0 ss:$0x1], $0xffff  }
0x1b0: {  	v53 =	vld [tilespmem:s24+$0x0]  }
0x1b1: {  	s26 =	sld [smem:$0x7E9];
	v55 =	vld.idx.msk [tilespmem:v12+s3+$0x0 ss:$0x1], $0xffff;
	v32 =	vsub.f32 v32, v47;
	v54 =	vsub.f32 v48, v49  }
0x1b2: {  	v56 =	vld [tilespmem:s25+$0x0]  }
0x1b3: {  	s28 =	sld [smem:$0x7F1];
	v57 =	vld.idx.msk [tilespmem:v13+s3+$0x0 ss:$0x1], $0xffff;
	v36 =	vsub.f32 v50, v51;
	v32 =	vmul.f32 v32, v32;
	v33 =	vmul.f32 v54, v54  }
0x1b4: {  	v58 =	vld [tilespmem:s26+$0x0]  }
0x1b5: {  	s29 =	sld [smem:$0x7FC];
	v61 =	vld.idx.msk [tilespmem:v16+s3+$0x0 ss:$0x1], $0xffff;
	v60 =	vsub.f32 v52, v53;
	v59 =	vmul.f32 v36, v36;
	v32 =	vadd.f32 v33, v32  }
0x1b6: {  	v62 =	vld [tilespmem:s28+$0x0]  }
0x1b7: {  	v41 =	vld.idx.msk [tilespmem:v25+s3+$0x0 ss:$0x1], $0xffff;
	v34 =	vsub.f32 v55, v56;
	v63 =	vmul.f32 v60, v60;
	v32 =	vadd.f32 v59, v32  }
0x1b8: {  	v36 =	vld [tilespmem:s29+$0x0]  }
0x1b9: {  	v40 =	vsub.f32 v57, v58;
	v34 =	vmul.f32 v34, v34;
	v32 =	vadd.f32 v63, v32;
	_ =	sdelay $0x1  }
0x1ba: {  	v42 =	vsub.f32 v61, v62;
	v33 =	vmul.f32 v40, v40;
	v32 =	vadd.f32 v34, v32;
	_ =	sdelay $0x1  }
0x1bb: {  	v43 =	vmul.f32 v42, v42;
	v44 =	vsub.f32 v41, v36;
	v32 =	vadd.f32 v33, v32;
	_ =	sdelay $0x1  }
0x1bc: {  	v45 =	vmul.f32 v44, v44;
	v32 =	vadd.f32 v43, v32;
	_ =	sdelay $0x1  }
0x1bd: {  	v32 =	vadd.f32 v45, v32;
	_ =	sdelay $0x1  }
0x1be: {  	[tilespmem:$0x2EF0] =	vst v32  }
0x1bf: {  	v32 =	vld.idx.msk [tilespmem:v7+s31+$0x0], $0xffff;
	_ =	sdelay $0x1  }
0x1c0: {  	v46 =	vld.idx.msk [tilespmem:v14+s31+$0x0], $0xffff;
	_ =	sdelay $0x1  }
0x1c1: {  	v47 =	vld.idx.msk [tilespmem:v15+s31+$0x0], $0xffff  }
0x1c2: {  	v32 =	vadd.f32 $0.0e+00, v32  }
0x1c3: {  	v48 =	vld.idx.msk [tilespmem:v17+s31+$0x0], $0xffff  }
0x1c4: {  	v32 =	vadd.f32 v46, v32  }
0x1c5: {  	v49 =	vld.idx.msk [tilespmem:v18+s31+$0x0], $0xffff  }
0x1c6: {  	v32 =	vadd.f32 v47, v32  }
0x1c7: {  	v50 =	vld.idx.msk [tilespmem:v19+s31+$0x0], $0xffff  }
0x1c8: {  	v32 =	vadd.f32 v48, v32  }
0x1c9: {  	v51 =	vld.idx.msk [tilespmem:v20+s31+$0x0], $0xffff  }
0x1ca: {  	v32 =	vadd.f32 v49, v32  }
0x1cb: {  	v52 =	vld.idx.msk [tilespmem:v21+s31+$0x0], $0xffff  }
0x1cc: {  	v32 =	vadd.f32 v50, v32  }
0x1cd: {  	v53 =	vld.idx.msk [tilespmem:v22+s31+$0x0], $0xffff  }
0x1ce: {  	v32 =	vadd.f32 v51, v32  }
0x1cf: {  	v54 =	vld.idx.msk [tilespmem:v23+s31+$0x0], $0xffff  }
0x1d0: {  	v32 =	vadd.f32 v52, v32  }
0x1d1: {  	v55 =	vld.idx.msk [tilespmem:v24+s31+$0x0], $0xffff  }
0x1d2: {  	v32 =	vadd.f32 v53, v32  }
0x1d3: {  	v56 =	vld.idx.msk [tilespmem:v26+s31+$0x0], $0xffff  }
0x1d4: {  	v32 =	vadd.f32 v54, v32  }
0x1d5: {  	v57 =	vld.idx.msk [tilespmem:v27+s31+$0x0], $0xffff  }
0x1d6: {  	v32 =	vadd.f32 v55, v32  }
0x1d7: {  	v58 =	vld.idx.msk [tilespmem:v28+s31+$0x0], $0xffff  }
0x1d8: {  	v32 =	vadd.f32 v56, v32  }
0x1d9: {  	v59 =	vld.idx.msk [tilespmem:v29+s31+$0x0], $0xffff  }
0x1da: {  	v32 =	vadd.f32 v57, v32  }
0x1db: {  	v60 =	vld.idx.msk [tilespmem:v30+s31+$0x0], $0xffff  }
0x1dc: {  	v32 =	vadd.f32 v58, v32;
	_ =	sdelay $0x1  }
0x1dd: {  	v32 =	vadd.f32 v59, v32;
	_ =	sdelay $0x1  }
0x1de: {  	v32 =	vadd.f32 v60, v32;
	_ =	sdelay $0x1  }
0x1df: {  	v32 =	vmul.f32 v32, v8;
	_ =	sdelay $0x1  }
0x1e0: {  	v61 =	vshra.s32 v32, $0x1;
	v62 =	vmul.f32 $5.000000000e-01, v32  }
0x1e1: {  	v33 =	vsub.s32 $0x5F3759DF, v61  }
0x1e2: {  	v63 =	vmul.f32 v33, v62;
	_ =	sdelay $0x1  }
0x1e3: {  	v35 =	vmul.f32 v33, v63;
	_ =	sdelay $0x1  }
0x1e4: {  	v35 =	vsub.f32 $1.500000000e+00, v35;
	_ =	sdelay $0x1  }
0x1e5: {  	v33 =	vmul.f32 v33, v35;
	_ =	sdelay $0x1  }
0x1e6: {  	v35 =	vmul.f32 v33, v62;
	_ =	sdelay $0x1  }
0x1e7: {  	v35 =	vmul.f32 v35, v33;
	_ =	sdelay $0x1  }
0x1e8: {  	v35 =	vsub.f32 $1.500000000e+00, v35;
	_ =	sdelay $0x1  }
0x1e9: {  	v33 =	vmul.f32 v35, v33;
	_ =	sdelay $0x1  }
0x1ea: {  	v35 =	vmul.f32 v33, v62;
	_ =	sdelay $0x1  }
0x1eb: {  	v35 =	vmul.f32 v35, v33;
	_ =	sdelay $0x1  }
0x1ec: {  	v35 =	vsub.f32 $1.500000000e+00, v35;
	_ =	sdelay $0x1  }
0x1ed: {  	v33 =	vmul.f32 v35, v33;
	_ =	sdelay $0x1  }
0x1ee: {  	v34 =	vmul.f32 v33, v62;
	_ =	sdelay $0x1  }
0x1ef: {  	v34 =	vmul.f32 v34, v33;
	_ =	sdelay $0x1  }
0x1f0: {  	v34 =	vsub.f32 $1.500000000e+00, v34;
	_ =	sdelay $0x1  }
0x1f1: {  	v33 =	vmul.f32 v34, v33  }
0x1f2: {  	p0 =	sne.s32 s6, $0x6  }
.Ltmp1:
0x1f3: {  	v32 =	vmul.f32 v33, v32;
	(pc) =	sbr.rel @p0 .LBB2_4-.Ltmp1, $3  }
0x1f4: {  	_ = 	snop  }
0x1f5: {  	v32 =	vadd.f32 $9.999999930e-09, v32;
	_ =	sdelay $0x1  }
0x1f6: {  	s6 =	sadd.s32 $0x2, s6;
	[tilespmem:s30+$0x0] =	vst v32;
	s30 =	sadd.s32 $0x10, s30  }
0x1f7: {  	s1 =	sld [smem:$0x7FD];
	_ =	sdelay $0x1  }
0x1f8: {  	s0 =	simm.s32 $0x2F00;
	s30 =	stileid.u32  }
0x1f9: {  	[spmem:s1] =	stream.linear.scatter [tilespmem:s0], [sflag:$0x2], $0x40, $0x38;
	[tilespmem:$0x33A8] =	vst v63  }
0x1fa: {  	p0 =	sgt.u32 s30, $0x3;
	s1 =	simm.s32 $0x2  }
.Ltmp2:
0x1fb: {  	_ =	swait.ge [sflag:s1], $0x40;
	(pc) =	sbr.rel @p0 .LBB2_2-.Ltmp2, $4  }
0x1fc: {  	[sflag:s1] =	ssyncset.done $0x0  }
0x1fd: {  	[sflag:s1] =	ssyncadd.s32 $0xFFFFFFC0  }
0x1fe: {  	[bflag:$0x0] =	sbarrier.arrive $0xFFFF  }
0x1ff: {  	s13 =	rddreg [dreg:$0x4]  }
0x200: {  	v7 =	vlaneseq.u32  }
0x201: {  	v7 =	vmul.u32 $0x40, v7  }
0x202: {  	s2 =	rddreg [dreg:$0x2]  }
0x203: {  	[tilespmem:s0], [sflag:$0x2] =	stream.linear.gather [spmem:s2], $0x200, $0x38;
	[tilespmem:$0x33A8] =	vst v63  }
0x204: {  	_ =	swait.ge [sflag:s1], $0x200  }
0x205: {  	[sflag:s1] =	ssyncset.done $0x0  }
0x206: {  	[sflag:s1] =	ssyncadd.s32 $0xFFFFFE00  }
0x207: {  	v8 =	vld.idx.msk [tilespmem:v7+s0+$0x0], $0xffff  }
0x208: {  	v9 =	vimm.f32 $-1.000000000e+00  }
0x209: {  	[tilespmem:$0x1C00] =	vst v9  }
0x20a: {  	[tilespmem:$0x2000] =	vst v9;
	v9 =	vimm.f32 $1.000000000e+00  }
0x20b: {  	[tilespmem:$0x2400] =	vst v9  }
0x20c: {  	[tilespmem:$0x1800] =	vst v8  }
0x20d: {  	s5 =	simm.s32 $0x2480;
	[tilespmem:$0x2800] =	vst v8  }
0x20e: {  	v8 =	vld [tilespmem:s5+$0xFFFFFF80]  }
0x20f: {  	s29 =	simm.s32 $0x8  }
0x210: {  	v9 =	vor.u32 s29, v7;
	_ =	sdelay $0x2  }
0x211: {  	v10 =	vadd.f32 $1.000000000e+00, v8;
	_ =	sdelay $0x1  }
0x212: {  	s31 =	simm.s32 $0x1880;
	v8 =	vld.idx.msk [tilespmem:v9+s0+$0x0], $0xffff;
	(erf) = vrcp.f32 v10  }
0x213: {  	v9 =	vld [tilespmem:s31+$0xFFFFFF80];
	_ =	sdelay $0x1  }
0x214: {  	s1 =	simm.s32 $0x0  }
0x215: {  	s3 =	scvt.s32.f32 s1;
	_ =	sdelay $0x1  }
0x216: {  	v11 =	vmov s3;
	v9 =	vadd.f32 v9, v8;
	_ =	sdelay $0x1  }
0x217: {  	s4 =	simm.s32 $0x1C80;
	[tilespmem:s31+$0x0] =	vst v9  }
0x218: {  	s2 =	simm.s32 $0x2080;
	v8 =	vimm.f32 $0.0e+00;
	[tilespmem:s4+$0x0] =	vst v11;
	v11 =	vpop (erf)  }
0x219: {  	s6 =	simm.s32 $0x2500;
	s7 =	simm.s32 $0x1900;
	[tilespmem:s2+$0x0] =	vst v8;
	v9 =	vmul.f32 v11, v9  }
0x21a: {  	s3 =	simm.s32 $0x2880;
	s4 =	simm.s32 $0x10;
	[tilespmem:s5+$0x0] =	vst v10;
	s5 =	simm.s32 $0x1D00  }
.LBB2_7:
0x21b: {  	[tilespmem:s3+$0x0] =	vst v9;
	s1 =	sadd.s32 $0x1, s1;
	s3 =	sadd.s32 $0x80, s3;
	s2 =	sadd.s32 $0x80, s2  }
0x21c: {  	p0 =	sne.s32 s4, $0x38;
	s8 =	smov.u32 s4;
	s4 =	sadd.s32 $0x8, s4;
	v9 =	vld [tilespmem:s6+$0xFFFFFF80]  }
0x21d: {  	_ = 	snop  }
0x21e: {  	v10 =	vor.u32 s8, v7;
	_ =	sdelay $0x2  }
0x21f: {  	v11 =	vadd.f32 $1.000000000e+00, v9;
	_ =	sdelay $0x1  }
0x220: {  	v9 =	vld.idx.msk [tilespmem:v10+s0+$0x0], $0xffff;
	(erf) = vrcp.f32 v11  }
0x221: {  	v10 =	vld [tilespmem:s7+$0xFFFFFF80];
	_ =	sdelay $0x4  }
0x222: {  	s8 =	scvt.s32.f32 s1;
	v9 =	vadd.f32 v10, v9  }
.Ltmp3:
0x223: {  	(pc) =	sbr.rel @p0 .LBB2_7-.Ltmp3, $4  }
0x224: {  	v12 =	vmov s8;
	[tilespmem:s7+$0x0] =	vst v9  }
0x225: {  	[tilespmem:s5+$0x0] =	vst v12;
	v10 =	vpop (erf)  }
0x226: {  	[tilespmem:s2+$0x0] =	vst v8;
	v9 =	vmul.f32 v10, v9  }
0x227: {  	s7 =	sadd.s32 $0x80, s7;
	s5 =	sadd.s32 $0x80, s5;
	[tilespmem:s6+$0x0] =	vst v11;
	s6 =	sadd.s32 $0x80, s6  }
0x228: {  	v7 =	vlaneseq.u32;
	[tilespmem:s3+$0x0] =	vst v9;
	s5 =	simm.s32 $0x2410  }
0x229: {  	v7 =	vmul.u32 $0x40, v7;
	v8 =	vld [tilespmem:s5+$0xFFFFFFF0]  }
0x22a: {  	s0 =	simm.s32 $0x1  }
0x22b: {  	v9 =	vor.u32 s0, v7;
	_ =	sdelay $0x2  }
0x22c: {  	v10 =	vadd.f32 $1.000000000e+00, v8  }
0x22d: {  	s0 =	simm.s32 $0x2F00  }
0x22e: {  	s1 =	simm.s32 $0x1810;
	v8 =	vld.idx.msk [tilespmem:v9+s0+$0x0], $0xffff;
	(erf) = vrcp.f32 v10  }
0x22f: {  	v9 =	vld [tilespmem:s1+$0xFFFFFFF0];
	_ =	sdelay $0x4  }
0x230: {  	s2 =	simm.s32 $0x0;
	v9 =	vadd.f32 v9, v8  }
0x231: {  	s4 =	scvt.s32.f32 s2  }
0x232: {  	s2 =	simm.s32 $0x1C10;
	v8 =	vimm.f32 $0.0e+00;
	[tilespmem:s1+$0x0] =	vst v9  }
0x233: {  	s3 =	simm.s32 $0x2010;
	v11 =	vmov s4;
	[tilespmem:s2+$0x0] =	vst v8;
	v12 =	vpop (erf)  }
0x234: {  	s6 =	simm.s32 $0x2810;
	s7 =	simm.s32 $0x2820;
	[tilespmem:s3+$0x0] =	vst v11;
	v9 =	vmul.f32 v12, v9  }
0x235: {  	s14 =	rddreg [dreg:$0x3];
	s4 =	simm.s32 $0x2;
	[tilespmem:s5+$0x0] =	vst v10;
	s5 =	simm.s32 $0x2420  }
.LBB2_9:
0x236: {  	[tilespmem:s6+$0x0] =	vst v9;
	s1 =	sadd.s32 $0x10, s1;
	s2 =	sadd.s32 $0x10, s2;
	s3 =	sadd.s32 $0x10, s3  }
0x237: {  	p0 =	sne.s32 s4, $0x7;
	s8 =	smov.u32 s4;
	s4 =	sadd.s32 $0x1, s4;
	v9 =	vld [tilespmem:s5+$0xFFFFFFF0]  }
0x238: {  	s6 =	smov.u32 s7  }
0x239: {  	v10 =	vor.u32 s8, v7;
	_ =	sdelay $0x2  }
0x23a: {  	v11 =	vadd.f32 $1.000000000e+00, v9;
	_ =	sdelay $0x1  }
0x23b: {  	v9 =	vld.idx.msk [tilespmem:v10+s0+$0x0], $0xffff;
	(erf) = vrcp.f32 v11  }
0x23c: {  	v10 =	vld [tilespmem:s1+$0xFFFFFFF0];
	_ =	sdelay $0x4  }
0x23d: {  	s8 =	sadd.s32 $0xFFFFFFFF, s8;
	v9 =	vadd.f32 v10, v9  }
.Ltmp4:
0x23e: {  	s8 =	scvt.s32.f32 s8;
	(pc) =	sbr.rel @p0 .LBB2_9-.Ltmp4, $4  }
0x23f: {  	[tilespmem:s1+$0x0] =	vst v9  }
0x240: {  	v10 =	vmov s8;
	[tilespmem:s2+$0x0] =	vst v8;
	v12 =	vpop (erf)  }
0x241: {  	[tilespmem:s3+$0x0] =	vst v10;
	v9 =	vmul.f32 v12, v9  }
0x242: {  	s7 =	sadd.s32 $0x10, s7;
	[tilespmem:s5+$0x0] =	vst v11;
	s5 =	sadd.s32 $0x10, s5  }
0x243: {  	s0 =	simm.s32 $0x1;
	s1 =	simm.s32 $0x9;
	s2 =	simm.s32 $0x1890  }
0x244: {  	s3 =	simm.s32 $0x2890;
	s4 =	simm.s32 $0x2490;
	s5 =	simm.s32 $0x2090;
	v7 =	vlaneseq.u32  }
0x245: {  	[tilespmem:s6+$0x0] =	vst v9;
	s6 =	simm.s32 $0x1C90;
	s7 =	simm.s32 $0x2F00;
	s8 =	simm.s32 $0x1;
	v7 =	vmul.u32 $0x40, v7  }
.LBB2_11:
0x246: {  	v8 =	vmov s3;
	_ =	sdelay $0x2  }
0x247: {  	s10 =	sshll.u32 s8, $0x7;
	v9 =	vmov s4  }
0x248: {  	s9 =	simm.s32 $0x0;
	v11 =	vld [tilespmem:s10+$0x2800]  }
0x249: {  	v12 =	vld.idx.msk [tilespmem:v8+s9+$0xFFFFFF80 ss:$0x1], $0xffff  }
0x24a: {  	v13 =	vld.idx.msk [tilespmem:v8+s9+$0xFFFFFF70 ss:$0x1], $0xffff  }
0x24b: {  	v14 =	vld [tilespmem:s10+$0x2400]  }
0x24c: {  	v15 =	vld.idx.msk [tilespmem:v9+s9+$0xFFFFFF70 ss:$0x1], $0xffff  }
0x24d: {  	v10 =	vmov s2;
	s11 =	sadd.s32 $0x1, s1;
	v16 =	vld.idx.msk [tilespmem:v9+s9+$0xFFFFFF80 ss:$0x1], $0xffff  }
0x24e: {  	s11 =	sadd.s32 $0xFFFFFFFF, s11  }
0x24f: {  	vm0 =	vle.f32 v12, v11;
	vm1 =	vle.f32 v12, v13;
	v12 =	vor.u32 s11, v7  }
0x250: {  	vm2 =	vle.f32 v11, v13;
	vm0 =	vmneg vm0;
	vm1 =	vmneg vm1  }
0x251: {  	v13 =	vld [tilespmem:s10+$0x1800];
	v11 =	vsel vm2, v14, v15;
	vm0 =	vmor vm0, vm1  }
0x252: {  	v14 =	vld.idx.msk [tilespmem:v10+s9+$0xFFFFFF70 ss:$0x1], $0xffff;
	v11 =	vsel vm0, v11, v16  }
0x253: {  	v15 =	vld.idx.msk [tilespmem:v10+s9+$0xFFFFFF80 ss:$0x1], $0xffff;
	v11 =	vadd.f32 $1.000000000e+00, v11  }
0x254: {  	v16 =	vld.idx.msk [tilespmem:v12+s7+$0x0], $0xffff  }
0x255: {  	(erf) = vrcp.f32 v11;
	_ =	sdelay $0x1  }
0x256: {  	s31 =	scvt.s32.f32 s0;
	v17 =	vsel vm2, v13, v14  }
0x257: {  	s29 =	scvt.s32.f32 s8;
	v17 =	vsel vm0, v17, v15  }
0x258: {  	v12 =	vmov s6;
	v16 =	vadd.f32 v16, v17;
	v17 =	vmov s31  }
0x259: {  	v13 =	vmov s29;
	v14 =	vmov s5;
	v17 =	vadd.f32 $-1.000000000e+00, v17  }
0x25a: {  	v15 =	vadd.f32 $-1.000000000e+00, v13  }
0x25b: {  	vm1 =	vmand vm2, vm0  }
0x25c: {  	v18 =	vsel vm1, v13, v15;
	[tilespmem:v10+s9+$0x0 ss:$0x1] =	vst.idx.msk $0xffff, v16  }
0x25d: {  	[tilespmem:v12+s9+$0x0 ss:$0x1] =	vst.idx.msk $0xffff, v18;
	v18 =	vnsel vm0, s31, v17;
	v17 =	vpop (erf)  }
0x25e: {  	s10 =	simm.s32 $0x40;
	s11 =	simm.s32 $0x1;
	[tilespmem:v14+s9+$0x0 ss:$0x1] =	vst.idx.msk $0xffff, v18;
	v17 =	vmul.f32 v17, v16  }
.LBB2_12:
0x25f: {  	p0 =	sne.s32 s10, $0x180  }
0x260: {  	[tilespmem:v9+s9+$0x0 ss:$0x1] =	vst.idx.msk $0xffff, v11;
	s11 =	sadd.s32 $0x1, s11;
	s12 =	smov.u32 s10;
	s10 =	sadd.s32 $0x40, s10  }
0x261: {  	[tilespmem:v8+s9+$0x0 ss:$0x1] =	vst.idx.msk $0xffff, v17;
	s9 =	sshra.s32 s12, $0x2  }
0x262: {  	v18 =	vld.idx.msk [tilespmem:v8+s9+$0xFFFFFF80 ss:$0x1], $0xffff  }
0x263: {  	v19 =	vld.idx.msk [tilespmem:v8+s9+$0xFFFFFF70 ss:$0x1], $0xffff  }
0x264: {  	v20 =	vld.idx.msk [tilespmem:v9+s9+$0xFFFFFF70 ss:$0x1], $0xffff  }
0x265: {  	v21 =	vld.idx.msk [tilespmem:v9+s9+$0xFFFFFF80 ss:$0x1], $0xffff;
	_ =	sdelay $0x1  }
0x266: {  	s12 =	sadd.s32 s11, s1  }
0x267: {  	s12 =	sadd.s32 $0xFFFFFFFF, s12;
	vm0 =	vle.f32 v18, v17  }
0x268: {  	vm0 =	vmneg vm0;
	vm1 =	vle.f32 v18, v19;
	vm2 =	vle.f32 v17, v19  }
0x269: {  	v17 =	vor.u32 s12, v7;
	vm1 =	vmneg vm1;
	v11 =	vsel vm2, v11, v20  }
0x26a: {  	vm0 =	vmor vm0, vm1  }
0x26b: {  	v11 =	vsel vm0, v11, v21;
	vm1 =	vmand vm2, vm0  }
0x26c: {  	v11 =	vadd.f32 $1.000000000e+00, v11;
	v18 =	vld.idx.msk [tilespmem:v10+s9+$0xFFFFFF70 ss:$0x1], $0xffff  }
0x26d: {  	v19 =	vld.idx.msk [tilespmem:v10+s9+$0xFFFFFF80 ss:$0x1], $0xffff  }
0x26e: {  	v17 =	vld.idx.msk [tilespmem:v17+s7+$0x0], $0xffff;
	(erf) = vrcp.f32 v11;
	_ =	sdelay $0x3  }
0x26f: {  	s12 =	scvt.s32.f32 s11;
	v16 =	vsel vm2, v16, v18  }
0x270: {  	v16 =	vsel vm0, v16, v19  }
.Ltmp5:
0x271: {  	v16 =	vadd.f32 v17, v16;
	v17 =	vmov s12;
	(pc) =	sbr.rel @p0 .LBB2_12-.Ltmp5, $4  }
0x272: {  	v19 =	vadd.f32 $-1.000000000e+00, v17  }
0x273: {  	v18 =	vsel vm1, v13, v15;
	[tilespmem:v10+s9+$0x0 ss:$0x1] =	vst.idx.msk $0xffff, v16  }
0x274: {  	[tilespmem:v12+s9+$0x0 ss:$0x1] =	vst.idx.msk $0xffff, v18;
	v18 =	vnsel vm0, s12, v19;
	v17 =	vpop (erf)  }
0x275: {  	v17 =	vmul.f32 v17, v16;
	[tilespmem:v14+s9+$0x0 ss:$0x1] =	vst.idx.msk $0xffff, v18  }
0x276: {  	s8 =	sadd.s32 $0x1, s8  }
0x277: {  	p0 =	sne.s32 s8, $0x8  }
.Ltmp6:
0x278: {  	_ = 	snop;
	(pc) =	sbr.rel @p0 .LBB2_11-.Ltmp6, $3  }
0x279: {  	_ =	sdelay $0x1  }
0x27a: {  	s1 =	sadd.s32 $0x8, s1;
	[tilespmem:v9+s9+$0x0 ss:$0x1] =	vst.idx.msk $0xffff, v11;
	s2 =	sadd.s32 $0x80, s2;
	s3 =	sadd.s32 $0x80, s3  }
0x27b: {  	s4 =	sadd.s32 $0x80, s4;
	s5 =	sadd.s32 $0x80, s5;
	s6 =	sadd.s32 $0x80, s6;
	[tilespmem:v8+s9+$0x0 ss:$0x1] =	vst.idx.msk $0xffff, v17  }
0x27c: {  	v9 =	vimm.s32 $0x7  }
0x27d: {  	vm0 =	vgt.s32 v9, $0x0  }
0x27e: {  	v7 =	vnsel vm0, $0x0, v9  }
0x27f: {  	v7 =	vmin.u32 v7, $0x7  }
0x280: {  	v8 =	vshll.u32 v7, $0x4;
	v10 =	vshll.u32 v7, $0x7  }
0x281: {  	v7 =	vlaneseq.u32;
	v8 =	vor.u32 v10, v8  }
0x282: {  	v8 =	vor.u32 v7, v8;
	_ =	sdelay $0x1  }
0x283: {  	s1 =	simm.s32 $0x0;
	s0 =	simm.s32 $0x2C00  }
0x284: {  	[tilespmem:s0+$0x0] =	vst v9;
	s2 =	sand.u32 $0xF0, s1  }
0x285: {  	s1 =	simm.s32 $0x2000;
	[tilespmem:s2+$0x2D00] =	vst v9  }
0x286: {  	s2 =	simm.s32 $0x1C00;
	v10 =	vld.idx.msk [tilespmem:v8+s1+$0x0], $0xffff  }
0x287: {  	v8 =	vld.idx.msk [tilespmem:v8+s2+$0x0], $0xffff;
	_ =	sdelay $0x4  }
0x288: {  	v10 =	vtrunc.f32 v10;
	v8 =	vtrunc.f32 v8  }
0x289: {  	v10 =	vcvt.f32.s32 v10;
	v11 =	vcvt.f32.s32 v8  }
0x28a: {  	vm0 =	vgt.s32 v9, $0xFFFFFFFF  }
0x28b: {  	v8 =	vsel vm0, v10, v9;
	v9 =	vsel vm0, v11, v9  }
0x28c: {  	s3 =	simm.s32 $0x10;
	s4 =	simm.s32 $0x20;
	vm0 =	vgt.s32 v9, $0x0;
	vm1 =	vgt.s32 v8, $0x0  }
.LBB2_15:
0x28d: {  	p0 =	sne.s32 s4, $0xF0;
	v10 =	vnsel vm0, $0x0, v9;
	v11 =	vnsel vm1, $0x0, v8  }
0x28e: {  	v10 =	vmin.u32 v10, $0x7;
	v11 =	vmin.u32 v11, $0x7  }
0x28f: {  	v11 =	vshll.u32 v11, $0x4;
	v10 =	vshll.u32 v10, $0x7  }
0x290: {  	v10 =	vor.u32 v10, v11  }
0x291: {  	v10 =	vor.u32 v7, v10;
	_ =	sdelay $0x1  }
0x292: {  	s0 =	sadd.s32 $0x10, s0  }
0x293: {  	s5 =	sand.u32 $0xF0, s3;
	s3 =	smov.u32 s4;
	[tilespmem:s0+$0x0] =	vst v9  }
0x294: {  	[tilespmem:s5+$0x2D00] =	vst v8  }
0x295: {  	v11 =	vld.idx.msk [tilespmem:v10+s1+$0x0], $0xffff  }
0x296: {  	v10 =	vld.idx.msk [tilespmem:v10+s2+$0x0], $0xffff;
	_ =	sdelay $0x4  }
0x297: {  	v11 =	vtrunc.f32 v11  }
.Ltmp7:
0x298: {  	v10 =	vtrunc.f32 v10;
	v11 =	vcvt.f32.s32 v11;
	(pc) =	sbr.rel @p0 .LBB2_15-.Ltmp7, $4  }
0x299: {  	vm0 =	vgt.s32 v9, $0xFFFFFFFF;
	v10 =	vcvt.f32.s32 v10  }
0x29a: {  	v8 =	vsel vm0, v11, v8  }
0x29b: {  	v9 =	vsel vm0, v10, v9  }
0x29c: {  	s4 =	sadd.s32 $0x10, s4;
	vm1 =	vgt.s32 v8, $0x0;
	vm0 =	vgt.s32 v9, $0x0  }
0x29d: {  	_ = 	snop  }
0x29e: {  	s0 =	sadd.s32 $0x10, s0  }
0x29f: {  	s31 =	sand.u32 $0xF0, s3;
	[tilespmem:s0+$0x0] =	vst v9  }
0x2a0: {  	s0 =	simm.s32 $0x2C00;
	[tilespmem:s31+$0x2D00] =	vst v8  }
0x2a1: {  	v5 =	vld.idx.msk [tilespmem:v5+s0+$0x0], $0xffff  }
0x2a2: {  	v6 =	vld.idx.msk [tilespmem:v6+s0+$0x0], $0xffff;
	_ =	sdelay $0x4  }
0x2a3: {  	vm0 =	vgt.s32 v5, $0x0;
	vm1 =	vgt.s32 v6, $0x0  }
0x2a4: {  	v7 =	vnsel vm0, $0x0, v5;
	v6 =	vnsel vm1, $0x0, v6  }
0x2a5: {  	v7 =	vmin.u32 v7, $0x7;
	v6 =	vmin.u32 v6, $0x7  }
0x2a6: {  	v34 =	vshll.u32 v7, $0x4;
	v35 =	vshll.u32 v6, $0x4  }
0x2a7: {  	v36 =	vor.u32 $0x1, v34;
	v37 =	vor.u32 $0x1, v35;
	v33 =	vor.u32 $0x2, v34  }
0x2a8: {  	v32 =	vor.u32 $0x2, v35;
	v31 =	vor.u32 $0x3, v34;
	v30 =	vor.u32 $0x3, v35  }
0x2a9: {  	v29 =	vor.u32 $0x4, v34;
	v28 =	vor.u32 $0x4, v35;
	v27 =	vor.u32 $0x5, v34  }
0x2aa: {  	v26 =	vor.u32 $0x5, v35;
	v25 =	vor.u32 $0x6, v34;
	v24 =	vor.u32 $0x6, v35  }
0x2ab: {  	v23 =	vor.u32 $0x7, v34;
	v22 =	vor.u32 $0x7, v35;
	v21 =	vor.u32 $0x8, v34  }
0x2ac: {  	v20 =	vor.u32 $0x8, v35;
	v19 =	vor.u32 $0x9, v34;
	v18 =	vor.u32 $0x9, v35  }
0x2ad: {  	v16 =	vor.u32 $0xA, v34;
	v17 =	vor.u32 $0xA, v35;
	v15 =	vor.u32 $0xB, v34  }
0x2ae: {  	v14 =	vor.u32 $0xB, v35;
	v13 =	vor.u32 $0xC, v34;
	v12 =	vor.u32 $0xC, v35  }
0x2af: {  	v11 =	vor.u32 $0xD, v34;
	v10 =	vor.u32 $0xD, v35;
	v9 =	vor.u32 $0xE, v34  }
0x2b0: {  	s1 =	simm.s32 $0x0;
	s2 =	stileid.u32;
	s3 =	simm.s32 $0x0;
	v8 =	vor.u32 $0xE, v35;
	v7 =	vor.u32 $0xF, v34;
	v6 =	vor.u32 $0xF, v35  }
.LBB2_17:
0x2b1: {  	v38 =	vmov s2;
	_ =	sdelay $0x2  }
0x2b2: {  	s4 =	sadd.s32 $0x100, s2  }
0x2b3: {  	v39 =	vmov s4  }
0x2b4: {  	v38 =	vld.idx.msk [tilespmem:v38+s0+$0x0], $0xffff;
	_ =	sdelay $0x3  }
0x2b5: {  	v39 =	vld.idx.msk [tilespmem:v39+s0+$0x0], $0xffff  }
0x2b6: {  	vm0 =	vgt.s32 v38, $0x0  }
0x2b7: {  	v40 =	vnsel vm0, $0x0, v38  }
0x2b8: {  	v40 =	vmin.u32 v40, $0x7  }
0x2b9: {  	v40 =	vshll.u32 v40, $0x7  }
0x2ba: {  	vm11 =	vgt.s32 v39, $0x0;
	v40 =	vor.u32 v4, v40  }
0x2bb: {  	v39 =	vnsel vm11, $0x0, v39;
	v41 =	vor.u32 v34, v40  }
0x2bc: {  	v39 =	vmin.u32 v39, $0x7;
	v43 =	vor.u32 v36, v40  }
0x2bd: {  	v39 =	vshll.u32 v39, $0x7;
	v45 =	vor.u32 v33, v40  }
0x2be: {  	v39 =	vor.u32 v3, v39;
	v47 =	vor.u32 v31, v40  }
0x2bf: {  	v42 =	vor.u32 v35, v39  }
0x2c0: {  	v44 =	vor.u32 v37, v39;
	v41 =	vld.idx.msk [tilespmem:v41+s1+$0x0], $0xffff  }
0x2c1: {  	v46 =	vor.u32 v32, v39;
	v43 =	vld.idx.msk [tilespmem:v43+s1+$0x0], $0xffff  }
0x2c2: {  	v48 =	vor.u32 v30, v39;
	v45 =	vld.idx.msk [tilespmem:v45+s1+$0x0], $0xffff  }
0x2c3: {  	v58 =	vld.idx.msk [tilespmem:v47+s1+$0x0], $0xffff  }
0x2c4: {  	v49 =	vor.u32 v29, v40;
	v42 =	vld.idx.msk [tilespmem:v42+s1+$0x0], $0xffff  }
0x2c5: {  	v50 =	vor.u32 v28, v39;
	v44 =	vld.idx.msk [tilespmem:v44+s1+$0x0], $0xffff  }
0x2c6: {  	v51 =	vor.u32 v25, v40;
	v46 =	vld.idx.msk [tilespmem:v46+s1+$0x0], $0xffff  }
0x2c7: {  	v61 =	vor.u32 v26, v39;
	v60 =	vld.idx.msk [tilespmem:v48+s1+$0x0], $0xffff  }
0x2c8: {  	v59 =	vor.u32 v27, v40  }
0x2c9: {  	v63 =	vor.u32 v24, v39;
	v49 =	vld.idx.msk [tilespmem:v49+s1+$0x0], $0xffff  }
0x2ca: {  	v62 =	vld.idx.msk [tilespmem:v50+s1+$0x0], $0xffff;
	v41 =	vsub.f32 v41, v42;
	v43 =	vsub.f32 v43, v44  }
0x2cb: {  	v57 =	vor.u32 v23, v40;
	v55 =	vld.idx.msk [tilespmem:v51+s1+$0x0], $0xffff;
	v45 =	vsub.f32 v45, v46  }
0x2cc: {  	v42 =	vsub.f32 v58, v60;
	v58 =	vld.idx.msk [tilespmem:v61+s1+$0x0], $0xffff;
	v41 =	vmul.f32 v41, v41;
	v43 =	vmul.f32 v43, v43  }
0x2cd: {  	v54 =	vor.u32 v22, v39;
	v56 =	vmul.f32 v45, v45;
	v45 =	vld.idx.msk [tilespmem:v59+s1+$0x0], $0xffff  }
0x2ce: {  	v60 =	vld.idx.msk [tilespmem:v63+s1+$0x0], $0xffff;
	v59 =	vor.u32 v21, v40;
	v41 =	vadd.f32 v43, v41  }
0x2cf: {  	v46 =	vsub.f32 v49, v62;
	v61 =	vor.u32 v20, v39  }
0x2d0: {  	v42 =	vmul.f32 v42, v42;
	v41 =	vadd.f32 v56, v41  }
0x2d1: {  	v63 =	vld.idx.msk [tilespmem:v57+s1+$0x0], $0xffff;
	v62 =	vmul.f32 v46, v46;
	v56 =	vor.u32 v19, v40  }
0x2d2: {  	v57 =	vld.idx.msk [tilespmem:v54+s1+$0x0], $0xffff;
	v44 =	vsub.f32 v45, v58;
	v58 =	vor.u32 v18, v39;
	v41 =	vadd.f32 v42, v41  }
0x2d3: {  	v43 =	vsub.f32 v55, v60;
	v42 =	vld.idx.msk [tilespmem:v59+s1+$0x0], $0xffff;
	v59 =	vor.u32 v16, v40  }
0x2d4: {  	v60 =	vld.idx.msk [tilespmem:v61+s1+$0x0], $0xffff;
	v61 =	vor.u32 v17, v39;
	v44 =	vmul.f32 v44, v44;
	v41 =	vadd.f32 v62, v41  }
0x2d5: {  	v52 =	vor.u32 v15, v40  }
0x2d6: {  	v62 =	vor.u32 v14, v39;
	v41 =	vadd.f32 v44, v41;
	v44 =	vld.idx.msk [tilespmem:v56+s1+$0x0], $0xffff  }
0x2d7: {  	v45 =	vsub.f32 v63, v57;
	v63 =	vld.idx.msk [tilespmem:v58+s1+$0x0], $0xffff;
	v56 =	vor.u32 v13, v40  }
0x2d8: {  	v43 =	vmul.f32 v43, v43;
	v58 =	vor.u32 v12, v39;
	v57 =	vld.idx.msk [tilespmem:v59+s1+$0x0], $0xffff  }
0x2d9: {  	v42 =	vsub.f32 v42, v60;
	v59 =	vld.idx.msk [tilespmem:v61+s1+$0x0], $0xffff;
	v60 =	vor.u32 v11, v40  }
0x2da: {  	v53 =	vor.u32 v10, v39;
	v52 =	vld.idx.msk [tilespmem:v52+s1+$0x0], $0xffff;
	v45 =	vmul.f32 v45, v45;
	v41 =	vadd.f32 v43, v41  }
0x2db: {  	v54 =	vor.u32 v8, v39;
	v42 =	vmul.f32 v42, v42;
	v61 =	vld.idx.msk [tilespmem:v62+s1+$0x0], $0xffff  }
0x2dc: {  	v62 =	vor.u32 v9, v40;
	v41 =	vadd.f32 v45, v41;
	v44 =	vsub.f32 v44, v63;
	v63 =	vld.idx.msk [tilespmem:v56+s1+$0x0], $0xffff  }
0x2dd: {  	v39 =	vor.u32 v6, v39;
	v40 =	vor.u32 v7, v40;
	v55 =	vld.idx.msk [tilespmem:v58+s1+$0x0], $0xffff  }
0x2de: {  	v41 =	vadd.f32 v42, v41;
	v43 =	vsub.f32 v57, v59;
	v56 =	vld.idx.msk [tilespmem:v60+s1+$0x0], $0xffff;
	v44 =	vmul.f32 v44, v44  }
0x2df: {  	v57 =	vld.idx.msk [tilespmem:v53+s1+$0x0], $0xffff  }
0x2e0: {  	v60 =	vld.idx.msk [tilespmem:v54+s1+$0x0], $0xffff;
	v43 =	vmul.f32 v43, v43;
	v58 =	vsub.f32 v52, v61;
	v41 =	vadd.f32 v44, v41  }
0x2e1: {  	v59 =	vld.idx.msk [tilespmem:v62+s1+$0x0], $0xffff  }
0x2e2: {  	v39 =	vld.idx.msk [tilespmem:v39+s1+$0x0], $0xffff;
	v61 =	vmul.f32 v58, v58;
	v42 =	vsub.f32 v63, v55;
	v41 =	vadd.f32 v43, v41  }
0x2e3: {  	v40 =	vld.idx.msk [tilespmem:v40+s1+$0x0], $0xffff  }
0x2e4: {  	v62 =	vsub.f32 v56, v57;
	v42 =	vmul.f32 v42, v42;
	v41 =	vadd.f32 v61, v41;
	_ =	sdelay $0x1  }
0x2e5: {  	v63 =	vmul.f32 v62, v62;
	v46 =	vsub.f32 v59, v60;
	v41 =	vadd.f32 v42, v41;
	_ =	sdelay $0x1  }
0x2e6: {  	v39 =	vsub.f32 v40, v39;
	v47 =	vmul.f32 v46, v46;
	v41 =	vadd.f32 v63, v41;
	_ =	sdelay $0x1  }
0x2e7: {  	s28 =	sadd.s32 $0x10, s2;
	v39 =	vmul.f32 v39, v39;
	v48 =	vadd.f32 v47, v41  }
0x2e8: {  	s29 =	sadd.s32 $0x110, s2;
	v49 =	vmov s28  }
0x2e9: {  	v38 =	vor.u32 v5, v38;
	v50 =	vmov s29;
	v39 =	vadd.f32 v39, v48  }
0x2ea: {  	vm12 =	vgt.s32 v38, $0xFFFFFFFF  }
0x2eb: {  	s31 =	sshra.s32 s3, $0x2;
	v38 =	vnsel vm12, $0x0, v39  }
0x2ec: {  	[tilespmem:s31+$0x2E00] =	vst v38  }
0x2ed: {  	v38 =	vld.idx.msk [tilespmem:v49+s0+$0x0], $0xffff  }
0x2ee: {  	v51 =	vld.idx.msk [tilespmem:v50+s0+$0x0], $0xffff;
	_ =	sdelay $0x3  }
0x2ef: {  	vm13 =	vgt.s32 v38, $0x0  }
0x2f0: {  	vm14 =	vgt.s32 v51, $0x0;
	v52 =	vnsel vm13, $0x0, v38  }
0x2f1: {  	v39 =	vnsel vm14, $0x0, v51;
	v40 =	vmin.u32 v52, $0x7  }
0x2f2: {  	v39 =	vmin.u32 v39, $0x7;
	v40 =	vshll.u32 v40, $0x7  }
0x2f3: {  	v39 =	vshll.u32 v39, $0x7;
	v40 =	vor.u32 v4, v40  }
0x2f4: {  	v39 =	vor.u32 v3, v39;
	v53 =	vor.u32 v34, v40  }
0x2f5: {  	v54 =	vor.u32 v35, v39  }
0x2f6: {  	v55 =	vor.u32 v36, v40  }
0x2f7: {  	v56 =	vor.u32 v37, v39  }
0x2f8: {  	v57 =	vor.u32 v33, v40  }
0x2f9: {  	v58 =	vor.u32 v32, v39;
	v41 =	vld.idx.msk [tilespmem:v53+s1+$0x0], $0xffff  }
0x2fa: {  	v59 =	vor.u32 v31, v40;
	v42 =	vld.idx.msk [tilespmem:v54+s1+$0x0], $0xffff  }
0x2fb: {  	v60 =	vor.u32 v30, v39;
	v43 =	vld.idx.msk [tilespmem:v55+s1+$0x0], $0xffff  }
0x2fc: {  	v44 =	vld.idx.msk [tilespmem:v56+s1+$0x0], $0xffff  }
0x2fd: {  	v61 =	vor.u32 v29, v40;
	v45 =	vld.idx.msk [tilespmem:v57+s1+$0x0], $0xffff  }
0x2fe: {  	v62 =	vor.u32 v28, v39;
	v46 =	vld.idx.msk [tilespmem:v58+s1+$0x0], $0xffff  }
0x2ff: {  	v63 =	vld.idx.msk [tilespmem:v59+s1+$0x0], $0xffff;
	v54 =	vor.u32 v27, v40  }
0x300: {  	v55 =	vld.idx.msk [tilespmem:v60+s1+$0x0], $0xffff;
	v58 =	vor.u32 v26, v39  }
0x301: {  	v59 =	vor.u32 v25, v40  }
0x302: {  	v49 =	vld.idx.msk [tilespmem:v61+s1+$0x0], $0xffff;
	v61 =	vor.u32 v24, v39  }
0x303: {  	v60 =	vld.idx.msk [tilespmem:v62+s1+$0x0], $0xffff;
	v41 =	vsub.f32 v41, v42;
	v43 =	vsub.f32 v43, v44  }
0x304: {  	v62 =	vor.u32 v23, v40;
	v45 =	vsub.f32 v45, v46;
	v57 =	vld.idx.msk [tilespmem:v54+s1+$0x0], $0xffff  }
0x305: {  	v42 =	vsub.f32 v63, v55;
	v63 =	vld.idx.msk [tilespmem:v58+s1+$0x0], $0xffff;
	v41 =	vmul.f32 v41, v41;
	v43 =	vmul.f32 v43, v43  }
0x306: {  	v54 =	vor.u32 v22, v39;
	v55 =	vld.idx.msk [tilespmem:v59+s1+$0x0], $0xffff  }
0x307: {  	v58 =	vor.u32 v21, v40;
	v59 =	vld.idx.msk [tilespmem:v61+s1+$0x0], $0xffff;
	v56 =	vmul.f32 v45, v45;
	v41 =	vadd.f32 v43, v41  }
0x308: {  	v46 =	vsub.f32 v49, v60;
	v60 =	vor.u32 v20, v39  }
0x309: {  	v42 =	vmul.f32 v42, v42;
	v41 =	vadd.f32 v56, v41  }
0x30a: {  	v61 =	vmul.f32 v46, v46;
	v46 =	vld.idx.msk [tilespmem:v62+s1+$0x0], $0xffff;
	v62 =	vor.u32 v19, v40  }
0x30b: {  	v44 =	vsub.f32 v57, v63;
	v63 =	vld.idx.msk [tilespmem:v54+s1+$0x0], $0xffff;
	v56 =	vor.u32 v18, v39;
	v41 =	vadd.f32 v42, v41  }
0x30c: {  	v57 =	vor.u32 v16, v40;
	v43 =	vsub.f32 v55, v59;
	v42 =	vld.idx.msk [tilespmem:v58+s1+$0x0], $0xffff  }
0x30d: {  	v59 =	vor.u32 v17, v39;
	v44 =	vmul.f32 v44, v44;
	v58 =	vld.idx.msk [tilespmem:v60+s1+$0x0], $0xffff;
	v41 =	vadd.f32 v61, v41  }
0x30e: {  	v60 =	vor.u32 v15, v40  }
0x30f: {  	v43 =	vmul.f32 v43, v43;
	v61 =	vor.u32 v14, v39;
	v41 =	vadd.f32 v44, v41;
	v44 =	vld.idx.msk [tilespmem:v62+s1+$0x0], $0xffff  }
0x310: {  	v45 =	vsub.f32 v46, v63;
	v63 =	vor.u32 v13, v40;
	v62 =	vld.idx.msk [tilespmem:v56+s1+$0x0], $0xffff  }
0x311: {  	v56 =	vor.u32 v12, v39;
	v41 =	vadd.f32 v43, v41;
	v43 =	vld.idx.msk [tilespmem:v57+s1+$0x0], $0xffff  }
0x312: {  	v42 =	vsub.f32 v42, v58;
	v58 =	vor.u32 v11, v40;
	v57 =	vld.idx.msk [tilespmem:v59+s1+$0x0], $0xffff  }
0x313: {  	v45 =	vmul.f32 v45, v45;
	v52 =	vld.idx.msk [tilespmem:v60+s1+$0x0], $0xffff;
	v59 =	vor.u32 v10, v39  }
0x314: {  	v42 =	vmul.f32 v42, v42;
	v60 =	vld.idx.msk [tilespmem:v61+s1+$0x0], $0xffff;
	v61 =	vor.u32 v9, v40  }
0x315: {  	v41 =	vadd.f32 v45, v41;
	v44 =	vsub.f32 v44, v62;
	v62 =	vld.idx.msk [tilespmem:v63+s1+$0x0], $0xffff;
	v63 =	vor.u32 v8, v39  }
0x316: {  	v40 =	vor.u32 v7, v40;
	v54 =	vld.idx.msk [tilespmem:v56+s1+$0x0], $0xffff;
	v39 =	vor.u32 v6, v39  }
0x317: {  	v41 =	vadd.f32 v42, v41;
	v55 =	vld.idx.msk [tilespmem:v58+s1+$0x0], $0xffff;
	v43 =	vsub.f32 v43, v57;
	v44 =	vmul.f32 v44, v44  }
0x318: {  	v56 =	vld.idx.msk [tilespmem:v59+s1+$0x0], $0xffff  }
0x319: {  	v57 =	vsub.f32 v52, v60;
	v58 =	vld.idx.msk [tilespmem:v61+s1+$0x0], $0xffff;
	v41 =	vadd.f32 v44, v41;
	v43 =	vmul.f32 v43, v43  }
0x31a: {  	v59 =	vld.idx.msk [tilespmem:v63+s1+$0x0], $0xffff  }
0x31b: {  	v40 =	vld.idx.msk [tilespmem:v40+s1+$0x0], $0xffff;
	v42 =	vsub.f32 v62, v54;
	v60 =	vmul.f32 v57, v57;
	v41 =	vadd.f32 v43, v41  }
0x31c: {  	v39 =	vld.idx.msk [tilespmem:v39+s1+$0x0], $0xffff  }
0x31d: {  	v61 =	vsub.f32 v55, v56;
	v42 =	vmul.f32 v42, v42;
	v41 =	vadd.f32 v60, v41;
	_ =	sdelay $0x1  }
0x31e: {  	v43 =	vmul.f32 v61, v61;
	v41 =	vadd.f32 v42, v41;
	v62 =	vsub.f32 v58, v59;
	_ =	sdelay $0x1  }
0x31f: {  	v39 =	vsub.f32 v40, v39;
	v41 =	vadd.f32 v43, v41;
	v42 =	vmul.f32 v62, v62;
	_ =	sdelay $0x1  }
0x320: {  	p0 =	seq.s32 s3, $0x300;
	v39 =	vmul.f32 v39, v39;
	v63 =	vadd.f32 v42, v41  }
.Ltmp8:
0x321: {  	_ = 	snop;
	(pc) =	sbr.rel @!p0 .LBB2_17-.Ltmp8, $4  }
0x322: {  	v38 =	vor.u32 v5, v38;
	v39 =	vadd.f32 v39, v63  }
0x323: {  	vm15 =	vgt.s32 v38, $0xFFFFFFFF  }
0x324: {  	v38 =	vnsel vm15, $0x0, v39  }
0x325: {  	s2 =	sadd.s32 $0x20, s2;
	s3 =	sadd.s32 $0x80, s3;
	[tilespmem:s31+$0x2E10] =	vst v38  }
0x326: {  	_ =	sdelay $0x2  }
0x327: {  	s1 =	simm.s32 $0x2C00  }
0x328: {  	v1 =	vld.idx.msk [tilespmem:v1+s1+$0x0], $0xffff  }
0x329: {  	v2 =	vld.idx.msk [tilespmem:v2+s1+$0x0], $0xffff;
	_ =	sdelay $0x3  }
0x32a: {  	vm0 =	vgt.s32 v1, $0x0  }
0x32b: {  	vm11 =	vgt.s32 v2, $0x0;
	v38 =	vnsel vm0, $0x0, v1  }
0x32c: {  	v2 =	vnsel vm11, $0x0, v2;
	v38 =	vmin.u32 v38, $0x7  }
0x32d: {  	v2 =	vmin.u32 v2, $0x7;
	v38 =	vshll.u32 v38, $0x7  }
0x32e: {  	v2 =	vshll.u32 v2, $0x7;
	v4 =	vor.u32 v4, v38  }
0x32f: {  	v44 =	vor.u32 v3, v2;
	v45 =	vor.u32 v34, v4  }
0x330: {  	v3 =	vor.u32 v35, v44  }
0x331: {  	v46 =	vor.u32 v4, v36  }
0x332: {  	v47 =	vor.u32 v44, v37;
	v50 =	vor.u32 v4, v16;
	v16 =	vld [tilespmem:$0x2E10]  }
0x333: {  	s0 =	simm.s32 $0x0;
	v33 =	vor.u32 v4, v33;
	v57 =	vor.u32 v4, v11;
	v11 =	vld [tilespmem:$0x2E20]  }
0x334: {  	v32 =	vor.u32 v44, v32;
	v2 =	vld.idx.msk [tilespmem:v45+s0+$0x0], $0xffff  }
0x335: {  	v31 =	vor.u32 v4, v31;
	v3 =	vld.idx.msk [tilespmem:v3+s0+$0x0], $0xffff  }
0x336: {  	v30 =	vor.u32 v44, v30;
	v34 =	vld.idx.msk [tilespmem:v46+s0+$0x0], $0xffff  }
0x337: {  	v29 =	vor.u32 v4, v29;
	v35 =	vld.idx.msk [tilespmem:v47+s0+$0x0], $0xffff  }
0x338: {  	v28 =	vor.u32 v44, v28;
	v33 =	vld.idx.msk [tilespmem:v33+s0+$0x0], $0xffff  }
0x339: {  	v27 =	vor.u32 v4, v27;
	v32 =	vld.idx.msk [tilespmem:v32+s0+$0x0], $0xffff  }
0x33a: {  	v26 =	vor.u32 v44, v26;
	v31 =	vld.idx.msk [tilespmem:v31+s0+$0x0], $0xffff  }
0x33b: {  	v25 =	vor.u32 v4, v25;
	v30 =	vld.idx.msk [tilespmem:v30+s0+$0x0], $0xffff  }
0x33c: {  	v24 =	vor.u32 v44, v24;
	v48 =	vld.idx.msk [tilespmem:v29+s0+$0x0], $0xffff  }
0x33d: {  	v23 =	vor.u32 v4, v23;
	v28 =	vld.idx.msk [tilespmem:v28+s0+$0x0], $0xffff  }
0x33e: {  	v22 =	vor.u32 v44, v22;
	v27 =	vld.idx.msk [tilespmem:v27+s0+$0x0], $0xffff  }
0x33f: {  	v21 =	vor.u32 v4, v21;
	v26 =	vld.idx.msk [tilespmem:v26+s0+$0x0], $0xffff  }
0x340: {  	v20 =	vor.u32 v44, v20;
	v25 =	vld.idx.msk [tilespmem:v25+s0+$0x0], $0xffff  }
0x341: {  	v19 =	vor.u32 v4, v19;
	v24 =	vld.idx.msk [tilespmem:v24+s0+$0x0], $0xffff  }
0x342: {  	v18 =	vor.u32 v44, v18;
	v23 =	vld.idx.msk [tilespmem:v23+s0+$0x0], $0xffff  }
0x343: {  	v22 =	vld.idx.msk [tilespmem:v22+s0+$0x0], $0xffff  }
0x344: {  	v17 =	vor.u32 v44, v17;
	v21 =	vld.idx.msk [tilespmem:v21+s0+$0x0], $0xffff  }
0x345: {  	v15 =	vor.u32 v4, v15;
	v20 =	vld.idx.msk [tilespmem:v20+s0+$0x0], $0xffff  }
0x346: {  	v14 =	vor.u32 v44, v14;
	v19 =	vld.idx.msk [tilespmem:v19+s0+$0x0], $0xffff  }
0x347: {  	v13 =	vor.u32 v4, v13;
	v12 =	vor.u32 v44, v12;
	v10 =	vor.u32 v44, v10;
	v18 =	vld.idx.msk [tilespmem:v18+s0+$0x0], $0xffff  }
0x348: {  	v9 =	vor.u32 v4, v9;
	v8 =	vor.u32 v44, v8;
	v4 =	vor.u32 v4, v7;
	v55 =	vld.idx.msk [tilespmem:v50+s0+$0x0], $0xffff  }
0x349: {  	v44 =	vor.u32 v44, v6;
	v17 =	vld.idx.msk [tilespmem:v17+s0+$0x0], $0xffff;
	v56 =	vshra.s32 v16, $0x1;
	v2 =	vsub.f32 v2, v3  }
0x34a: {  	v15 =	vld.idx.msk [tilespmem:v15+s0+$0x0], $0xffff;
	v61 =	vshra.s32 v11, $0x1;
	v49 =	vsub.f32 v34, v35;
	v32 =	vsub.f32 v33, v32  }
0x34b: {  	v14 =	vld.idx.msk [tilespmem:v14+s0+$0x0], $0xffff;
	v63 =	vsub.s32 $0x5F3759DF, v61;
	v30 =	vsub.f32 v31, v30;
	v3 =	vsub.f32 v48, v28  }
0x34c: {  	v13 =	vld.idx.msk [tilespmem:v13+s0+$0x0], $0xffff;
	v26 =	vsub.f32 v27, v26;
	v2 =	vmul.f32 v2, v2;
	v29 =	vmul.f32 v49, v49  }
0x34d: {  	v12 =	vld.idx.msk [tilespmem:v12+s0+$0x0], $0xffff;
	v24 =	vsub.f32 v25, v24;
	v22 =	vsub.f32 v23, v22;
	v28 =	vsub.s32 $0x5F3759DF, v56  }
0x34e: {  	v20 =	vsub.f32 v21, v20;
	v32 =	vmul.f32 v32, v32;
	v29 =	vadd.f32 v29, v2;
	v2 =	vld [tilespmem:$0x2E00]  }
0x34f: {  	v60 =	vld.idx.msk [tilespmem:v57+s0+$0x0], $0xffff;
	v18 =	vsub.f32 v19, v18;
	v33 =	vmul.f32 $5.000000000e-01, v11;
	v17 =	vsub.f32 v55, v17  }
0x350: {  	v9 =	vld.idx.msk [tilespmem:v9+s0+$0x0], $0xffff;
	v30 =	vmul.f32 v30, v30;
	v3 =	vmul.f32 v3, v3;
	v29 =	vadd.f32 v32, v29  }
0x351: {  	v8 =	vld.idx.msk [tilespmem:v8+s0+$0x0], $0xffff;
	v14 =	vsub.f32 v15, v14;
	v26 =	vmul.f32 v26, v26;
	v24 =	vmul.f32 v24, v24  }
0x352: {  	v10 =	vld.idx.msk [tilespmem:v10+s0+$0x0], $0xffff;
	v22 =	vmul.f32 v22, v22;
	v29 =	vadd.f32 v30, v29;
	v30 =	vmul.f32 $5.000000000e-01, v16  }
0x353: {  	v20 =	vmul.f32 v20, v20;
	v51 =	vshra.s32 v2, $0x1;
	v52 =	vmul.f32 $5.000000000e-01, v2  }
0x354: {  	v18 =	vmul.f32 v18, v18;
	v53 =	vsub.s32 $0x5F3759DF, v51;
	v58 =	vmul.f32 v28, v30  }
0x355: {  	v4 =	vld.idx.msk [tilespmem:v4+s0+$0x0], $0xffff;
	v12 =	vsub.f32 v13, v12;
	v17 =	vmul.f32 v17, v17;
	v54 =	vmul.f32 v53, v52  }
0x356: {  	v8 =	vsub.f32 v9, v8;
	v9 =	vld.idx.msk [tilespmem:v44+s0+$0x0], $0xffff;
	v32 =	vmul.f32 v63, v33;
	v21 =	vmul.f32 v28, v58  }
0x357: {  	v6 =	vld [tilespmem:$0x2E40];
	v10 =	vsub.f32 v60, v10;
	v14 =	vmul.f32 v14, v14;
	v27 =	vmul.f32 v53, v54  }
0x358: {  	v37 =	vmul.f32 v63, v32;
	v3 =	vadd.f32 v3, v29;
	v21 =	vsub.f32 $1.500000000e+00, v21  }
0x359: {  	v12 =	vmul.f32 v12, v12;
	v10 =	vmul.f32 v10, v10;
	v27 =	vsub.f32 $1.500000000e+00, v27  }
0x35a: {  	v41 =	vsub.f32 $1.500000000e+00, v37;
	v35 =	vadd.f32 v26, v3;
	v3 =	vld [tilespmem:$0x2E30];
	v21 =	vmul.f32 v28, v21  }
0x35b: {  	v8 =	vmul.f32 v8, v8;
	v4 =	vsub.f32 v4, v9;
	v59 =	vmul.f32 v53, v27  }
0x35c: {  	v50 =	vshra.s32 v6, $0x1;
	v19 =	vmul.f32 v63, v41;
	v36 =	vmul.f32 v21, v30  }
0x35d: {  	v51 =	vsub.s32 $0x5F3759DF, v50;
	v63 =	vmul.f32 v4, v4;
	v25 =	vmul.f32 v59, v52  }
0x35e: {  	v23 =	vadd.f32 v24, v35;
	v27 =	vmul.f32 $5.000000000e-01, v6;
	v40 =	vmul.f32 v36, v21  }
0x35f: {  	v46 =	vshra.s32 v3, $0x1;
	v62 =	vmul.f32 v25, v59;
	v25 =	vmul.f32 $5.000000000e-01, v3  }
0x360: {  	v45 =	vmul.f32 v19, v33;
	v24 =	vsub.s32 $0x5F3759DF, v46;
	v15 =	vsub.f32 $1.500000000e+00, v40  }
0x361: {  	v53 =	vmul.f32 v51, v27;
	v34 =	vsub.f32 $1.500000000e+00, v62;
	v48 =	vmul.f32 v24, v25  }
0x362: {  	v22 =	vadd.f32 v22, v23;
	v15 =	vmul.f32 v15, v21;
	v21 =	vmul.f32 v45, v19  }
0x363: {  	v4 =	vld [tilespmem:$0x2E50];
	v39 =	vmul.f32 v34, v59;
	v23 =	vmul.f32 v24, v48  }
0x364: {  	v20 =	vadd.f32 v20, v22;
	v47 =	vmul.f32 v15, v30;
	v21 =	vsub.f32 $1.500000000e+00, v21  }
0x365: {  	v26 =	vld [tilespmem:$0x2E70];
	v56 =	vmul.f32 v51, v53;
	v42 =	vmul.f32 v39, v52;
	v23 =	vsub.f32 $1.500000000e+00, v23  }
0x366: {  	v49 =	vmul.f32 v47, v15;
	v19 =	vmul.f32 v21, v19  }
0x367: {  	v18 =	vadd.f32 v18, v20;
	v43 =	vmul.f32 v42, v39;
	v55 =	vmul.f32 v24, v23  }
0x368: {  	v38 =	vshra.s32 v4, $0x1;
	v23 =	vsub.f32 $1.500000000e+00, v56;
	v13 =	vsub.f32 $1.500000000e+00, v49  }
0x369: {  	v54 =	vmul.f32 v19, v33;
	v7 =	vsub.f32 $1.500000000e+00, v43;
	v59 =	vmul.f32 v55, v25  }
0x36a: {  	v46 =	vshra.s32 v26, $0x1;
	v21 =	vmul.f32 v51, v23;
	v13 =	vmul.f32 v13, v15  }
0x36b: {  	v17 =	vadd.f32 v17, v18;
	v15 =	vmul.f32 v54, v19;
	v7 =	vmul.f32 v7, v39  }
0x36c: {  	v48 =	vsub.s32 $0x5F3759DF, v46;
	v62 =	vmul.f32 v59, v55;
	v31 =	vmul.f32 v21, v27  }
0x36d: {  	v47 =	vmul.f32 $5.000000000e-01, v26;
	v57 =	vmul.f32 v13, v30;
	v15 =	vsub.f32 $1.500000000e+00, v15  }
0x36e: {  	v52 =	vmul.f32 v7, v52;
	v30 =	vsub.f32 $1.500000000e+00, v62;
	v20 =	vmul.f32 v31, v21  }
0x36f: {  	v60 =	vmul.f32 v57, v13;
	v15 =	vmul.f32 v15, v19;
	v19 =	vsub.s32 $0x5F3759DF, v38  }
0x370: {  	v58 =	vmul.f32 v52, v7;
	v37 =	vsub.f32 $1.500000000e+00, v20;
	v20 =	vmul.f32 $5.000000000e-01, v4  }
0x371: {  	v9 =	vsub.f32 $1.500000000e+00, v60;
	v32 =	vmul.f32 v15, v33;
	v33 =	vmul.f32 v30, v55  }
0x372: {  	v18 =	vld [tilespmem:$0x2E80];
	v49 =	vmul.f32 v48, v47;
	v61 =	vsub.f32 $1.500000000e+00, v58;
	v39 =	vmul.f32 v19, v20  }
0x373: {  	v9 =	vmul.f32 v9, v13;
	v36 =	vmul.f32 v33, v25  }
0x374: {  	v14 =	vadd.f32 v14, v17;
	v35 =	vmul.f32 v32, v15;
	v29 =	vmul.f32 v61, v7;
	v7 =	vld [tilespmem:$0x2E60]  }
0x375: {  	v9 =	vmul.f32 v9, v16;
	v13 =	vmul.f32 v36, v33  }
0x376: {  	v12 =	vadd.f32 v12, v14;
	v16 =	vmul.f32 v37, v21;
	v21 =	vmul.f32 v19, v39  }
0x377: {  	v52 =	vmul.f32 $5.000000000e-01, v18;
	v34 =	vmul.f32 v29, v2;
	v2 =	vsub.f32 $1.500000000e+00, v35  }
0x378: {  	v41 =	vmul.f32 v16, v27;
	v13 =	vsub.f32 $1.500000000e+00, v13;
	v44 =	vsub.f32 $1.500000000e+00, v21  }
0x379: {  	v2 =	vmul.f32 v2, v15;
	v40 =	vshra.s32 v7, $0x1;
	v24 =	vmul.f32 $5.000000000e-01, v7  }
0x37a: {  	v43 =	vmul.f32 v41, v16;
	v14 =	vmul.f32 v19, v44;
	v22 =	vsub.s32 $0x5F3759DF, v40  }
0x37b: {  	v10 =	vadd.f32 v10, v12;
	v13 =	vmul.f32 v13, v33;
	v42 =	vmul.f32 v22, v24  }
0x37c: {  	v11 =	vmul.f32 v2, v11;
	v2 =	vsub.f32 $1.500000000e+00, v43;
	v50 =	vmul.f32 v14, v20  }
0x37d: {  	v51 =	vshra.s32 v18, $0x1;
	v25 =	vmul.f32 v13, v25;
	v45 =	vmul.f32 v22, v42  }
0x37e: {  	v21 =	vsub.s32 $0x5F3759DF, v51;
	v16 =	vmul.f32 v2, v16;
	v2 =	vmul.f32 v48, v49  }
0x37f: {  	v8 =	vadd.f32 v8, v10;
	v54 =	vmul.f32 v21, v52;
	v12 =	vmul.f32 v50, v14  }
0x380: {  	v57 =	vmul.f32 v25, v13;
	v15 =	vsub.f32 $1.500000000e+00, v45;
	v2 =	vsub.f32 $1.500000000e+00, v2  }
0x381: {  	v56 =	vmul.f32 v21, v54;
	v27 =	vmul.f32 v16, v27;
	v12 =	vsub.f32 $1.500000000e+00, v12  }
0x382: {  	v19 =	vsub.f32 $1.500000000e+00, v57;
	v15 =	vmul.f32 v22, v15;
	v55 =	vmul.f32 v48, v2  }
0x383: {  	v12 =	vmul.f32 v12, v14;
	v59 =	vmul.f32 v27, v16;
	v2 =	vsub.f32 $1.500000000e+00, v56  }
0x384: {  	v13 =	vmul.f32 v19, v13;
	v53 =	vmul.f32 v15, v24  }
0x385: {  	v8 =	vadd.f32 v63, v8;
	v61 =	vmul.f32 v12, v20;
	v21 =	vmul.f32 v21, v2;
	v2 =	vld [tilespmem:$0x2E90]  }
0x386: {  	v60 =	vmul.f32 v55, v47;
	v63 =	vsub.f32 $1.500000000e+00, v59;
	v13 =	vmul.f32 v13, v3;
	v3 =	vld [tilespmem:$0x2EA0]  }
0x387: {  	v29 =	vmul.f32 v53, v15;
	v31 =	vmul.f32 v61, v12  }
0x388: {  	v32 =	vmul.f32 v21, v52;
	v16 =	vmul.f32 v63, v16  }
0x389: {  	v17 =	vadd.f32 $0.0e+00, v34;
	v62 =	vmul.f32 v60, v55;
	v58 =	vsub.f32 $1.500000000e+00, v29  }
0x38a: {  	v34 =	vsub.f32 $1.500000000e+00, v31;
	v35 =	vmul.f32 v32, v21;
	v6 =	vmul.f32 v16, v6  }
0x38b: {  	v38 =	vshra.s32 v2, $0x1;
	v23 =	vmul.f32 $5.000000000e-01, v2;
	v43 =	vshra.s32 v3, $0x1  }
0x38c: {  	v27 =	vmul.f32 $5.000000000e-01, v3;
	v14 =	vmul.f32 v58, v15;
	v15 =	vsub.f32 $1.500000000e+00, v62  }
0x38d: {  	v12 =	vmul.f32 v34, v12;
	v16 =	vsub.s32 $0x5F3759DF, v38;
	v45 =	vsub.s32 $0x5F3759DF, v43  }
0x38e: {  	v40 =	vmul.f32 v16, v23;
	v25 =	vmul.f32 v45, v27  }
0x38f: {  	v1 =	vor.u32 v5, v1;
	v30 =	vmul.f32 v14, v24;
	v10 =	vmul.f32 v15, v55  }
0x390: {  	v15 =	vsub.f32 $1.500000000e+00, v35;
	v39 =	vmul.f32 v12, v20;
	v20 =	vmul.f32 v16, v40  }
0x391: {  	vm12 =	vgt.s32 v1, $0xFFFFFFFF;
	v33 =	vmul.f32 v30, v14;
	v37 =	vmul.f32 v10, v47  }
0x392: {  	v9 =	vadd.f32 v9, v17;
	v15 =	vmul.f32 v15, v21;
	v17 =	vmul.f32 v39, v12  }
0x393: {  	v46 =	vmul.f32 v45, v25;
	v20 =	vsub.f32 $1.500000000e+00, v20;
	v36 =	vsub.f32 $1.500000000e+00, v33  }
0x394: {  	v19 =	vmul.f32 v37, v10;
	v42 =	vmul.f32 v15, v52;
	v17 =	vsub.f32 $1.500000000e+00, v17  }
0x395: {  	v8 =	vnsel vm12, $0x0, v8;
	v16 =	vmul.f32 v16, v20;
	v14 =	vmul.f32 v36, v14  }
0x396: {  	v19 =	vsub.f32 $1.500000000e+00, v19;
	v44 =	vmul.f32 v42, v15;
	v12 =	vmul.f32 v17, v12  }
0x397: {  	v35 =	vshra.s32 v8, $0x1;
	v36 =	vmul.f32 $5.000000000e-01, v8;
	v41 =	vmul.f32 v14, v24  }
0x398: {  	v48 =	vmul.f32 v16, v23;
	v10 =	vmul.f32 v19, v10;
	v19 =	vsub.f32 $1.500000000e+00, v44  }
0x399: {  	v49 =	vsub.f32 $1.500000000e+00, v46;
	v4 =	vmul.f32 v12, v4;
	v21 =	vmul.f32 v41, v14  }
0x39a: {  	v22 =	vld [tilespmem:$0x2EB0];
	v24 =	vsub.s32 $0x5F3759DF, v35;
	v17 =	vmul.f32 v48, v16;
	v15 =	vmul.f32 v19, v15  }
0x39b: {  	v38 =	vmul.f32 v24, v36;
	v19 =	vmul.f32 v45, v49;
	v21 =	vsub.f32 $1.500000000e+00, v21  }
0x39c: {  	v9 =	vadd.f32 v11, v9;
	v28 =	vmul.f32 v10, v47;
	v51 =	vmul.f32 v15, v52  }
0x39d: {  	v53 =	vsub.f32 $1.500000000e+00, v17;
	v17 =	vld [tilespmem:$0x2ED0];
	v54 =	vmul.f32 v19, v27;
	v14 =	vmul.f32 v21, v14  }
0x39e: {  	v9 =	vadd.f32 v13, v9;
	v47 =	vmul.f32 v28, v10;
	v52 =	vmul.f32 v51, v15  }
0x39f: {  	v56 =	vshra.s32 v22, $0x1;
	v55 =	vmul.f32 v54, v19;
	v7 =	vmul.f32 v14, v7;
	v14 =	vld [tilespmem:$0x2EC0]  }
0x3a0: {  	v40 =	vmul.f32 v24, v38;
	v12 =	vmul.f32 v53, v16;
	v50 =	vsub.f32 $1.500000000e+00, v47  }
0x3a1: {  	v16 =	vmul.f32 $5.000000000e-01, v22;
	v11 =	vsub.f32 $1.500000000e+00, v52;
	v13 =	vsub.f32 $1.500000000e+00, v55  }
0x3a2: {  	v57 =	vmul.f32 v12, v23;
	v61 =	vshra.s32 v17, $0x1;
	v21 =	vmul.f32 $5.000000000e-01, v17  }
0x3a3: {  	v11 =	vmul.f32 v11, v15;
	v15 =	vsub.s32 $0x5F3759DF, v56;
	v13 =	vmul.f32 v13, v19  }
0x3a4: {  	v58 =	vmul.f32 v15, v16;
	v60 =	vshra.s32 v14, $0x1;
	v19 =	vmul.f32 $5.000000000e-01, v14  }
0x3a5: {  	v59 =	vmul.f32 v57, v12;
	v1 =	vmul.f32 v11, v18;
	v18 =	vsub.s32 $0x5F3759DF, v60  }
0x3a6: {  	v20 =	vsub.s32 $0x5F3759DF, v61;
	v11 =	vmul.f32 v15, v58;
	v62 =	vmul.f32 v18, v19  }
0x3a7: {  	v6 =	vadd.f32 v6, v9;
	v31 =	vmul.f32 v20, v21;
	v63 =	vmul.f32 v13, v27  }
0x3a8: {  	v10 =	vmul.f32 v50, v10;
	v11 =	vsub.f32 $1.500000000e+00, v11;
	v33 =	vmul.f32 v18, v62  }
0x3a9: {  	v9 =	vsub.f32 $1.500000000e+00, v59;
	v34 =	vmul.f32 v20, v31;
	v25 =	vmul.f32 v63, v13  }
0x3aa: {  	v10 =	vmul.f32 v10, v26;
	v32 =	vmul.f32 v15, v11;
	v11 =	vsub.f32 $1.500000000e+00, v33  }
0x3ab: {  	v9 =	vmul.f32 v9, v12;
	v39 =	vsub.f32 $1.500000000e+00, v25;
	v15 =	vsub.f32 $1.500000000e+00, v34  }
0x3ac: {  	v37 =	vmul.f32 v32, v16;
	v11 =	vmul.f32 v18, v11  }
0x3ad: {  	v13 =	vmul.f32 v39, v13;
	v15 =	vmul.f32 v20, v15;
	v20 =	vsub.f32 $1.500000000e+00, v40  }
0x3ae: {  	vm13 =	vcmask $0x1F10;
	v28 =	vmul.f32 v37, v32;
	v42 =	vmul.f32 v11, v19  }
0x3af: {  	v4 =	vadd.f32 v4, v6;
	v43 =	vmul.f32 v15, v21;
	v46 =	vmul.f32 v24, v20  }
0x3b0: {  	v49 =	vmul.f32 v13, v27;
	v41 =	vsub.f32 $1.500000000e+00, v28;
	v44 =	vmul.f32 v42, v11  }
0x3b1: {  	v4 =	vadd.f32 v7, v4;
	v45 =	vmul.f32 v43, v15;
	v50 =	vmul.f32 v46, v36  }
0x3b2: {  	v47 =	vmul.f32 v9, v23;
	v6 =	vmul.f32 v41, v32;
	v12 =	vsub.f32 $1.500000000e+00, v44  }
0x3b3: {  	v55 =	vmul.f32 v49, v13;
	v7 =	vsub.f32 $1.500000000e+00, v45;
	v51 =	vmul.f32 v50, v46  }
0x3b4: {  	v4 =	vadd.f32 v10, v4;
	v48 =	vmul.f32 v6, v16;
	v11 =	vmul.f32 v12, v11  }
0x3b5: {  	v52 =	vmul.f32 v47, v9;
	v7 =	vmul.f32 v7, v15;
	v10 =	vsub.f32 $1.500000000e+00, v51  }
0x3b6: {  	v58 =	vsub.f32 $1.500000000e+00, v55;
	v23 =	vmul.f32 v48, v6;
	v54 =	vmul.f32 v11, v19  }
0x3b7: {  	v30 =	vimm.s32 $0xF7F6F5F4;
	v56 =	vmul.f32 v7, v21;
	v10 =	vmul.f32 v10, v46  }
0x3b8: {  	v13 =	vmul.f32 v58, v13;
	v53 =	vsub.f32 $1.500000000e+00, v23;
	v57 =	vmul.f32 v54, v11  }
0x3b9: {  	v31 =	vimm.s32 $0xFBFAF9F8;
	v59 =	vmul.f32 v56, v7;
	v18 =	vmul.f32 v10, v36  }
0x3ba: {  	v3 =	vmul.f32 v13, v3;
	v6 =	vmul.f32 v53, v6;
	v15 =	vsub.f32 $1.500000000e+00, v57  }
0x3bb: {  	v12 =	vsub.f32 $1.500000000e+00, v52;
	v61 =	vsub.f32 $1.500000000e+00, v59;
	v63 =	vmul.f32 v18, v10  }
0x3bc: {  	v1 =	vadd.f32 v1, v4;
	v60 =	vmul.f32 v6, v16;
	v11 =	vmul.f32 v15, v11  }
0x3bd: {  	v9 =	vmul.f32 v12, v9;
	v62 =	vmul.f32 v61, v7;
	v7 =	vsub.f32 $1.500000000e+00, v63  }
0x3be: {  	v28 =	vimm.s32 $0xF3F2F1F0;
	v12 =	vmul.f32 v60, v6;
	v18 =	vmul.f32 v11, v19  }
0x3bf: {  	v32 =	vimm.s32 $0xFFFEFDFC;
	v2 =	vmul.f32 v9, v2;
	v7 =	vmul.f32 v7, v10  }
0x3c0: {  	v16 =	vsub.f32 $1.500000000e+00, v12;
	v19 =	vmul.f32 v62, v21;
	v21 =	vmul.f32 v18, v11  }
0x3c1: {  	v9 =	vunpack.c.0.s8.s32 v30;
	v1 =	vadd.f32 v2, v1;
	v26 =	vmul.f32 v7, v36  }
0x3c2: {  	v20 =	vmul.f32 v16, v6;
	v23 =	vmul.f32 v19, v62;
	v24 =	vsub.f32 $1.500000000e+00, v21  }
0x3c3: {  	v1 =	vadd.f32 v3, v1;
	v3 =	vunpack.c.0.s8.s32 v28;
	v29 =	vmul.f32 v26, v7  }
0x3c4: {  	v2 =	vmul.f32 v20, v22;
	v25 =	vsub.f32 $1.500000000e+00, v23;
	v27 =	vmul.f32 v24, v11  }
0x3c5: {  	v10 =	vunpack.c.0.s8.s32 v31;
	v6 =	vsub.f32 $1.500000000e+00, v29;
	v11 =	vunpack.c.0.s8.s32 v32  }
0x3c6: {  	v1 =	vadd.f32 v2, v1;
	v4 =	vmul.f32 v25, v62;
	v2 =	vmul.f32 v27, v14  }
0x3c7: {  	v33 =	vsel vm13, v9, v3;
	v35 =	vmul.f32 v6, v7;
	v34 =	vsel vm13, v11, v10  }
0x3c8: {  	v4 =	vmul.f32 v4, v17;
	v36 =	vcombine.low v34, v33;
	v1 =	vadd.f32 v2, v1;
	_ =	sdelay $0x1  }
0x3c9: {  	v2 =	vmul.f32 v35, v8;
	v37 =	vand.u32 $0xFF, v36;
	v1 =	vadd.f32 v4, v1;
	_ =	sdelay $0x1  }
0x3ca: {  	v1 =	vadd.f32 v1, v2  }
0x3cb: {  	[tilespmem:$0x2EE0] =	vst v8  }
0x3cc: {  	s2 =	simm.s32 $0x2E00;
	[tilespmem:$0x2EF0] =	vst v1  }
0x3cd: {  	v3 =	vsel vm13, v3, v9;
	v39 =	vsel vm13, v10, v11;
	v38 =	vld.idx.msk [tilespmem:v37+s2+$0x0], $0xffff  }
0x3ce: {  	v3 =	vcombine.low v3, v39;
	_ =	sdelay $0x1  }
0x3cf: {  	v40 =	vimm.s32 $0xF9F8FBFA;
	v3 =	vand.u32 $0xFF, v3  }
0x3d0: {  	v43 =	vimm.s32 $0xF1F0F3F2;
	v41 =	vunpack.c.0.s8.s32 v40  }
0x3d1: {  	v42 =	vimm.s32 $0xFDFCFFFE;
	v44 =	vimm.s32 $0xF5F4F7F6;
	v1 =	vadd.f32 v1, v38  }
0x3d2: {  	v6 =	vunpack.c.0.s8.s32 v42;
	v7 =	vunpack.c.0.s8.s32 v43;
	v8 =	vunpack.c.0.s8.s32 v44  }
0x3d3: {  	[tilespmem:$0x2EF0] =	vst v1  }
0x3d4: {  	v46 =	vsel vm13, v8, v7;
	v2 =	vsel vm13, v6, v41;
	v45 =	vld.idx.msk [tilespmem:v3+s2+$0x0], $0xffff  }
0x3d5: {  	v2 =	vcombine.low v46, v2;
	_ =	sdelay $0x1  }
0x3d6: {  	v2 =	vand.u32 $0xFF, v2;
	_ =	sdelay $0x1  }
0x3d7: {  	v1 =	vadd.f32 v1, v45;
	_ =	sdelay $0x1  }
0x3d8: {  	[tilespmem:$0x2EF0] =	vst v1  }
0x3d9: {  	v47 =	vld.idx.msk [tilespmem:v2+s2+$0x0], $0xffff;
	_ =	sdelay $0x2  }
0x3da: {  	v49 =	vimm.s32 $0xFEFFFCFD;
	v50 =	vimm.s32 $0xF2F3F0F1;
	v51 =	vimm.s32 $0xF6F7F4F5  }
0x3db: {  	v48 =	vimm.s32 $0xFAFBF8F9;
	v9 =	vunpack.c.0.s8.s32 v50;
	v10 =	vunpack.c.0.s8.s32 v51  }
0x3dc: {  	v7 =	vunpack.c.0.s8.s32 v48;
	v8 =	vunpack.c.0.s8.s32 v49;
	v1 =	vadd.f32 v1, v47;
	_ =	sdelay $0x1  }
0x3dd: {  	v53 =	vsel vm13, v10, v9;
	v52 =	vsel vm13, v8, v7;
	[tilespmem:$0x2EF0] =	vst v1  }
0x3de: {  	v6 =	vcombine.low v53, v52;
	v0 =	vld.idx.msk [tilespmem:v0+s1+$0x0], $0xffff;
	_ =	sdelay $0x1  }
0x3df: {  	v6 =	vand.u32 $0xFF, v6;
	_ =	sdelay $0x2  }
0x3e0: {  	v54 =	vimm.f32 $0.0e+00;
	vm14 =	vgt.s32 v0, $0xFFFFFFFF  }
0x3e1: {  	v56 =	vsel vm14, $0x3F800000, v54  }
0x3e2: {  	v55 =	vld.idx.msk [tilespmem:v6+s2+$0x0], $0xffff;
	[tilespmem:$0x2EF0] =	vst v56  }
0x3e3: {  	v57 =	vld.idx.msk [tilespmem:v37+s2+$0x0], $0xffff;
	_ =	sdelay $0x4  }
0x3e4: {  	v8 =	vadd.f32 v57, v56;
	_ =	sdelay $0x1  }
0x3e5: {  	[tilespmem:$0x2EF0] =	vst v8  }
0x3e6: {  	v58 =	vld.idx.msk [tilespmem:v3+s2+$0x0], $0xffff;
	_ =	sdelay $0x4  }
0x3e7: {  	v8 =	vadd.f32 v58, v8;
	_ =	sdelay $0x1  }
0x3e8: {  	[tilespmem:$0x2EF0] =	vst v8  }
0x3e9: {  	v59 =	vld.idx.msk [tilespmem:v2+s2+$0x0], $0xffff;
	_ =	sdelay $0x4  }
0x3ea: {  	v8 =	vadd.f32 v59, v8  }
0x3eb: {  	vm15 =	vgt.s32 v5, $0xFFFFFFFF  }
0x3ec: {  	v7 =	vsel vm15, $0x3F800000, v54;
	[tilespmem:$0x2EF0] =	vst v8  }
0x3ed: {  	v60 =	vld.idx.msk [tilespmem:v6+s2+$0x0], $0xffff;
	[tilespmem:$0x2EF0] =	vst v7  }
0x3ee: {  	v4 =	vld.idx.msk [tilespmem:v37+s2+$0x0], $0xffff;
	_ =	sdelay $0x4  }
0x3ef: {  	v4 =	vadd.f32 v4, v7;
	_ =	sdelay $0x1  }
0x3f0: {  	[tilespmem:$0x2EF0] =	vst v4  }
0x3f1: {  	v3 =	vld.idx.msk [tilespmem:v3+s2+$0x0], $0xffff;
	_ =	sdelay $0x4  }
0x3f2: {  	v3 =	vadd.f32 v3, v4;
	_ =	sdelay $0x1  }
0x3f3: {  	[tilespmem:$0x2EF0] =	vst v3  }
0x3f4: {  	v2 =	vld.idx.msk [tilespmem:v2+s2+$0x0], $0xffff;
	_ =	sdelay $0x4  }
0x3f5: {  	v2 =	vadd.f32 v2, v3;
	_ =	sdelay $0x1  }
0x3f6: {  	[tilespmem:$0x2EF0] =	vst v2  }
0x3f7: {  	v61 =	vld.idx.msk [tilespmem:v6+s2+$0x0], $0xffff;
	_ =	sdelay $0x4  }
0x3f8: {  	v62 =	vadd.f32 v60, v8;
	v2 =	vadd.f32 v61, v2;
	_ =	sdelay $0x1  }
0x3f9: {  	v2 =	vmul.f32 v2, v62;
	_ =	sdelay $0x1  }
0x3fa: {  	(erf) = vrcp.f32 v2;
	_ =	sdelay $0x7  }
0x3fb: {  	v0 =	vadd.f32 v1, v55  }
0x3fc: {  	v63 =	vpop (erf)  }
0x3fd: {  	v0 =	vmul.f32 v63, v0;
	_ =	sdelay $0x1  }
0x3fe: {  	s3 =	simm.s32 $0x3300;
	s31 =	rddreg [dreg:$0x6];
	s1 =	simm.s32 $0x2;
	[tilespmem:$0x3300] =	vst v0  }
0x3ff: {  	[spmem:s31] =	stream.linear.scatter [tilespmem:s3], [sflag:$0x2], $0x10, $0x38;
	[tilespmem:$0x33A8] =	vst v63  }
0x400: {  	_ =	swait.ge [sflag:s1], $0x10  }
0x401: {  	[sflag:s1] =	ssyncset.done $0x0  }
0x402: {  	[sflag:s1] =	ssyncadd.s32 $0xFFFFFFF0  }
0x403: {  	p0 =	sne.s32 s30, $0x0;
	[bflag:$0x0] =	sbarrier.arrive $0xFFFF  }
0x404: {  	_ =	sfence.sel @p0 $0x180000  }
0x405: {  	[bflag:$0x0] =	sbarrier.arrive @p0 $0xFFFF  }
0x406: {  	_ =	strace @p0 $0x90000047  }
0x407: {  	[bflag:$0x2] =	sbarrier.arrive @p0 $0xFFFF  }
0x408: {  	_ =	shalt @p0  }
.LBB2_19:
0x409: {  	[tilespmem:s2], [sflag:$0x2] =	stream.linear.gather [spmem:s14], $0x40, $0x38;
	[tilespmem:$0x33A8] =	vst v63  }
0x40a: {  	_ =	swait.ge [sflag:s1], $0x40  }
0x40b: {  	[sflag:s1] =	ssyncset.done $0x0  }
0x40c: {  	[sflag:s1] =	ssyncadd.s32 $0xFFFFFFC0  }
0x40d: {  	v0 =	vld [tilespmem:$0x2E00]  }
0x40e: {  	v1 =	vld [tilespmem:$0x2E10]  }
0x40f: {  	v2 =	vld [tilespmem:$0x2E20]  }
0x410: {  	v3 =	vld [tilespmem:$0x2E30];
	_ =	sdelay $0x4  }
0x411: {  	v0 =	vsub.f32 v0, v2;
	v1 =	vsub.f32 v1, v3;
	_ =	sdelay $0x1  }
0x412: {  	v0 =	vadd.f32 $1.000000010e-01, v0;
	v1 =	vadd.f32 $1.000000010e-01, v1;
	_ =	sdelay $0x1  }
0x413: {  	v0 =	vmax.f32 v0, $0.0e+00;
	v1 =	vmax.f32 v1, $0.0e+00  }
0x414: {  	v0 =	vadd.f32 v1, v0;
	_ =	sdelay $0x1  }
.Ltmp9:
0x415: {  	s31 =	rddreg [dreg:$0x1];
	[tilespmem:$0x3300] =	vst v0;
	(pc) =	sbr.rel .LBB2_20-.Ltmp9, $4  }
0x416: {  	[hbm4b:s31+s0] =	stream.linear.scatter [tilespmem:s3], [sflag:$0x2], $0x1, $0x38;
	[tilespmem:$0x33A8] =	vst v63  }
0x417: {  	_ =	swait.ge [sflag:s1], $0x1  }
0x418: {  	[sflag:s1] =	ssyncset.done $0x0  }
0x419: {  	[sflag:s1] =	ssyncadd.s32 $0xFFFFFFFF  }
.LBB2_1:
0x41a: {  	[bflag:$0x0] =	sbarrier.arrive $0xFFFF  }
.LBB2_2:
0x41b: {  	[bflag:$0x0] =	sbarrier.arrive $0xFFFF  }
.LBB2_20:
0x41c: {  	_ =	sfence.sel $0x180000  }
0x41d: {  	[bflag:$0x0] =	sbarrier.arrive $0xFFFF  }
0x41e: {  	p0 =	sne.s32 s30, $0x0;
	_ =	strace $0x90000047  }
0x41f: {  	s0 =	sadd.s32 @!p0 $0x100000, s13;
	[bflag:$0x2] =	sbarrier.arrive $0xFFFF  }
0x420: {  	[sflag:s0] =	ssyncadd.tile.s32 @!p0 $0x1;
	_ =	shalt  }
.Lfunc_end2:
_tile_overlayer_lowered:
.L_overlay_start_2:
0x421: {  	(tag) =	ssettag $0x2  }
0x422: {  	s0 =	rddreg [dreg:$0x0];
	s2 =	stileid.u32  }
0x423: {  	s1 =	rddreg [dreg:$0x1];
	p0 =	sne.s32 s2, $0x0  }
0x424: {  	s3 =	rddreg [dreg:$0x2];
	[bflag:$0x3] =	sbarrier.arrive $0xFFFF;
	s2 =	simm.s32 @!p0 $0x1C02  }
0x425: {  	[timem:s3], [sflag:s2] =	dma.local @!p0 [hbm:s0], s1  }
0x426: {  	s0 =	simm.s32 @!p0 $0x2  }
0x427: {  	_ =	swait.ge @!p0 [sflag:s0], s1  }
0x428: {  	s1 =	ssub.s32 @!p0 $0x0, s1;
	[sflag:s0] =	ssyncset.done @!p0 $0x0  }
0x429: {  	[sflag:s0] =	ssyncadd.s32 @!p0 s1  }
0x42a: {  	[bflag:$0x3] =	sbarrier.arrive $0xFFFF  }
0x42b: {  	_ =	shalt  }

</sc_bundles>
